<compile_context>
chip_gen: v7x
topology: tpu7x:2x2x1
jax: 0.10.2.dev20260603
libtpu: 0.0.44.dev20260713+nightly
codegen_flags: <defaults>
</compile_context>

<pallas_src>
import jax
import jax.numpy as jnp
import numpy as np
from jax import lax
from jax.experimental import pallas as pl
from jax.experimental.pallas import tpu as pltpu
from jax.experimental.pallas import tpu_sc as plsc

_B, _T, _D = 128, 2048, 128
_MAXT = 4096
_NC, _NS = 2, 16
_NW = _NC * _NS
_BPW = _B // _NW
_CHUNK = 128
_GRP = 256
_GPB = _T // _GRP
_CPG = _GRP // _CHUNK
_IPB = _T // _CHUNK
_ZCH = 128

def _threefry2x32(k0, k1, c0, c1):
    rot = ((13, 15, 26, 6), (17, 29, 16, 24))
    ks = (np.uint32(k0), np.uint32(k1),
          np.uint32(k0) ^ np.uint32(k1) ^ np.uint32(0x1BD11BDA))
    x0 = (c0 + ks[0]).astype(np.uint32)
    x1 = (c1 + ks[1]).astype(np.uint32)
    for i in range(5):
        for r in rot[i % 2]:
            x0 = (x0 + x1).astype(np.uint32)
            x1 = ((x1 << np.uint32(r)) | (x1 >> np.uint32(32 - r))).astype(np.uint32)
            x1 = x1 ^ x0
        x0 = (x0 + ks[(i + 1) % 3]).astype(np.uint32)
        x1 = (x1 + ks[(i + 2) % 3] + np.uint32(i + 1)).astype(np.uint32)
    return x0, x1


def _np_split(kp, num):
    b0, b1 = _threefry2x32(kp[0], kp[1], np.zeros(num, np.uint32),
                           np.arange(num, dtype=np.uint32))
    return np.stack([b0, b1], axis=1)


def _np_bits32(kp, n):
    b0, b1 = _threefry2x32(kp[0], kp[1], np.zeros(n, np.uint32),
                           np.arange(n, dtype=np.uint32))
    return b0 ^ b1


def _np_permutation(kp, n):
    x = np.arange(n, dtype=np.int32)
    rounds = int(np.ceil(3 * np.log(n) / np.log(np.iinfo(np.uint32).max)))
    for _ in range(rounds):
        ks = _np_split(kp, 2)
        kp, sub = ks[0], ks[1]
        x = x[np.argsort(_np_bits32(sub, n), kind="stable")]
    return x


def _global_row_indices() -> np.ndarray:
    keys = _np_split(np.array([0, 0], np.uint32), _B)
    gidx = np.stack([_np_permutation(keys[b], _T) for b in range(_B)])
    gidx += (np.arange(_B, dtype=np.int32) * _T)[:, None]
    return gidx.reshape(_B * _IPB, _CHUNK)


_GIDX = _global_row_indices()


def _shuffle_pad_body(x_hbm, gidx_hbm, out_hbm, idx_v, zbuf, gbuf, zshared,
                      sem_g, sem_o, sem_z):
    cid = lax.axis_index("c")
    sid = lax.axis_index("s")
    wid = sid * _NC + cid
    b0 = wid * _BPW

    z = jnp.zeros((16,), jnp.float32)

    def zero_row(i, carry):
        for j in range(_D // 16):
            zbuf[i, pl.ds(j * 16, 16)] = z
        return carry

    pltpu.sync_copy(gidx_hbm.at[pl.ds(b0 * _IPB, _BPW * _IPB)], idx_v)

    groups = [(b0 + bb, g) for bb in range(_BPW) for g in range(_GPB)]
    out_pending = [None, None]
    prev = None

    def fire(i):
        pbuf = i % 2
        if out_pending[pbuf] is not None:
            out_pending[pbuf].wait()
            out_pending[pbuf] = None
        gh = []
        for q in range(_CPG):
            gh.append(pltpu.async_copy(
                x_hbm.at[idx_v.at[(groups[i][0] - b0) * _IPB
                                  + groups[i][1] * _CPG + q]],
                gbuf.at[pbuf, pl.ds(q * _CHUNK, _CHUNK)],
                sem_g))
        return gh

    def drain(i, gh):
        pbuf = i % 2
        for h in gh:
            h.wait()
        b, g = groups[i]
        out_pending[pbuf] = pltpu.async_copy(
            gbuf.at[pbuf],
            out_hbm.at[pl.ds(b * _MAXT + g * _GRP, _GRP)],
            sem_o)

    prev = fire(0)

    lax.fori_loop(0, _ZCH, zero_row, 0)
    pltpu.sync_copy(zbuf, zshared.at[pl.ds(sid * _ZCH, _ZCH)])
    plsc.subcore_barrier()
    zero_pending = []
    for bb in range(_BPW):
        b = b0 + bb
        zero_pending.append(pltpu.async_copy(
            zshared, out_hbm.at[pl.ds(b * _MAXT + _T, _T)], sem_z))

    for i in range(1, len(groups)):
        gh = fire(i)
        drain(i - 1, prev)
        prev = gh
    drain(len(groups) - 1, prev)
    for h in out_pending:
        if h is not None:
            h.wait()
    for h in zero_pending:
        h.wait()


_kernel_cache = None


def _shuffle():
    global _kernel_cache
    if _kernel_cache is None:
        _kernel_cache = pl.kernel(
            _shuffle_pad_body,
            out_type=jax.ShapeDtypeStruct((_B * _MAXT, _D), jnp.float32),
            mesh=plsc.VectorSubcoreMesh(
                core_axis_name="c", subcore_axis_name="s",
                num_cores=_NC, num_subcores=_NS),
            scratch_types=[
                pltpu.VMEM((_BPW * _IPB, _CHUNK), jnp.int32),
                pltpu.VMEM((_ZCH, _D), jnp.float32),
                pltpu.VMEM((2, _GRP, _D), jnp.float32),
                pltpu.VMEM_SHARED((_NS * _ZCH, _D), jnp.float32),
                pltpu.SemaphoreType.DMA,
                pltpu.SemaphoreType.DMA,
                pltpu.SemaphoreType.DMA,
            ],
        )
    return _kernel_cache


def kernel(x):
    out = _shuffle()(x.reshape(_B * _T, _D), jnp.asarray(_GIDX))
    return out.reshape(_B, _MAXT, _D)

# --- scband reference (transcript-rebuilt; emitter-appended) ---
"""Pipeline reference for scband-shuffle-images-29145648071008 (READ-ONLY COPY).

The authoritative reference and input builder live on the scoring server;
editing this copy changes nothing except your own understanding.
"""

import jax, jax.numpy as jnp
import numpy as np

MAX_BATCH_SIZE = 4096
SEED = 0

def setup_inputs(seed: int = 0) -> dict:
    key = jax.random.key(seed)
    x = jax.random.normal(key, (128, 2048, 128), dtype=jnp.float32)
    return {"x": x}

def reference(x):
    # ShuffleImages.call: per-batch-element random shuffle of rows along the
    # temporal axis (tf.map_fn of tf.random_shuffle with a fixed seed),
    # followed by K.temporal_padding(x, [0, max_batch_size - T]).
    B, T, D = x.shape
    # deterministic per-row permutations (seeded shuffle semantics)
    keys = jax.random.split(jax.random.key(SEED), B)
    perms = jax.vmap(lambda k: jax.random.permutation(k, T))(keys)  # int32[B, T]
    shuffled = jnp.take_along_axis(x, perms[:, :, None], axis=1)
    # temporal padding: pad zeros AFTER along axis=1 up to max_batch_size
    pad_amt = MAX_BATCH_SIZE - T
    out = jnp.pad(shuffled, ((0, 0), (0, pad_amt), (0, 0)))
    return out

if __name__ == "__main__":
    import jax
    _d = setup_inputs()
    print(jax.jit(kernel)(*tuple(_d.values())))

</pallas_src>

<mosaic_0001>
#map = affine_map<(d0, d1) -> (0, 0)>
module attributes {stable_mosaic.version = 14 : i64} {
  func.func @_shuffle_pad_body(%arg0: i32, %arg1: i32, %arg2: memref<262144x128xf32, #tpu.memory_space<hbm>>, %arg3: memref<2048x128xi32, #tpu.memory_space<hbm>>, %arg4: memref<524288x128xf32, #tpu.memory_space<hbm>>, %arg5: memref<64x128xi32, #tpu.memory_space<vmem>>, %arg6: memref<128x128xf32, #tpu.memory_space<vmem>>, %arg7: memref<2x256x128xf32, #tpu.memory_space<vmem>>, %arg8: memref<2048x128xf32, #tpu.memory_space<vmem_shared>>, %arg9: memref<!tpu.dma_semaphore, #tpu.memory_space<semaphore_mem>>, %arg10: memref<!tpu.dma_semaphore, #tpu.memory_space<semaphore_mem>>, %arg11: memref<!tpu.dma_semaphore, #tpu.memory_space<semaphore_mem>>) attributes {dimension_semantics = [#tpu.dimension_semantics<core_parallel>, #tpu.dimension_semantics<subcore_parallel>], iteration_bounds = array<i64: 2, 16>, scalar_prefetch = 0 : i64, scratch_operands = 7 : i64, tpu.core_type = #tpu.core_type<sc_vector_subcore>, window_params = [{transform_indices = #map}, {transform_indices = #map}, {transform_indices = #map}]} {
    %mul3A = arith.constant 2 : i32
    %mul3A_0 = arith.muli %arg1, %mul3A : i32
    %add3A = arith.addi %mul3A_0, %arg0 : i32
    %mul3A_1 = arith.constant 4 : i32
    %mul3A_2 = arith.muli %add3A, %mul3A_1 : i32
    %broadcast_in_dim3A = arith.constant 0.000000e+00 : f32
    %broadcast_in_dim3A_3 = vector.broadcast %broadcast_in_dim3A : f32 to vector<16xf32>
    %mul3A_4 = arith.constant 16 : i32
    %mul3A_5 = arith.muli %mul3A_2, %mul3A_4 : i32
    "tpu.region"() ({
      %run_scoped3A = tpu.sem_alloc : memref<!tpu.dma_semaphore, #tpu.memory_space<semaphore_mem>>
      %dma_start3A_2930 = arith.constant 0 : i32
      %dma_start3A_2931 = tpu.memref_slice %arg3[%mul3A_5, %dma_start3A_2930] : memref<2048x128xi32, #tpu.memory_space<hbm>> -> memref<64x128xi32, #tpu.memory_space<hbm>>
      %dma_start3A_2932 = arith.constant 0 : i32
      %dma_start3A_2933 = tpu.memref_slice %arg3[%mul3A_5, %dma_start3A_2932] : memref<2048x128xi32, #tpu.memory_space<hbm>> -> memref<64x128xi32, #tpu.memory_space<hbm>>
      tpu.enqueue_dma source(%dma_start3A_2933 : memref<64x128xi32, #tpu.memory_space<hbm>>) target(%arg5 : memref<64x128xi32, #tpu.memory_space<vmem>>) target_semaphore(%run_scoped3A : memref<!tpu.dma_semaphore, #tpu.memory_space<semaphore_mem>>)
      %dma_wait3A_2934 = arith.constant 0 : i32
      %dma_wait3A_2935 = tpu.memref_slice %arg3[%mul3A_5, %dma_wait3A_2934] : memref<2048x128xi32, #tpu.memory_space<hbm>> -> memref<64x128xi32, #tpu.memory_space<hbm>>
      %dma_wait3A_2936 = arith.constant 0 : i32
      %dma_wait3A_2937 = tpu.memref_slice %arg3[%mul3A_5, %dma_wait3A_2936] : memref<2048x128xi32, #tpu.memory_space<hbm>> -> memref<64x128xi32, #tpu.memory_space<hbm>>
      tpu.wait_dma2 semaphore(%run_scoped3A : memref<!tpu.dma_semaphore, #tpu.memory_space<semaphore_mem>>) src(%dma_wait3A_2937 : memref<64x128xi32, #tpu.memory_space<hbm>>) dst(%arg5 : memref<64x128xi32, #tpu.memory_space<vmem>>)
      tpu.yield
    }) : () -> ()
    %add3A_6 = arith.constant 0 : i32
    %add3A_7 = arith.addi %mul3A_2, %add3A_6 : i32
    %add3A_8 = arith.constant 0 : i32
    %add3A_9 = arith.addi %mul3A_2, %add3A_8 : i32
    %add3A_10 = arith.constant 0 : i32
    %add3A_11 = arith.addi %mul3A_2, %add3A_10 : i32
    %add3A_12 = arith.constant 0 : i32
    %add3A_13 = arith.addi %mul3A_2, %add3A_12 : i32
    %add3A_14 = arith.constant 0 : i32
    %add3A_15 = arith.addi %mul3A_2, %add3A_14 : i32
    %add3A_16 = arith.constant 0 : i32
    %add3A_17 = arith.addi %mul3A_2, %add3A_16 : i32
    %add3A_18 = arith.constant 0 : i32
    %add3A_19 = arith.addi %mul3A_2, %add3A_18 : i32
    %add3A_20 = arith.constant 0 : i32
    %add3A_21 = arith.addi %mul3A_2, %add3A_20 : i32
    %add3A_22 = arith.constant 1 : i32
    %add3A_23 = arith.addi %mul3A_2, %add3A_22 : i32
    %add3A_24 = arith.constant 1 : i32
    %add3A_25 = arith.addi %mul3A_2, %add3A_24 : i32
    %add3A_26 = arith.constant 1 : i32
    %add3A_27 = arith.addi %mul3A_2, %add3A_26 : i32
    %add3A_28 = arith.constant 1 : i32
    %add3A_29 = arith.addi %mul3A_2, %add3A_28 : i32
    %add3A_30 = arith.constant 1 : i32
    %add3A_31 = arith.addi %mul3A_2, %add3A_30 : i32
    %add3A_32 = arith.constant 1 : i32
    %add3A_33 = arith.addi %mul3A_2, %add3A_32 : i32
    %add3A_34 = arith.constant 1 : i32
    %add3A_35 = arith.addi %mul3A_2, %add3A_34 : i32
    %add3A_36 = arith.constant 1 : i32
    %add3A_37 = arith.addi %mul3A_2, %add3A_36 : i32
    %add3A_38 = arith.constant 2 : i32
    %add3A_39 = arith.addi %mul3A_2, %add3A_38 : i32
    %add3A_40 = arith.constant 2 : i32
    %add3A_41 = arith.addi %mul3A_2, %add3A_40 : i32
    %add3A_42 = arith.constant 2 : i32
    %add3A_43 = arith.addi %mul3A_2, %add3A_42 : i32
    %add3A_44 = arith.constant 2 : i32
    %add3A_45 = arith.addi %mul3A_2, %add3A_44 : i32
    %add3A_46 = arith.constant 2 : i32
    %add3A_47 = arith.addi %mul3A_2, %add3A_46 : i32
    %add3A_48 = arith.constant 2 : i32
    %add3A_49 = arith.addi %mul3A_2, %add3A_48 : i32
    %add3A_50 = arith.constant 2 : i32
    %add3A_51 = arith.addi %mul3A_2, %add3A_50 : i32
    %add3A_52 = arith.constant 2 : i32
    %add3A_53 = arith.addi %mul3A_2, %add3A_52 : i32
    %add3A_54 = arith.constant 3 : i32
    %add3A_55 = arith.addi %mul3A_2, %add3A_54 : i32
    %add3A_56 = arith.constant 3 : i32
    %add3A_57 = arith.addi %mul3A_2, %add3A_56 : i32
    %add3A_58 = arith.constant 3 : i32
    %add3A_59 = arith.addi %mul3A_2, %add3A_58 : i32
    %add3A_60 = arith.constant 3 : i32
    %add3A_61 = arith.addi %mul3A_2, %add3A_60 : i32
    %add3A_62 = arith.constant 3 : i32
    %add3A_63 = arith.addi %mul3A_2, %add3A_62 : i32
    %add3A_64 = arith.constant 3 : i32
    %add3A_65 = arith.addi %mul3A_2, %add3A_64 : i32
    %add3A_66 = arith.constant 3 : i32
    %add3A_67 = arith.addi %mul3A_2, %add3A_66 : i32
    %add3A_68 = arith.constant 3 : i32
    %add3A_69 = arith.addi %mul3A_2, %add3A_68 : i32
    %sub3A = arith.subi %add3A_7, %mul3A_2 : i32
    %mul3A_70 = arith.constant 16 : i32
    %mul3A_71 = arith.muli %sub3A, %mul3A_70 : i32
    %add3A_72 = arith.constant 0 : i32
    %add3A_73 = arith.addi %mul3A_71, %add3A_72 : i32
    %add3A_74 = arith.constant 0 : i32
    %add3A_75 = arith.addi %add3A_73, %add3A_74 : i32
    %dma_start3A = arith.constant 0 : i32
    %dma_start3A_76 = arith.constant 0 : i32
    %dma_start3A_77 = arith.constant 0 : i32
    %dma_start3A_78 = tpu.memref_slice %arg7[%dma_start3A, %dma_start3A_76, %dma_start3A_77] : memref<2x256x128xf32, #tpu.memory_space<vmem>> -> memref<1x128x128xf32, #tpu.memory_space<vmem>>
    %dma_start3A_79 = tpu.memref_squeeze %dma_start3A_78 : memref<1x128x128xf32, #tpu.memory_space<vmem>> -> memref<128x128xf32, #tpu.memory_space<vmem>>
    %dma_start3A_80 = arith.constant 0 : i32
    %dma_start3A_81 = tpu.memref_slice %arg5[%add3A_75, %dma_start3A_80] : memref<64x128xi32, #tpu.memory_space<vmem>> -> memref<1x128xi32, #tpu.memory_space<vmem>>
    %dma_start3A_82 = tpu.memref_squeeze %dma_start3A_81 : memref<1x128xi32, #tpu.memory_space<vmem>> -> memref<128xi32, #tpu.memory_space<vmem>>
    %dma_start3A_83 = arith.constant 0 : i32
    %dma_start3A_84 = arith.constant 0 : i32
    %dma_start3A_85 = tpu.memref_slice %arg2[%dma_start3A_83, %dma_start3A_84] : memref<262144x128xf32, #tpu.memory_space<hbm>> -> memref<262144x128xf32, #tpu.memory_space<hbm>>
    tpu.enqueue_indirect_dma source(%dma_start3A_85 : memref<262144x128xf32, #tpu.memory_space<hbm>>) target(%dma_start3A_79 : memref<128x128xf32, #tpu.memory_space<vmem>>) offsets(%dma_start3A_82 : memref<128xi32, #tpu.memory_space<vmem>>) semaphore(%arg9 : memref<!tpu.dma_semaphore, #tpu.memory_space<semaphore_mem>>)
    %sub3A_86 = arith.subi %add3A_7, %mul3A_2 : i32
    %mul3A_87 = arith.constant 16 : i32
    %mul3A_88 = arith.muli %sub3A_86, %mul3A_87 : i32
    %add3A_89 = arith.constant 0 : i32
    %add3A_90 = arith.addi %mul3A_88, %add3A_89 : i32
    %add3A_91 = arith.constant 1 : i32
    %add3A_92 = arith.addi %add3A_90, %add3A_91 : i32
    %dma_start3A_93 = arith.constant 0 : i32
    %dma_start3A_94 = arith.constant 128 : i32
    %dma_start3A_95 = arith.constant 0 : i32
    %dma_start3A_96 = tpu.memref_slice %arg7[%dma_start3A_93, %dma_start3A_94, %dma_start3A_95] : memref<2x256x128xf32, #tpu.memory_space<vmem>> -> memref<1x128x128xf32, #tpu.memory_space<vmem>>
    %dma_start3A_97 = tpu.memref_squeeze %dma_start3A_96 : memref<1x128x128xf32, #tpu.memory_space<vmem>> -> memref<128x128xf32, #tpu.memory_space<vmem>>
    %dma_start3A_98 = arith.constant 0 : i32
    %dma_start3A_99 = tpu.memref_slice %arg5[%add3A_92, %dma_start3A_98] : memref<64x128xi32, #tpu.memory_space<vmem>> -> memref<1x128xi32, #tpu.memory_space<vmem>>
    %dma_start3A_100 = tpu.memref_squeeze %dma_start3A_99 : memref<1x128xi32, #tpu.memory_space<vmem>> -> memref<128xi32, #tpu.memory_space<vmem>>
    %dma_start3A_101 = arith.constant 0 : i32
    %dma_start3A_102 = arith.constant 0 : i32
    %dma_start3A_103 = tpu.memref_slice %arg2[%dma_start3A_101, %dma_start3A_102] : memref<262144x128xf32, #tpu.memory_space<hbm>> -> memref<262144x128xf32, #tpu.memory_space<hbm>>
    tpu.enqueue_indirect_dma source(%dma_start3A_103 : memref<262144x128xf32, #tpu.memory_space<hbm>>) target(%dma_start3A_97 : memref<128x128xf32, #tpu.memory_space<vmem>>) offsets(%dma_start3A_100 : memref<128xi32, #tpu.memory_space<vmem>>) semaphore(%arg9 : memref<!tpu.dma_semaphore, #tpu.memory_space<semaphore_mem>>)
    %scan3A = arith.constant 0 : i32
    %scan3A_104 = arith.constant 0 : i32
    %scan3A_105 = arith.constant 128 : i32
    %scan3A_106 = arith.addi %scan3A_104, %scan3A_105 : i32
    %scan3A_107 = arith.constant 1 : i32
    scf.for %scan3A_2930 = %scan3A_104 to %scan3A_106 step %scan3A_107  : i32 {
      %swap3A = arith.index_cast %scan3A_2930 : i32 to index
      %swap3A_2931 = arith.constant 0 : index
      %swap3A_2932 = tpu.vector_load %arg6[%swap3A, %swap3A_2931] {strides = array<i32>} : memref<128x128xf32, #tpu.memory_space<vmem>>, vector<1x16xf32>,
      %swap3A_2933 = vector.shape_cast %swap3A_2932 : vector<1x16xf32> to vector<16xf32>
      %swap3A_2934 = vector.shape_cast %broadcast_in_dim3A_3 : vector<16xf32> to vector<1x16xf32>
      tpu.vector_store %arg6[%swap3A, %swap3A_2931], %swap3A_2934 {strides = array<i32>} : memref<128x128xf32, #tpu.memory_space<vmem>>, vector<1x16xf32>,
      %swap3A_2935 = arith.index_cast %scan3A_2930 : i32 to index
      %swap3A_2936 = arith.constant 16 : index
      %swap3A_2937 = tpu.vector_load %arg6[%swap3A_2935, %swap3A_2936] {strides = array<i32>} : memref<128x128xf32, #tpu.memory_space<vmem>>, vector<1x16xf32>,
      %swap3A_2938 = vector.shape_cast %swap3A_2937 : vector<1x16xf32> to vector<16xf32>
      %swap3A_2939 = vector.shape_cast %broadcast_in_dim3A_3 : vector<16xf32> to vector<1x16xf32>
      tpu.vector_store %arg6[%swap3A_2935, %swap3A_2936], %swap3A_2939 {strides = array<i32>} : memref<128x128xf32, #tpu.memory_space<vmem>>, vector<1x16xf32>,
      %swap3A_2940 = arith.index_cast %scan3A_2930 : i32 to index
      %swap3A_2941 = arith.constant 32 : index
      %swap3A_2942 = tpu.vector_load %arg6[%swap3A_2940, %swap3A_2941] {strides = array<i32>} : memref<128x128xf32, #tpu.memory_space<vmem>>, vector<1x16xf32>,
      %swap3A_2943 = vector.shape_cast %swap3A_2942 : vector<1x16xf32> to vector<16xf32>
      %swap3A_2944 = vector.shape_cast %broadcast_in_dim3A_3 : vector<16xf32> to vector<1x16xf32>
      tpu.vector_store %arg6[%swap3A_2940, %swap3A_2941], %swap3A_2944 {strides = array<i32>} : memref<128x128xf32, #tpu.memory_space<vmem>>, vector<1x16xf32>,
      %swap3A_2945 = arith.index_cast %scan3A_2930 : i32 to index
      %swap3A_2946 = arith.constant 48 : index
      %swap3A_2947 = tpu.vector_load %arg6[%swap3A_2945, %swap3A_2946] {strides = array<i32>} : memref<128x128xf32, #tpu.memory_space<vmem>>, vector<1x16xf32>,
      %swap3A_2948 = vector.shape_cast %swap3A_2947 : vector<1x16xf32> to vector<16xf32>
      %swap3A_2949 = vector.shape_cast %broadcast_in_dim3A_3 : vector<16xf32> to vector<1x16xf32>
      tpu.vector_store %arg6[%swap3A_2945, %swap3A_2946], %swap3A_2949 {strides = array<i32>} : memref<128x128xf32, #tpu.memory_space<vmem>>, vector<1x16xf32>,
      %swap3A_2950 = arith.index_cast %scan3A_2930 : i32 to index
      %swap3A_2951 = arith.constant 64 : index
      %swap3A_2952 = tpu.vector_load %arg6[%swap3A_2950, %swap3A_2951] {strides = array<i32>} : memref<128x128xf32, #tpu.memory_space<vmem>>, vector<1x16xf32>,
      %swap3A_2953 = vector.shape_cast %swap3A_2952 : vector<1x16xf32> to vector<16xf32>
      %swap3A_2954 = vector.shape_cast %broadcast_in_dim3A_3 : vector<16xf32> to vector<1x16xf32>
      tpu.vector_store %arg6[%swap3A_2950, %swap3A_2951], %swap3A_2954 {strides = array<i32>} : memref<128x128xf32, #tpu.memory_space<vmem>>, vector<1x16xf32>,
      %swap3A_2955 = arith.index_cast %scan3A_2930 : i32 to index
      %swap3A_2956 = arith.constant 80 : index
      %swap3A_2957 = tpu.vector_load %arg6[%swap3A_2955, %swap3A_2956] {strides = array<i32>} : memref<128x128xf32, #tpu.memory_space<vmem>>, vector<1x16xf32>,
      %swap3A_2958 = vector.shape_cast %swap3A_2957 : vector<1x16xf32> to vector<16xf32>
      %swap3A_2959 = vector.shape_cast %broadcast_in_dim3A_3 : vector<16xf32> to vector<1x16xf32>
      tpu.vector_store %arg6[%swap3A_2955, %swap3A_2956], %swap3A_2959 {strides = array<i32>} : memref<128x128xf32, #tpu.memory_space<vmem>>, vector<1x16xf32>,
      %swap3A_2960 = arith.index_cast %scan3A_2930 : i32 to index
      %swap3A_2961 = arith.constant 96 : index
      %swap3A_2962 = tpu.vector_load %arg6[%swap3A_2960, %swap3A_2961] {strides = array<i32>} : memref<128x128xf32, #tpu.memory_space<vmem>>, vector<1x16xf32>,
      %swap3A_2963 = vector.shape_cast %swap3A_2962 : vector<1x16xf32> to vector<16xf32>
      %swap3A_2964 = vector.shape_cast %broadcast_in_dim3A_3 : vector<16xf32> to vector<1x16xf32>
      tpu.vector_store %arg6[%swap3A_2960, %swap3A_2961], %swap3A_2964 {strides = array<i32>} : memref<128x128xf32, #tpu.memory_space<vmem>>, vector<1x16xf32>,
      %swap3A_2965 = arith.index_cast %scan3A_2930 : i32 to index
      %swap3A_2966 = arith.constant 112 : index
      %swap3A_2967 = tpu.vector_load %arg6[%swap3A_2965, %swap3A_2966] {strides = array<i32>} : memref<128x128xf32, #tpu.memory_space<vmem>>, vector<1x16xf32>,
      %swap3A_2968 = vector.shape_cast %swap3A_2967 : vector<1x16xf32> to vector<16xf32>
      %swap3A_2969 = vector.shape_cast %broadcast_in_dim3A_3 : vector<16xf32> to vector<1x16xf32>
      tpu.vector_store %arg6[%swap3A_2965, %swap3A_2966], %swap3A_2969 {strides = array<i32>} : memref<128x128xf32, #tpu.memory_space<vmem>>, vector<1x16xf32>,
    }
    %scan3A_108 = arith.constant 128 : i32
    %mul3A_109 = arith.constant 128 : i32
    %mul3A_110 = arith.muli %arg1, %mul3A_109 : i32
    "tpu.region"() ({
      %run_scoped3A = tpu.sem_alloc : memref<!tpu.dma_semaphore, #tpu.memory_space<semaphore_mem>>
      %dma_start3A_2930 = arith.constant 0 : i32
      %dma_start3A_2931 = tpu.memref_slice %arg8[%mul3A_110, %dma_start3A_2930] : memref<2048x128xf32, #tpu.memory_space<vmem_shared>> -> memref<128x128xf32, #tpu.memory_space<vmem_shared>>
      %dma_start3A_2932 = arith.constant 0 : i32
      %dma_start3A_2933 = tpu.memref_slice %arg8[%mul3A_110, %dma_start3A_2932] : memref<2048x128xf32, #tpu.memory_space<vmem_shared>> -> memref<128x128xf32, #tpu.memory_space<vmem_shared>>
      tpu.enqueue_dma source(%arg6 : memref<128x128xf32, #tpu.memory_space<vmem>>) target(%dma_start3A_2933 : memref<128x128xf32, #tpu.memory_space<vmem_shared>>) target_semaphore(%run_scoped3A : memref<!tpu.dma_semaphore, #tpu.memory_space<semaphore_mem>>)
      %dma_wait3A_2934 = arith.constant 0 : i32
      %dma_wait3A_2935 = tpu.memref_slice %arg8[%mul3A_110, %dma_wait3A_2934] : memref<2048x128xf32, #tpu.memory_space<vmem_shared>> -> memref<128x128xf32, #tpu.memory_space<vmem_shared>>
      %dma_wait3A_2936 = arith.constant 0 : i32
      %dma_wait3A_2937 = tpu.memref_slice %arg8[%mul3A_110, %dma_wait3A_2936] : memref<2048x128xf32, #tpu.memory_space<vmem_shared>> -> memref<128x128xf32, #tpu.memory_space<vmem_shared>>
      tpu.wait_dma2 semaphore(%run_scoped3A : memref<!tpu.dma_semaphore, #tpu.memory_space<semaphore_mem>>) src(%arg6 : memref<128x128xf32, #tpu.memory_space<vmem>>) dst(%dma_wait3A_2937 : memref<128x128xf32, #tpu.memory_space<vmem_shared>>)
      tpu.yield
    }) : () -> ()
    %barrier3A = arith.constant 0 : index
    tpu.barrier barrier_id(%barrier3A)
    %add3A_111 = arith.constant 0 : i32
    %add3A_112 = arith.addi %mul3A_2, %add3A_111 : i32
    %mul3A_113 = arith.constant 4096 : i32
    %mul3A_114 = arith.muli %add3A_112, %mul3A_113 : i32
    %add3A_115 = arith.constant 2048 : i32
    %add3A_116 = arith.addi %mul3A_114, %add3A_115 : i32
    %dma_start3A_117 = arith.constant 0 : i32
    %dma_start3A_118 = tpu.memref_slice %arg4[%add3A_116, %dma_start3A_117] : memref<524288x128xf32, #tpu.memory_space<hbm>> -> memref<2048x128xf32, #tpu.memory_space<hbm>>
    tpu.enqueue_dma source(%arg8 : memref<2048x128xf32, #tpu.memory_space<vmem_shared>>) target(%dma_start3A_118 : memref<2048x128xf32, #tpu.memory_space<hbm>>) target_semaphore(%arg11 : memref<!tpu.dma_semaphore, #tpu.memory_space<semaphore_mem>>)
    %add3A_119 = arith.constant 1 : i32
    %add3A_120 = arith.addi %mul3A_2, %add3A_119 : i32
    %mul3A_121 = arith.constant 4096 : i32
    %mul3A_122 = arith.muli %add3A_120, %mul3A_121 : i32
    %add3A_123 = arith.constant 2048 : i32
    %add3A_124 = arith.addi %mul3A_122, %add3A_123 : i32
    %dma_start3A_125 = arith.constant 0 : i32
    %dma_start3A_126 = tpu.memref_slice %arg4[%add3A_124, %dma_start3A_125] : memref<524288x128xf32, #tpu.memory_space<hbm>> -> memref<2048x128xf32, #tpu.memory_space<hbm>>
    tpu.enqueue_dma source(%arg8 : memref<2048x128xf32, #tpu.memory_space<vmem_shared>>) target(%dma_start3A_126 : memref<2048x128xf32, #tpu.memory_space<hbm>>) target_semaphore(%arg11 : memref<!tpu.dma_semaphore, #tpu.memory_space<semaphore_mem>>)
    %add3A_127 = arith.constant 2 : i32
    %add3A_128 = arith.addi %mul3A_2, %add3A_127 : i32
    %mul3A_129 = arith.constant 4096 : i32
    %mul3A_130 = arith.muli %add3A_128, %mul3A_129 : i32
    %add3A_131 = arith.constant 2048 : i32
    %add3A_132 = arith.addi %mul3A_130, %add3A_131 : i32
    %dma_start3A_133 = arith.constant 0 : i32
    %dma_start3A_134 = tpu.memref_slice %arg4[%add3A_132, %dma_start3A_133] : memref<524288x128xf32, #tpu.memory_space<hbm>> -> memref<2048x128xf32, #tpu.memory_space<hbm>>
    tpu.enqueue_dma source(%arg8 : memref<2048x128xf32, #tpu.memory_space<vmem_shared>>) target(%dma_start3A_134 : memref<2048x128xf32, #tpu.memory_space<hbm>>) target_semaphore(%arg11 : memref<!tpu.dma_semaphore, #tpu.memory_space<semaphore_mem>>)
    %add3A_135 = arith.constant 3 : i32
    %add3A_136 = arith.addi %mul3A_2, %add3A_135 : i32
    %mul3A_137 = arith.constant 4096 : i32
    %mul3A_138 = arith.muli %add3A_136, %mul3A_137 : i32
    %add3A_139 = arith.constant 2048 : i32
    %add3A_140 = arith.addi %mul3A_138, %add3A_139 : i32
    %dma_start3A_141 = arith.constant 0 : i32
    %dma_start3A_142 = tpu.memref_slice %arg4[%add3A_140, %dma_start3A_141] : memref<524288x128xf32, #tpu.memory_space<hbm>> -> memref<2048x128xf32, #tpu.memory_space<hbm>>
    tpu.enqueue_dma source(%arg8 : memref<2048x128xf32, #tpu.memory_space<vmem_shared>>) target(%dma_start3A_142 : memref<2048x128xf32, #tpu.memory_space<hbm>>) target_semaphore(%arg11 : memref<!tpu.dma_semaphore, #tpu.memory_space<semaphore_mem>>)
    %sub3A_143 = arith.subi %add3A_9, %mul3A_2 : i32
    %mul3A_144 = arith.constant 16 : i32
    %mul3A_145 = arith.muli %sub3A_143, %mul3A_144 : i32
    %add3A_146 = arith.constant 2 : i32
    %add3A_147 = arith.addi %mul3A_145, %add3A_146 : i32
    %add3A_148 = arith.constant 0 : i32
    %add3A_149 = arith.addi %add3A_147, %add3A_148 : i32
    %dma_start3A_150 = arith.constant 1 : i32
    %dma_start3A_151 = arith.constant 0 : i32
    %dma_start3A_152 = arith.constant 0 : i32
    %dma_start3A_153 = tpu.memref_slice %arg7[%dma_start3A_150, %dma_start3A_151, %dma_start3A_152] : memref<2x256x128xf32, #tpu.memory_space<vmem>> -> memref<1x128x128xf32, #tpu.memory_space<vmem>>
    %dma_start3A_154 = tpu.memref_squeeze %dma_start3A_153 : memref<1x128x128xf32, #tpu.memory_space<vmem>> -> memref<128x128xf32, #tpu.memory_space<vmem>>
    %dma_start3A_155 = arith.constant 0 : i32
    %dma_start3A_156 = tpu.memref_slice %arg5[%add3A_149, %dma_start3A_155] : memref<64x128xi32, #tpu.memory_space<vmem>> -> memref<1x128xi32, #tpu.memory_space<vmem>>
    %dma_start3A_157 = tpu.memref_squeeze %dma_start3A_156 : memref<1x128xi32, #tpu.memory_space<vmem>> -> memref<128xi32, #tpu.memory_space<vmem>>
    %dma_start3A_158 = arith.constant 0 : i32
    %dma_start3A_159 = arith.constant 0 : i32
    %dma_start3A_160 = tpu.memref_slice %arg2[%dma_start3A_158, %dma_start3A_159] : memref<262144x128xf32, #tpu.memory_space<hbm>> -> memref<262144x128xf32, #tpu.memory_space<hbm>>
    tpu.enqueue_indirect_dma source(%dma_start3A_160 : memref<262144x128xf32, #tpu.memory_space<hbm>>) target(%dma_start3A_154 : memref<128x128xf32, #tpu.memory_space<vmem>>) offsets(%dma_start3A_157 : memref<128xi32, #tpu.memory_space<vmem>>) semaphore(%arg9 : memref<!tpu.dma_semaphore, #tpu.memory_space<semaphore_mem>>)
    %sub3A_161 = arith.subi %add3A_9, %mul3A_2 : i32
    %mul3A_162 = arith.constant 16 : i32
    %mul3A_163 = arith.muli %sub3A_161, %mul3A_162 : i32
    %add3A_164 = arith.constant 2 : i32
    %add3A_165 = arith.addi %mul3A_163, %add3A_164 : i32
    %add3A_166 = arith.constant 1 : i32
    %add3A_167 = arith.addi %add3A_165, %add3A_166 : i32
    %dma_start3A_168 = arith.constant 1 : i32
    %dma_start3A_169 = arith.constant 128 : i32
    %dma_start3A_170 = arith.constant 0 : i32
    %dma_start3A_171 = tpu.memref_slice %arg7[%dma_start3A_168, %dma_start3A_169, %dma_start3A_170] : memref<2x256x128xf32, #tpu.memory_space<vmem>> -> memref<1x128x128xf32, #tpu.memory_space<vmem>>
    %dma_start3A_172 = tpu.memref_squeeze %dma_start3A_171 : memref<1x128x128xf32, #tpu.memory_space<vmem>> -> memref<128x128xf32, #tpu.memory_space<vmem>>
    %dma_start3A_173 = arith.constant 0 : i32
    %dma_start3A_174 = tpu.memref_slice %arg5[%add3A_167, %dma_start3A_173] : memref<64x128xi32, #tpu.memory_space<vmem>> -> memref<1x128xi32, #tpu.memory_space<vmem>>
    %dma_start3A_175 = tpu.memref_squeeze %dma_start3A_174 : memref<1x128xi32, #tpu.memory_space<vmem>> -> memref<128xi32, #tpu.memory_space<vmem>>
    %dma_start3A_176 = arith.constant 0 : i32
    %dma_start3A_177 = arith.constant 0 : i32
    %dma_start3A_178 = tpu.memref_slice %arg2[%dma_start3A_176, %dma_start3A_177] : memref<262144x128xf32, #tpu.memory_space<hbm>> -> memref<262144x128xf32, #tpu.memory_space<hbm>>
    tpu.enqueue_indirect_dma source(%dma_start3A_178 : memref<262144x128xf32, #tpu.memory_space<hbm>>) target(%dma_start3A_172 : memref<128x128xf32, #tpu.memory_space<vmem>>) offsets(%dma_start3A_175 : memref<128xi32, #tpu.memory_space<vmem>>) semaphore(%arg9 : memref<!tpu.dma_semaphore, #tpu.memory_space<semaphore_mem>>)
    %dma_wait3A = arith.constant 0 : i32
    %dma_wait3A_179 = arith.constant 0 : i32
    %dma_wait3A_180 = arith.constant 0 : i32
    %dma_wait3A_181 = tpu.memref_slice %arg7[%dma_wait3A, %dma_wait3A_179, %dma_wait3A_180] : memref<2x256x128xf32, #tpu.memory_space<vmem>> -> memref<1x128x128xf32, #tpu.memory_space<vmem>>
    %dma_wait3A_182 = tpu.memref_squeeze %dma_wait3A_181 : memref<1x128x128xf32, #tpu.memory_space<vmem>> -> memref<128x128xf32, #tpu.memory_space<vmem>>
    %dma_wait3A_183 = arith.constant 0 : i32
    %dma_wait3A_184 = tpu.memref_slice %arg5[%add3A_75, %dma_wait3A_183] : memref<64x128xi32, #tpu.memory_space<vmem>> -> memref<1x128xi32, #tpu.memory_space<vmem>>
    %dma_wait3A_185 = tpu.memref_squeeze %dma_wait3A_184 : memref<1x128xi32, #tpu.memory_space<vmem>> -> memref<128xi32, #tpu.memory_space<vmem>>
    %dma_wait3A_186 = arith.constant 0 : i32
    %dma_wait3A_187 = arith.constant 0 : i32
    %dma_wait3A_188 = tpu.memref_slice %arg2[%dma_wait3A_186, %dma_wait3A_187] : memref<262144x128xf32, #tpu.memory_space<hbm>> -> memref<262144x128xf32, #tpu.memory_space<hbm>>
    tpu.wait_indirect_dma semaphore(%arg9 : memref<!tpu.dma_semaphore, #tpu.memory_space<semaphore_mem>>) src(%dma_wait3A_188 : memref<262144x128xf32, #tpu.memory_space<hbm>>) dst(%dma_wait3A_182 : memref<128x128xf32, #tpu.memory_space<vmem>>)
    %dma_wait3A_189 = arith.constant 0 : i32
    %dma_wait3A_190 = arith.constant 128 : i32
    %dma_wait3A_191 = arith.constant 0 : i32
    %dma_wait3A_192 = tpu.memref_slice %arg7[%dma_wait3A_189, %dma_wait3A_190, %dma_wait3A_191] : memref<2x256x128xf32, #tpu.memory_space<vmem>> -> memref<1x128x128xf32, #tpu.memory_space<vmem>>
    %dma_wait3A_193 = tpu.memref_squeeze %dma_wait3A_192 : memref<1x128x128xf32, #tpu.memory_space<vmem>> -> memref<128x128xf32, #tpu.memory_space<vmem>>
    %dma_wait3A_194 = arith.constant 0 : i32
    %dma_wait3A_195 = tpu.memref_slice %arg5[%add3A_92, %dma_wait3A_194] : memref<64x128xi32, #tpu.memory_space<vmem>> -> memref<1x128xi32, #tpu.memory_space<vmem>>
    %dma_wait3A_196 = tpu.memref_squeeze %dma_wait3A_195 : memref<1x128xi32, #tpu.memory_space<vmem>> -> memref<128xi32, #tpu.memory_space<vmem>>
    %dma_wait3A_197 = arith.constant 0 : i32
    %dma_wait3A_198 = arith.constant 0 : i32
    %dma_wait3A_199 = tpu.memref_slice %arg2[%dma_wait3A_197, %dma_wait3A_198] : memref<262144x128xf32, #tpu.memory_space<hbm>> -> memref<262144x128xf32, #tpu.memory_space<hbm>>
    tpu.wait_indirect_dma semaphore(%arg9 : memref<!tpu.dma_semaphore, #tpu.memory_space<semaphore_mem>>) src(%dma_wait3A_199 : memref<262144x128xf32, #tpu.memory_space<hbm>>) dst(%dma_wait3A_193 : memref<128x128xf32, #tpu.memory_space<vmem>>)
    %mul3A_200 = arith.constant 4096 : i32
    %mul3A_201 = arith.muli %add3A_7, %mul3A_200 : i32
    %add3A_202 = arith.constant 0 : i32
    %add3A_203 = arith.addi %mul3A_201, %add3A_202 : i32
    %dma_start3A_204 = arith.constant 0 : i32
    %dma_start3A_205 = arith.constant 0 : i32
    %dma_start3A_206 = arith.constant 0 : i32
    %dma_start3A_207 = tpu.memref_slice %arg7[%dma_start3A_204, %dma_start3A_205, %dma_start3A_206] : memref<2x256x128xf32, #tpu.memory_space<vmem>> -> memref<1x256x128xf32, #tpu.memory_space<vmem>>
    %dma_start3A_208 = tpu.memref_squeeze %dma_start3A_207 : memref<1x256x128xf32, #tpu.memory_space<vmem>> -> memref<256x128xf32, #tpu.memory_space<vmem>>
    %dma_start3A_209 = arith.constant 0 : i32
    %dma_start3A_210 = tpu.memref_slice %arg4[%add3A_203, %dma_start3A_209] : memref<524288x128xf32, #tpu.memory_space<hbm>> -> memref<256x128xf32, #tpu.memory_space<hbm>>
    %dma_start3A_211 = arith.constant 0 : i32
    %dma_start3A_212 = tpu.memref_slice %arg4[%add3A_203, %dma_start3A_211] : memref<524288x128xf32, #tpu.memory_space<hbm>> -> memref<256x128xf32, #tpu.memory_space<hbm>>
    %dma_start3A_213 = arith.constant 0 : i32
    %dma_start3A_214 = arith.constant 0 : i32
    %dma_start3A_215 = tpu.memref_slice %arg7[%dma_start3A_204, %dma_start3A_213, %dma_start3A_214] : memref<2x256x128xf32, #tpu.memory_space<vmem>> -> memref<1x256x128xf32, #tpu.memory_space<vmem>>
    %dma_start3A_216 = tpu.memref_squeeze %dma_start3A_215 : memref<1x256x128xf32, #tpu.memory_space<vmem>> -> memref<256x128xf32, #tpu.memory_space<vmem>>
    tpu.enqueue_dma source(%dma_start3A_216 : memref<256x128xf32, #tpu.memory_space<vmem>>) target(%dma_start3A_212 : memref<256x128xf32, #tpu.memory_space<hbm>>) target_semaphore(%arg10 : memref<!tpu.dma_semaphore, #tpu.memory_space<semaphore_mem>>)
    %dma_wait3A_217 = arith.constant 0 : i32
    %dma_wait3A_218 = arith.constant 0 : i32
    %dma_wait3A_219 = arith.constant 0 : i32
    %dma_wait3A_220 = tpu.memref_slice %arg7[%dma_wait3A_217, %dma_wait3A_218, %dma_wait3A_219] : memref<2x256x128xf32, #tpu.memory_space<vmem>> -> memref<1x256x128xf32, #tpu.memory_space<vmem>>
    %dma_wait3A_221 = tpu.memref_squeeze %dma_wait3A_220 : memref<1x256x128xf32, #tpu.memory_space<vmem>> -> memref<256x128xf32, #tpu.memory_space<vmem>>
    %dma_wait3A_222 = arith.constant 0 : i32
    %dma_wait3A_223 = tpu.memref_slice %arg4[%add3A_203, %dma_wait3A_222] : memref<524288x128xf32, #tpu.memory_space<hbm>> -> memref<256x128xf32, #tpu.memory_space<hbm>>
    %dma_wait3A_224 = arith.constant 0 : i32
    %dma_wait3A_225 = tpu.memref_slice %arg4[%add3A_203, %dma_wait3A_224] : memref<524288x128xf32, #tpu.memory_space<hbm>> -> memref<256x128xf32, #tpu.memory_space<hbm>>
    %dma_wait3A_226 = arith.constant 0 : i32
    %dma_wait3A_227 = arith.constant 0 : i32
    %dma_wait3A_228 = tpu.memref_slice %arg7[%dma_wait3A_217, %dma_wait3A_226, %dma_wait3A_227] : memref<2x256x128xf32, #tpu.memory_space<vmem>> -> memref<1x256x128xf32, #tpu.memory_space<vmem>>
    %dma_wait3A_229 = tpu.memref_squeeze %dma_wait3A_228 : memref<1x256x128xf32, #tpu.memory_space<vmem>> -> memref<256x128xf32, #tpu.memory_space<vmem>>
    tpu.wait_dma2 semaphore(%arg10 : memref<!tpu.dma_semaphore, #tpu.memory_space<semaphore_mem>>) src(%dma_wait3A_229 : memref<256x128xf32, #tpu.memory_space<vmem>>) dst(%dma_wait3A_225 : memref<256x128xf32, #tpu.memory_space<hbm>>)
    %sub3A_230 = arith.subi %add3A_11, %mul3A_2 : i32
    %mul3A_231 = arith.constant 16 : i32
    %mul3A_232 = arith.muli %sub3A_230, %mul3A_231 : i32
    %add3A_233 = arith.constant 4 : i32
    %add3A_234 = arith.addi %mul3A_232, %add3A_233 : i32
    %add3A_235 = arith.constant 0 : i32
    %add3A_236 = arith.addi %add3A_234, %add3A_235 : i32
    %dma_start3A_237 = arith.constant 0 : i32
    %dma_start3A_238 = arith.constant 0 : i32
    %dma_start3A_239 = arith.constant 0 : i32
    %dma_start3A_240 = tpu.memref_slice %arg7[%dma_start3A_237, %dma_start3A_238, %dma_start3A_239] : memref<2x256x128xf32, #tpu.memory_space<vmem>> -> memref<1x128x128xf32, #tpu.memory_space<vmem>>
    %dma_start3A_241 = tpu.memref_squeeze %dma_start3A_240 : memref<1x128x128xf32, #tpu.memory_space<vmem>> -> memref<128x128xf32, #tpu.memory_space<vmem>>
    %dma_start3A_242 = arith.constant 0 : i32
    %dma_start3A_243 = tpu.memref_slice %arg5[%add3A_236, %dma_start3A_242] : memref<64x128xi32, #tpu.memory_space<vmem>> -> memref<1x128xi32, #tpu.memory_space<vmem>>
    %dma_start3A_244 = tpu.memref_squeeze %dma_start3A_243 : memref<1x128xi32, #tpu.memory_space<vmem>> -> memref<128xi32, #tpu.memory_space<vmem>>
    %dma_start3A_245 = arith.constant 0 : i32
    %dma_start3A_246 = arith.constant 0 : i32
    %dma_start3A_247 = tpu.memref_slice %arg2[%dma_start3A_245, %dma_start3A_246] : memref<262144x128xf32, #tpu.memory_space<hbm>> -> memref<262144x128xf32, #tpu.memory_space<hbm>>
    tpu.enqueue_indirect_dma source(%dma_start3A_247 : memref<262144x128xf32, #tpu.memory_space<hbm>>) target(%dma_start3A_241 : memref<128x128xf32, #tpu.memory_space<vmem>>) offsets(%dma_start3A_244 : memref<128xi32, #tpu.memory_space<vmem>>) semaphore(%arg9 : memref<!tpu.dma_semaphore, #tpu.memory_space<semaphore_mem>>)
    %sub3A_248 = arith.subi %add3A_11, %mul3A_2 : i32
    %mul3A_249 = arith.constant 16 : i32
    %mul3A_250 = arith.muli %sub3A_248, %mul3A_249 : i32
    %add3A_251 = arith.constant 4 : i32
    %add3A_252 = arith.addi %mul3A_250, %add3A_251 : i32
    %add3A_253 = arith.constant 1 : i32
    %add3A_254 = arith.addi %add3A_252, %add3A_253 : i32
    %dma_start3A_255 = arith.constant 0 : i32
    %dma_start3A_256 = arith.constant 128 : i32
    %dma_start3A_257 = arith.constant 0 : i32
    %dma_start3A_258 = tpu.memref_slice %arg7[%dma_start3A_255, %dma_start3A_256, %dma_start3A_257] : memref<2x256x128xf32, #tpu.memory_space<vmem>> -> memref<1x128x128xf32, #tpu.memory_space<vmem>>
    %dma_start3A_259 = tpu.memref_squeeze %dma_start3A_258 : memref<1x128x128xf32, #tpu.memory_space<vmem>> -> memref<128x128xf32, #tpu.memory_space<vmem>>
    %dma_start3A_260 = arith.constant 0 : i32
    %dma_start3A_261 = tpu.memref_slice %arg5[%add3A_254, %dma_start3A_260] : memref<64x128xi32, #tpu.memory_space<vmem>> -> memref<1x128xi32, #tpu.memory_space<vmem>>
    %dma_start3A_262 = tpu.memref_squeeze %dma_start3A_261 : memref<1x128xi32, #tpu.memory_space<vmem>> -> memref<128xi32, #tpu.memory_space<vmem>>
    %dma_start3A_263 = arith.constant 0 : i32
    %dma_start3A_264 = arith.constant 0 : i32
    %dma_start3A_265 = tpu.memref_slice %arg2[%dma_start3A_263, %dma_start3A_264] : memref<262144x128xf32, #tpu.memory_space<hbm>> -> memref<262144x128xf32, #tpu.memory_space<hbm>>
    tpu.enqueue_indirect_dma source(%dma_start3A_265 : memref<262144x128xf32, #tpu.memory_space<hbm>>) target(%dma_start3A_259 : memref<128x128xf32, #tpu.memory_space<vmem>>) offsets(%dma_start3A_262 : memref<128xi32, #tpu.memory_space<vmem>>) semaphore(%arg9 : memref<!tpu.dma_semaphore, #tpu.memory_space<semaphore_mem>>)
    %dma_wait3A_266 = arith.constant 1 : i32
    %dma_wait3A_267 = arith.constant 0 : i32
    %dma_wait3A_268 = arith.constant 0 : i32
    %dma_wait3A_269 = tpu.memref_slice %arg7[%dma_wait3A_266, %dma_wait3A_267, %dma_wait3A_268] : memref<2x256x128xf32, #tpu.memory_space<vmem>> -> memref<1x128x128xf32, #tpu.memory_space<vmem>>
    %dma_wait3A_270 = tpu.memref_squeeze %dma_wait3A_269 : memref<1x128x128xf32, #tpu.memory_space<vmem>> -> memref<128x128xf32, #tpu.memory_space<vmem>>
    %dma_wait3A_271 = arith.constant 0 : i32
    %dma_wait3A_272 = tpu.memref_slice %arg5[%add3A_149, %dma_wait3A_271] : memref<64x128xi32, #tpu.memory_space<vmem>> -> memref<1x128xi32, #tpu.memory_space<vmem>>
    %dma_wait3A_273 = tpu.memref_squeeze %dma_wait3A_272 : memref<1x128xi32, #tpu.memory_space<vmem>> -> memref<128xi32, #tpu.memory_space<vmem>>
    %dma_wait3A_274 = arith.constant 0 : i32
    %dma_wait3A_275 = arith.constant 0 : i32
    %dma_wait3A_276 = tpu.memref_slice %arg2[%dma_wait3A_274, %dma_wait3A_275] : memref<262144x128xf32, #tpu.memory_space<hbm>> -> memref<262144x128xf32, #tpu.memory_space<hbm>>
    tpu.wait_indirect_dma semaphore(%arg9 : memref<!tpu.dma_semaphore, #tpu.memory_space<semaphore_mem>>) src(%dma_wait3A_276 : memref<262144x128xf32, #tpu.memory_space<hbm>>) dst(%dma_wait3A_270 : memref<128x128xf32, #tpu.memory_space<vmem>>)
    %dma_wait3A_277 = arith.constant 1 : i32
    %dma_wait3A_278 = arith.constant 128 : i32
    %dma_wait3A_279 = arith.constant 0 : i32
    %dma_wait3A_280 = tpu.memref_slice %arg7[%dma_wait3A_277, %dma_wait3A_278, %dma_wait3A_279] : memref<2x256x128xf32, #tpu.memory_space<vmem>> -> memref<1x128x128xf32, #tpu.memory_space<vmem>>
    %dma_wait3A_281 = tpu.memref_squeeze %dma_wait3A_280 : memref<1x128x128xf32, #tpu.memory_space<vmem>> -> memref<128x128xf32, #tpu.memory_space<vmem>>
    %dma_wait3A_282 = arith.constant 0 : i32
    %dma_wait3A_283 = tpu.memref_slice %arg5[%add3A_167, %dma_wait3A_282] : memref<64x128xi32, #tpu.memory_space<vmem>> -> memref<1x128xi32, #tpu.memory_space<vmem>>
    %dma_wait3A_284 = tpu.memref_squeeze %dma_wait3A_283 : memref<1x128xi32, #tpu.memory_space<vmem>> -> memref<128xi32, #tpu.memory_space<vmem>>
    %dma_wait3A_285 = arith.constant 0 : i32
    %dma_wait3A_286 = arith.constant 0 : i32
    %dma_wait3A_287 = tpu.memref_slice %arg2[%dma_wait3A_285, %dma_wait3A_286] : memref<262144x128xf32, #tpu.memory_space<hbm>> -> memref<262144x128xf32, #tpu.memory_space<hbm>>
    tpu.wait_indirect_dma semaphore(%arg9 : memref<!tpu.dma_semaphore, #tpu.memory_space<semaphore_mem>>) src(%dma_wait3A_287 : memref<262144x128xf32, #tpu.memory_space<hbm>>) dst(%dma_wait3A_281 : memref<128x128xf32, #tpu.memory_space<vmem>>)
    %mul3A_288 = arith.constant 4096 : i32
    %mul3A_289 = arith.muli %add3A_9, %mul3A_288 : i32
    %add3A_290 = arith.constant 256 : i32
    %add3A_291 = arith.addi %mul3A_289, %add3A_290 : i32
    %dma_start3A_292 = arith.constant 1 : i32
    %dma_start3A_293 = arith.constant 0 : i32
    %dma_start3A_294 = arith.constant 0 : i32
    %dma_start3A_295 = tpu.memref_slice %arg7[%dma_start3A_292, %dma_start3A_293, %dma_start3A_294] : memref<2x256x128xf32, #tpu.memory_space<vmem>> -> memref<1x256x128xf32, #tpu.memory_space<vmem>>
    %dma_start3A_296 = tpu.memref_squeeze %dma_start3A_295 : memref<1x256x128xf32, #tpu.memory_space<vmem>> -> memref<256x128xf32, #tpu.memory_space<vmem>>
    %dma_start3A_297 = arith.constant 0 : i32
    %dma_start3A_298 = tpu.memref_slice %arg4[%add3A_291, %dma_start3A_297] : memref<524288x128xf32, #tpu.memory_space<hbm>> -> memref<256x128xf32, #tpu.memory_space<hbm>>
    %dma_start3A_299 = arith.constant 0 : i32
    %dma_start3A_300 = tpu.memref_slice %arg4[%add3A_291, %dma_start3A_299] : memref<524288x128xf32, #tpu.memory_space<hbm>> -> memref<256x128xf32, #tpu.memory_space<hbm>>
    %dma_start3A_301 = arith.constant 0 : i32
    %dma_start3A_302 = arith.constant 0 : i32
    %dma_start3A_303 = tpu.memref_slice %arg7[%dma_start3A_292, %dma_start3A_301, %dma_start3A_302] : memref<2x256x128xf32, #tpu.memory_space<vmem>> -> memref<1x256x128xf32, #tpu.memory_space<vmem>>
    %dma_start3A_304 = tpu.memref_squeeze %dma_start3A_303 : memref<1x256x128xf32, #tpu.memory_space<vmem>> -> memref<256x128xf32, #tpu.memory_space<vmem>>
    tpu.enqueue_dma source(%dma_start3A_304 : memref<256x128xf32, #tpu.memory_space<vmem>>) target(%dma_start3A_300 : memref<256x128xf32, #tpu.memory_space<hbm>>) target_semaphore(%arg10 : memref<!tpu.dma_semaphore, #tpu.memory_space<semaphore_mem>>)
    %dma_wait3A_305 = arith.constant 1 : i32
    %dma_wait3A_306 = arith.constant 0 : i32
    %dma_wait3A_307 = arith.constant 0 : i32
    %dma_wait3A_308 = tpu.memref_slice %arg7[%dma_wait3A_305, %dma_wait3A_306, %dma_wait3A_307] : memref<2x256x128xf32, #tpu.memory_space<vmem>> -> memref<1x256x128xf32, #tpu.memory_space<vmem>>
    %dma_wait3A_309 = tpu.memref_squeeze %dma_wait3A_308 : memref<1x256x128xf32, #tpu.memory_space<vmem>> -> memref<256x128xf32, #tpu.memory_space<vmem>>
    %dma_wait3A_310 = arith.constant 0 : i32
    %dma_wait3A_311 = tpu.memref_slice %arg4[%add3A_291, %dma_wait3A_310] : memref<524288x128xf32, #tpu.memory_space<hbm>> -> memref<256x128xf32, #tpu.memory_space<hbm>>
    %dma_wait3A_312 = arith.constant 0 : i32
    %dma_wait3A_313 = tpu.memref_slice %arg4[%add3A_291, %dma_wait3A_312] : memref<524288x128xf32, #tpu.memory_space<hbm>> -> memref<256x128xf32, #tpu.memory_space<hbm>>
    %dma_wait3A_314 = arith.constant 0 : i32
    %dma_wait3A_315 = arith.constant 0 : i32
    %dma_wait3A_316 = tpu.memref_slice %arg7[%dma_wait3A_305, %dma_wait3A_314, %dma_wait3A_315] : memref<2x256x128xf32, #tpu.memory_space<vmem>> -> memref<1x256x128xf32, #tpu.memory_space<vmem>>
    %dma_wait3A_317 = tpu.memref_squeeze %dma_wait3A_316 : memref<1x256x128xf32, #tpu.memory_space<vmem>> -> memref<256x128xf32, #tpu.memory_space<vmem>>
    tpu.wait_dma2 semaphore(%arg10 : memref<!tpu.dma_semaphore, #tpu.memory_space<semaphore_mem>>) src(%dma_wait3A_317 : memref<256x128xf32, #tpu.memory_space<vmem>>) dst(%dma_wait3A_313 : memref<256x128xf32, #tpu.memory_space<hbm>>)
    %sub3A_318 = arith.subi %add3A_13, %mul3A_2 : i32
    %mul3A_319 = arith.constant 16 : i32
    %mul3A_320 = arith.muli %sub3A_318, %mul3A_319 : i32
    %add3A_321 = arith.constant 6 : i32
    %add3A_322 = arith.addi %mul3A_320, %add3A_321 : i32
    %add3A_323 = arith.constant 0 : i32
    %add3A_324 = arith.addi %add3A_322, %add3A_323 : i32
    %dma_start3A_325 = arith.constant 1 : i32
    %dma_start3A_326 = arith.constant 0 : i32
    %dma_start3A_327 = arith.constant 0 : i32
    %dma_start3A_328 = tpu.memref_slice %arg7[%dma_start3A_325, %dma_start3A_326, %dma_start3A_327] : memref<2x256x128xf32, #tpu.memory_space<vmem>> -> memref<1x128x128xf32, #tpu.memory_space<vmem>>
    %dma_start3A_329 = tpu.memref_squeeze %dma_start3A_328 : memref<1x128x128xf32, #tpu.memory_space<vmem>> -> memref<128x128xf32, #tpu.memory_space<vmem>>
    %dma_start3A_330 = arith.constant 0 : i32
    %dma_start3A_331 = tpu.memref_slice %arg5[%add3A_324, %dma_start3A_330] : memref<64x128xi32, #tpu.memory_space<vmem>> -> memref<1x128xi32, #tpu.memory_space<vmem>>
    %dma_start3A_332 = tpu.memref_squeeze %dma_start3A_331 : memref<1x128xi32, #tpu.memory_space<vmem>> -> memref<128xi32, #tpu.memory_space<vmem>>
    %dma_start3A_333 = arith.constant 0 : i32
    %dma_start3A_334 = arith.constant 0 : i32
    %dma_start3A_335 = tpu.memref_slice %arg2[%dma_start3A_333, %dma_start3A_334] : memref<262144x128xf32, #tpu.memory_space<hbm>> -> memref<262144x128xf32, #tpu.memory_space<hbm>>
    tpu.enqueue_indirect_dma source(%dma_start3A_335 : memref<262144x128xf32, #tpu.memory_space<hbm>>) target(%dma_start3A_329 : memref<128x128xf32, #tpu.memory_space<vmem>>) offsets(%dma_start3A_332 : memref<128xi32, #tpu.memory_space<vmem>>) semaphore(%arg9 : memref<!tpu.dma_semaphore, #tpu.memory_space<semaphore_mem>>)
    %sub3A_336 = arith.subi %add3A_13, %mul3A_2 : i32
    %mul3A_337 = arith.constant 16 : i32
    %mul3A_338 = arith.muli %sub3A_336, %mul3A_337 : i32
    %add3A_339 = arith.constant 6 : i32
    %add3A_340 = arith.addi %mul3A_338, %add3A_339 : i32
    %add3A_341 = arith.constant 1 : i32
    %add3A_342 = arith.addi %add3A_340, %add3A_341 : i32
    %dma_start3A_343 = arith.constant 1 : i32
    %dma_start3A_344 = arith.constant 128 : i32
    %dma_start3A_345 = arith.constant 0 : i32
    %dma_start3A_346 = tpu.memref_slice %arg7[%dma_start3A_343, %dma_start3A_344, %dma_start3A_345] : memref<2x256x128xf32, #tpu.memory_space<vmem>> -> memref<1x128x128xf32, #tpu.memory_space<vmem>>
    %dma_start3A_347 = tpu.memref_squeeze %dma_start3A_346 : memref<1x128x128xf32, #tpu.memory_space<vmem>> -> memref<128x128xf32, #tpu.memory_space<vmem>>
    %dma_start3A_348 = arith.constant 0 : i32
    %dma_start3A_349 = tpu.memref_slice %arg5[%add3A_342, %dma_start3A_348] : memref<64x128xi32, #tpu.memory_space<vmem>> -> memref<1x128xi32, #tpu.memory_space<vmem>>
    %dma_start3A_350 = tpu.memref_squeeze %dma_start3A_349 : memref<1x128xi32, #tpu.memory_space<vmem>> -> memref<128xi32, #tpu.memory_space<vmem>>
    %dma_start3A_351 = arith.constant 0 : i32
    %dma_start3A_352 = arith.constant 0 : i32
    %dma_start3A_353 = tpu.memref_slice %arg2[%dma_start3A_351, %dma_start3A_352] : memref<262144x128xf32, #tpu.memory_space<hbm>> -> memref<262144x128xf32, #tpu.memory_space<hbm>>
    tpu.enqueue_indirect_dma source(%dma_start3A_353 : memref<262144x128xf32, #tpu.memory_space<hbm>>) target(%dma_start3A_347 : memref<128x128xf32, #tpu.memory_space<vmem>>) offsets(%dma_start3A_350 : memref<128xi32, #tpu.memory_space<vmem>>) semaphore(%arg9 : memref<!tpu.dma_semaphore, #tpu.memory_space<semaphore_mem>>)
    %dma_wait3A_354 = arith.constant 0 : i32
    %dma_wait3A_355 = arith.constant 0 : i32
    %dma_wait3A_356 = arith.constant 0 : i32
    %dma_wait3A_357 = tpu.memref_slice %arg7[%dma_wait3A_354, %dma_wait3A_355, %dma_wait3A_356] : memref<2x256x128xf32, #tpu.memory_space<vmem>> -> memref<1x128x128xf32, #tpu.memory_space<vmem>>
    %dma_wait3A_358 = tpu.memref_squeeze %dma_wait3A_357 : memref<1x128x128xf32, #tpu.memory_space<vmem>> -> memref<128x128xf32, #tpu.memory_space<vmem>>
    %dma_wait3A_359 = arith.constant 0 : i32
    %dma_wait3A_360 = tpu.memref_slice %arg5[%add3A_236, %dma_wait3A_359] : memref<64x128xi32, #tpu.memory_space<vmem>> -> memref<1x128xi32, #tpu.memory_space<vmem>>
    %dma_wait3A_361 = tpu.memref_squeeze %dma_wait3A_360 : memref<1x128xi32, #tpu.memory_space<vmem>> -> memref<128xi32, #tpu.memory_space<vmem>>
    %dma_wait3A_362 = arith.constant 0 : i32
    %dma_wait3A_363 = arith.constant 0 : i32
    %dma_wait3A_364 = tpu.memref_slice %arg2[%dma_wait3A_362, %dma_wait3A_363] : memref<262144x128xf32, #tpu.memory_space<hbm>> -> memref<262144x128xf32, #tpu.memory_space<hbm>>
    tpu.wait_indirect_dma semaphore(%arg9 : memref<!tpu.dma_semaphore, #tpu.memory_space<semaphore_mem>>) src(%dma_wait3A_364 : memref<262144x128xf32, #tpu.memory_space<hbm>>) dst(%dma_wait3A_358 : memref<128x128xf32, #tpu.memory_space<vmem>>)
    %dma_wait3A_365 = arith.constant 0 : i32
    %dma_wait3A_366 = arith.constant 128 : i32
    %dma_wait3A_367 = arith.constant 0 : i32
    %dma_wait3A_368 = tpu.memref_slice %arg7[%dma_wait3A_365, %dma_wait3A_366, %dma_wait3A_367] : memref<2x256x128xf32, #tpu.memory_space<vmem>> -> memref<1x128x128xf32, #tpu.memory_space<vmem>>
    %dma_wait3A_369 = tpu.memref_squeeze %dma_wait3A_368 : memref<1x128x128xf32, #tpu.memory_space<vmem>> -> memref<128x128xf32, #tpu.memory_space<vmem>>
    %dma_wait3A_370 = arith.constant 0 : i32
    %dma_wait3A_371 = tpu.memref_slice %arg5[%add3A_254, %dma_wait3A_370] : memref<64x128xi32, #tpu.memory_space<vmem>> -> memref<1x128xi32, #tpu.memory_space<vmem>>
    %dma_wait3A_372 = tpu.memref_squeeze %dma_wait3A_371 : memref<1x128xi32, #tpu.memory_space<vmem>> -> memref<128xi32, #tpu.memory_space<vmem>>
    %dma_wait3A_373 = arith.constant 0 : i32
    %dma_wait3A_374 = arith.constant 0 : i32
    %dma_wait3A_375 = tpu.memref_slice %arg2[%dma_wait3A_373, %dma_wait3A_374] : memref<262144x128xf32, #tpu.memory_space<hbm>> -> memref<262144x128xf32, #tpu.memory_space<hbm>>
    tpu.wait_indirect_dma semaphore(%arg9 : memref<!tpu.dma_semaphore, #tpu.memory_space<semaphore_mem>>) src(%dma_wait3A_375 : memref<262144x128xf32, #tpu.memory_space<hbm>>) dst(%dma_wait3A_369 : memref<128x128xf32, #tpu.memory_space<vmem>>)
    %mul3A_376 = arith.constant 4096 : i32
    %mul3A_377 = arith.muli %add3A_11, %mul3A_376 : i32
    %add3A_378 = arith.constant 512 : i32
    %add3A_379 = arith.addi %mul3A_377, %add3A_378 : i32
    %dma_start3A_380 = arith.constant 0 : i32
    %dma_start3A_381 = arith.constant 0 : i32
    %dma_start3A_382 = arith.constant 0 : i32
    %dma_start3A_383 = tpu.memref_slice %arg7[%dma_start3A_380, %dma_start3A_381, %dma_start3A_382] : memref<2x256x128xf32, #tpu.memory_space<vmem>> -> memref<1x256x128xf32, #tpu.memory_space<vmem>>
    %dma_start3A_384 = tpu.memref_squeeze %dma_start3A_383 : memref<1x256x128xf32, #tpu.memory_space<vmem>> -> memref<256x128xf32, #tpu.memory_space<vmem>>
    %dma_start3A_385 = arith.constant 0 : i32
    %dma_start3A_386 = tpu.memref_slice %arg4[%add3A_379, %dma_start3A_385] : memref<524288x128xf32, #tpu.memory_space<hbm>> -> memref<256x128xf32, #tpu.memory_space<hbm>>
    %dma_start3A_387 = arith.constant 0 : i32
    %dma_start3A_388 = tpu.memref_slice %arg4[%add3A_379, %dma_start3A_387] : memref<524288x128xf32, #tpu.memory_space<hbm>> -> memref<256x128xf32, #tpu.memory_space<hbm>>
    %dma_start3A_389 = arith.constant 0 : i32
    %dma_start3A_390 = arith.constant 0 : i32
    %dma_start3A_391 = tpu.memref_slice %arg7[%dma_start3A_380, %dma_start3A_389, %dma_start3A_390] : memref<2x256x128xf32, #tpu.memory_space<vmem>> -> memref<1x256x128xf32, #tpu.memory_space<vmem>>
    %dma_start3A_392 = tpu.memref_squeeze %dma_start3A_391 : memref<1x256x128xf32, #tpu.memory_space<vmem>> -> memref<256x128xf32, #tpu.memory_space<vmem>>
    tpu.enqueue_dma source(%dma_start3A_392 : memref<256x128xf32, #tpu.memory_space<vmem>>) target(%dma_start3A_388 : memref<256x128xf32, #tpu.memory_space<hbm>>) target_semaphore(%arg10 : memref<!tpu.dma_semaphore, #tpu.memory_space<semaphore_mem>>)
    %dma_wait3A_393 = arith.constant 0 : i32
    %dma_wait3A_394 = arith.constant 0 : i32
    %dma_wait3A_395 = arith.constant 0 : i32
    %dma_wait3A_396 = tpu.memref_slice %arg7[%dma_wait3A_393, %dma_wait3A_394, %dma_wait3A_395] : memref<2x256x128xf32, #tpu.memory_space<vmem>> -> memref<1x256x128xf32, #tpu.memory_space<vmem>>
    %dma_wait3A_397 = tpu.memref_squeeze %dma_wait3A_396 : memref<1x256x128xf32, #tpu.memory_space<vmem>> -> memref<256x128xf32, #tpu.memory_space<vmem>>
    %dma_wait3A_398 = arith.constant 0 : i32
    %dma_wait3A_399 = tpu.memref_slice %arg4[%add3A_379, %dma_wait3A_398] : memref<524288x128xf32, #tpu.memory_space<hbm>> -> memref<256x128xf32, #tpu.memory_space<hbm>>
    %dma_wait3A_400 = arith.constant 0 : i32
    %dma_wait3A_401 = tpu.memref_slice %arg4[%add3A_379, %dma_wait3A_400] : memref<524288x128xf32, #tpu.memory_space<hbm>> -> memref<256x128xf32, #tpu.memory_space<hbm>>
    %dma_wait3A_402 = arith.constant 0 : i32
    %dma_wait3A_403 = arith.constant 0 : i32
    %dma_wait3A_404 = tpu.memref_slice %arg7[%dma_wait3A_393, %dma_wait3A_402, %dma_wait3A_403] : memref<2x256x128xf32, #tpu.memory_space<vmem>> -> memref<1x256x128xf32, #tpu.memory_space<vmem>>
    %dma_wait3A_405 = tpu.memref_squeeze %dma_wait3A_404 : memref<1x256x128xf32, #tpu.memory_space<vmem>> -> memref<256x128xf32, #tpu.memory_space<vmem>>
    tpu.wait_dma2 semaphore(%arg10 : memref<!tpu.dma_semaphore, #tpu.memory_space<semaphore_mem>>) src(%dma_wait3A_405 : memref<256x128xf32, #tpu.memory_space<vmem>>) dst(%dma_wait3A_401 : memref<256x128xf32, #tpu.memory_space<hbm>>)
    %sub3A_406 = arith.subi %add3A_15, %mul3A_2 : i32
    %mul3A_407 = arith.constant 16 : i32
    %mul3A_408 = arith.muli %sub3A_406, %mul3A_407 : i32
    %add3A_409 = arith.constant 8 : i32
    %add3A_410 = arith.addi %mul3A_408, %add3A_409 : i32
    %add3A_411 = arith.constant 0 : i32
    %add3A_412 = arith.addi %add3A_410, %add3A_411 : i32
    %dma_start3A_413 = arith.constant 0 : i32
    %dma_start3A_414 = arith.constant 0 : i32
    %dma_start3A_415 = arith.constant 0 : i32
    %dma_start3A_416 = tpu.memref_slice %arg7[%dma_start3A_413, %dma_start3A_414, %dma_start3A_415] : memref<2x256x128xf32, #tpu.memory_space<vmem>> -> memref<1x128x128xf32, #tpu.memory_space<vmem>>
    %dma_start3A_417 = tpu.memref_squeeze %dma_start3A_416 : memref<1x128x128xf32, #tpu.memory_space<vmem>> -> memref<128x128xf32, #tpu.memory_space<vmem>>
    %dma_start3A_418 = arith.constant 0 : i32
    %dma_start3A_419 = tpu.memref_slice %arg5[%add3A_412, %dma_start3A_418] : memref<64x128xi32, #tpu.memory_space<vmem>> -> memref<1x128xi32, #tpu.memory_space<vmem>>
    %dma_start3A_420 = tpu.memref_squeeze %dma_start3A_419 : memref<1x128xi32, #tpu.memory_space<vmem>> -> memref<128xi32, #tpu.memory_space<vmem>>
    %dma_start3A_421 = arith.constant 0 : i32
    %dma_start3A_422 = arith.constant 0 : i32
    %dma_start3A_423 = tpu.memref_slice %arg2[%dma_start3A_421, %dma_start3A_422] : memref<262144x128xf32, #tpu.memory_space<hbm>> -> memref<262144x128xf32, #tpu.memory_space<hbm>>
    tpu.enqueue_indirect_dma source(%dma_start3A_423 : memref<262144x128xf32, #tpu.memory_space<hbm>>) target(%dma_start3A_417 : memref<128x128xf32, #tpu.memory_space<vmem>>) offsets(%dma_start3A_420 : memref<128xi32, #tpu.memory_space<vmem>>) semaphore(%arg9 : memref<!tpu.dma_semaphore, #tpu.memory_space<semaphore_mem>>)
    %sub3A_424 = arith.subi %add3A_15, %mul3A_2 : i32
    %mul3A_425 = arith.constant 16 : i32
    %mul3A_426 = arith.muli %sub3A_424, %mul3A_425 : i32
    %add3A_427 = arith.constant 8 : i32
    %add3A_428 = arith.addi %mul3A_426, %add3A_427 : i32
    %add3A_429 = arith.constant 1 : i32
    %add3A_430 = arith.addi %add3A_428, %add3A_429 : i32
    %dma_start3A_431 = arith.constant 0 : i32
    %dma_start3A_432 = arith.constant 128 : i32
    %dma_start3A_433 = arith.constant 0 : i32
    %dma_start3A_434 = tpu.memref_slice %arg7[%dma_start3A_431, %dma_start3A_432, %dma_start3A_433] : memref<2x256x128xf32, #tpu.memory_space<vmem>> -> memref<1x128x128xf32, #tpu.memory_space<vmem>>
    %dma_start3A_435 = tpu.memref_squeeze %dma_start3A_434 : memref<1x128x128xf32, #tpu.memory_space<vmem>> -> memref<128x128xf32, #tpu.memory_space<vmem>>
    %dma_start3A_436 = arith.constant 0 : i32
    %dma_start3A_437 = tpu.memref_slice %arg5[%add3A_430, %dma_start3A_436] : memref<64x128xi32, #tpu.memory_space<vmem>> -> memref<1x128xi32, #tpu.memory_space<vmem>>
    %dma_start3A_438 = tpu.memref_squeeze %dma_start3A_437 : memref<1x128xi32, #tpu.memory_space<vmem>> -> memref<128xi32, #tpu.memory_space<vmem>>
    %dma_start3A_439 = arith.constant 0 : i32
    %dma_start3A_440 = arith.constant 0 : i32
    %dma_start3A_441 = tpu.memref_slice %arg2[%dma_start3A_439, %dma_start3A_440] : memref<262144x128xf32, #tpu.memory_space<hbm>> -> memref<262144x128xf32, #tpu.memory_space<hbm>>
    tpu.enqueue_indirect_dma source(%dma_start3A_441 : memref<262144x128xf32, #tpu.memory_space<hbm>>) target(%dma_start3A_435 : memref<128x128xf32, #tpu.memory_space<vmem>>) offsets(%dma_start3A_438 : memref<128xi32, #tpu.memory_space<vmem>>) semaphore(%arg9 : memref<!tpu.dma_semaphore, #tpu.memory_space<semaphore_mem>>)
    %dma_wait3A_442 = arith.constant 1 : i32
    %dma_wait3A_443 = arith.constant 0 : i32
    %dma_wait3A_444 = arith.constant 0 : i32
    %dma_wait3A_445 = tpu.memref_slice %arg7[%dma_wait3A_442, %dma_wait3A_443, %dma_wait3A_444] : memref<2x256x128xf32, #tpu.memory_space<vmem>> -> memref<1x128x128xf32, #tpu.memory_space<vmem>>
    %dma_wait3A_446 = tpu.memref_squeeze %dma_wait3A_445 : memref<1x128x128xf32, #tpu.memory_space<vmem>> -> memref<128x128xf32, #tpu.memory_space<vmem>>
    %dma_wait3A_447 = arith.constant 0 : i32
    %dma_wait3A_448 = tpu.memref_slice %arg5[%add3A_324, %dma_wait3A_447] : memref<64x128xi32, #tpu.memory_space<vmem>> -> memref<1x128xi32, #tpu.memory_space<vmem>>
    %dma_wait3A_449 = tpu.memref_squeeze %dma_wait3A_448 : memref<1x128xi32, #tpu.memory_space<vmem>> -> memref<128xi32, #tpu.memory_space<vmem>>
    %dma_wait3A_450 = arith.constant 0 : i32
    %dma_wait3A_451 = arith.constant 0 : i32
    %dma_wait3A_452 = tpu.memref_slice %arg2[%dma_wait3A_450, %dma_wait3A_451] : memref<262144x128xf32, #tpu.memory_space<hbm>> -> memref<262144x128xf32, #tpu.memory_space<hbm>>
    tpu.wait_indirect_dma semaphore(%arg9 : memref<!tpu.dma_semaphore, #tpu.memory_space<semaphore_mem>>) src(%dma_wait3A_452 : memref<262144x128xf32, #tpu.memory_space<hbm>>) dst(%dma_wait3A_446 : memref<128x128xf32, #tpu.memory_space<vmem>>)
    %dma_wait3A_453 = arith.constant 1 : i32
    %dma_wait3A_454 = arith.constant 128 : i32
    %dma_wait3A_455 = arith.constant 0 : i32
    %dma_wait3A_456 = tpu.memref_slice %arg7[%dma_wait3A_453, %dma_wait3A_454, %dma_wait3A_455] : memref<2x256x128xf32, #tpu.memory_space<vmem>> -> memref<1x128x128xf32, #tpu.memory_space<vmem>>
    %dma_wait3A_457 = tpu.memref_squeeze %dma_wait3A_456 : memref<1x128x128xf32, #tpu.memory_space<vmem>> -> memref<128x128xf32, #tpu.memory_space<vmem>>
    %dma_wait3A_458 = arith.constant 0 : i32
    %dma_wait3A_459 = tpu.memref_slice %arg5[%add3A_342, %dma_wait3A_458] : memref<64x128xi32, #tpu.memory_space<vmem>> -> memref<1x128xi32, #tpu.memory_space<vmem>>
    %dma_wait3A_460 = tpu.memref_squeeze %dma_wait3A_459 : memref<1x128xi32, #tpu.memory_space<vmem>> -> memref<128xi32, #tpu.memory_space<vmem>>
    %dma_wait3A_461 = arith.constant 0 : i32
    %dma_wait3A_462 = arith.constant 0 : i32
    %dma_wait3A_463 = tpu.memref_slice %arg2[%dma_wait3A_461, %dma_wait3A_462] : memref<262144x128xf32, #tpu.memory_space<hbm>> -> memref<262144x128xf32, #tpu.memory_space<hbm>>
    tpu.wait_indirect_dma semaphore(%arg9 : memref<!tpu.dma_semaphore, #tpu.memory_space<semaphore_mem>>) src(%dma_wait3A_463 : memref<262144x128xf32, #tpu.memory_space<hbm>>) dst(%dma_wait3A_457 : memref<128x128xf32, #tpu.memory_space<vmem>>)
    %mul3A_464 = arith.constant 4096 : i32
    %mul3A_465 = arith.muli %add3A_13, %mul3A_464 : i32
    %add3A_466 = arith.constant 768 : i32
    %add3A_467 = arith.addi %mul3A_465, %add3A_466 : i32
    %dma_start3A_468 = arith.constant 1 : i32
    %dma_start3A_469 = arith.constant 0 : i32
    %dma_start3A_470 = arith.constant 0 : i32
    %dma_start3A_471 = tpu.memref_slice %arg7[%dma_start3A_468, %dma_start3A_469, %dma_start3A_470] : memref<2x256x128xf32, #tpu.memory_space<vmem>> -> memref<1x256x128xf32, #tpu.memory_space<vmem>>
    %dma_start3A_472 = tpu.memref_squeeze %dma_start3A_471 : memref<1x256x128xf32, #tpu.memory_space<vmem>> -> memref<256x128xf32, #tpu.memory_space<vmem>>
    %dma_start3A_473 = arith.constant 0 : i32
    %dma_start3A_474 = tpu.memref_slice %arg4[%add3A_467, %dma_start3A_473] : memref<524288x128xf32, #tpu.memory_space<hbm>> -> memref<256x128xf32, #tpu.memory_space<hbm>>
    %dma_start3A_475 = arith.constant 0 : i32
    %dma_start3A_476 = tpu.memref_slice %arg4[%add3A_467, %dma_start3A_475] : memref<524288x128xf32, #tpu.memory_space<hbm>> -> memref<256x128xf32, #tpu.memory_space<hbm>>
    %dma_start3A_477 = arith.constant 0 : i32
    %dma_start3A_478 = arith.constant 0 : i32
    %dma_start3A_479 = tpu.memref_slice %arg7[%dma_start3A_468, %dma_start3A_477, %dma_start3A_478] : memref<2x256x128xf32, #tpu.memory_space<vmem>> -> memref<1x256x128xf32, #tpu.memory_space<vmem>>
    %dma_start3A_480 = tpu.memref_squeeze %dma_start3A_479 : memref<1x256x128xf32, #tpu.memory_space<vmem>> -> memref<256x128xf32, #tpu.memory_space<vmem>>
    tpu.enqueue_dma source(%dma_start3A_480 : memref<256x128xf32, #tpu.memory_space<vmem>>) target(%dma_start3A_476 : memref<256x128xf32, #tpu.memory_space<hbm>>) target_semaphore(%arg10 : memref<!tpu.dma_semaphore, #tpu.memory_space<semaphore_mem>>)
    %dma_wait3A_481 = arith.constant 1 : i32
    %dma_wait3A_482 = arith.constant 0 : i32
    %dma_wait3A_483 = arith.constant 0 : i32
    %dma_wait3A_484 = tpu.memref_slice %arg7[%dma_wait3A_481, %dma_wait3A_482, %dma_wait3A_483] : memref<2x256x128xf32, #tpu.memory_space<vmem>> -> memref<1x256x128xf32, #tpu.memory_space<vmem>>
    %dma_wait3A_485 = tpu.memref_squeeze %dma_wait3A_484 : memref<1x256x128xf32, #tpu.memory_space<vmem>> -> memref<256x128xf32, #tpu.memory_space<vmem>>
    %dma_wait3A_486 = arith.constant 0 : i32
    %dma_wait3A_487 = tpu.memref_slice %arg4[%add3A_467, %dma_wait3A_486] : memref<524288x128xf32, #tpu.memory_space<hbm>> -> memref<256x128xf32, #tpu.memory_space<hbm>>
    %dma_wait3A_488 = arith.constant 0 : i32
    %dma_wait3A_489 = tpu.memref_slice %arg4[%add3A_467, %dma_wait3A_488] : memref<524288x128xf32, #tpu.memory_space<hbm>> -> memref<256x128xf32, #tpu.memory_space<hbm>>
    %dma_wait3A_490 = arith.constant 0 : i32
    %dma_wait3A_491 = arith.constant 0 : i32
    %dma_wait3A_492 = tpu.memref_slice %arg7[%dma_wait3A_481, %dma_wait3A_490, %dma_wait3A_491] : memref<2x256x128xf32, #tpu.memory_space<vmem>> -> memref<1x256x128xf32, #tpu.memory_space<vmem>>
    %dma_wait3A_493 = tpu.memref_squeeze %dma_wait3A_492 : memref<1x256x128xf32, #tpu.memory_space<vmem>> -> memref<256x128xf32, #tpu.memory_space<vmem>>
    tpu.wait_dma2 semaphore(%arg10 : memref<!tpu.dma_semaphore, #tpu.memory_space<semaphore_mem>>) src(%dma_wait3A_493 : memref<256x128xf32, #tpu.memory_space<vmem>>) dst(%dma_wait3A_489 : memref<256x128xf32, #tpu.memory_space<hbm>>)
    %sub3A_494 = arith.subi %add3A_17, %mul3A_2 : i32
    %mul3A_495 = arith.constant 16 : i32
    %mul3A_496 = arith.muli %sub3A_494, %mul3A_495 : i32
    %add3A_497 = arith.constant 10 : i32
    %add3A_498 = arith.addi %mul3A_496, %add3A_497 : i32
    %add3A_499 = arith.constant 0 : i32
    %add3A_500 = arith.addi %add3A_498, %add3A_499 : i32
    %dma_start3A_501 = arith.constant 1 : i32
    %dma_start3A_502 = arith.constant 0 : i32
    %dma_start3A_503 = arith.constant 0 : i32
    %dma_start3A_504 = tpu.memref_slice %arg7[%dma_start3A_501, %dma_start3A_502, %dma_start3A_503] : memref<2x256x128xf32, #tpu.memory_space<vmem>> -> memref<1x128x128xf32, #tpu.memory_space<vmem>>
    %dma_start3A_505 = tpu.memref_squeeze %dma_start3A_504 : memref<1x128x128xf32, #tpu.memory_space<vmem>> -> memref<128x128xf32, #tpu.memory_space<vmem>>
    %dma_start3A_506 = arith.constant 0 : i32
    %dma_start3A_507 = tpu.memref_slice %arg5[%add3A_500, %dma_start3A_506] : memref<64x128xi32, #tpu.memory_space<vmem>> -> memref<1x128xi32, #tpu.memory_space<vmem>>
    %dma_start3A_508 = tpu.memref_squeeze %dma_start3A_507 : memref<1x128xi32, #tpu.memory_space<vmem>> -> memref<128xi32, #tpu.memory_space<vmem>>
    %dma_start3A_509 = arith.constant 0 : i32
    %dma_start3A_510 = arith.constant 0 : i32
    %dma_start3A_511 = tpu.memref_slice %arg2[%dma_start3A_509, %dma_start3A_510] : memref<262144x128xf32, #tpu.memory_space<hbm>> -> memref<262144x128xf32, #tpu.memory_space<hbm>>
    tpu.enqueue_indirect_dma source(%dma_start3A_511 : memref<262144x128xf32, #tpu.memory_space<hbm>>) target(%dma_start3A_505 : memref<128x128xf32, #tpu.memory_space<vmem>>) offsets(%dma_start3A_508 : memref<128xi32, #tpu.memory_space<vmem>>) semaphore(%arg9 : memref<!tpu.dma_semaphore, #tpu.memory_space<semaphore_mem>>)
    %sub3A_512 = arith.subi %add3A_17, %mul3A_2 : i32
    %mul3A_513 = arith.constant 16 : i32
    %mul3A_514 = arith.muli %sub3A_512, %mul3A_513 : i32
    %add3A_515 = arith.constant 10 : i32
    %add3A_516 = arith.addi %mul3A_514, %add3A_515 : i32
    %add3A_517 = arith.constant 1 : i32
    %add3A_518 = arith.addi %add3A_516, %add3A_517 : i32
    %dma_start3A_519 = arith.constant 1 : i32
    %dma_start3A_520 = arith.constant 128 : i32
    %dma_start3A_521 = arith.constant 0 : i32
    %dma_start3A_522 = tpu.memref_slice %arg7[%dma_start3A_519, %dma_start3A_520, %dma_start3A_521] : memref<2x256x128xf32, #tpu.memory_space<vmem>> -> memref<1x128x128xf32, #tpu.memory_space<vmem>>
    %dma_start3A_523 = tpu.memref_squeeze %dma_start3A_522 : memref<1x128x128xf32, #tpu.memory_space<vmem>> -> memref<128x128xf32, #tpu.memory_space<vmem>>
    %dma_start3A_524 = arith.constant 0 : i32
    %dma_start3A_525 = tpu.memref_slice %arg5[%add3A_518, %dma_start3A_524] : memref<64x128xi32, #tpu.memory_space<vmem>> -> memref<1x128xi32, #tpu.memory_space<vmem>>
    %dma_start3A_526 = tpu.memref_squeeze %dma_start3A_525 : memref<1x128xi32, #tpu.memory_space<vmem>> -> memref<128xi32, #tpu.memory_space<vmem>>
    %dma_start3A_527 = arith.constant 0 : i32
    %dma_start3A_528 = arith.constant 0 : i32
    %dma_start3A_529 = tpu.memref_slice %arg2[%dma_start3A_527, %dma_start3A_528] : memref<262144x128xf32, #tpu.memory_space<hbm>> -> memref<262144x128xf32, #tpu.memory_space<hbm>>
    tpu.enqueue_indirect_dma source(%dma_start3A_529 : memref<262144x128xf32, #tpu.memory_space<hbm>>) target(%dma_start3A_523 : memref<128x128xf32, #tpu.memory_space<vmem>>) offsets(%dma_start3A_526 : memref<128xi32, #tpu.memory_space<vmem>>) semaphore(%arg9 : memref<!tpu.dma_semaphore, #tpu.memory_space<semaphore_mem>>)
    %dma_wait3A_530 = arith.constant 0 : i32
    %dma_wait3A_531 = arith.constant 0 : i32
    %dma_wait3A_532 = arith.constant 0 : i32
    %dma_wait3A_533 = tpu.memref_slice %arg7[%dma_wait3A_530, %dma_wait3A_531, %dma_wait3A_532] : memref<2x256x128xf32, #tpu.memory_space<vmem>> -> memref<1x128x128xf32, #tpu.memory_space<vmem>>
    %dma_wait3A_534 = tpu.memref_squeeze %dma_wait3A_533 : memref<1x128x128xf32, #tpu.memory_space<vmem>> -> memref<128x128xf32, #tpu.memory_space<vmem>>
    %dma_wait3A_535 = arith.constant 0 : i32
    %dma_wait3A_536 = tpu.memref_slice %arg5[%add3A_412, %dma_wait3A_535] : memref<64x128xi32, #tpu.memory_space<vmem>> -> memref<1x128xi32, #tpu.memory_space<vmem>>
    %dma_wait3A_537 = tpu.memref_squeeze %dma_wait3A_536 : memref<1x128xi32, #tpu.memory_space<vmem>> -> memref<128xi32, #tpu.memory_space<vmem>>
    %dma_wait3A_538 = arith.constant 0 : i32
    %dma_wait3A_539 = arith.constant 0 : i32
    %dma_wait3A_540 = tpu.memref_slice %arg2[%dma_wait3A_538, %dma_wait3A_539] : memref<262144x128xf32, #tpu.memory_space<hbm>> -> memref<262144x128xf32, #tpu.memory_space<hbm>>
    tpu.wait_indirect_dma semaphore(%arg9 : memref<!tpu.dma_semaphore, #tpu.memory_space<semaphore_mem>>) src(%dma_wait3A_540 : memref<262144x128xf32, #tpu.memory_space<hbm>>) dst(%dma_wait3A_534 : memref<128x128xf32, #tpu.memory_space<vmem>>)
    %dma_wait3A_541 = arith.constant 0 : i32
    %dma_wait3A_542 = arith.constant 128 : i32
    %dma_wait3A_543 = arith.constant 0 : i32
    %dma_wait3A_544 = tpu.memref_slice %arg7[%dma_wait3A_541, %dma_wait3A_542, %dma_wait3A_543] : memref<2x256x128xf32, #tpu.memory_space<vmem>> -> memref<1x128x128xf32, #tpu.memory_space<vmem>>
    %dma_wait3A_545 = tpu.memref_squeeze %dma_wait3A_544 : memref<1x128x128xf32, #tpu.memory_space<vmem>> -> memref<128x128xf32, #tpu.memory_space<vmem>>
    %dma_wait3A_546 = arith.constant 0 : i32
    %dma_wait3A_547 = tpu.memref_slice %arg5[%add3A_430, %dma_wait3A_546] : memref<64x128xi32, #tpu.memory_space<vmem>> -> memref<1x128xi32, #tpu.memory_space<vmem>>
    %dma_wait3A_548 = tpu.memref_squeeze %dma_wait3A_547 : memref<1x128xi32, #tpu.memory_space<vmem>> -> memref<128xi32, #tpu.memory_space<vmem>>
    %dma_wait3A_549 = arith.constant 0 : i32
    %dma_wait3A_550 = arith.constant 0 : i32
    %dma_wait3A_551 = tpu.memref_slice %arg2[%dma_wait3A_549, %dma_wait3A_550] : memref<262144x128xf32, #tpu.memory_space<hbm>> -> memref<262144x128xf32, #tpu.memory_space<hbm>>
    tpu.wait_indirect_dma semaphore(%arg9 : memref<!tpu.dma_semaphore, #tpu.memory_space<semaphore_mem>>) src(%dma_wait3A_551 : memref<262144x128xf32, #tpu.memory_space<hbm>>) dst(%dma_wait3A_545 : memref<128x128xf32, #tpu.memory_space<vmem>>)
    %mul3A_552 = arith.constant 4096 : i32
    %mul3A_553 = arith.muli %add3A_15, %mul3A_552 : i32
    %add3A_554 = arith.constant 1024 : i32
    %add3A_555 = arith.addi %mul3A_553, %add3A_554 : i32
    %dma_start3A_556 = arith.constant 0 : i32
    %dma_start3A_557 = arith.constant 0 : i32
    %dma_start3A_558 = arith.constant 0 : i32
    %dma_start3A_559 = tpu.memref_slice %arg7[%dma_start3A_556, %dma_start3A_557, %dma_start3A_558] : memref<2x256x128xf32, #tpu.memory_space<vmem>> -> memref<1x256x128xf32, #tpu.memory_space<vmem>>
    %dma_start3A_560 = tpu.memref_squeeze %dma_start3A_559 : memref<1x256x128xf32, #tpu.memory_space<vmem>> -> memref<256x128xf32, #tpu.memory_space<vmem>>
    %dma_start3A_561 = arith.constant 0 : i32
    %dma_start3A_562 = tpu.memref_slice %arg4[%add3A_555, %dma_start3A_561] : memref<524288x128xf32, #tpu.memory_space<hbm>> -> memref<256x128xf32, #tpu.memory_space<hbm>>
    %dma_start3A_563 = arith.constant 0 : i32
    %dma_start3A_564 = tpu.memref_slice %arg4[%add3A_555, %dma_start3A_563] : memref<524288x128xf32, #tpu.memory_space<hbm>> -> memref<256x128xf32, #tpu.memory_space<hbm>>
    %dma_start3A_565 = arith.constant 0 : i32
    %dma_start3A_566 = arith.constant 0 : i32
    %dma_start3A_567 = tpu.memref_slice %arg7[%dma_start3A_556, %dma_start3A_565, %dma_start3A_566] : memref<2x256x128xf32, #tpu.memory_space<vmem>> -> memref<1x256x128xf32, #tpu.memory_space<vmem>>
    %dma_start3A_568 = tpu.memref_squeeze %dma_start3A_567 : memref<1x256x128xf32, #tpu.memory_space<vmem>> -> memref<256x128xf32, #tpu.memory_space<vmem>>
    tpu.enqueue_dma source(%dma_start3A_568 : memref<256x128xf32, #tpu.memory_space<vmem>>) target(%dma_start3A_564 : memref<256x128xf32, #tpu.memory_space<hbm>>) target_semaphore(%arg10 : memref<!tpu.dma_semaphore, #tpu.memory_space<semaphore_mem>>)
    %dma_wait3A_569 = arith.constant 0 : i32
    %dma_wait3A_570 = arith.constant 0 : i32
    %dma_wait3A_571 = arith.constant 0 : i32
    %dma_wait3A_572 = tpu.memref_slice %arg7[%dma_wait3A_569, %dma_wait3A_570, %dma_wait3A_571] : memref<2x256x128xf32, #tpu.memory_space<vmem>> -> memref<1x256x128xf32, #tpu.memory_space<vmem>>
    %dma_wait3A_573 = tpu.memref_squeeze %dma_wait3A_572 : memref<1x256x128xf32, #tpu.memory_space<vmem>> -> memref<256x128xf32, #tpu.memory_space<vmem>>
    %dma_wait3A_574 = arith.constant 0 : i32
    %dma_wait3A_575 = tpu.memref_slice %arg4[%add3A_555, %dma_wait3A_574] : memref<524288x128xf32, #tpu.memory_space<hbm>> -> memref<256x128xf32, #tpu.memory_space<hbm>>
    %dma_wait3A_576 = arith.constant 0 : i32
    %dma_wait3A_577 = tpu.memref_slice %arg4[%add3A_555, %dma_wait3A_576] : memref<524288x128xf32, #tpu.memory_space<hbm>> -> memref<256x128xf32, #tpu.memory_space<hbm>>
    %dma_wait3A_578 = arith.constant 0 : i32
    %dma_wait3A_579 = arith.constant 0 : i32
    %dma_wait3A_580 = tpu.memref_slice %arg7[%dma_wait3A_569, %dma_wait3A_578, %dma_wait3A_579] : memref<2x256x128xf32, #tpu.memory_space<vmem>> -> memref<1x256x128xf32, #tpu.memory_space<vmem>>
    %dma_wait3A_581 = tpu.memref_squeeze %dma_wait3A_580 : memref<1x256x128xf32, #tpu.memory_space<vmem>> -> memref<256x128xf32, #tpu.memory_space<vmem>>
    tpu.wait_dma2 semaphore(%arg10 : memref<!tpu.dma_semaphore, #tpu.memory_space<semaphore_mem>>) src(%dma_wait3A_581 : memref<256x128xf32, #tpu.memory_space<vmem>>) dst(%dma_wait3A_577 : memref<256x128xf32, #tpu.memory_space<hbm>>)
    %sub3A_582 = arith.subi %add3A_19, %mul3A_2 : i32
    %mul3A_583 = arith.constant 16 : i32
    %mul3A_584 = arith.muli %sub3A_582, %mul3A_583 : i32
    %add3A_585 = arith.constant 12 : i32
    %add3A_586 = arith.addi %mul3A_584, %add3A_585 : i32
    %add3A_587 = arith.constant 0 : i32
    %add3A_588 = arith.addi %add3A_586, %add3A_587 : i32
    %dma_start3A_589 = arith.constant 0 : i32
    %dma_start3A_590 = arith.constant 0 : i32
    %dma_start3A_591 = arith.constant 0 : i32
    %dma_start3A_592 = tpu.memref_slice %arg7[%dma_start3A_589, %dma_start3A_590, %dma_start3A_591] : memref<2x256x128xf32, #tpu.memory_space<vmem>> -> memref<1x128x128xf32, #tpu.memory_space<vmem>>
    %dma_start3A_593 = tpu.memref_squeeze %dma_start3A_592 : memref<1x128x128xf32, #tpu.memory_space<vmem>> -> memref<128x128xf32, #tpu.memory_space<vmem>>
    %dma_start3A_594 = arith.constant 0 : i32
    %dma_start3A_595 = tpu.memref_slice %arg5[%add3A_588, %dma_start3A_594] : memref<64x128xi32, #tpu.memory_space<vmem>> -> memref<1x128xi32, #tpu.memory_space<vmem>>
    %dma_start3A_596 = tpu.memref_squeeze %dma_start3A_595 : memref<1x128xi32, #tpu.memory_space<vmem>> -> memref<128xi32, #tpu.memory_space<vmem>>
    %dma_start3A_597 = arith.constant 0 : i32
    %dma_start3A_598 = arith.constant 0 : i32
    %dma_start3A_599 = tpu.memref_slice %arg2[%dma_start3A_597, %dma_start3A_598] : memref<262144x128xf32, #tpu.memory_space<hbm>> -> memref<262144x128xf32, #tpu.memory_space<hbm>>
    tpu.enqueue_indirect_dma source(%dma_start3A_599 : memref<262144x128xf32, #tpu.memory_space<hbm>>) target(%dma_start3A_593 : memref<128x128xf32, #tpu.memory_space<vmem>>) offsets(%dma_start3A_596 : memref<128xi32, #tpu.memory_space<vmem>>) semaphore(%arg9 : memref<!tpu.dma_semaphore, #tpu.memory_space<semaphore_mem>>)
    %sub3A_600 = arith.subi %add3A_19, %mul3A_2 : i32
    %mul3A_601 = arith.constant 16 : i32
    %mul3A_602 = arith.muli %sub3A_600, %mul3A_601 : i32
    %add3A_603 = arith.constant 12 : i32
    %add3A_604 = arith.addi %mul3A_602, %add3A_603 : i32
    %add3A_605 = arith.constant 1 : i32
    %add3A_606 = arith.addi %add3A_604, %add3A_605 : i32
    %dma_start3A_607 = arith.constant 0 : i32
    %dma_start3A_608 = arith.constant 128 : i32
    %dma_start3A_609 = arith.constant 0 : i32
    %dma_start3A_610 = tpu.memref_slice %arg7[%dma_start3A_607, %dma_start3A_608, %dma_start3A_609] : memref<2x256x128xf32, #tpu.memory_space<vmem>> -> memref<1x128x128xf32, #tpu.memory_space<vmem>>
    %dma_start3A_611 = tpu.memref_squeeze %dma_start3A_610 : memref<1x128x128xf32, #tpu.memory_space<vmem>> -> memref<128x128xf32, #tpu.memory_space<vmem>>
    %dma_start3A_612 = arith.constant 0 : i32
    %dma_start3A_613 = tpu.memref_slice %arg5[%add3A_606, %dma_start3A_612] : memref<64x128xi32, #tpu.memory_space<vmem>> -> memref<1x128xi32, #tpu.memory_space<vmem>>
    %dma_start3A_614 = tpu.memref_squeeze %dma_start3A_613 : memref<1x128xi32, #tpu.memory_space<vmem>> -> memref<128xi32, #tpu.memory_space<vmem>>
    %dma_start3A_615 = arith.constant 0 : i32
    %dma_start3A_616 = arith.constant 0 : i32
    %dma_start3A_617 = tpu.memref_slice %arg2[%dma_start3A_615, %dma_start3A_616] : memref<262144x128xf32, #tpu.memory_space<hbm>> -> memref<262144x128xf32, #tpu.memory_space<hbm>>
    tpu.enqueue_indirect_dma source(%dma_start3A_617 : memref<262144x128xf32, #tpu.memory_space<hbm>>) target(%dma_start3A_611 : memref<128x128xf32, #tpu.memory_space<vmem>>) offsets(%dma_start3A_614 : memref<128xi32, #tpu.memory_space<vmem>>) semaphore(%arg9 : memref<!tpu.dma_semaphore, #tpu.memory_space<semaphore_mem>>)
    %dma_wait3A_618 = arith.constant 1 : i32
    %dma_wait3A_619 = arith.constant 0 : i32
    %dma_wait3A_620 = arith.constant 0 : i32
    %dma_wait3A_621 = tpu.memref_slice %arg7[%dma_wait3A_618, %dma_wait3A_619, %dma_wait3A_620] : memref<2x256x128xf32, #tpu.memory_space<vmem>> -> memref<1x128x128xf32, #tpu.memory_space<vmem>>
    %dma_wait3A_622 = tpu.memref_squeeze %dma_wait3A_621 : memref<1x128x128xf32, #tpu.memory_space<vmem>> -> memref<128x128xf32, #tpu.memory_space<vmem>>
    %dma_wait3A_623 = arith.constant 0 : i32
    %dma_wait3A_624 = tpu.memref_slice %arg5[%add3A_500, %dma_wait3A_623] : memref<64x128xi32, #tpu.memory_space<vmem>> -> memref<1x128xi32, #tpu.memory_space<vmem>>
    %dma_wait3A_625 = tpu.memref_squeeze %dma_wait3A_624 : memref<1x128xi32, #tpu.memory_space<vmem>> -> memref<128xi32, #tpu.memory_space<vmem>>
    %dma_wait3A_626 = arith.constant 0 : i32
    %dma_wait3A_627 = arith.constant 0 : i32
    %dma_wait3A_628 = tpu.memref_slice %arg2[%dma_wait3A_626, %dma_wait3A_627] : memref<262144x128xf32, #tpu.memory_space<hbm>> -> memref<262144x128xf32, #tpu.memory_space<hbm>>
    tpu.wait_indirect_dma semaphore(%arg9 : memref<!tpu.dma_semaphore, #tpu.memory_space<semaphore_mem>>) src(%dma_wait3A_628 : memref<262144x128xf32, #tpu.memory_space<hbm>>) dst(%dma_wait3A_622 : memref<128x128xf32, #tpu.memory_space<vmem>>)
    %dma_wait3A_629 = arith.constant 1 : i32
    %dma_wait3A_630 = arith.constant 128 : i32
    %dma_wait3A_631 = arith.constant 0 : i32
    %dma_wait3A_632 = tpu.memref_slice %arg7[%dma_wait3A_629, %dma_wait3A_630, %dma_wait3A_631] : memref<2x256x128xf32, #tpu.memory_space<vmem>> -> memref<1x128x128xf32, #tpu.memory_space<vmem>>
    %dma_wait3A_633 = tpu.memref_squeeze %dma_wait3A_632 : memref<1x128x128xf32, #tpu.memory_space<vmem>> -> memref<128x128xf32, #tpu.memory_space<vmem>>
    %dma_wait3A_634 = arith.constant 0 : i32
    %dma_wait3A_635 = tpu.memref_slice %arg5[%add3A_518, %dma_wait3A_634] : memref<64x128xi32, #tpu.memory_space<vmem>> -> memref<1x128xi32, #tpu.memory_space<vmem>>
    %dma_wait3A_636 = tpu.memref_squeeze %dma_wait3A_635 : memref<1x128xi32, #tpu.memory_space<vmem>> -> memref<128xi32, #tpu.memory_space<vmem>>
    %dma_wait3A_637 = arith.constant 0 : i32
    %dma_wait3A_638 = arith.constant 0 : i32
    %dma_wait3A_639 = tpu.memref_slice %arg2[%dma_wait3A_637, %dma_wait3A_638] : memref<262144x128xf32, #tpu.memory_space<hbm>> -> memref<262144x128xf32, #tpu.memory_space<hbm>>
    tpu.wait_indirect_dma semaphore(%arg9 : memref<!tpu.dma_semaphore, #tpu.memory_space<semaphore_mem>>) src(%dma_wait3A_639 : memref<262144x128xf32, #tpu.memory_space<hbm>>) dst(%dma_wait3A_633 : memref<128x128xf32, #tpu.memory_space<vmem>>)
    %mul3A_640 = arith.constant 4096 : i32
    %mul3A_641 = arith.muli %add3A_17, %mul3A_640 : i32
    %add3A_642 = arith.constant 1280 : i32
    %add3A_643 = arith.addi %mul3A_641, %add3A_642 : i32
    %dma_start3A_644 = arith.constant 1 : i32
    %dma_start3A_645 = arith.constant 0 : i32
    %dma_start3A_646 = arith.constant 0 : i32
    %dma_start3A_647 = tpu.memref_slice %arg7[%dma_start3A_644, %dma_start3A_645, %dma_start3A_646] : memref<2x256x128xf32, #tpu.memory_space<vmem>> -> memref<1x256x128xf32, #tpu.memory_space<vmem>>
    %dma_start3A_648 = tpu.memref_squeeze %dma_start3A_647 : memref<1x256x128xf32, #tpu.memory_space<vmem>> -> memref<256x128xf32, #tpu.memory_space<vmem>>
    %dma_start3A_649 = arith.constant 0 : i32
    %dma_start3A_650 = tpu.memref_slice %arg4[%add3A_643, %dma_start3A_649] : memref<524288x128xf32, #tpu.memory_space<hbm>> -> memref<256x128xf32, #tpu.memory_space<hbm>>
    %dma_start3A_651 = arith.constant 0 : i32
    %dma_start3A_652 = tpu.memref_slice %arg4[%add3A_643, %dma_start3A_651] : memref<524288x128xf32, #tpu.memory_space<hbm>> -> memref<256x128xf32, #tpu.memory_space<hbm>>
    %dma_start3A_653 = arith.constant 0 : i32
    %dma_start3A_654 = arith.constant 0 : i32
    %dma_start3A_655 = tpu.memref_slice %arg7[%dma_start3A_644, %dma_start3A_653, %dma_start3A_654] : memref<2x256x128xf32, #tpu.memory_space<vmem>> -> memref<1x256x128xf32, #tpu.memory_space<vmem>>
    %dma_start3A_656 = tpu.memref_squeeze %dma_start3A_655 : memref<1x256x128xf32, #tpu.memory_space<vmem>> -> memref<256x128xf32, #tpu.memory_space<vmem>>
    tpu.enqueue_dma source(%dma_start3A_656 : memref<256x128xf32, #tpu.memory_space<vmem>>) target(%dma_start3A_652 : memref<256x128xf32, #tpu.memory_space<hbm>>) target_semaphore(%arg10 : memref<!tpu.dma_semaphore, #tpu.memory_space<semaphore_mem>>)
    %dma_wait3A_657 = arith.constant 1 : i32
    %dma_wait3A_658 = arith.constant 0 : i32
    %dma_wait3A_659 = arith.constant 0 : i32
    %dma_wait3A_660 = tpu.memref_slice %arg7[%dma_wait3A_657, %dma_wait3A_658, %dma_wait3A_659] : memref<2x256x128xf32, #tpu.memory_space<vmem>> -> memref<1x256x128xf32, #tpu.memory_space<vmem>>
    %dma_wait3A_661 = tpu.memref_squeeze %dma_wait3A_660 : memref<1x256x128xf32, #tpu.memory_space<vmem>> -> memref<256x128xf32, #tpu.memory_space<vmem>>
    %dma_wait3A_662 = arith.constant 0 : i32
    %dma_wait3A_663 = tpu.memref_slice %arg4[%add3A_643, %dma_wait3A_662] : memref<524288x128xf32, #tpu.memory_space<hbm>> -> memref<256x128xf32, #tpu.memory_space<hbm>>
    %dma_wait3A_664 = arith.constant 0 : i32
    %dma_wait3A_665 = tpu.memref_slice %arg4[%add3A_643, %dma_wait3A_664] : memref<524288x128xf32, #tpu.memory_space<hbm>> -> memref<256x128xf32, #tpu.memory_space<hbm>>
    %dma_wait3A_666 = arith.constant 0 : i32
    %dma_wait3A_667 = arith.constant 0 : i32
    %dma_wait3A_668 = tpu.memref_slice %arg7[%dma_wait3A_657, %dma_wait3A_666, %dma_wait3A_667] : memref<2x256x128xf32, #tpu.memory_space<vmem>> -> memref<1x256x128xf32, #tpu.memory_space<vmem>>
    %dma_wait3A_669 = tpu.memref_squeeze %dma_wait3A_668 : memref<1x256x128xf32, #tpu.memory_space<vmem>> -> memref<256x128xf32, #tpu.memory_space<vmem>>
    tpu.wait_dma2 semaphore(%arg10 : memref<!tpu.dma_semaphore, #tpu.memory_space<semaphore_mem>>) src(%dma_wait3A_669 : memref<256x128xf32, #tpu.memory_space<vmem>>) dst(%dma_wait3A_665 : memref<256x128xf32, #tpu.memory_space<hbm>>)
    %sub3A_670 = arith.subi %add3A_21, %mul3A_2 : i32
    %mul3A_671 = arith.constant 16 : i32
    %mul3A_672 = arith.muli %sub3A_670, %mul3A_671 : i32
    %add3A_673 = arith.constant 14 : i32
    %add3A_674 = arith.addi %mul3A_672, %add3A_673 : i32
    %add3A_675 = arith.constant 0 : i32
    %add3A_676 = arith.addi %add3A_674, %add3A_675 : i32
    %dma_start3A_677 = arith.constant 1 : i32
    %dma_start3A_678 = arith.constant 0 : i32
    %dma_start3A_679 = arith.constant 0 : i32
    %dma_start3A_680 = tpu.memref_slice %arg7[%dma_start3A_677, %dma_start3A_678, %dma_start3A_679] : memref<2x256x128xf32, #tpu.memory_space<vmem>> -> memref<1x128x128xf32, #tpu.memory_space<vmem>>
    %dma_start3A_681 = tpu.memref_squeeze %dma_start3A_680 : memref<1x128x128xf32, #tpu.memory_space<vmem>> -> memref<128x128xf32, #tpu.memory_space<vmem>>
    %dma_start3A_682 = arith.constant 0 : i32
    %dma_start3A_683 = tpu.memref_slice %arg5[%add3A_676, %dma_start3A_682] : memref<64x128xi32, #tpu.memory_space<vmem>> -> memref<1x128xi32, #tpu.memory_space<vmem>>
    %dma_start3A_684 = tpu.memref_squeeze %dma_start3A_683 : memref<1x128xi32, #tpu.memory_space<vmem>> -> memref<128xi32, #tpu.memory_space<vmem>>
    %dma_start3A_685 = arith.constant 0 : i32
    %dma_start3A_686 = arith.constant 0 : i32
    %dma_start3A_687 = tpu.memref_slice %arg2[%dma_start3A_685, %dma_start3A_686] : memref<262144x128xf32, #tpu.memory_space<hbm>> -> memref<262144x128xf32, #tpu.memory_space<hbm>>
    tpu.enqueue_indirect_dma source(%dma_start3A_687 : memref<262144x128xf32, #tpu.memory_space<hbm>>) target(%dma_start3A_681 : memref<128x128xf32, #tpu.memory_space<vmem>>) offsets(%dma_start3A_684 : memref<128xi32, #tpu.memory_space<vmem>>) semaphore(%arg9 : memref<!tpu.dma_semaphore, #tpu.memory_space<semaphore_mem>>)
    %sub3A_688 = arith.subi %add3A_21, %mul3A_2 : i32
    %mul3A_689 = arith.constant 16 : i32
    %mul3A_690 = arith.muli %sub3A_688, %mul3A_689 : i32
    %add3A_691 = arith.constant 14 : i32
    %add3A_692 = arith.addi %mul3A_690, %add3A_691 : i32
    %add3A_693 = arith.constant 1 : i32
    %add3A_694 = arith.addi %add3A_692, %add3A_693 : i32
    %dma_start3A_695 = arith.constant 1 : i32
    %dma_start3A_696 = arith.constant 128 : i32
    %dma_start3A_697 = arith.constant 0 : i32
    %dma_start3A_698 = tpu.memref_slice %arg7[%dma_start3A_695, %dma_start3A_696, %dma_start3A_697] : memref<2x256x128xf32, #tpu.memory_space<vmem>> -> memref<1x128x128xf32, #tpu.memory_space<vmem>>
    %dma_start3A_699 = tpu.memref_squeeze %dma_start3A_698 : memref<1x128x128xf32, #tpu.memory_space<vmem>> -> memref<128x128xf32, #tpu.memory_space<vmem>>
    %dma_start3A_700 = arith.constant 0 : i32
    %dma_start3A_701 = tpu.memref_slice %arg5[%add3A_694, %dma_start3A_700] : memref<64x128xi32, #tpu.memory_space<vmem>> -> memref<1x128xi32, #tpu.memory_space<vmem>>
    %dma_start3A_702 = tpu.memref_squeeze %dma_start3A_701 : memref<1x128xi32, #tpu.memory_space<vmem>> -> memref<128xi32, #tpu.memory_space<vmem>>
    %dma_start3A_703 = arith.constant 0 : i32
    %dma_start3A_704 = arith.constant 0 : i32
    %dma_start3A_705 = tpu.memref_slice %arg2[%dma_start3A_703, %dma_start3A_704] : memref<262144x128xf32, #tpu.memory_space<hbm>> -> memref<262144x128xf32, #tpu.memory_space<hbm>>
    tpu.enqueue_indirect_dma source(%dma_start3A_705 : memref<262144x128xf32, #tpu.memory_space<hbm>>) target(%dma_start3A_699 : memref<128x128xf32, #tpu.memory_space<vmem>>) offsets(%dma_start3A_702 : memref<128xi32, #tpu.memory_space<vmem>>) semaphore(%arg9 : memref<!tpu.dma_semaphore, #tpu.memory_space<semaphore_mem>>)
    %dma_wait3A_706 = arith.constant 0 : i32
    %dma_wait3A_707 = arith.constant 0 : i32
    %dma_wait3A_708 = arith.constant 0 : i32
    %dma_wait3A_709 = tpu.memref_slice %arg7[%dma_wait3A_706, %dma_wait3A_707, %dma_wait3A_708] : memref<2x256x128xf32, #tpu.memory_space<vmem>> -> memref<1x128x128xf32, #tpu.memory_space<vmem>>
    %dma_wait3A_710 = tpu.memref_squeeze %dma_wait3A_709 : memref<1x128x128xf32, #tpu.memory_space<vmem>> -> memref<128x128xf32, #tpu.memory_space<vmem>>
    %dma_wait3A_711 = arith.constant 0 : i32
    %dma_wait3A_712 = tpu.memref_slice %arg5[%add3A_588, %dma_wait3A_711] : memref<64x128xi32, #tpu.memory_space<vmem>> -> memref<1x128xi32, #tpu.memory_space<vmem>>
    %dma_wait3A_713 = tpu.memref_squeeze %dma_wait3A_712 : memref<1x128xi32, #tpu.memory_space<vmem>> -> memref<128xi32, #tpu.memory_space<vmem>>
    %dma_wait3A_714 = arith.constant 0 : i32
    %dma_wait3A_715 = arith.constant 0 : i32
    %dma_wait3A_716 = tpu.memref_slice %arg2[%dma_wait3A_714, %dma_wait3A_715] : memref<262144x128xf32, #tpu.memory_space<hbm>> -> memref<262144x128xf32, #tpu.memory_space<hbm>>
    tpu.wait_indirect_dma semaphore(%arg9 : memref<!tpu.dma_semaphore, #tpu.memory_space<semaphore_mem>>) src(%dma_wait3A_716 : memref<262144x128xf32, #tpu.memory_space<hbm>>) dst(%dma_wait3A_710 : memref<128x128xf32, #tpu.memory_space<vmem>>)
    %dma_wait3A_717 = arith.constant 0 : i32
    %dma_wait3A_718 = arith.constant 128 : i32
    %dma_wait3A_719 = arith.constant 0 : i32
    %dma_wait3A_720 = tpu.memref_slice %arg7[%dma_wait3A_717, %dma_wait3A_718, %dma_wait3A_719] : memref<2x256x128xf32, #tpu.memory_space<vmem>> -> memref<1x128x128xf32, #tpu.memory_space<vmem>>
    %dma_wait3A_721 = tpu.memref_squeeze %dma_wait3A_720 : memref<1x128x128xf32, #tpu.memory_space<vmem>> -> memref<128x128xf32, #tpu.memory_space<vmem>>
    %dma_wait3A_722 = arith.constant 0 : i32
    %dma_wait3A_723 = tpu.memref_slice %arg5[%add3A_606, %dma_wait3A_722] : memref<64x128xi32, #tpu.memory_space<vmem>> -> memref<1x128xi32, #tpu.memory_space<vmem>>
    %dma_wait3A_724 = tpu.memref_squeeze %dma_wait3A_723 : memref<1x128xi32, #tpu.memory_space<vmem>> -> memref<128xi32, #tpu.memory_space<vmem>>
    %dma_wait3A_725 = arith.constant 0 : i32
    %dma_wait3A_726 = arith.constant 0 : i32
    %dma_wait3A_727 = tpu.memref_slice %arg2[%dma_wait3A_725, %dma_wait3A_726] : memref<262144x128xf32, #tpu.memory_space<hbm>> -> memref<262144x128xf32, #tpu.memory_space<hbm>>
    tpu.wait_indirect_dma semaphore(%arg9 : memref<!tpu.dma_semaphore, #tpu.memory_space<semaphore_mem>>) src(%dma_wait3A_727 : memref<262144x128xf32, #tpu.memory_space<hbm>>) dst(%dma_wait3A_721 : memref<128x128xf32, #tpu.memory_space<vmem>>)
    %mul3A_728 = arith.constant 4096 : i32
    %mul3A_729 = arith.muli %add3A_19, %mul3A_728 : i32
    %add3A_730 = arith.constant 1536 : i32
    %add3A_731 = arith.addi %mul3A_729, %add3A_730 : i32
    %dma_start3A_732 = arith.constant 0 : i32
    %dma_start3A_733 = arith.constant 0 : i32
    %dma_start3A_734 = arith.constant 0 : i32
    %dma_start3A_735 = tpu.memref_slice %arg7[%dma_start3A_732, %dma_start3A_733, %dma_start3A_734] : memref<2x256x128xf32, #tpu.memory_space<vmem>> -> memref<1x256x128xf32, #tpu.memory_space<vmem>>
    %dma_start3A_736 = tpu.memref_squeeze %dma_start3A_735 : memref<1x256x128xf32, #tpu.memory_space<vmem>> -> memref<256x128xf32, #tpu.memory_space<vmem>>
    %dma_start3A_737 = arith.constant 0 : i32
    %dma_start3A_738 = tpu.memref_slice %arg4[%add3A_731, %dma_start3A_737] : memref<524288x128xf32, #tpu.memory_space<hbm>> -> memref<256x128xf32, #tpu.memory_space<hbm>>
    %dma_start3A_739 = arith.constant 0 : i32
    %dma_start3A_740 = tpu.memref_slice %arg4[%add3A_731, %dma_start3A_739] : memref<524288x128xf32, #tpu.memory_space<hbm>> -> memref<256x128xf32, #tpu.memory_space<hbm>>
    %dma_start3A_741 = arith.constant 0 : i32
    %dma_start3A_742 = arith.constant 0 : i32
    %dma_start3A_743 = tpu.memref_slice %arg7[%dma_start3A_732, %dma_start3A_741, %dma_start3A_742] : memref<2x256x128xf32, #tpu.memory_space<vmem>> -> memref<1x256x128xf32, #tpu.memory_space<vmem>>
    %dma_start3A_744 = tpu.memref_squeeze %dma_start3A_743 : memref<1x256x128xf32, #tpu.memory_space<vmem>> -> memref<256x128xf32, #tpu.memory_space<vmem>>
    tpu.enqueue_dma source(%dma_start3A_744 : memref<256x128xf32, #tpu.memory_space<vmem>>) target(%dma_start3A_740 : memref<256x128xf32, #tpu.memory_space<hbm>>) target_semaphore(%arg10 : memref<!tpu.dma_semaphore, #tpu.memory_space<semaphore_mem>>)
    %dma_wait3A_745 = arith.constant 0 : i32
    %dma_wait3A_746 = arith.constant 0 : i32
    %dma_wait3A_747 = arith.constant 0 : i32
    %dma_wait3A_748 = tpu.memref_slice %arg7[%dma_wait3A_745, %dma_wait3A_746, %dma_wait3A_747] : memref<2x256x128xf32, #tpu.memory_space<vmem>> -> memref<1x256x128xf32, #tpu.memory_space<vmem>>
    %dma_wait3A_749 = tpu.memref_squeeze %dma_wait3A_748 : memref<1x256x128xf32, #tpu.memory_space<vmem>> -> memref<256x128xf32, #tpu.memory_space<vmem>>
    %dma_wait3A_750 = arith.constant 0 : i32
    %dma_wait3A_751 = tpu.memref_slice %arg4[%add3A_731, %dma_wait3A_750] : memref<524288x128xf32, #tpu.memory_space<hbm>> -> memref<256x128xf32, #tpu.memory_space<hbm>>
    %dma_wait3A_752 = arith.constant 0 : i32
    %dma_wait3A_753 = tpu.memref_slice %arg4[%add3A_731, %dma_wait3A_752] : memref<524288x128xf32, #tpu.memory_space<hbm>> -> memref<256x128xf32, #tpu.memory_space<hbm>>
    %dma_wait3A_754 = arith.constant 0 : i32
    %dma_wait3A_755 = arith.constant 0 : i32
    %dma_wait3A_756 = tpu.memref_slice %arg7[%dma_wait3A_745, %dma_wait3A_754, %dma_wait3A_755] : memref<2x256x128xf32, #tpu.memory_space<vmem>> -> memref<1x256x128xf32, #tpu.memory_space<vmem>>
    %dma_wait3A_757 = tpu.memref_squeeze %dma_wait3A_756 : memref<1x256x128xf32, #tpu.memory_space<vmem>> -> memref<256x128xf32, #tpu.memory_space<vmem>>
    tpu.wait_dma2 semaphore(%arg10 : memref<!tpu.dma_semaphore, #tpu.memory_space<semaphore_mem>>) src(%dma_wait3A_757 : memref<256x128xf32, #tpu.memory_space<vmem>>) dst(%dma_wait3A_753 : memref<256x128xf32, #tpu.memory_space<hbm>>)
    %sub3A_758 = arith.subi %add3A_23, %mul3A_2 : i32
    %mul3A_759 = arith.constant 16 : i32
    %mul3A_760 = arith.muli %sub3A_758, %mul3A_759 : i32
    %add3A_761 = arith.constant 0 : i32
    %add3A_762 = arith.addi %mul3A_760, %add3A_761 : i32
    %add3A_763 = arith.constant 0 : i32
    %add3A_764 = arith.addi %add3A_762, %add3A_763 : i32
    %dma_start3A_765 = arith.constant 0 : i32
    %dma_start3A_766 = arith.constant 0 : i32
    %dma_start3A_767 = arith.constant 0 : i32
    %dma_start3A_768 = tpu.memref_slice %arg7[%dma_start3A_765, %dma_start3A_766, %dma_start3A_767] : memref<2x256x128xf32, #tpu.memory_space<vmem>> -> memref<1x128x128xf32, #tpu.memory_space<vmem>>
    %dma_start3A_769 = tpu.memref_squeeze %dma_start3A_768 : memref<1x128x128xf32, #tpu.memory_space<vmem>> -> memref<128x128xf32, #tpu.memory_space<vmem>>
    %dma_start3A_770 = arith.constant 0 : i32
    %dma_start3A_771 = tpu.memref_slice %arg5[%add3A_764, %dma_start3A_770] : memref<64x128xi32, #tpu.memory_space<vmem>> -> memref<1x128xi32, #tpu.memory_space<vmem>>
    %dma_start3A_772 = tpu.memref_squeeze %dma_start3A_771 : memref<1x128xi32, #tpu.memory_space<vmem>> -> memref<128xi32, #tpu.memory_space<vmem>>
    %dma_start3A_773 = arith.constant 0 : i32
    %dma_start3A_774 = arith.constant 0 : i32
    %dma_start3A_775 = tpu.memref_slice %arg2[%dma_start3A_773, %dma_start3A_774] : memref<262144x128xf32, #tpu.memory_space<hbm>> -> memref<262144x128xf32, #tpu.memory_space<hbm>>
    tpu.enqueue_indirect_dma source(%dma_start3A_775 : memref<262144x128xf32, #tpu.memory_space<hbm>>) target(%dma_start3A_769 : memref<128x128xf32, #tpu.memory_space<vmem>>) offsets(%dma_start3A_772 : memref<128xi32, #tpu.memory_space<vmem>>) semaphore(%arg9 : memref<!tpu.dma_semaphore, #tpu.memory_space<semaphore_mem>>)
    %sub3A_776 = arith.subi %add3A_23, %mul3A_2 : i32
    %mul3A_777 = arith.constant 16 : i32
    %mul3A_778 = arith.muli %sub3A_776, %mul3A_777 : i32
    %add3A_779 = arith.constant 0 : i32
    %add3A_780 = arith.addi %mul3A_778, %add3A_779 : i32
    %add3A_781 = arith.constant 1 : i32
    %add3A_782 = arith.addi %add3A_780, %add3A_781 : i32
    %dma_start3A_783 = arith.constant 0 : i32
    %dma_start3A_784 = arith.constant 128 : i32
    %dma_start3A_785 = arith.constant 0 : i32
    %dma_start3A_786 = tpu.memref_slice %arg7[%dma_start3A_783, %dma_start3A_784, %dma_start3A_785] : memref<2x256x128xf32, #tpu.memory_space<vmem>> -> memref<1x128x128xf32, #tpu.memory_space<vmem>>
    %dma_start3A_787 = tpu.memref_squeeze %dma_start3A_786 : memref<1x128x128xf32, #tpu.memory_space<vmem>> -> memref<128x128xf32, #tpu.memory_space<vmem>>
    %dma_start3A_788 = arith.constant 0 : i32
    %dma_start3A_789 = tpu.memref_slice %arg5[%add3A_782, %dma_start3A_788] : memref<64x128xi32, #tpu.memory_space<vmem>> -> memref<1x128xi32, #tpu.memory_space<vmem>>
    %dma_start3A_790 = tpu.memref_squeeze %dma_start3A_789 : memref<1x128xi32, #tpu.memory_space<vmem>> -> memref<128xi32, #tpu.memory_space<vmem>>
    %dma_start3A_791 = arith.constant 0 : i32
    %dma_start3A_792 = arith.constant 0 : i32
    %dma_start3A_793 = tpu.memref_slice %arg2[%dma_start3A_791, %dma_start3A_792] : memref<262144x128xf32, #tpu.memory_space<hbm>> -> memref<262144x128xf32, #tpu.memory_space<hbm>>
    tpu.enqueue_indirect_dma source(%dma_start3A_793 : memref<262144x128xf32, #tpu.memory_space<hbm>>) target(%dma_start3A_787 : memref<128x128xf32, #tpu.memory_space<vmem>>) offsets(%dma_start3A_790 : memref<128xi32, #tpu.memory_space<vmem>>) semaphore(%arg9 : memref<!tpu.dma_semaphore, #tpu.memory_space<semaphore_mem>>)
    %dma_wait3A_794 = arith.constant 1 : i32
    %dma_wait3A_795 = arith.constant 0 : i32
    %dma_wait3A_796 = arith.constant 0 : i32
    %dma_wait3A_797 = tpu.memref_slice %arg7[%dma_wait3A_794, %dma_wait3A_795, %dma_wait3A_796] : memref<2x256x128xf32, #tpu.memory_space<vmem>> -> memref<1x128x128xf32, #tpu.memory_space<vmem>>
    %dma_wait3A_798 = tpu.memref_squeeze %dma_wait3A_797 : memref<1x128x128xf32, #tpu.memory_space<vmem>> -> memref<128x128xf32, #tpu.memory_space<vmem>>
    %dma_wait3A_799 = arith.constant 0 : i32
    %dma_wait3A_800 = tpu.memref_slice %arg5[%add3A_676, %dma_wait3A_799] : memref<64x128xi32, #tpu.memory_space<vmem>> -> memref<1x128xi32, #tpu.memory_space<vmem>>
    %dma_wait3A_801 = tpu.memref_squeeze %dma_wait3A_800 : memref<1x128xi32, #tpu.memory_space<vmem>> -> memref<128xi32, #tpu.memory_space<vmem>>
    %dma_wait3A_802 = arith.constant 0 : i32
    %dma_wait3A_803 = arith.constant 0 : i32
    %dma_wait3A_804 = tpu.memref_slice %arg2[%dma_wait3A_802, %dma_wait3A_803] : memref<262144x128xf32, #tpu.memory_space<hbm>> -> memref<262144x128xf32, #tpu.memory_space<hbm>>
    tpu.wait_indirect_dma semaphore(%arg9 : memref<!tpu.dma_semaphore, #tpu.memory_space<semaphore_mem>>) src(%dma_wait3A_804 : memref<262144x128xf32, #tpu.memory_space<hbm>>) dst(%dma_wait3A_798 : memref<128x128xf32, #tpu.memory_space<vmem>>)
    %dma_wait3A_805 = arith.constant 1 : i32
    %dma_wait3A_806 = arith.constant 128 : i32
    %dma_wait3A_807 = arith.constant 0 : i32
    %dma_wait3A_808 = tpu.memref_slice %arg7[%dma_wait3A_805, %dma_wait3A_806, %dma_wait3A_807] : memref<2x256x128xf32, #tpu.memory_space<vmem>> -> memref<1x128x128xf32, #tpu.memory_space<vmem>>
    %dma_wait3A_809 = tpu.memref_squeeze %dma_wait3A_808 : memref<1x128x128xf32, #tpu.memory_space<vmem>> -> memref<128x128xf32, #tpu.memory_space<vmem>>
    %dma_wait3A_810 = arith.constant 0 : i32
    %dma_wait3A_811 = tpu.memref_slice %arg5[%add3A_694, %dma_wait3A_810] : memref<64x128xi32, #tpu.memory_space<vmem>> -> memref<1x128xi32, #tpu.memory_space<vmem>>
    %dma_wait3A_812 = tpu.memref_squeeze %dma_wait3A_811 : memref<1x128xi32, #tpu.memory_space<vmem>> -> memref<128xi32, #tpu.memory_space<vmem>>
    %dma_wait3A_813 = arith.constant 0 : i32
    %dma_wait3A_814 = arith.constant 0 : i32
    %dma_wait3A_815 = tpu.memref_slice %arg2[%dma_wait3A_813, %dma_wait3A_814] : memref<262144x128xf32, #tpu.memory_space<hbm>> -> memref<262144x128xf32, #tpu.memory_space<hbm>>
    tpu.wait_indirect_dma semaphore(%arg9 : memref<!tpu.dma_semaphore, #tpu.memory_space<semaphore_mem>>) src(%dma_wait3A_815 : memref<262144x128xf32, #tpu.memory_space<hbm>>) dst(%dma_wait3A_809 : memref<128x128xf32, #tpu.memory_space<vmem>>)
    %mul3A_816 = arith.constant 4096 : i32
    %mul3A_817 = arith.muli %add3A_21, %mul3A_816 : i32
    %add3A_818 = arith.constant 1792 : i32
    %add3A_819 = arith.addi %mul3A_817, %add3A_818 : i32
    %dma_start3A_820 = arith.constant 1 : i32
    %dma_start3A_821 = arith.constant 0 : i32
    %dma_start3A_822 = arith.constant 0 : i32
    %dma_start3A_823 = tpu.memref_slice %arg7[%dma_start3A_820, %dma_start3A_821, %dma_start3A_822] : memref<2x256x128xf32, #tpu.memory_space<vmem>> -> memref<1x256x128xf32, #tpu.memory_space<vmem>>
    %dma_start3A_824 = tpu.memref_squeeze %dma_start3A_823 : memref<1x256x128xf32, #tpu.memory_space<vmem>> -> memref<256x128xf32, #tpu.memory_space<vmem>>
    %dma_start3A_825 = arith.constant 0 : i32
    %dma_start3A_826 = tpu.memref_slice %arg4[%add3A_819, %dma_start3A_825] : memref<524288x128xf32, #tpu.memory_space<hbm>> -> memref<256x128xf32, #tpu.memory_space<hbm>>
    %dma_start3A_827 = arith.constant 0 : i32
    %dma_start3A_828 = tpu.memref_slice %arg4[%add3A_819, %dma_start3A_827] : memref<524288x128xf32, #tpu.memory_space<hbm>> -> memref<256x128xf32, #tpu.memory_space<hbm>>
    %dma_start3A_829 = arith.constant 0 : i32
    %dma_start3A_830 = arith.constant 0 : i32
    %dma_start3A_831 = tpu.memref_slice %arg7[%dma_start3A_820, %dma_start3A_829, %dma_start3A_830] : memref<2x256x128xf32, #tpu.memory_space<vmem>> -> memref<1x256x128xf32, #tpu.memory_space<vmem>>
    %dma_start3A_832 = tpu.memref_squeeze %dma_start3A_831 : memref<1x256x128xf32, #tpu.memory_space<vmem>> -> memref<256x128xf32, #tpu.memory_space<vmem>>
    tpu.enqueue_dma source(%dma_start3A_832 : memref<256x128xf32, #tpu.memory_space<vmem>>) target(%dma_start3A_828 : memref<256x128xf32, #tpu.memory_space<hbm>>) target_semaphore(%arg10 : memref<!tpu.dma_semaphore, #tpu.memory_space<semaphore_mem>>)
    %dma_wait3A_833 = arith.constant 1 : i32
    %dma_wait3A_834 = arith.constant 0 : i32
    %dma_wait3A_835 = arith.constant 0 : i32
    %dma_wait3A_836 = tpu.memref_slice %arg7[%dma_wait3A_833, %dma_wait3A_834, %dma_wait3A_835] : memref<2x256x128xf32, #tpu.memory_space<vmem>> -> memref<1x256x128xf32, #tpu.memory_space<vmem>>
    %dma_wait3A_837 = tpu.memref_squeeze %dma_wait3A_836 : memref<1x256x128xf32, #tpu.memory_space<vmem>> -> memref<256x128xf32, #tpu.memory_space<vmem>>
    %dma_wait3A_838 = arith.constant 0 : i32
    %dma_wait3A_839 = tpu.memref_slice %arg4[%add3A_819, %dma_wait3A_838] : memref<524288x128xf32, #tpu.memory_space<hbm>> -> memref<256x128xf32, #tpu.memory_space<hbm>>
    %dma_wait3A_840 = arith.constant 0 : i32
    %dma_wait3A_841 = tpu.memref_slice %arg4[%add3A_819, %dma_wait3A_840] : memref<524288x128xf32, #tpu.memory_space<hbm>> -> memref<256x128xf32, #tpu.memory_space<hbm>>
    %dma_wait3A_842 = arith.constant 0 : i32
    %dma_wait3A_843 = arith.constant 0 : i32
    %dma_wait3A_844 = tpu.memref_slice %arg7[%dma_wait3A_833, %dma_wait3A_842, %dma_wait3A_843] : memref<2x256x128xf32, #tpu.memory_space<vmem>> -> memref<1x256x128xf32, #tpu.memory_space<vmem>>
    %dma_wait3A_845 = tpu.memref_squeeze %dma_wait3A_844 : memref<1x256x128xf32, #tpu.memory_space<vmem>> -> memref<256x128xf32, #tpu.memory_space<vmem>>
    tpu.wait_dma2 semaphore(%arg10 : memref<!tpu.dma_semaphore, #tpu.memory_space<semaphore_mem>>) src(%dma_wait3A_845 : memref<256x128xf32, #tpu.memory_space<vmem>>) dst(%dma_wait3A_841 : memref<256x128xf32, #tpu.memory_space<hbm>>)
    %sub3A_846 = arith.subi %add3A_25, %mul3A_2 : i32
    %mul3A_847 = arith.constant 16 : i32
    %mul3A_848 = arith.muli %sub3A_846, %mul3A_847 : i32
    %add3A_849 = arith.constant 2 : i32
    %add3A_850 = arith.addi %mul3A_848, %add3A_849 : i32
    %add3A_851 = arith.constant 0 : i32
    %add3A_852 = arith.addi %add3A_850, %add3A_851 : i32
    %dma_start3A_853 = arith.constant 1 : i32
    %dma_start3A_854 = arith.constant 0 : i32
    %dma_start3A_855 = arith.constant 0 : i32
    %dma_start3A_856 = tpu.memref_slice %arg7[%dma_start3A_853, %dma_start3A_854, %dma_start3A_855] : memref<2x256x128xf32, #tpu.memory_space<vmem>> -> memref<1x128x128xf32, #tpu.memory_space<vmem>>
    %dma_start3A_857 = tpu.memref_squeeze %dma_start3A_856 : memref<1x128x128xf32, #tpu.memory_space<vmem>> -> memref<128x128xf32, #tpu.memory_space<vmem>>
    %dma_start3A_858 = arith.constant 0 : i32
    %dma_start3A_859 = tpu.memref_slice %arg5[%add3A_852, %dma_start3A_858] : memref<64x128xi32, #tpu.memory_space<vmem>> -> memref<1x128xi32, #tpu.memory_space<vmem>>
    %dma_start3A_860 = tpu.memref_squeeze %dma_start3A_859 : memref<1x128xi32, #tpu.memory_space<vmem>> -> memref<128xi32, #tpu.memory_space<vmem>>
    %dma_start3A_861 = arith.constant 0 : i32
    %dma_start3A_862 = arith.constant 0 : i32
    %dma_start3A_863 = tpu.memref_slice %arg2[%dma_start3A_861, %dma_start3A_862] : memref<262144x128xf32, #tpu.memory_space<hbm>> -> memref<262144x128xf32, #tpu.memory_space<hbm>>
    tpu.enqueue_indirect_dma source(%dma_start3A_863 : memref<262144x128xf32, #tpu.memory_space<hbm>>) target(%dma_start3A_857 : memref<128x128xf32, #tpu.memory_space<vmem>>) offsets(%dma_start3A_860 : memref<128xi32, #tpu.memory_space<vmem>>) semaphore(%arg9 : memref<!tpu.dma_semaphore, #tpu.memory_space<semaphore_mem>>)
    %sub3A_864 = arith.subi %add3A_25, %mul3A_2 : i32
    %mul3A_865 = arith.constant 16 : i32
    %mul3A_866 = arith.muli %sub3A_864, %mul3A_865 : i32
    %add3A_867 = arith.constant 2 : i32
    %add3A_868 = arith.addi %mul3A_866, %add3A_867 : i32
    %add3A_869 = arith.constant 1 : i32
    %add3A_870 = arith.addi %add3A_868, %add3A_869 : i32
    %dma_start3A_871 = arith.constant 1 : i32
    %dma_start3A_872 = arith.constant 128 : i32
    %dma_start3A_873 = arith.constant 0 : i32
    %dma_start3A_874 = tpu.memref_slice %arg7[%dma_start3A_871, %dma_start3A_872, %dma_start3A_873] : memref<2x256x128xf32, #tpu.memory_space<vmem>> -> memref<1x128x128xf32, #tpu.memory_space<vmem>>
    %dma_start3A_875 = tpu.memref_squeeze %dma_start3A_874 : memref<1x128x128xf32, #tpu.memory_space<vmem>> -> memref<128x128xf32, #tpu.memory_space<vmem>>
    %dma_start3A_876 = arith.constant 0 : i32
    %dma_start3A_877 = tpu.memref_slice %arg5[%add3A_870, %dma_start3A_876] : memref<64x128xi32, #tpu.memory_space<vmem>> -> memref<1x128xi32, #tpu.memory_space<vmem>>
    %dma_start3A_878 = tpu.memref_squeeze %dma_start3A_877 : memref<1x128xi32, #tpu.memory_space<vmem>> -> memref<128xi32, #tpu.memory_space<vmem>>
    %dma_start3A_879 = arith.constant 0 : i32
    %dma_start3A_880 = arith.constant 0 : i32
    %dma_start3A_881 = tpu.memref_slice %arg2[%dma_start3A_879, %dma_start3A_880] : memref<262144x128xf32, #tpu.memory_space<hbm>> -> memref<262144x128xf32, #tpu.memory_space<hbm>>
    tpu.enqueue_indirect_dma source(%dma_start3A_881 : memref<262144x128xf32, #tpu.memory_space<hbm>>) target(%dma_start3A_875 : memref<128x128xf32, #tpu.memory_space<vmem>>) offsets(%dma_start3A_878 : memref<128xi32, #tpu.memory_space<vmem>>) semaphore(%arg9 : memref<!tpu.dma_semaphore, #tpu.memory_space<semaphore_mem>>)
    %dma_wait3A_882 = arith.constant 0 : i32
    %dma_wait3A_883 = arith.constant 0 : i32
    %dma_wait3A_884 = arith.constant 0 : i32
    %dma_wait3A_885 = tpu.memref_slice %arg7[%dma_wait3A_882, %dma_wait3A_883, %dma_wait3A_884] : memref<2x256x128xf32, #tpu.memory_space<vmem>> -> memref<1x128x128xf32, #tpu.memory_space<vmem>>
    %dma_wait3A_886 = tpu.memref_squeeze %dma_wait3A_885 : memref<1x128x128xf32, #tpu.memory_space<vmem>> -> memref<128x128xf32, #tpu.memory_space<vmem>>
    %dma_wait3A_887 = arith.constant 0 : i32
    %dma_wait3A_888 = tpu.memref_slice %arg5[%add3A_764, %dma_wait3A_887] : memref<64x128xi32, #tpu.memory_space<vmem>> -> memref<1x128xi32, #tpu.memory_space<vmem>>
    %dma_wait3A_889 = tpu.memref_squeeze %dma_wait3A_888 : memref<1x128xi32, #tpu.memory_space<vmem>> -> memref<128xi32, #tpu.memory_space<vmem>>
    %dma_wait3A_890 = arith.constant 0 : i32
    %dma_wait3A_891 = arith.constant 0 : i32
    %dma_wait3A_892 = tpu.memref_slice %arg2[%dma_wait3A_890, %dma_wait3A_891] : memref<262144x128xf32, #tpu.memory_space<hbm>> -> memref<262144x128xf32, #tpu.memory_space<hbm>>
    tpu.wait_indirect_dma semaphore(%arg9 : memref<!tpu.dma_semaphore, #tpu.memory_space<semaphore_mem>>) src(%dma_wait3A_892 : memref<262144x128xf32, #tpu.memory_space<hbm>>) dst(%dma_wait3A_886 : memref<128x128xf32, #tpu.memory_space<vmem>>)
    %dma_wait3A_893 = arith.constant 0 : i32
    %dma_wait3A_894 = arith.constant 128 : i32
    %dma_wait3A_895 = arith.constant 0 : i32
    %dma_wait3A_896 = tpu.memref_slice %arg7[%dma_wait3A_893, %dma_wait3A_894, %dma_wait3A_895] : memref<2x256x128xf32, #tpu.memory_space<vmem>> -> memref<1x128x128xf32, #tpu.memory_space<vmem>>
    %dma_wait3A_897 = tpu.memref_squeeze %dma_wait3A_896 : memref<1x128x128xf32, #tpu.memory_space<vmem>> -> memref<128x128xf32, #tpu.memory_space<vmem>>
    %dma_wait3A_898 = arith.constant 0 : i32
    %dma_wait3A_899 = tpu.memref_slice %arg5[%add3A_782, %dma_wait3A_898] : memref<64x128xi32, #tpu.memory_space<vmem>> -> memref<1x128xi32, #tpu.memory_space<vmem>>
    %dma_wait3A_900 = tpu.memref_squeeze %dma_wait3A_899 : memref<1x128xi32, #tpu.memory_space<vmem>> -> memref<128xi32, #tpu.memory_space<vmem>>
    %dma_wait3A_901 = arith.constant 0 : i32
    %dma_wait3A_902 = arith.constant 0 : i32
    %dma_wait3A_903 = tpu.memref_slice %arg2[%dma_wait3A_901, %dma_wait3A_902] : memref<262144x128xf32, #tpu.memory_space<hbm>> -> memref<262144x128xf32, #tpu.memory_space<hbm>>
    tpu.wait_indirect_dma semaphore(%arg9 : memref<!tpu.dma_semaphore, #tpu.memory_space<semaphore_mem>>) src(%dma_wait3A_903 : memref<262144x128xf32, #tpu.memory_space<hbm>>) dst(%dma_wait3A_897 : memref<128x128xf32, #tpu.memory_space<vmem>>)
    %mul3A_904 = arith.constant 4096 : i32
    %mul3A_905 = arith.muli %add3A_23, %mul3A_904 : i32
    %add3A_906 = arith.constant 0 : i32
    %add3A_907 = arith.addi %mul3A_905, %add3A_906 : i32
    %dma_start3A_908 = arith.constant 0 : i32
    %dma_start3A_909 = arith.constant 0 : i32
    %dma_start3A_910 = arith.constant 0 : i32
    %dma_start3A_911 = tpu.memref_slice %arg7[%dma_start3A_908, %dma_start3A_909, %dma_start3A_910] : memref<2x256x128xf32, #tpu.memory_space<vmem>> -> memref<1x256x128xf32, #tpu.memory_space<vmem>>
    %dma_start3A_912 = tpu.memref_squeeze %dma_start3A_911 : memref<1x256x128xf32, #tpu.memory_space<vmem>> -> memref<256x128xf32, #tpu.memory_space<vmem>>
    %dma_start3A_913 = arith.constant 0 : i32
    %dma_start3A_914 = tpu.memref_slice %arg4[%add3A_907, %dma_start3A_913] : memref<524288x128xf32, #tpu.memory_space<hbm>> -> memref<256x128xf32, #tpu.memory_space<hbm>>
    %dma_start3A_915 = arith.constant 0 : i32
    %dma_start3A_916 = tpu.memref_slice %arg4[%add3A_907, %dma_start3A_915] : memref<524288x128xf32, #tpu.memory_space<hbm>> -> memref<256x128xf32, #tpu.memory_space<hbm>>
    %dma_start3A_917 = arith.constant 0 : i32
    %dma_start3A_918 = arith.constant 0 : i32
    %dma_start3A_919 = tpu.memref_slice %arg7[%dma_start3A_908, %dma_start3A_917, %dma_start3A_918] : memref<2x256x128xf32, #tpu.memory_space<vmem>> -> memref<1x256x128xf32, #tpu.memory_space<vmem>>
    %dma_start3A_920 = tpu.memref_squeeze %dma_start3A_919 : memref<1x256x128xf32, #tpu.memory_space<vmem>> -> memref<256x128xf32, #tpu.memory_space<vmem>>
    tpu.enqueue_dma source(%dma_start3A_920 : memref<256x128xf32, #tpu.memory_space<vmem>>) target(%dma_start3A_916 : memref<256x128xf32, #tpu.memory_space<hbm>>) target_semaphore(%arg10 : memref<!tpu.dma_semaphore, #tpu.memory_space<semaphore_mem>>)
    %dma_wait3A_921 = arith.constant 0 : i32
    %dma_wait3A_922 = arith.constant 0 : i32
    %dma_wait3A_923 = arith.constant 0 : i32
    %dma_wait3A_924 = tpu.memref_slice %arg7[%dma_wait3A_921, %dma_wait3A_922, %dma_wait3A_923] : memref<2x256x128xf32, #tpu.memory_space<vmem>> -> memref<1x256x128xf32, #tpu.memory_space<vmem>>
    %dma_wait3A_925 = tpu.memref_squeeze %dma_wait3A_924 : memref<1x256x128xf32, #tpu.memory_space<vmem>> -> memref<256x128xf32, #tpu.memory_space<vmem>>
    %dma_wait3A_926 = arith.constant 0 : i32
    %dma_wait3A_927 = tpu.memref_slice %arg4[%add3A_907, %dma_wait3A_926] : memref<524288x128xf32, #tpu.memory_space<hbm>> -> memref<256x128xf32, #tpu.memory_space<hbm>>
    %dma_wait3A_928 = arith.constant 0 : i32
    %dma_wait3A_929 = tpu.memref_slice %arg4[%add3A_907, %dma_wait3A_928] : memref<524288x128xf32, #tpu.memory_space<hbm>> -> memref<256x128xf32, #tpu.memory_space<hbm>>
    %dma_wait3A_930 = arith.constant 0 : i32
    %dma_wait3A_931 = arith.constant 0 : i32
    %dma_wait3A_932 = tpu.memref_slice %arg7[%dma_wait3A_921, %dma_wait3A_930, %dma_wait3A_931] : memref<2x256x128xf32, #tpu.memory_space<vmem>> -> memref<1x256x128xf32, #tpu.memory_space<vmem>>
    %dma_wait3A_933 = tpu.memref_squeeze %dma_wait3A_932 : memref<1x256x128xf32, #tpu.memory_space<vmem>> -> memref<256x128xf32, #tpu.memory_space<vmem>>
    tpu.wait_dma2 semaphore(%arg10 : memref<!tpu.dma_semaphore, #tpu.memory_space<semaphore_mem>>) src(%dma_wait3A_933 : memref<256x128xf32, #tpu.memory_space<vmem>>) dst(%dma_wait3A_929 : memref<256x128xf32, #tpu.memory_space<hbm>>)
    %sub3A_934 = arith.subi %add3A_27, %mul3A_2 : i32
    %mul3A_935 = arith.constant 16 : i32
    %mul3A_936 = arith.muli %sub3A_934, %mul3A_935 : i32
    %add3A_937 = arith.constant 4 : i32
    %add3A_938 = arith.addi %mul3A_936, %add3A_937 : i32
    %add3A_939 = arith.constant 0 : i32
    %add3A_940 = arith.addi %add3A_938, %add3A_939 : i32
    %dma_start3A_941 = arith.constant 0 : i32
    %dma_start3A_942 = arith.constant 0 : i32
    %dma_start3A_943 = arith.constant 0 : i32
    %dma_start3A_944 = tpu.memref_slice %arg7[%dma_start3A_941, %dma_start3A_942, %dma_start3A_943] : memref<2x256x128xf32, #tpu.memory_space<vmem>> -> memref<1x128x128xf32, #tpu.memory_space<vmem>>
    %dma_start3A_945 = tpu.memref_squeeze %dma_start3A_944 : memref<1x128x128xf32, #tpu.memory_space<vmem>> -> memref<128x128xf32, #tpu.memory_space<vmem>>
    %dma_start3A_946 = arith.constant 0 : i32
    %dma_start3A_947 = tpu.memref_slice %arg5[%add3A_940, %dma_start3A_946] : memref<64x128xi32, #tpu.memory_space<vmem>> -> memref<1x128xi32, #tpu.memory_space<vmem>>
    %dma_start3A_948 = tpu.memref_squeeze %dma_start3A_947 : memref<1x128xi32, #tpu.memory_space<vmem>> -> memref<128xi32, #tpu.memory_space<vmem>>
    %dma_start3A_949 = arith.constant 0 : i32
    %dma_start3A_950 = arith.constant 0 : i32
    %dma_start3A_951 = tpu.memref_slice %arg2[%dma_start3A_949, %dma_start3A_950] : memref<262144x128xf32, #tpu.memory_space<hbm>> -> memref<262144x128xf32, #tpu.memory_space<hbm>>
    tpu.enqueue_indirect_dma source(%dma_start3A_951 : memref<262144x128xf32, #tpu.memory_space<hbm>>) target(%dma_start3A_945 : memref<128x128xf32, #tpu.memory_space<vmem>>) offsets(%dma_start3A_948 : memref<128xi32, #tpu.memory_space<vmem>>) semaphore(%arg9 : memref<!tpu.dma_semaphore, #tpu.memory_space<semaphore_mem>>)
    %sub3A_952 = arith.subi %add3A_27, %mul3A_2 : i32
    %mul3A_953 = arith.constant 16 : i32
    %mul3A_954 = arith.muli %sub3A_952, %mul3A_953 : i32
    %add3A_955 = arith.constant 4 : i32
    %add3A_956 = arith.addi %mul3A_954, %add3A_955 : i32
    %add3A_957 = arith.constant 1 : i32
    %add3A_958 = arith.addi %add3A_956, %add3A_957 : i32
    %dma_start3A_959 = arith.constant 0 : i32
    %dma_start3A_960 = arith.constant 128 : i32
    %dma_start3A_961 = arith.constant 0 : i32
    %dma_start3A_962 = tpu.memref_slice %arg7[%dma_start3A_959, %dma_start3A_960, %dma_start3A_961] : memref<2x256x128xf32, #tpu.memory_space<vmem>> -> memref<1x128x128xf32, #tpu.memory_space<vmem>>
    %dma_start3A_963 = tpu.memref_squeeze %dma_start3A_962 : memref<1x128x128xf32, #tpu.memory_space<vmem>> -> memref<128x128xf32, #tpu.memory_space<vmem>>
    %dma_start3A_964 = arith.constant 0 : i32
    %dma_start3A_965 = tpu.memref_slice %arg5[%add3A_958, %dma_start3A_964] : memref<64x128xi32, #tpu.memory_space<vmem>> -> memref<1x128xi32, #tpu.memory_space<vmem>>
    %dma_start3A_966 = tpu.memref_squeeze %dma_start3A_965 : memref<1x128xi32, #tpu.memory_space<vmem>> -> memref<128xi32, #tpu.memory_space<vmem>>
    %dma_start3A_967 = arith.constant 0 : i32
    %dma_start3A_968 = arith.constant 0 : i32
    %dma_start3A_969 = tpu.memref_slice %arg2[%dma_start3A_967, %dma_start3A_968] : memref<262144x128xf32, #tpu.memory_space<hbm>> -> memref<262144x128xf32, #tpu.memory_space<hbm>>
    tpu.enqueue_indirect_dma source(%dma_start3A_969 : memref<262144x128xf32, #tpu.memory_space<hbm>>) target(%dma_start3A_963 : memref<128x128xf32, #tpu.memory_space<vmem>>) offsets(%dma_start3A_966 : memref<128xi32, #tpu.memory_space<vmem>>) semaphore(%arg9 : memref<!tpu.dma_semaphore, #tpu.memory_space<semaphore_mem>>)
    %dma_wait3A_970 = arith.constant 1 : i32
    %dma_wait3A_971 = arith.constant 0 : i32
    %dma_wait3A_972 = arith.constant 0 : i32
    %dma_wait3A_973 = tpu.memref_slice %arg7[%dma_wait3A_970, %dma_wait3A_971, %dma_wait3A_972] : memref<2x256x128xf32, #tpu.memory_space<vmem>> -> memref<1x128x128xf32, #tpu.memory_space<vmem>>
    %dma_wait3A_974 = tpu.memref_squeeze %dma_wait3A_973 : memref<1x128x128xf32, #tpu.memory_space<vmem>> -> memref<128x128xf32, #tpu.memory_space<vmem>>
    %dma_wait3A_975 = arith.constant 0 : i32
    %dma_wait3A_976 = tpu.memref_slice %arg5[%add3A_852, %dma_wait3A_975] : memref<64x128xi32, #tpu.memory_space<vmem>> -> memref<1x128xi32, #tpu.memory_space<vmem>>
    %dma_wait3A_977 = tpu.memref_squeeze %dma_wait3A_976 : memref<1x128xi32, #tpu.memory_space<vmem>> -> memref<128xi32, #tpu.memory_space<vmem>>
    %dma_wait3A_978 = arith.constant 0 : i32
    %dma_wait3A_979 = arith.constant 0 : i32
    %dma_wait3A_980 = tpu.memref_slice %arg2[%dma_wait3A_978, %dma_wait3A_979] : memref<262144x128xf32, #tpu.memory_space<hbm>> -> memref<262144x128xf32, #tpu.memory_space<hbm>>
    tpu.wait_indirect_dma semaphore(%arg9 : memref<!tpu.dma_semaphore, #tpu.memory_space<semaphore_mem>>) src(%dma_wait3A_980 : memref<262144x128xf32, #tpu.memory_space<hbm>>) dst(%dma_wait3A_974 : memref<128x128xf32, #tpu.memory_space<vmem>>)
    %dma_wait3A_981 = arith.constant 1 : i32
    %dma_wait3A_982 = arith.constant 128 : i32
    %dma_wait3A_983 = arith.constant 0 : i32
    %dma_wait3A_984 = tpu.memref_slice %arg7[%dma_wait3A_981, %dma_wait3A_982, %dma_wait3A_983] : memref<2x256x128xf32, #tpu.memory_space<vmem>> -> memref<1x128x128xf32, #tpu.memory_space<vmem>>
    %dma_wait3A_985 = tpu.memref_squeeze %dma_wait3A_984 : memref<1x128x128xf32, #tpu.memory_space<vmem>> -> memref<128x128xf32, #tpu.memory_space<vmem>>
    %dma_wait3A_986 = arith.constant 0 : i32
    %dma_wait3A_987 = tpu.memref_slice %arg5[%add3A_870, %dma_wait3A_986] : memref<64x128xi32, #tpu.memory_space<vmem>> -> memref<1x128xi32, #tpu.memory_space<vmem>>
    %dma_wait3A_988 = tpu.memref_squeeze %dma_wait3A_987 : memref<1x128xi32, #tpu.memory_space<vmem>> -> memref<128xi32, #tpu.memory_space<vmem>>
    %dma_wait3A_989 = arith.constant 0 : i32
    %dma_wait3A_990 = arith.constant 0 : i32
    %dma_wait3A_991 = tpu.memref_slice %arg2[%dma_wait3A_989, %dma_wait3A_990] : memref<262144x128xf32, #tpu.memory_space<hbm>> -> memref<262144x128xf32, #tpu.memory_space<hbm>>
    tpu.wait_indirect_dma semaphore(%arg9 : memref<!tpu.dma_semaphore, #tpu.memory_space<semaphore_mem>>) src(%dma_wait3A_991 : memref<262144x128xf32, #tpu.memory_space<hbm>>) dst(%dma_wait3A_985 : memref<128x128xf32, #tpu.memory_space<vmem>>)
    %mul3A_992 = arith.constant 4096 : i32
    %mul3A_993 = arith.muli %add3A_25, %mul3A_992 : i32
    %add3A_994 = arith.constant 256 : i32
    %add3A_995 = arith.addi %mul3A_993, %add3A_994 : i32
    %dma_start3A_996 = arith.constant 1 : i32
    %dma_start3A_997 = arith.constant 0 : i32
    %dma_start3A_998 = arith.constant 0 : i32
    %dma_start3A_999 = tpu.memref_slice %arg7[%dma_start3A_996, %dma_start3A_997, %dma_start3A_998] : memref<2x256x128xf32, #tpu.memory_space<vmem>> -> memref<1x256x128xf32, #tpu.memory_space<vmem>>
    %dma_start3A_1000 = tpu.memref_squeeze %dma_start3A_999 : memref<1x256x128xf32, #tpu.memory_space<vmem>> -> memref<256x128xf32, #tpu.memory_space<vmem>>
    %dma_start3A_1001 = arith.constant 0 : i32
    %dma_start3A_1002 = tpu.memref_slice %arg4[%add3A_995, %dma_start3A_1001] : memref<524288x128xf32, #tpu.memory_space<hbm>> -> memref<256x128xf32, #tpu.memory_space<hbm>>
    %dma_start3A_1003 = arith.constant 0 : i32
    %dma_start3A_1004 = tpu.memref_slice %arg4[%add3A_995, %dma_start3A_1003] : memref<524288x128xf32, #tpu.memory_space<hbm>> -> memref<256x128xf32, #tpu.memory_space<hbm>>
    %dma_start3A_1005 = arith.constant 0 : i32
    %dma_start3A_1006 = arith.constant 0 : i32
    %dma_start3A_1007 = tpu.memref_slice %arg7[%dma_start3A_996, %dma_start3A_1005, %dma_start3A_1006] : memref<2x256x128xf32, #tpu.memory_space<vmem>> -> memref<1x256x128xf32, #tpu.memory_space<vmem>>
    %dma_start3A_1008 = tpu.memref_squeeze %dma_start3A_1007 : memref<1x256x128xf32, #tpu.memory_space<vmem>> -> memref<256x128xf32, #tpu.memory_space<vmem>>
    tpu.enqueue_dma source(%dma_start3A_1008 : memref<256x128xf32, #tpu.memory_space<vmem>>) target(%dma_start3A_1004 : memref<256x128xf32, #tpu.memory_space<hbm>>) target_semaphore(%arg10 : memref<!tpu.dma_semaphore, #tpu.memory_space<semaphore_mem>>)
    %dma_wait3A_1009 = arith.constant 1 : i32
    %dma_wait3A_1010 = arith.constant 0 : i32
    %dma_wait3A_1011 = arith.constant 0 : i32
    %dma_wait3A_1012 = tpu.memref_slice %arg7[%dma_wait3A_1009, %dma_wait3A_1010, %dma_wait3A_1011] : memref<2x256x128xf32, #tpu.memory_space<vmem>> -> memref<1x256x128xf32, #tpu.memory_space<vmem>>
    %dma_wait3A_1013 = tpu.memref_squeeze %dma_wait3A_1012 : memref<1x256x128xf32, #tpu.memory_space<vmem>> -> memref<256x128xf32, #tpu.memory_space<vmem>>
    %dma_wait3A_1014 = arith.constant 0 : i32
    %dma_wait3A_1015 = tpu.memref_slice %arg4[%add3A_995, %dma_wait3A_1014] : memref<524288x128xf32, #tpu.memory_space<hbm>> -> memref<256x128xf32, #tpu.memory_space<hbm>>
    %dma_wait3A_1016 = arith.constant 0 : i32
    %dma_wait3A_1017 = tpu.memref_slice %arg4[%add3A_995, %dma_wait3A_1016] : memref<524288x128xf32, #tpu.memory_space<hbm>> -> memref<256x128xf32, #tpu.memory_space<hbm>>
    %dma_wait3A_1018 = arith.constant 0 : i32
    %dma_wait3A_1019 = arith.constant 0 : i32
    %dma_wait3A_1020 = tpu.memref_slice %arg7[%dma_wait3A_1009, %dma_wait3A_1018, %dma_wait3A_1019] : memref<2x256x128xf32, #tpu.memory_space<vmem>> -> memref<1x256x128xf32, #tpu.memory_space<vmem>>
    %dma_wait3A_1021 = tpu.memref_squeeze %dma_wait3A_1020 : memref<1x256x128xf32, #tpu.memory_space<vmem>> -> memref<256x128xf32, #tpu.memory_space<vmem>>
    tpu.wait_dma2 semaphore(%arg10 : memref<!tpu.dma_semaphore, #tpu.memory_space<semaphore_mem>>) src(%dma_wait3A_1021 : memref<256x128xf32, #tpu.memory_space<vmem>>) dst(%dma_wait3A_1017 : memref<256x128xf32, #tpu.memory_space<hbm>>)
    %sub3A_1022 = arith.subi %add3A_29, %mul3A_2 : i32
    %mul3A_1023 = arith.constant 16 : i32
    %mul3A_1024 = arith.muli %sub3A_1022, %mul3A_1023 : i32
    %add3A_1025 = arith.constant 6 : i32
    %add3A_1026 = arith.addi %mul3A_1024, %add3A_1025 : i32
    %add3A_1027 = arith.constant 0 : i32
    %add3A_1028 = arith.addi %add3A_1026, %add3A_1027 : i32
    %dma_start3A_1029 = arith.constant 1 : i32
    %dma_start3A_1030 = arith.constant 0 : i32
    %dma_start3A_1031 = arith.constant 0 : i32
    %dma_start3A_1032 = tpu.memref_slice %arg7[%dma_start3A_1029, %dma_start3A_1030, %dma_start3A_1031] : memref<2x256x128xf32, #tpu.memory_space<vmem>> -> memref<1x128x128xf32, #tpu.memory_space<vmem>>
    %dma_start3A_1033 = tpu.memref_squeeze %dma_start3A_1032 : memref<1x128x128xf32, #tpu.memory_space<vmem>> -> memref<128x128xf32, #tpu.memory_space<vmem>>
    %dma_start3A_1034 = arith.constant 0 : i32
    %dma_start3A_1035 = tpu.memref_slice %arg5[%add3A_1028, %dma_start3A_1034] : memref<64x128xi32, #tpu.memory_space<vmem>> -> memref<1x128xi32, #tpu.memory_space<vmem>>
    %dma_start3A_1036 = tpu.memref_squeeze %dma_start3A_1035 : memref<1x128xi32, #tpu.memory_space<vmem>> -> memref<128xi32, #tpu.memory_space<vmem>>
    %dma_start3A_1037 = arith.constant 0 : i32
    %dma_start3A_1038 = arith.constant 0 : i32
    %dma_start3A_1039 = tpu.memref_slice %arg2[%dma_start3A_1037, %dma_start3A_1038] : memref<262144x128xf32, #tpu.memory_space<hbm>> -> memref<262144x128xf32, #tpu.memory_space<hbm>>
    tpu.enqueue_indirect_dma source(%dma_start3A_1039 : memref<262144x128xf32, #tpu.memory_space<hbm>>) target(%dma_start3A_1033 : memref<128x128xf32, #tpu.memory_space<vmem>>) offsets(%dma_start3A_1036 : memref<128xi32, #tpu.memory_space<vmem>>) semaphore(%arg9 : memref<!tpu.dma_semaphore, #tpu.memory_space<semaphore_mem>>)
    %sub3A_1040 = arith.subi %add3A_29, %mul3A_2 : i32
    %mul3A_1041 = arith.constant 16 : i32
    %mul3A_1042 = arith.muli %sub3A_1040, %mul3A_1041 : i32
    %add3A_1043 = arith.constant 6 : i32
    %add3A_1044 = arith.addi %mul3A_1042, %add3A_1043 : i32
    %add3A_1045 = arith.constant 1 : i32
    %add3A_1046 = arith.addi %add3A_1044, %add3A_1045 : i32
    %dma_start3A_1047 = arith.constant 1 : i32
    %dma_start3A_1048 = arith.constant 128 : i32
    %dma_start3A_1049 = arith.constant 0 : i32
    %dma_start3A_1050 = tpu.memref_slice %arg7[%dma_start3A_1047, %dma_start3A_1048, %dma_start3A_1049] : memref<2x256x128xf32, #tpu.memory_space<vmem>> -> memref<1x128x128xf32, #tpu.memory_space<vmem>>
    %dma_start3A_1051 = tpu.memref_squeeze %dma_start3A_1050 : memref<1x128x128xf32, #tpu.memory_space<vmem>> -> memref<128x128xf32, #tpu.memory_space<vmem>>
    %dma_start3A_1052 = arith.constant 0 : i32
    %dma_start3A_1053 = tpu.memref_slice %arg5[%add3A_1046, %dma_start3A_1052] : memref<64x128xi32, #tpu.memory_space<vmem>> -> memref<1x128xi32, #tpu.memory_space<vmem>>
    %dma_start3A_1054 = tpu.memref_squeeze %dma_start3A_1053 : memref<1x128xi32, #tpu.memory_space<vmem>> -> memref<128xi32, #tpu.memory_space<vmem>>
    %dma_start3A_1055 = arith.constant 0 : i32
    %dma_start3A_1056 = arith.constant 0 : i32
    %dma_start3A_1057 = tpu.memref_slice %arg2[%dma_start3A_1055, %dma_start3A_1056] : memref<262144x128xf32, #tpu.memory_space<hbm>> -> memref<262144x128xf32, #tpu.memory_space<hbm>>
    tpu.enqueue_indirect_dma source(%dma_start3A_1057 : memref<262144x128xf32, #tpu.memory_space<hbm>>) target(%dma_start3A_1051 : memref<128x128xf32, #tpu.memory_space<vmem>>) offsets(%dma_start3A_1054 : memref<128xi32, #tpu.memory_space<vmem>>) semaphore(%arg9 : memref<!tpu.dma_semaphore, #tpu.memory_space<semaphore_mem>>)
    %dma_wait3A_1058 = arith.constant 0 : i32
    %dma_wait3A_1059 = arith.constant 0 : i32
    %dma_wait3A_1060 = arith.constant 0 : i32
    %dma_wait3A_1061 = tpu.memref_slice %arg7[%dma_wait3A_1058, %dma_wait3A_1059, %dma_wait3A_1060] : memref<2x256x128xf32, #tpu.memory_space<vmem>> -> memref<1x128x128xf32, #tpu.memory_space<vmem>>
    %dma_wait3A_1062 = tpu.memref_squeeze %dma_wait3A_1061 : memref<1x128x128xf32, #tpu.memory_space<vmem>> -> memref<128x128xf32, #tpu.memory_space<vmem>>
    %dma_wait3A_1063 = arith.constant 0 : i32
    %dma_wait3A_1064 = tpu.memref_slice %arg5[%add3A_940, %dma_wait3A_1063] : memref<64x128xi32, #tpu.memory_space<vmem>> -> memref<1x128xi32, #tpu.memory_space<vmem>>
    %dma_wait3A_1065 = tpu.memref_squeeze %dma_wait3A_1064 : memref<1x128xi32, #tpu.memory_space<vmem>> -> memref<128xi32, #tpu.memory_space<vmem>>
    %dma_wait3A_1066 = arith.constant 0 : i32
    %dma_wait3A_1067 = arith.constant 0 : i32
    %dma_wait3A_1068 = tpu.memref_slice %arg2[%dma_wait3A_1066, %dma_wait3A_1067] : memref<262144x128xf32, #tpu.memory_space<hbm>> -> memref<262144x128xf32, #tpu.memory_space<hbm>>
    tpu.wait_indirect_dma semaphore(%arg9 : memref<!tpu.dma_semaphore, #tpu.memory_space<semaphore_mem>>) src(%dma_wait3A_1068 : memref<262144x128xf32, #tpu.memory_space<hbm>>) dst(%dma_wait3A_1062 : memref<128x128xf32, #tpu.memory_space<vmem>>)
    %dma_wait3A_1069 = arith.constant 0 : i32
    %dma_wait3A_1070 = arith.constant 128 : i32
    %dma_wait3A_1071 = arith.constant 0 : i32
    %dma_wait3A_1072 = tpu.memref_slice %arg7[%dma_wait3A_1069, %dma_wait3A_1070, %dma_wait3A_1071] : memref<2x256x128xf32, #tpu.memory_space<vmem>> -> memref<1x128x128xf32, #tpu.memory_space<vmem>>
    %dma_wait3A_1073 = tpu.memref_squeeze %dma_wait3A_1072 : memref<1x128x128xf32, #tpu.memory_space<vmem>> -> memref<128x128xf32, #tpu.memory_space<vmem>>
    %dma_wait3A_1074 = arith.constant 0 : i32
    %dma_wait3A_1075 = tpu.memref_slice %arg5[%add3A_958, %dma_wait3A_1074] : memref<64x128xi32, #tpu.memory_space<vmem>> -> memref<1x128xi32, #tpu.memory_space<vmem>>
    %dma_wait3A_1076 = tpu.memref_squeeze %dma_wait3A_1075 : memref<1x128xi32, #tpu.memory_space<vmem>> -> memref<128xi32, #tpu.memory_space<vmem>>
    %dma_wait3A_1077 = arith.constant 0 : i32
    %dma_wait3A_1078 = arith.constant 0 : i32
    %dma_wait3A_1079 = tpu.memref_slice %arg2[%dma_wait3A_1077, %dma_wait3A_1078] : memref<262144x128xf32, #tpu.memory_space<hbm>> -> memref<262144x128xf32, #tpu.memory_space<hbm>>
    tpu.wait_indirect_dma semaphore(%arg9 : memref<!tpu.dma_semaphore, #tpu.memory_space<semaphore_mem>>) src(%dma_wait3A_1079 : memref<262144x128xf32, #tpu.memory_space<hbm>>) dst(%dma_wait3A_1073 : memref<128x128xf32, #tpu.memory_space<vmem>>)
    %mul3A_1080 = arith.constant 4096 : i32
    %mul3A_1081 = arith.muli %add3A_27, %mul3A_1080 : i32
    %add3A_1082 = arith.constant 512 : i32
    %add3A_1083 = arith.addi %mul3A_1081, %add3A_1082 : i32
    %dma_start3A_1084 = arith.constant 0 : i32
    %dma_start3A_1085 = arith.constant 0 : i32
    %dma_start3A_1086 = arith.constant 0 : i32
    %dma_start3A_1087 = tpu.memref_slice %arg7[%dma_start3A_1084, %dma_start3A_1085, %dma_start3A_1086] : memref<2x256x128xf32, #tpu.memory_space<vmem>> -> memref<1x256x128xf32, #tpu.memory_space<vmem>>
    %dma_start3A_1088 = tpu.memref_squeeze %dma_start3A_1087 : memref<1x256x128xf32, #tpu.memory_space<vmem>> -> memref<256x128xf32, #tpu.memory_space<vmem>>
    %dma_start3A_1089 = arith.constant 0 : i32
    %dma_start3A_1090 = tpu.memref_slice %arg4[%add3A_1083, %dma_start3A_1089] : memref<524288x128xf32, #tpu.memory_space<hbm>> -> memref<256x128xf32, #tpu.memory_space<hbm>>
    %dma_start3A_1091 = arith.constant 0 : i32
    %dma_start3A_1092 = tpu.memref_slice %arg4[%add3A_1083, %dma_start3A_1091] : memref<524288x128xf32, #tpu.memory_space<hbm>> -> memref<256x128xf32, #tpu.memory_space<hbm>>
    %dma_start3A_1093 = arith.constant 0 : i32
    %dma_start3A_1094 = arith.constant 0 : i32
    %dma_start3A_1095 = tpu.memref_slice %arg7[%dma_start3A_1084, %dma_start3A_1093, %dma_start3A_1094] : memref<2x256x128xf32, #tpu.memory_space<vmem>> -> memref<1x256x128xf32, #tpu.memory_space<vmem>>
    %dma_start3A_1096 = tpu.memref_squeeze %dma_start3A_1095 : memref<1x256x128xf32, #tpu.memory_space<vmem>> -> memref<256x128xf32, #tpu.memory_space<vmem>>
    tpu.enqueue_dma source(%dma_start3A_1096 : memref<256x128xf32, #tpu.memory_space<vmem>>) target(%dma_start3A_1092 : memref<256x128xf32, #tpu.memory_space<hbm>>) target_semaphore(%arg10 : memref<!tpu.dma_semaphore, #tpu.memory_space<semaphore_mem>>)
    %dma_wait3A_1097 = arith.constant 0 : i32
    %dma_wait3A_1098 = arith.constant 0 : i32
    %dma_wait3A_1099 = arith.constant 0 : i32
    %dma_wait3A_1100 = tpu.memref_slice %arg7[%dma_wait3A_1097, %dma_wait3A_1098, %dma_wait3A_1099] : memref<2x256x128xf32, #tpu.memory_space<vmem>> -> memref<1x256x128xf32, #tpu.memory_space<vmem>>
    %dma_wait3A_1101 = tpu.memref_squeeze %dma_wait3A_1100 : memref<1x256x128xf32, #tpu.memory_space<vmem>> -> memref<256x128xf32, #tpu.memory_space<vmem>>
    %dma_wait3A_1102 = arith.constant 0 : i32
    %dma_wait3A_1103 = tpu.memref_slice %arg4[%add3A_1083, %dma_wait3A_1102] : memref<524288x128xf32, #tpu.memory_space<hbm>> -> memref<256x128xf32, #tpu.memory_space<hbm>>
    %dma_wait3A_1104 = arith.constant 0 : i32
    %dma_wait3A_1105 = tpu.memref_slice %arg4[%add3A_1083, %dma_wait3A_1104] : memref<524288x128xf32, #tpu.memory_space<hbm>> -> memref<256x128xf32, #tpu.memory_space<hbm>>
    %dma_wait3A_1106 = arith.constant 0 : i32
    %dma_wait3A_1107 = arith.constant 0 : i32
    %dma_wait3A_1108 = tpu.memref_slice %arg7[%dma_wait3A_1097, %dma_wait3A_1106, %dma_wait3A_1107] : memref<2x256x128xf32, #tpu.memory_space<vmem>> -> memref<1x256x128xf32, #tpu.memory_space<vmem>>
    %dma_wait3A_1109 = tpu.memref_squeeze %dma_wait3A_1108 : memref<1x256x128xf32, #tpu.memory_space<vmem>> -> memref<256x128xf32, #tpu.memory_space<vmem>>
    tpu.wait_dma2 semaphore(%arg10 : memref<!tpu.dma_semaphore, #tpu.memory_space<semaphore_mem>>) src(%dma_wait3A_1109 : memref<256x128xf32, #tpu.memory_space<vmem>>) dst(%dma_wait3A_1105 : memref<256x128xf32, #tpu.memory_space<hbm>>)
    %sub3A_1110 = arith.subi %add3A_31, %mul3A_2 : i32
    %mul3A_1111 = arith.constant 16 : i32
    %mul3A_1112 = arith.muli %sub3A_1110, %mul3A_1111 : i32
    %add3A_1113 = arith.constant 8 : i32
    %add3A_1114 = arith.addi %mul3A_1112, %add3A_1113 : i32
    %add3A_1115 = arith.constant 0 : i32
    %add3A_1116 = arith.addi %add3A_1114, %add3A_1115 : i32
    %dma_start3A_1117 = arith.constant 0 : i32
    %dma_start3A_1118 = arith.constant 0 : i32
    %dma_start3A_1119 = arith.constant 0 : i32
    %dma_start3A_1120 = tpu.memref_slice %arg7[%dma_start3A_1117, %dma_start3A_1118, %dma_start3A_1119] : memref<2x256x128xf32, #tpu.memory_space<vmem>> -> memref<1x128x128xf32, #tpu.memory_space<vmem>>
    %dma_start3A_1121 = tpu.memref_squeeze %dma_start3A_1120 : memref<1x128x128xf32, #tpu.memory_space<vmem>> -> memref<128x128xf32, #tpu.memory_space<vmem>>
    %dma_start3A_1122 = arith.constant 0 : i32
    %dma_start3A_1123 = tpu.memref_slice %arg5[%add3A_1116, %dma_start3A_1122] : memref<64x128xi32, #tpu.memory_space<vmem>> -> memref<1x128xi32, #tpu.memory_space<vmem>>
    %dma_start3A_1124 = tpu.memref_squeeze %dma_start3A_1123 : memref<1x128xi32, #tpu.memory_space<vmem>> -> memref<128xi32, #tpu.memory_space<vmem>>
    %dma_start3A_1125 = arith.constant 0 : i32
    %dma_start3A_1126 = arith.constant 0 : i32
    %dma_start3A_1127 = tpu.memref_slice %arg2[%dma_start3A_1125, %dma_start3A_1126] : memref<262144x128xf32, #tpu.memory_space<hbm>> -> memref<262144x128xf32, #tpu.memory_space<hbm>>
    tpu.enqueue_indirect_dma source(%dma_start3A_1127 : memref<262144x128xf32, #tpu.memory_space<hbm>>) target(%dma_start3A_1121 : memref<128x128xf32, #tpu.memory_space<vmem>>) offsets(%dma_start3A_1124 : memref<128xi32, #tpu.memory_space<vmem>>) semaphore(%arg9 : memref<!tpu.dma_semaphore, #tpu.memory_space<semaphore_mem>>)
    %sub3A_1128 = arith.subi %add3A_31, %mul3A_2 : i32
    %mul3A_1129 = arith.constant 16 : i32
    %mul3A_1130 = arith.muli %sub3A_1128, %mul3A_1129 : i32
    %add3A_1131 = arith.constant 8 : i32
    %add3A_1132 = arith.addi %mul3A_1130, %add3A_1131 : i32
    %add3A_1133 = arith.constant 1 : i32
    %add3A_1134 = arith.addi %add3A_1132, %add3A_1133 : i32
    %dma_start3A_1135 = arith.constant 0 : i32
    %dma_start3A_1136 = arith.constant 128 : i32
    %dma_start3A_1137 = arith.constant 0 : i32
    %dma_start3A_1138 = tpu.memref_slice %arg7[%dma_start3A_1135, %dma_start3A_1136, %dma_start3A_1137] : memref<2x256x128xf32, #tpu.memory_space<vmem>> -> memref<1x128x128xf32, #tpu.memory_space<vmem>>
    %dma_start3A_1139 = tpu.memref_squeeze %dma_start3A_1138 : memref<1x128x128xf32, #tpu.memory_space<vmem>> -> memref<128x128xf32, #tpu.memory_space<vmem>>
    %dma_start3A_1140 = arith.constant 0 : i32
    %dma_start3A_1141 = tpu.memref_slice %arg5[%add3A_1134, %dma_start3A_1140] : memref<64x128xi32, #tpu.memory_space<vmem>> -> memref<1x128xi32, #tpu.memory_space<vmem>>
    %dma_start3A_1142 = tpu.memref_squeeze %dma_start3A_1141 : memref<1x128xi32, #tpu.memory_space<vmem>> -> memref<128xi32, #tpu.memory_space<vmem>>
    %dma_start3A_1143 = arith.constant 0 : i32
    %dma_start3A_1144 = arith.constant 0 : i32
    %dma_start3A_1145 = tpu.memref_slice %arg2[%dma_start3A_1143, %dma_start3A_1144] : memref<262144x128xf32, #tpu.memory_space<hbm>> -> memref<262144x128xf32, #tpu.memory_space<hbm>>
    tpu.enqueue_indirect_dma source(%dma_start3A_1145 : memref<262144x128xf32, #tpu.memory_space<hbm>>) target(%dma_start3A_1139 : memref<128x128xf32, #tpu.memory_space<vmem>>) offsets(%dma_start3A_1142 : memref<128xi32, #tpu.memory_space<vmem>>) semaphore(%arg9 : memref<!tpu.dma_semaphore, #tpu.memory_space<semaphore_mem>>)
    %dma_wait3A_1146 = arith.constant 1 : i32
    %dma_wait3A_1147 = arith.constant 0 : i32
    %dma_wait3A_1148 = arith.constant 0 : i32
    %dma_wait3A_1149 = tpu.memref_slice %arg7[%dma_wait3A_1146, %dma_wait3A_1147, %dma_wait3A_1148] : memref<2x256x128xf32, #tpu.memory_space<vmem>> -> memref<1x128x128xf32, #tpu.memory_space<vmem>>
    %dma_wait3A_1150 = tpu.memref_squeeze %dma_wait3A_1149 : memref<1x128x128xf32, #tpu.memory_space<vmem>> -> memref<128x128xf32, #tpu.memory_space<vmem>>
    %dma_wait3A_1151 = arith.constant 0 : i32
    %dma_wait3A_1152 = tpu.memref_slice %arg5[%add3A_1028, %dma_wait3A_1151] : memref<64x128xi32, #tpu.memory_space<vmem>> -> memref<1x128xi32, #tpu.memory_space<vmem>>
    %dma_wait3A_1153 = tpu.memref_squeeze %dma_wait3A_1152 : memref<1x128xi32, #tpu.memory_space<vmem>> -> memref<128xi32, #tpu.memory_space<vmem>>
    %dma_wait3A_1154 = arith.constant 0 : i32
    %dma_wait3A_1155 = arith.constant 0 : i32
    %dma_wait3A_1156 = tpu.memref_slice %arg2[%dma_wait3A_1154, %dma_wait3A_1155] : memref<262144x128xf32, #tpu.memory_space<hbm>> -> memref<262144x128xf32, #tpu.memory_space<hbm>>
    tpu.wait_indirect_dma semaphore(%arg9 : memref<!tpu.dma_semaphore, #tpu.memory_space<semaphore_mem>>) src(%dma_wait3A_1156 : memref<262144x128xf32, #tpu.memory_space<hbm>>) dst(%dma_wait3A_1150 : memref<128x128xf32, #tpu.memory_space<vmem>>)
    %dma_wait3A_1157 = arith.constant 1 : i32
    %dma_wait3A_1158 = arith.constant 128 : i32
    %dma_wait3A_1159 = arith.constant 0 : i32
    %dma_wait3A_1160 = tpu.memref_slice %arg7[%dma_wait3A_1157, %dma_wait3A_1158, %dma_wait3A_1159] : memref<2x256x128xf32, #tpu.memory_space<vmem>> -> memref<1x128x128xf32, #tpu.memory_space<vmem>>
    %dma_wait3A_1161 = tpu.memref_squeeze %dma_wait3A_1160 : memref<1x128x128xf32, #tpu.memory_space<vmem>> -> memref<128x128xf32, #tpu.memory_space<vmem>>
    %dma_wait3A_1162 = arith.constant 0 : i32
    %dma_wait3A_1163 = tpu.memref_slice %arg5[%add3A_1046, %dma_wait3A_1162] : memref<64x128xi32, #tpu.memory_space<vmem>> -> memref<1x128xi32, #tpu.memory_space<vmem>>
    %dma_wait3A_1164 = tpu.memref_squeeze %dma_wait3A_1163 : memref<1x128xi32, #tpu.memory_space<vmem>> -> memref<128xi32, #tpu.memory_space<vmem>>
    %dma_wait3A_1165 = arith.constant 0 : i32
    %dma_wait3A_1166 = arith.constant 0 : i32
    %dma_wait3A_1167 = tpu.memref_slice %arg2[%dma_wait3A_1165, %dma_wait3A_1166] : memref<262144x128xf32, #tpu.memory_space<hbm>> -> memref<262144x128xf32, #tpu.memory_space<hbm>>
    tpu.wait_indirect_dma semaphore(%arg9 : memref<!tpu.dma_semaphore, #tpu.memory_space<semaphore_mem>>) src(%dma_wait3A_1167 : memref<262144x128xf32, #tpu.memory_space<hbm>>) dst(%dma_wait3A_1161 : memref<128x128xf32, #tpu.memory_space<vmem>>)
    %mul3A_1168 = arith.constant 4096 : i32
    %mul3A_1169 = arith.muli %add3A_29, %mul3A_1168 : i32
    %add3A_1170 = arith.constant 768 : i32
    %add3A_1171 = arith.addi %mul3A_1169, %add3A_1170 : i32
    %dma_start3A_1172 = arith.constant 1 : i32
    %dma_start3A_1173 = arith.constant 0 : i32
    %dma_start3A_1174 = arith.constant 0 : i32
    %dma_start3A_1175 = tpu.memref_slice %arg7[%dma_start3A_1172, %dma_start3A_1173, %dma_start3A_1174] : memref<2x256x128xf32, #tpu.memory_space<vmem>> -> memref<1x256x128xf32, #tpu.memory_space<vmem>>
    %dma_start3A_1176 = tpu.memref_squeeze %dma_start3A_1175 : memref<1x256x128xf32, #tpu.memory_space<vmem>> -> memref<256x128xf32, #tpu.memory_space<vmem>>
    %dma_start3A_1177 = arith.constant 0 : i32
    %dma_start3A_1178 = tpu.memref_slice %arg4[%add3A_1171, %dma_start3A_1177] : memref<524288x128xf32, #tpu.memory_space<hbm>> -> memref<256x128xf32, #tpu.memory_space<hbm>>
    %dma_start3A_1179 = arith.constant 0 : i32
    %dma_start3A_1180 = tpu.memref_slice %arg4[%add3A_1171, %dma_start3A_1179] : memref<524288x128xf32, #tpu.memory_space<hbm>> -> memref<256x128xf32, #tpu.memory_space<hbm>>
    %dma_start3A_1181 = arith.constant 0 : i32
    %dma_start3A_1182 = arith.constant 0 : i32
    %dma_start3A_1183 = tpu.memref_slice %arg7[%dma_start3A_1172, %dma_start3A_1181, %dma_start3A_1182] : memref<2x256x128xf32, #tpu.memory_space<vmem>> -> memref<1x256x128xf32, #tpu.memory_space<vmem>>
    %dma_start3A_1184 = tpu.memref_squeeze %dma_start3A_1183 : memref<1x256x128xf32, #tpu.memory_space<vmem>> -> memref<256x128xf32, #tpu.memory_space<vmem>>
    tpu.enqueue_dma source(%dma_start3A_1184 : memref<256x128xf32, #tpu.memory_space<vmem>>) target(%dma_start3A_1180 : memref<256x128xf32, #tpu.memory_space<hbm>>) target_semaphore(%arg10 : memref<!tpu.dma_semaphore, #tpu.memory_space<semaphore_mem>>)
    %dma_wait3A_1185 = arith.constant 1 : i32
    %dma_wait3A_1186 = arith.constant 0 : i32
    %dma_wait3A_1187 = arith.constant 0 : i32
    %dma_wait3A_1188 = tpu.memref_slice %arg7[%dma_wait3A_1185, %dma_wait3A_1186, %dma_wait3A_1187] : memref<2x256x128xf32, #tpu.memory_space<vmem>> -> memref<1x256x128xf32, #tpu.memory_space<vmem>>
    %dma_wait3A_1189 = tpu.memref_squeeze %dma_wait3A_1188 : memref<1x256x128xf32, #tpu.memory_space<vmem>> -> memref<256x128xf32, #tpu.memory_space<vmem>>
    %dma_wait3A_1190 = arith.constant 0 : i32
    %dma_wait3A_1191 = tpu.memref_slice %arg4[%add3A_1171, %dma_wait3A_1190] : memref<524288x128xf32, #tpu.memory_space<hbm>> -> memref<256x128xf32, #tpu.memory_space<hbm>>
    %dma_wait3A_1192 = arith.constant 0 : i32
    %dma_wait3A_1193 = tpu.memref_slice %arg4[%add3A_1171, %dma_wait3A_1192] : memref<524288x128xf32, #tpu.memory_space<hbm>> -> memref<256x128xf32, #tpu.memory_space<hbm>>
    %dma_wait3A_1194 = arith.constant 0 : i32
    %dma_wait3A_1195 = arith.constant 0 : i32
    %dma_wait3A_1196 = tpu.memref_slice %arg7[%dma_wait3A_1185, %dma_wait3A_1194, %dma_wait3A_1195] : memref<2x256x128xf32, #tpu.memory_space<vmem>> -> memref<1x256x128xf32, #tpu.memory_space<vmem>>
    %dma_wait3A_1197 = tpu.memref_squeeze %dma_wait3A_1196 : memref<1x256x128xf32, #tpu.memory_space<vmem>> -> memref<256x128xf32, #tpu.memory_space<vmem>>
    tpu.wait_dma2 semaphore(%arg10 : memref<!tpu.dma_semaphore, #tpu.memory_space<semaphore_mem>>) src(%dma_wait3A_1197 : memref<256x128xf32, #tpu.memory_space<vmem>>) dst(%dma_wait3A_1193 : memref<256x128xf32, #tpu.memory_space<hbm>>)
    %sub3A_1198 = arith.subi %add3A_33, %mul3A_2 : i32
    %mul3A_1199 = arith.constant 16 : i32
    %mul3A_1200 = arith.muli %sub3A_1198, %mul3A_1199 : i32
    %add3A_1201 = arith.constant 10 : i32
    %add3A_1202 = arith.addi %mul3A_1200, %add3A_1201 : i32
    %add3A_1203 = arith.constant 0 : i32
    %add3A_1204 = arith.addi %add3A_1202, %add3A_1203 : i32
    %dma_start3A_1205 = arith.constant 1 : i32
    %dma_start3A_1206 = arith.constant 0 : i32
    %dma_start3A_1207 = arith.constant 0 : i32
    %dma_start3A_1208 = tpu.memref_slice %arg7[%dma_start3A_1205, %dma_start3A_1206, %dma_start3A_1207] : memref<2x256x128xf32, #tpu.memory_space<vmem>> -> memref<1x128x128xf32, #tpu.memory_space<vmem>>
    %dma_start3A_1209 = tpu.memref_squeeze %dma_start3A_1208 : memref<1x128x128xf32, #tpu.memory_space<vmem>> -> memref<128x128xf32, #tpu.memory_space<vmem>>
    %dma_start3A_1210 = arith.constant 0 : i32
    %dma_start3A_1211 = tpu.memref_slice %arg5[%add3A_1204, %dma_start3A_1210] : memref<64x128xi32, #tpu.memory_space<vmem>> -> memref<1x128xi32, #tpu.memory_space<vmem>>
    %dma_start3A_1212 = tpu.memref_squeeze %dma_start3A_1211 : memref<1x128xi32, #tpu.memory_space<vmem>> -> memref<128xi32, #tpu.memory_space<vmem>>
    %dma_start3A_1213 = arith.constant 0 : i32
    %dma_start3A_1214 = arith.constant 0 : i32
    %dma_start3A_1215 = tpu.memref_slice %arg2[%dma_start3A_1213, %dma_start3A_1214] : memref<262144x128xf32, #tpu.memory_space<hbm>> -> memref<262144x128xf32, #tpu.memory_space<hbm>>
    tpu.enqueue_indirect_dma source(%dma_start3A_1215 : memref<262144x128xf32, #tpu.memory_space<hbm>>) target(%dma_start3A_1209 : memref<128x128xf32, #tpu.memory_space<vmem>>) offsets(%dma_start3A_1212 : memref<128xi32, #tpu.memory_space<vmem>>) semaphore(%arg9 : memref<!tpu.dma_semaphore, #tpu.memory_space<semaphore_mem>>)
    %sub3A_1216 = arith.subi %add3A_33, %mul3A_2 : i32
    %mul3A_1217 = arith.constant 16 : i32
    %mul3A_1218 = arith.muli %sub3A_1216, %mul3A_1217 : i32
    %add3A_1219 = arith.constant 10 : i32
    %add3A_1220 = arith.addi %mul3A_1218, %add3A_1219 : i32
    %add3A_1221 = arith.constant 1 : i32
    %add3A_1222 = arith.addi %add3A_1220, %add3A_1221 : i32
    %dma_start3A_1223 = arith.constant 1 : i32
    %dma_start3A_1224 = arith.constant 128 : i32
    %dma_start3A_1225 = arith.constant 0 : i32
    %dma_start3A_1226 = tpu.memref_slice %arg7[%dma_start3A_1223, %dma_start3A_1224, %dma_start3A_1225] : memref<2x256x128xf32, #tpu.memory_space<vmem>> -> memref<1x128x128xf32, #tpu.memory_space<vmem>>
    %dma_start3A_1227 = tpu.memref_squeeze %dma_start3A_1226 : memref<1x128x128xf32, #tpu.memory_space<vmem>> -> memref<128x128xf32, #tpu.memory_space<vmem>>
    %dma_start3A_1228 = arith.constant 0 : i32
    %dma_start3A_1229 = tpu.memref_slice %arg5[%add3A_1222, %dma_start3A_1228] : memref<64x128xi32, #tpu.memory_space<vmem>> -> memref<1x128xi32, #tpu.memory_space<vmem>>
    %dma_start3A_1230 = tpu.memref_squeeze %dma_start3A_1229 : memref<1x128xi32, #tpu.memory_space<vmem>> -> memref<128xi32, #tpu.memory_space<vmem>>
    %dma_start3A_1231 = arith.constant 0 : i32
    %dma_start3A_1232 = arith.constant 0 : i32
    %dma_start3A_1233 = tpu.memref_slice %arg2[%dma_start3A_1231, %dma_start3A_1232] : memref<262144x128xf32, #tpu.memory_space<hbm>> -> memref<262144x128xf32, #tpu.memory_space<hbm>>
    tpu.enqueue_indirect_dma source(%dma_start3A_1233 : memref<262144x128xf32, #tpu.memory_space<hbm>>) target(%dma_start3A_1227 : memref<128x128xf32, #tpu.memory_space<vmem>>) offsets(%dma_start3A_1230 : memref<128xi32, #tpu.memory_space<vmem>>) semaphore(%arg9 : memref<!tpu.dma_semaphore, #tpu.memory_space<semaphore_mem>>)
    %dma_wait3A_1234 = arith.constant 0 : i32
    %dma_wait3A_1235 = arith.constant 0 : i32
    %dma_wait3A_1236 = arith.constant 0 : i32
    %dma_wait3A_1237 = tpu.memref_slice %arg7[%dma_wait3A_1234, %dma_wait3A_1235, %dma_wait3A_1236] : memref<2x256x128xf32, #tpu.memory_space<vmem>> -> memref<1x128x128xf32, #tpu.memory_space<vmem>>
    %dma_wait3A_1238 = tpu.memref_squeeze %dma_wait3A_1237 : memref<1x128x128xf32, #tpu.memory_space<vmem>> -> memref<128x128xf32, #tpu.memory_space<vmem>>
    %dma_wait3A_1239 = arith.constant 0 : i32
    %dma_wait3A_1240 = tpu.memref_slice %arg5[%add3A_1116, %dma_wait3A_1239] : memref<64x128xi32, #tpu.memory_space<vmem>> -> memref<1x128xi32, #tpu.memory_space<vmem>>
    %dma_wait3A_1241 = tpu.memref_squeeze %dma_wait3A_1240 : memref<1x128xi32, #tpu.memory_space<vmem>> -> memref<128xi32, #tpu.memory_space<vmem>>
    %dma_wait3A_1242 = arith.constant 0 : i32
    %dma_wait3A_1243 = arith.constant 0 : i32
    %dma_wait3A_1244 = tpu.memref_slice %arg2[%dma_wait3A_1242, %dma_wait3A_1243] : memref<262144x128xf32, #tpu.memory_space<hbm>> -> memref<262144x128xf32, #tpu.memory_space<hbm>>
    tpu.wait_indirect_dma semaphore(%arg9 : memref<!tpu.dma_semaphore, #tpu.memory_space<semaphore_mem>>) src(%dma_wait3A_1244 : memref<262144x128xf32, #tpu.memory_space<hbm>>) dst(%dma_wait3A_1238 : memref<128x128xf32, #tpu.memory_space<vmem>>)
    %dma_wait3A_1245 = arith.constant 0 : i32
    %dma_wait3A_1246 = arith.constant 128 : i32
    %dma_wait3A_1247 = arith.constant 0 : i32
    %dma_wait3A_1248 = tpu.memref_slice %arg7[%dma_wait3A_1245, %dma_wait3A_1246, %dma_wait3A_1247] : memref<2x256x128xf32, #tpu.memory_space<vmem>> -> memref<1x128x128xf32, #tpu.memory_space<vmem>>
    %dma_wait3A_1249 = tpu.memref_squeeze %dma_wait3A_1248 : memref<1x128x128xf32, #tpu.memory_space<vmem>> -> memref<128x128xf32, #tpu.memory_space<vmem>>
    %dma_wait3A_1250 = arith.constant 0 : i32
    %dma_wait3A_1251 = tpu.memref_slice %arg5[%add3A_1134, %dma_wait3A_1250] : memref<64x128xi32, #tpu.memory_space<vmem>> -> memref<1x128xi32, #tpu.memory_space<vmem>>
    %dma_wait3A_1252 = tpu.memref_squeeze %dma_wait3A_1251 : memref<1x128xi32, #tpu.memory_space<vmem>> -> memref<128xi32, #tpu.memory_space<vmem>>
    %dma_wait3A_1253 = arith.constant 0 : i32
    %dma_wait3A_1254 = arith.constant 0 : i32
    %dma_wait3A_1255 = tpu.memref_slice %arg2[%dma_wait3A_1253, %dma_wait3A_1254] : memref<262144x128xf32, #tpu.memory_space<hbm>> -> memref<262144x128xf32, #tpu.memory_space<hbm>>
    tpu.wait_indirect_dma semaphore(%arg9 : memref<!tpu.dma_semaphore, #tpu.memory_space<semaphore_mem>>) src(%dma_wait3A_1255 : memref<262144x128xf32, #tpu.memory_space<hbm>>) dst(%dma_wait3A_1249 : memref<128x128xf32, #tpu.memory_space<vmem>>)
    %mul3A_1256 = arith.constant 4096 : i32
    %mul3A_1257 = arith.muli %add3A_31, %mul3A_1256 : i32
    %add3A_1258 = arith.constant 1024 : i32
    %add3A_1259 = arith.addi %mul3A_1257, %add3A_1258 : i32
    %dma_start3A_1260 = arith.constant 0 : i32
    %dma_start3A_1261 = arith.constant 0 : i32
    %dma_start3A_1262 = arith.constant 0 : i32
    %dma_start3A_1263 = tpu.memref_slice %arg7[%dma_start3A_1260, %dma_start3A_1261, %dma_start3A_1262] : memref<2x256x128xf32, #tpu.memory_space<vmem>> -> memref<1x256x128xf32, #tpu.memory_space<vmem>>
    %dma_start3A_1264 = tpu.memref_squeeze %dma_start3A_1263 : memref<1x256x128xf32, #tpu.memory_space<vmem>> -> memref<256x128xf32, #tpu.memory_space<vmem>>
    %dma_start3A_1265 = arith.constant 0 : i32
    %dma_start3A_1266 = tpu.memref_slice %arg4[%add3A_1259, %dma_start3A_1265] : memref<524288x128xf32, #tpu.memory_space<hbm>> -> memref<256x128xf32, #tpu.memory_space<hbm>>
    %dma_start3A_1267 = arith.constant 0 : i32
    %dma_start3A_1268 = tpu.memref_slice %arg4[%add3A_1259, %dma_start3A_1267] : memref<524288x128xf32, #tpu.memory_space<hbm>> -> memref<256x128xf32, #tpu.memory_space<hbm>>
    %dma_start3A_1269 = arith.constant 0 : i32
    %dma_start3A_1270 = arith.constant 0 : i32
    %dma_start3A_1271 = tpu.memref_slice %arg7[%dma_start3A_1260, %dma_start3A_1269, %dma_start3A_1270] : memref<2x256x128xf32, #tpu.memory_space<vmem>> -> memref<1x256x128xf32, #tpu.memory_space<vmem>>
    %dma_start3A_1272 = tpu.memref_squeeze %dma_start3A_1271 : memref<1x256x128xf32, #tpu.memory_space<vmem>> -> memref<256x128xf32, #tpu.memory_space<vmem>>
    tpu.enqueue_dma source(%dma_start3A_1272 : memref<256x128xf32, #tpu.memory_space<vmem>>) target(%dma_start3A_1268 : memref<256x128xf32, #tpu.memory_space<hbm>>) target_semaphore(%arg10 : memref<!tpu.dma_semaphore, #tpu.memory_space<semaphore_mem>>)
    %dma_wait3A_1273 = arith.constant 0 : i32
    %dma_wait3A_1274 = arith.constant 0 : i32
    %dma_wait3A_1275 = arith.constant 0 : i32
    %dma_wait3A_1276 = tpu.memref_slice %arg7[%dma_wait3A_1273, %dma_wait3A_1274, %dma_wait3A_1275] : memref<2x256x128xf32, #tpu.memory_space<vmem>> -> memref<1x256x128xf32, #tpu.memory_space<vmem>>
    %dma_wait3A_1277 = tpu.memref_squeeze %dma_wait3A_1276 : memref<1x256x128xf32, #tpu.memory_space<vmem>> -> memref<256x128xf32, #tpu.memory_space<vmem>>
    %dma_wait3A_1278 = arith.constant 0 : i32
    %dma_wait3A_1279 = tpu.memref_slice %arg4[%add3A_1259, %dma_wait3A_1278] : memref<524288x128xf32, #tpu.memory_space<hbm>> -> memref<256x128xf32, #tpu.memory_space<hbm>>
    %dma_wait3A_1280 = arith.constant 0 : i32
    %dma_wait3A_1281 = tpu.memref_slice %arg4[%add3A_1259, %dma_wait3A_1280] : memref<524288x128xf32, #tpu.memory_space<hbm>> -> memref<256x128xf32, #tpu.memory_space<hbm>>
    %dma_wait3A_1282 = arith.constant 0 : i32
    %dma_wait3A_1283 = arith.constant 0 : i32
    %dma_wait3A_1284 = tpu.memref_slice %arg7[%dma_wait3A_1273, %dma_wait3A_1282, %dma_wait3A_1283] : memref<2x256x128xf32, #tpu.memory_space<vmem>> -> memref<1x256x128xf32, #tpu.memory_space<vmem>>
    %dma_wait3A_1285 = tpu.memref_squeeze %dma_wait3A_1284 : memref<1x256x128xf32, #tpu.memory_space<vmem>> -> memref<256x128xf32, #tpu.memory_space<vmem>>
    tpu.wait_dma2 semaphore(%arg10 : memref<!tpu.dma_semaphore, #tpu.memory_space<semaphore_mem>>) src(%dma_wait3A_1285 : memref<256x128xf32, #tpu.memory_space<vmem>>) dst(%dma_wait3A_1281 : memref<256x128xf32, #tpu.memory_space<hbm>>)
    %sub3A_1286 = arith.subi %add3A_35, %mul3A_2 : i32
    %mul3A_1287 = arith.constant 16 : i32
    %mul3A_1288 = arith.muli %sub3A_1286, %mul3A_1287 : i32
    %add3A_1289 = arith.constant 12 : i32
    %add3A_1290 = arith.addi %mul3A_1288, %add3A_1289 : i32
    %add3A_1291 = arith.constant 0 : i32
    %add3A_1292 = arith.addi %add3A_1290, %add3A_1291 : i32
    %dma_start3A_1293 = arith.constant 0 : i32
    %dma_start3A_1294 = arith.constant 0 : i32
    %dma_start3A_1295 = arith.constant 0 : i32
    %dma_start3A_1296 = tpu.memref_slice %arg7[%dma_start3A_1293, %dma_start3A_1294, %dma_start3A_1295] : memref<2x256x128xf32, #tpu.memory_space<vmem>> -> memref<1x128x128xf32, #tpu.memory_space<vmem>>
    %dma_start3A_1297 = tpu.memref_squeeze %dma_start3A_1296 : memref<1x128x128xf32, #tpu.memory_space<vmem>> -> memref<128x128xf32, #tpu.memory_space<vmem>>
    %dma_start3A_1298 = arith.constant 0 : i32
    %dma_start3A_1299 = tpu.memref_slice %arg5[%add3A_1292, %dma_start3A_1298] : memref<64x128xi32, #tpu.memory_space<vmem>> -> memref<1x128xi32, #tpu.memory_space<vmem>>
    %dma_start3A_1300 = tpu.memref_squeeze %dma_start3A_1299 : memref<1x128xi32, #tpu.memory_space<vmem>> -> memref<128xi32, #tpu.memory_space<vmem>>
    %dma_start3A_1301 = arith.constant 0 : i32
    %dma_start3A_1302 = arith.constant 0 : i32
    %dma_start3A_1303 = tpu.memref_slice %arg2[%dma_start3A_1301, %dma_start3A_1302] : memref<262144x128xf32, #tpu.memory_space<hbm>> -> memref<262144x128xf32, #tpu.memory_space<hbm>>
    tpu.enqueue_indirect_dma source(%dma_start3A_1303 : memref<262144x128xf32, #tpu.memory_space<hbm>>) target(%dma_start3A_1297 : memref<128x128xf32, #tpu.memory_space<vmem>>) offsets(%dma_start3A_1300 : memref<128xi32, #tpu.memory_space<vmem>>) semaphore(%arg9 : memref<!tpu.dma_semaphore, #tpu.memory_space<semaphore_mem>>)
    %sub3A_1304 = arith.subi %add3A_35, %mul3A_2 : i32
    %mul3A_1305 = arith.constant 16 : i32
    %mul3A_1306 = arith.muli %sub3A_1304, %mul3A_1305 : i32
    %add3A_1307 = arith.constant 12 : i32
    %add3A_1308 = arith.addi %mul3A_1306, %add3A_1307 : i32
    %add3A_1309 = arith.constant 1 : i32
    %add3A_1310 = arith.addi %add3A_1308, %add3A_1309 : i32
    %dma_start3A_1311 = arith.constant 0 : i32
    %dma_start3A_1312 = arith.constant 128 : i32
    %dma_start3A_1313 = arith.constant 0 : i32
    %dma_start3A_1314 = tpu.memref_slice %arg7[%dma_start3A_1311, %dma_start3A_1312, %dma_start3A_1313] : memref<2x256x128xf32, #tpu.memory_space<vmem>> -> memref<1x128x128xf32, #tpu.memory_space<vmem>>
    %dma_start3A_1315 = tpu.memref_squeeze %dma_start3A_1314 : memref<1x128x128xf32, #tpu.memory_space<vmem>> -> memref<128x128xf32, #tpu.memory_space<vmem>>
    %dma_start3A_1316 = arith.constant 0 : i32
    %dma_start3A_1317 = tpu.memref_slice %arg5[%add3A_1310, %dma_start3A_1316] : memref<64x128xi32, #tpu.memory_space<vmem>> -> memref<1x128xi32, #tpu.memory_space<vmem>>
    %dma_start3A_1318 = tpu.memref_squeeze %dma_start3A_1317 : memref<1x128xi32, #tpu.memory_space<vmem>> -> memref<128xi32, #tpu.memory_space<vmem>>
    %dma_start3A_1319 = arith.constant 0 : i32
    %dma_start3A_1320 = arith.constant 0 : i32
    %dma_start3A_1321 = tpu.memref_slice %arg2[%dma_start3A_1319, %dma_start3A_1320] : memref<262144x128xf32, #tpu.memory_space<hbm>> -> memref<262144x128xf32, #tpu.memory_space<hbm>>
    tpu.enqueue_indirect_dma source(%dma_start3A_1321 : memref<262144x128xf32, #tpu.memory_space<hbm>>) target(%dma_start3A_1315 : memref<128x128xf32, #tpu.memory_space<vmem>>) offsets(%dma_start3A_1318 : memref<128xi32, #tpu.memory_space<vmem>>) semaphore(%arg9 : memref<!tpu.dma_semaphore, #tpu.memory_space<semaphore_mem>>)
    %dma_wait3A_1322 = arith.constant 1 : i32
    %dma_wait3A_1323 = arith.constant 0 : i32
    %dma_wait3A_1324 = arith.constant 0 : i32
    %dma_wait3A_1325 = tpu.memref_slice %arg7[%dma_wait3A_1322, %dma_wait3A_1323, %dma_wait3A_1324] : memref<2x256x128xf32, #tpu.memory_space<vmem>> -> memref<1x128x128xf32, #tpu.memory_space<vmem>>
    %dma_wait3A_1326 = tpu.memref_squeeze %dma_wait3A_1325 : memref<1x128x128xf32, #tpu.memory_space<vmem>> -> memref<128x128xf32, #tpu.memory_space<vmem>>
    %dma_wait3A_1327 = arith.constant 0 : i32
    %dma_wait3A_1328 = tpu.memref_slice %arg5[%add3A_1204, %dma_wait3A_1327] : memref<64x128xi32, #tpu.memory_space<vmem>> -> memref<1x128xi32, #tpu.memory_space<vmem>>
    %dma_wait3A_1329 = tpu.memref_squeeze %dma_wait3A_1328 : memref<1x128xi32, #tpu.memory_space<vmem>> -> memref<128xi32, #tpu.memory_space<vmem>>
    %dma_wait3A_1330 = arith.constant 0 : i32
    %dma_wait3A_1331 = arith.constant 0 : i32
    %dma_wait3A_1332 = tpu.memref_slice %arg2[%dma_wait3A_1330, %dma_wait3A_1331] : memref<262144x128xf32, #tpu.memory_space<hbm>> -> memref<262144x128xf32, #tpu.memory_space<hbm>>
    tpu.wait_indirect_dma semaphore(%arg9 : memref<!tpu.dma_semaphore, #tpu.memory_space<semaphore_mem>>) src(%dma_wait3A_1332 : memref<262144x128xf32, #tpu.memory_space<hbm>>) dst(%dma_wait3A_1326 : memref<128x128xf32, #tpu.memory_space<vmem>>)
    %dma_wait3A_1333 = arith.constant 1 : i32
    %dma_wait3A_1334 = arith.constant 128 : i32
    %dma_wait3A_1335 = arith.constant 0 : i32
    %dma_wait3A_1336 = tpu.memref_slice %arg7[%dma_wait3A_1333, %dma_wait3A_1334, %dma_wait3A_1335] : memref<2x256x128xf32, #tpu.memory_space<vmem>> -> memref<1x128x128xf32, #tpu.memory_space<vmem>>
    %dma_wait3A_1337 = tpu.memref_squeeze %dma_wait3A_1336 : memref<1x128x128xf32, #tpu.memory_space<vmem>> -> memref<128x128xf32, #tpu.memory_space<vmem>>
    %dma_wait3A_1338 = arith.constant 0 : i32
    %dma_wait3A_1339 = tpu.memref_slice %arg5[%add3A_1222, %dma_wait3A_1338] : memref<64x128xi32, #tpu.memory_space<vmem>> -> memref<1x128xi32, #tpu.memory_space<vmem>>
    %dma_wait3A_1340 = tpu.memref_squeeze %dma_wait3A_1339 : memref<1x128xi32, #tpu.memory_space<vmem>> -> memref<128xi32, #tpu.memory_space<vmem>>
    %dma_wait3A_1341 = arith.constant 0 : i32
    %dma_wait3A_1342 = arith.constant 0 : i32
    %dma_wait3A_1343 = tpu.memref_slice %arg2[%dma_wait3A_1341, %dma_wait3A_1342] : memref<262144x128xf32, #tpu.memory_space<hbm>> -> memref<262144x128xf32, #tpu.memory_space<hbm>>
    tpu.wait_indirect_dma semaphore(%arg9 : memref<!tpu.dma_semaphore, #tpu.memory_space<semaphore_mem>>) src(%dma_wait3A_1343 : memref<262144x128xf32, #tpu.memory_space<hbm>>) dst(%dma_wait3A_1337 : memref<128x128xf32, #tpu.memory_space<vmem>>)
    %mul3A_1344 = arith.constant 4096 : i32
    %mul3A_1345 = arith.muli %add3A_33, %mul3A_1344 : i32
    %add3A_1346 = arith.constant 1280 : i32
    %add3A_1347 = arith.addi %mul3A_1345, %add3A_1346 : i32
    %dma_start3A_1348 = arith.constant 1 : i32
    %dma_start3A_1349 = arith.constant 0 : i32
    %dma_start3A_1350 = arith.constant 0 : i32
    %dma_start3A_1351 = tpu.memref_slice %arg7[%dma_start3A_1348, %dma_start3A_1349, %dma_start3A_1350] : memref<2x256x128xf32, #tpu.memory_space<vmem>> -> memref<1x256x128xf32, #tpu.memory_space<vmem>>
    %dma_start3A_1352 = tpu.memref_squeeze %dma_start3A_1351 : memref<1x256x128xf32, #tpu.memory_space<vmem>> -> memref<256x128xf32, #tpu.memory_space<vmem>>
    %dma_start3A_1353 = arith.constant 0 : i32
    %dma_start3A_1354 = tpu.memref_slice %arg4[%add3A_1347, %dma_start3A_1353] : memref<524288x128xf32, #tpu.memory_space<hbm>> -> memref<256x128xf32, #tpu.memory_space<hbm>>
    %dma_start3A_1355 = arith.constant 0 : i32
    %dma_start3A_1356 = tpu.memref_slice %arg4[%add3A_1347, %dma_start3A_1355] : memref<524288x128xf32, #tpu.memory_space<hbm>> -> memref<256x128xf32, #tpu.memory_space<hbm>>
    %dma_start3A_1357 = arith.constant 0 : i32
    %dma_start3A_1358 = arith.constant 0 : i32
    %dma_start3A_1359 = tpu.memref_slice %arg7[%dma_start3A_1348, %dma_start3A_1357, %dma_start3A_1358] : memref<2x256x128xf32, #tpu.memory_space<vmem>> -> memref<1x256x128xf32, #tpu.memory_space<vmem>>
    %dma_start3A_1360 = tpu.memref_squeeze %dma_start3A_1359 : memref<1x256x128xf32, #tpu.memory_space<vmem>> -> memref<256x128xf32, #tpu.memory_space<vmem>>
    tpu.enqueue_dma source(%dma_start3A_1360 : memref<256x128xf32, #tpu.memory_space<vmem>>) target(%dma_start3A_1356 : memref<256x128xf32, #tpu.memory_space<hbm>>) target_semaphore(%arg10 : memref<!tpu.dma_semaphore, #tpu.memory_space<semaphore_mem>>)
    %dma_wait3A_1361 = arith.constant 1 : i32
    %dma_wait3A_1362 = arith.constant 0 : i32
    %dma_wait3A_1363 = arith.constant 0 : i32
    %dma_wait3A_1364 = tpu.memref_slice %arg7[%dma_wait3A_1361, %dma_wait3A_1362, %dma_wait3A_1363] : memref<2x256x128xf32, #tpu.memory_space<vmem>> -> memref<1x256x128xf32, #tpu.memory_space<vmem>>
    %dma_wait3A_1365 = tpu.memref_squeeze %dma_wait3A_1364 : memref<1x256x128xf32, #tpu.memory_space<vmem>> -> memref<256x128xf32, #tpu.memory_space<vmem>>
    %dma_wait3A_1366 = arith.constant 0 : i32
    %dma_wait3A_1367 = tpu.memref_slice %arg4[%add3A_1347, %dma_wait3A_1366] : memref<524288x128xf32, #tpu.memory_space<hbm>> -> memref<256x128xf32, #tpu.memory_space<hbm>>
    %dma_wait3A_1368 = arith.constant 0 : i32
    %dma_wait3A_1369 = tpu.memref_slice %arg4[%add3A_1347, %dma_wait3A_1368] : memref<524288x128xf32, #tpu.memory_space<hbm>> -> memref<256x128xf32, #tpu.memory_space<hbm>>
    %dma_wait3A_1370 = arith.constant 0 : i32
    %dma_wait3A_1371 = arith.constant 0 : i32
    %dma_wait3A_1372 = tpu.memref_slice %arg7[%dma_wait3A_1361, %dma_wait3A_1370, %dma_wait3A_1371] : memref<2x256x128xf32, #tpu.memory_space<vmem>> -> memref<1x256x128xf32, #tpu.memory_space<vmem>>
    %dma_wait3A_1373 = tpu.memref_squeeze %dma_wait3A_1372 : memref<1x256x128xf32, #tpu.memory_space<vmem>> -> memref<256x128xf32, #tpu.memory_space<vmem>>
    tpu.wait_dma2 semaphore(%arg10 : memref<!tpu.dma_semaphore, #tpu.memory_space<semaphore_mem>>) src(%dma_wait3A_1373 : memref<256x128xf32, #tpu.memory_space<vmem>>) dst(%dma_wait3A_1369 : memref<256x128xf32, #tpu.memory_space<hbm>>)
    %sub3A_1374 = arith.subi %add3A_37, %mul3A_2 : i32
    %mul3A_1375 = arith.constant 16 : i32
    %mul3A_1376 = arith.muli %sub3A_1374, %mul3A_1375 : i32
    %add3A_1377 = arith.constant 14 : i32
    %add3A_1378 = arith.addi %mul3A_1376, %add3A_1377 : i32
    %add3A_1379 = arith.constant 0 : i32
    %add3A_1380 = arith.addi %add3A_1378, %add3A_1379 : i32
    %dma_start3A_1381 = arith.constant 1 : i32
    %dma_start3A_1382 = arith.constant 0 : i32
    %dma_start3A_1383 = arith.constant 0 : i32
    %dma_start3A_1384 = tpu.memref_slice %arg7[%dma_start3A_1381, %dma_start3A_1382, %dma_start3A_1383] : memref<2x256x128xf32, #tpu.memory_space<vmem>> -> memref<1x128x128xf32, #tpu.memory_space<vmem>>
    %dma_start3A_1385 = tpu.memref_squeeze %dma_start3A_1384 : memref<1x128x128xf32, #tpu.memory_space<vmem>> -> memref<128x128xf32, #tpu.memory_space<vmem>>
    %dma_start3A_1386 = arith.constant 0 : i32
    %dma_start3A_1387 = tpu.memref_slice %arg5[%add3A_1380, %dma_start3A_1386] : memref<64x128xi32, #tpu.memory_space<vmem>> -> memref<1x128xi32, #tpu.memory_space<vmem>>
    %dma_start3A_1388 = tpu.memref_squeeze %dma_start3A_1387 : memref<1x128xi32, #tpu.memory_space<vmem>> -> memref<128xi32, #tpu.memory_space<vmem>>
    %dma_start3A_1389 = arith.constant 0 : i32
    %dma_start3A_1390 = arith.constant 0 : i32
    %dma_start3A_1391 = tpu.memref_slice %arg2[%dma_start3A_1389, %dma_start3A_1390] : memref<262144x128xf32, #tpu.memory_space<hbm>> -> memref<262144x128xf32, #tpu.memory_space<hbm>>
    tpu.enqueue_indirect_dma source(%dma_start3A_1391 : memref<262144x128xf32, #tpu.memory_space<hbm>>) target(%dma_start3A_1385 : memref<128x128xf32, #tpu.memory_space<vmem>>) offsets(%dma_start3A_1388 : memref<128xi32, #tpu.memory_space<vmem>>) semaphore(%arg9 : memref<!tpu.dma_semaphore, #tpu.memory_space<semaphore_mem>>)
    %sub3A_1392 = arith.subi %add3A_37, %mul3A_2 : i32
    %mul3A_1393 = arith.constant 16 : i32
    %mul3A_1394 = arith.muli %sub3A_1392, %mul3A_1393 : i32
    %add3A_1395 = arith.constant 14 : i32
    %add3A_1396 = arith.addi %mul3A_1394, %add3A_1395 : i32
    %add3A_1397 = arith.constant 1 : i32
    %add3A_1398 = arith.addi %add3A_1396, %add3A_1397 : i32
    %dma_start3A_1399 = arith.constant 1 : i32
    %dma_start3A_1400 = arith.constant 128 : i32
    %dma_start3A_1401 = arith.constant 0 : i32
    %dma_start3A_1402 = tpu.memref_slice %arg7[%dma_start3A_1399, %dma_start3A_1400, %dma_start3A_1401] : memref<2x256x128xf32, #tpu.memory_space<vmem>> -> memref<1x128x128xf32, #tpu.memory_space<vmem>>
    %dma_start3A_1403 = tpu.memref_squeeze %dma_start3A_1402 : memref<1x128x128xf32, #tpu.memory_space<vmem>> -> memref<128x128xf32, #tpu.memory_space<vmem>>
    %dma_start3A_1404 = arith.constant 0 : i32
    %dma_start3A_1405 = tpu.memref_slice %arg5[%add3A_1398, %dma_start3A_1404] : memref<64x128xi32, #tpu.memory_space<vmem>> -> memref<1x128xi32, #tpu.memory_space<vmem>>
    %dma_start3A_1406 = tpu.memref_squeeze %dma_start3A_1405 : memref<1x128xi32, #tpu.memory_space<vmem>> -> memref<128xi32, #tpu.memory_space<vmem>>
    %dma_start3A_1407 = arith.constant 0 : i32
    %dma_start3A_1408 = arith.constant 0 : i32
    %dma_start3A_1409 = tpu.memref_slice %arg2[%dma_start3A_1407, %dma_start3A_1408] : memref<262144x128xf32, #tpu.memory_space<hbm>> -> memref<262144x128xf32, #tpu.memory_space<hbm>>
    tpu.enqueue_indirect_dma source(%dma_start3A_1409 : memref<262144x128xf32, #tpu.memory_space<hbm>>) target(%dma_start3A_1403 : memref<128x128xf32, #tpu.memory_space<vmem>>) offsets(%dma_start3A_1406 : memref<128xi32, #tpu.memory_space<vmem>>) semaphore(%arg9 : memref<!tpu.dma_semaphore, #tpu.memory_space<semaphore_mem>>)
    %dma_wait3A_1410 = arith.constant 0 : i32
    %dma_wait3A_1411 = arith.constant 0 : i32
    %dma_wait3A_1412 = arith.constant 0 : i32
    %dma_wait3A_1413 = tpu.memref_slice %arg7[%dma_wait3A_1410, %dma_wait3A_1411, %dma_wait3A_1412] : memref<2x256x128xf32, #tpu.memory_space<vmem>> -> memref<1x128x128xf32, #tpu.memory_space<vmem>>
    %dma_wait3A_1414 = tpu.memref_squeeze %dma_wait3A_1413 : memref<1x128x128xf32, #tpu.memory_space<vmem>> -> memref<128x128xf32, #tpu.memory_space<vmem>>
    %dma_wait3A_1415 = arith.constant 0 : i32
    %dma_wait3A_1416 = tpu.memref_slice %arg5[%add3A_1292, %dma_wait3A_1415] : memref<64x128xi32, #tpu.memory_space<vmem>> -> memref<1x128xi32, #tpu.memory_space<vmem>>
    %dma_wait3A_1417 = tpu.memref_squeeze %dma_wait3A_1416 : memref<1x128xi32, #tpu.memory_space<vmem>> -> memref<128xi32, #tpu.memory_space<vmem>>
    %dma_wait3A_1418 = arith.constant 0 : i32
    %dma_wait3A_1419 = arith.constant 0 : i32
    %dma_wait3A_1420 = tpu.memref_slice %arg2[%dma_wait3A_1418, %dma_wait3A_1419] : memref<262144x128xf32, #tpu.memory_space<hbm>> -> memref<262144x128xf32, #tpu.memory_space<hbm>>
    tpu.wait_indirect_dma semaphore(%arg9 : memref<!tpu.dma_semaphore, #tpu.memory_space<semaphore_mem>>) src(%dma_wait3A_1420 : memref<262144x128xf32, #tpu.memory_space<hbm>>) dst(%dma_wait3A_1414 : memref<128x128xf32, #tpu.memory_space<vmem>>)
    %dma_wait3A_1421 = arith.constant 0 : i32
    %dma_wait3A_1422 = arith.constant 128 : i32
    %dma_wait3A_1423 = arith.constant 0 : i32
    %dma_wait3A_1424 = tpu.memref_slice %arg7[%dma_wait3A_1421, %dma_wait3A_1422, %dma_wait3A_1423] : memref<2x256x128xf32, #tpu.memory_space<vmem>> -> memref<1x128x128xf32, #tpu.memory_space<vmem>>
    %dma_wait3A_1425 = tpu.memref_squeeze %dma_wait3A_1424 : memref<1x128x128xf32, #tpu.memory_space<vmem>> -> memref<128x128xf32, #tpu.memory_space<vmem>>
    %dma_wait3A_1426 = arith.constant 0 : i32
    %dma_wait3A_1427 = tpu.memref_slice %arg5[%add3A_1310, %dma_wait3A_1426] : memref<64x128xi32, #tpu.memory_space<vmem>> -> memref<1x128xi32, #tpu.memory_space<vmem>>
    %dma_wait3A_1428 = tpu.memref_squeeze %dma_wait3A_1427 : memref<1x128xi32, #tpu.memory_space<vmem>> -> memref<128xi32, #tpu.memory_space<vmem>>
    %dma_wait3A_1429 = arith.constant 0 : i32
    %dma_wait3A_1430 = arith.constant 0 : i32
    %dma_wait3A_1431 = tpu.memref_slice %arg2[%dma_wait3A_1429, %dma_wait3A_1430] : memref<262144x128xf32, #tpu.memory_space<hbm>> -> memref<262144x128xf32, #tpu.memory_space<hbm>>
    tpu.wait_indirect_dma semaphore(%arg9 : memref<!tpu.dma_semaphore, #tpu.memory_space<semaphore_mem>>) src(%dma_wait3A_1431 : memref<262144x128xf32, #tpu.memory_space<hbm>>) dst(%dma_wait3A_1425 : memref<128x128xf32, #tpu.memory_space<vmem>>)
    %mul3A_1432 = arith.constant 4096 : i32
    %mul3A_1433 = arith.muli %add3A_35, %mul3A_1432 : i32
    %add3A_1434 = arith.constant 1536 : i32
    %add3A_1435 = arith.addi %mul3A_1433, %add3A_1434 : i32
    %dma_start3A_1436 = arith.constant 0 : i32
    %dma_start3A_1437 = arith.constant 0 : i32
    %dma_start3A_1438 = arith.constant 0 : i32
    %dma_start3A_1439 = tpu.memref_slice %arg7[%dma_start3A_1436, %dma_start3A_1437, %dma_start3A_1438] : memref<2x256x128xf32, #tpu.memory_space<vmem>> -> memref<1x256x128xf32, #tpu.memory_space<vmem>>
    %dma_start3A_1440 = tpu.memref_squeeze %dma_start3A_1439 : memref<1x256x128xf32, #tpu.memory_space<vmem>> -> memref<256x128xf32, #tpu.memory_space<vmem>>
    %dma_start3A_1441 = arith.constant 0 : i32
    %dma_start3A_1442 = tpu.memref_slice %arg4[%add3A_1435, %dma_start3A_1441] : memref<524288x128xf32, #tpu.memory_space<hbm>> -> memref<256x128xf32, #tpu.memory_space<hbm>>
    %dma_start3A_1443 = arith.constant 0 : i32
    %dma_start3A_1444 = tpu.memref_slice %arg4[%add3A_1435, %dma_start3A_1443] : memref<524288x128xf32, #tpu.memory_space<hbm>> -> memref<256x128xf32, #tpu.memory_space<hbm>>
    %dma_start3A_1445 = arith.constant 0 : i32
    %dma_start3A_1446 = arith.constant 0 : i32
    %dma_start3A_1447 = tpu.memref_slice %arg7[%dma_start3A_1436, %dma_start3A_1445, %dma_start3A_1446] : memref<2x256x128xf32, #tpu.memory_space<vmem>> -> memref<1x256x128xf32, #tpu.memory_space<vmem>>
    %dma_start3A_1448 = tpu.memref_squeeze %dma_start3A_1447 : memref<1x256x128xf32, #tpu.memory_space<vmem>> -> memref<256x128xf32, #tpu.memory_space<vmem>>
    tpu.enqueue_dma source(%dma_start3A_1448 : memref<256x128xf32, #tpu.memory_space<vmem>>) target(%dma_start3A_1444 : memref<256x128xf32, #tpu.memory_space<hbm>>) target_semaphore(%arg10 : memref<!tpu.dma_semaphore, #tpu.memory_space<semaphore_mem>>)
    %dma_wait3A_1449 = arith.constant 0 : i32
    %dma_wait3A_1450 = arith.constant 0 : i32
    %dma_wait3A_1451 = arith.constant 0 : i32
    %dma_wait3A_1452 = tpu.memref_slice %arg7[%dma_wait3A_1449, %dma_wait3A_1450, %dma_wait3A_1451] : memref<2x256x128xf32, #tpu.memory_space<vmem>> -> memref<1x256x128xf32, #tpu.memory_space<vmem>>
    %dma_wait3A_1453 = tpu.memref_squeeze %dma_wait3A_1452 : memref<1x256x128xf32, #tpu.memory_space<vmem>> -> memref<256x128xf32, #tpu.memory_space<vmem>>
    %dma_wait3A_1454 = arith.constant 0 : i32
    %dma_wait3A_1455 = tpu.memref_slice %arg4[%add3A_1435, %dma_wait3A_1454] : memref<524288x128xf32, #tpu.memory_space<hbm>> -> memref<256x128xf32, #tpu.memory_space<hbm>>
    %dma_wait3A_1456 = arith.constant 0 : i32
    %dma_wait3A_1457 = tpu.memref_slice %arg4[%add3A_1435, %dma_wait3A_1456] : memref<524288x128xf32, #tpu.memory_space<hbm>> -> memref<256x128xf32, #tpu.memory_space<hbm>>
    %dma_wait3A_1458 = arith.constant 0 : i32
    %dma_wait3A_1459 = arith.constant 0 : i32
    %dma_wait3A_1460 = tpu.memref_slice %arg7[%dma_wait3A_1449, %dma_wait3A_1458, %dma_wait3A_1459] : memref<2x256x128xf32, #tpu.memory_space<vmem>> -> memref<1x256x128xf32, #tpu.memory_space<vmem>>
    %dma_wait3A_1461 = tpu.memref_squeeze %dma_wait3A_1460 : memref<1x256x128xf32, #tpu.memory_space<vmem>> -> memref<256x128xf32, #tpu.memory_space<vmem>>
    tpu.wait_dma2 semaphore(%arg10 : memref<!tpu.dma_semaphore, #tpu.memory_space<semaphore_mem>>) src(%dma_wait3A_1461 : memref<256x128xf32, #tpu.memory_space<vmem>>) dst(%dma_wait3A_1457 : memref<256x128xf32, #tpu.memory_space<hbm>>)
    %sub3A_1462 = arith.subi %add3A_39, %mul3A_2 : i32
    %mul3A_1463 = arith.constant 16 : i32
    %mul3A_1464 = arith.muli %sub3A_1462, %mul3A_1463 : i32
    %add3A_1465 = arith.constant 0 : i32
    %add3A_1466 = arith.addi %mul3A_1464, %add3A_1465 : i32
    %add3A_1467 = arith.constant 0 : i32
    %add3A_1468 = arith.addi %add3A_1466, %add3A_1467 : i32
    %dma_start3A_1469 = arith.constant 0 : i32
    %dma_start3A_1470 = arith.constant 0 : i32
    %dma_start3A_1471 = arith.constant 0 : i32
    %dma_start3A_1472 = tpu.memref_slice %arg7[%dma_start3A_1469, %dma_start3A_1470, %dma_start3A_1471] : memref<2x256x128xf32, #tpu.memory_space<vmem>> -> memref<1x128x128xf32, #tpu.memory_space<vmem>>
    %dma_start3A_1473 = tpu.memref_squeeze %dma_start3A_1472 : memref<1x128x128xf32, #tpu.memory_space<vmem>> -> memref<128x128xf32, #tpu.memory_space<vmem>>
    %dma_start3A_1474 = arith.constant 0 : i32
    %dma_start3A_1475 = tpu.memref_slice %arg5[%add3A_1468, %dma_start3A_1474] : memref<64x128xi32, #tpu.memory_space<vmem>> -> memref<1x128xi32, #tpu.memory_space<vmem>>
    %dma_start3A_1476 = tpu.memref_squeeze %dma_start3A_1475 : memref<1x128xi32, #tpu.memory_space<vmem>> -> memref<128xi32, #tpu.memory_space<vmem>>
    %dma_start3A_1477 = arith.constant 0 : i32
    %dma_start3A_1478 = arith.constant 0 : i32
    %dma_start3A_1479 = tpu.memref_slice %arg2[%dma_start3A_1477, %dma_start3A_1478] : memref<262144x128xf32, #tpu.memory_space<hbm>> -> memref<262144x128xf32, #tpu.memory_space<hbm>>
    tpu.enqueue_indirect_dma source(%dma_start3A_1479 : memref<262144x128xf32, #tpu.memory_space<hbm>>) target(%dma_start3A_1473 : memref<128x128xf32, #tpu.memory_space<vmem>>) offsets(%dma_start3A_1476 : memref<128xi32, #tpu.memory_space<vmem>>) semaphore(%arg9 : memref<!tpu.dma_semaphore, #tpu.memory_space<semaphore_mem>>)
    %sub3A_1480 = arith.subi %add3A_39, %mul3A_2 : i32
    %mul3A_1481 = arith.constant 16 : i32
    %mul3A_1482 = arith.muli %sub3A_1480, %mul3A_1481 : i32
    %add3A_1483 = arith.constant 0 : i32
    %add3A_1484 = arith.addi %mul3A_1482, %add3A_1483 : i32
    %add3A_1485 = arith.constant 1 : i32
    %add3A_1486 = arith.addi %add3A_1484, %add3A_1485 : i32
    %dma_start3A_1487 = arith.constant 0 : i32
    %dma_start3A_1488 = arith.constant 128 : i32
    %dma_start3A_1489 = arith.constant 0 : i32
    %dma_start3A_1490 = tpu.memref_slice %arg7[%dma_start3A_1487, %dma_start3A_1488, %dma_start3A_1489] : memref<2x256x128xf32, #tpu.memory_space<vmem>> -> memref<1x128x128xf32, #tpu.memory_space<vmem>>
    %dma_start3A_1491 = tpu.memref_squeeze %dma_start3A_1490 : memref<1x128x128xf32, #tpu.memory_space<vmem>> -> memref<128x128xf32, #tpu.memory_space<vmem>>
    %dma_start3A_1492 = arith.constant 0 : i32
    %dma_start3A_1493 = tpu.memref_slice %arg5[%add3A_1486, %dma_start3A_1492] : memref<64x128xi32, #tpu.memory_space<vmem>> -> memref<1x128xi32, #tpu.memory_space<vmem>>
    %dma_start3A_1494 = tpu.memref_squeeze %dma_start3A_1493 : memref<1x128xi32, #tpu.memory_space<vmem>> -> memref<128xi32, #tpu.memory_space<vmem>>
    %dma_start3A_1495 = arith.constant 0 : i32
    %dma_start3A_1496 = arith.constant 0 : i32
    %dma_start3A_1497 = tpu.memref_slice %arg2[%dma_start3A_1495, %dma_start3A_1496] : memref<262144x128xf32, #tpu.memory_space<hbm>> -> memref<262144x128xf32, #tpu.memory_space<hbm>>
    tpu.enqueue_indirect_dma source(%dma_start3A_1497 : memref<262144x128xf32, #tpu.memory_space<hbm>>) target(%dma_start3A_1491 : memref<128x128xf32, #tpu.memory_space<vmem>>) offsets(%dma_start3A_1494 : memref<128xi32, #tpu.memory_space<vmem>>) semaphore(%arg9 : memref<!tpu.dma_semaphore, #tpu.memory_space<semaphore_mem>>)
    %dma_wait3A_1498 = arith.constant 1 : i32
    %dma_wait3A_1499 = arith.constant 0 : i32
    %dma_wait3A_1500 = arith.constant 0 : i32
    %dma_wait3A_1501 = tpu.memref_slice %arg7[%dma_wait3A_1498, %dma_wait3A_1499, %dma_wait3A_1500] : memref<2x256x128xf32, #tpu.memory_space<vmem>> -> memref<1x128x128xf32, #tpu.memory_space<vmem>>
    %dma_wait3A_1502 = tpu.memref_squeeze %dma_wait3A_1501 : memref<1x128x128xf32, #tpu.memory_space<vmem>> -> memref<128x128xf32, #tpu.memory_space<vmem>>
    %dma_wait3A_1503 = arith.constant 0 : i32
    %dma_wait3A_1504 = tpu.memref_slice %arg5[%add3A_1380, %dma_wait3A_1503] : memref<64x128xi32, #tpu.memory_space<vmem>> -> memref<1x128xi32, #tpu.memory_space<vmem>>
    %dma_wait3A_1505 = tpu.memref_squeeze %dma_wait3A_1504 : memref<1x128xi32, #tpu.memory_space<vmem>> -> memref<128xi32, #tpu.memory_space<vmem>>
    %dma_wait3A_1506 = arith.constant 0 : i32
    %dma_wait3A_1507 = arith.constant 0 : i32
    %dma_wait3A_1508 = tpu.memref_slice %arg2[%dma_wait3A_1506, %dma_wait3A_1507] : memref<262144x128xf32, #tpu.memory_space<hbm>> -> memref<262144x128xf32, #tpu.memory_space<hbm>>
    tpu.wait_indirect_dma semaphore(%arg9 : memref<!tpu.dma_semaphore, #tpu.memory_space<semaphore_mem>>) src(%dma_wait3A_1508 : memref<262144x128xf32, #tpu.memory_space<hbm>>) dst(%dma_wait3A_1502 : memref<128x128xf32, #tpu.memory_space<vmem>>)
    %dma_wait3A_1509 = arith.constant 1 : i32
    %dma_wait3A_1510 = arith.constant 128 : i32
    %dma_wait3A_1511 = arith.constant 0 : i32
    %dma_wait3A_1512 = tpu.memref_slice %arg7[%dma_wait3A_1509, %dma_wait3A_1510, %dma_wait3A_1511] : memref<2x256x128xf32, #tpu.memory_space<vmem>> -> memref<1x128x128xf32, #tpu.memory_space<vmem>>
    %dma_wait3A_1513 = tpu.memref_squeeze %dma_wait3A_1512 : memref<1x128x128xf32, #tpu.memory_space<vmem>> -> memref<128x128xf32, #tpu.memory_space<vmem>>
    %dma_wait3A_1514 = arith.constant 0 : i32
    %dma_wait3A_1515 = tpu.memref_slice %arg5[%add3A_1398, %dma_wait3A_1514] : memref<64x128xi32, #tpu.memory_space<vmem>> -> memref<1x128xi32, #tpu.memory_space<vmem>>
    %dma_wait3A_1516 = tpu.memref_squeeze %dma_wait3A_1515 : memref<1x128xi32, #tpu.memory_space<vmem>> -> memref<128xi32, #tpu.memory_space<vmem>>
    %dma_wait3A_1517 = arith.constant 0 : i32
    %dma_wait3A_1518 = arith.constant 0 : i32
    %dma_wait3A_1519 = tpu.memref_slice %arg2[%dma_wait3A_1517, %dma_wait3A_1518] : memref<262144x128xf32, #tpu.memory_space<hbm>> -> memref<262144x128xf32, #tpu.memory_space<hbm>>
    tpu.wait_indirect_dma semaphore(%arg9 : memref<!tpu.dma_semaphore, #tpu.memory_space<semaphore_mem>>) src(%dma_wait3A_1519 : memref<262144x128xf32, #tpu.memory_space<hbm>>) dst(%dma_wait3A_1513 : memref<128x128xf32, #tpu.memory_space<vmem>>)
    %mul3A_1520 = arith.constant 4096 : i32
    %mul3A_1521 = arith.muli %add3A_37, %mul3A_1520 : i32
    %add3A_1522 = arith.constant 1792 : i32
    %add3A_1523 = arith.addi %mul3A_1521, %add3A_1522 : i32
    %dma_start3A_1524 = arith.constant 1 : i32
    %dma_start3A_1525 = arith.constant 0 : i32
    %dma_start3A_1526 = arith.constant 0 : i32
    %dma_start3A_1527 = tpu.memref_slice %arg7[%dma_start3A_1524, %dma_start3A_1525, %dma_start3A_1526] : memref<2x256x128xf32, #tpu.memory_space<vmem>> -> memref<1x256x128xf32, #tpu.memory_space<vmem>>
    %dma_start3A_1528 = tpu.memref_squeeze %dma_start3A_1527 : memref<1x256x128xf32, #tpu.memory_space<vmem>> -> memref<256x128xf32, #tpu.memory_space<vmem>>
    %dma_start3A_1529 = arith.constant 0 : i32
    %dma_start3A_1530 = tpu.memref_slice %arg4[%add3A_1523, %dma_start3A_1529] : memref<524288x128xf32, #tpu.memory_space<hbm>> -> memref<256x128xf32, #tpu.memory_space<hbm>>
    %dma_start3A_1531 = arith.constant 0 : i32
    %dma_start3A_1532 = tpu.memref_slice %arg4[%add3A_1523, %dma_start3A_1531] : memref<524288x128xf32, #tpu.memory_space<hbm>> -> memref<256x128xf32, #tpu.memory_space<hbm>>
    %dma_start3A_1533 = arith.constant 0 : i32
    %dma_start3A_1534 = arith.constant 0 : i32
    %dma_start3A_1535 = tpu.memref_slice %arg7[%dma_start3A_1524, %dma_start3A_1533, %dma_start3A_1534] : memref<2x256x128xf32, #tpu.memory_space<vmem>> -> memref<1x256x128xf32, #tpu.memory_space<vmem>>
    %dma_start3A_1536 = tpu.memref_squeeze %dma_start3A_1535 : memref<1x256x128xf32, #tpu.memory_space<vmem>> -> memref<256x128xf32, #tpu.memory_space<vmem>>
    tpu.enqueue_dma source(%dma_start3A_1536 : memref<256x128xf32, #tpu.memory_space<vmem>>) target(%dma_start3A_1532 : memref<256x128xf32, #tpu.memory_space<hbm>>) target_semaphore(%arg10 : memref<!tpu.dma_semaphore, #tpu.memory_space<semaphore_mem>>)
    %dma_wait3A_1537 = arith.constant 1 : i32
    %dma_wait3A_1538 = arith.constant 0 : i32
    %dma_wait3A_1539 = arith.constant 0 : i32
    %dma_wait3A_1540 = tpu.memref_slice %arg7[%dma_wait3A_1537, %dma_wait3A_1538, %dma_wait3A_1539] : memref<2x256x128xf32, #tpu.memory_space<vmem>> -> memref<1x256x128xf32, #tpu.memory_space<vmem>>
    %dma_wait3A_1541 = tpu.memref_squeeze %dma_wait3A_1540 : memref<1x256x128xf32, #tpu.memory_space<vmem>> -> memref<256x128xf32, #tpu.memory_space<vmem>>
    %dma_wait3A_1542 = arith.constant 0 : i32
    %dma_wait3A_1543 = tpu.memref_slice %arg4[%add3A_1523, %dma_wait3A_1542] : memref<524288x128xf32, #tpu.memory_space<hbm>> -> memref<256x128xf32, #tpu.memory_space<hbm>>
    %dma_wait3A_1544 = arith.constant 0 : i32
    %dma_wait3A_1545 = tpu.memref_slice %arg4[%add3A_1523, %dma_wait3A_1544] : memref<524288x128xf32, #tpu.memory_space<hbm>> -> memref<256x128xf32, #tpu.memory_space<hbm>>
    %dma_wait3A_1546 = arith.constant 0 : i32
    %dma_wait3A_1547 = arith.constant 0 : i32
    %dma_wait3A_1548 = tpu.memref_slice %arg7[%dma_wait3A_1537, %dma_wait3A_1546, %dma_wait3A_1547] : memref<2x256x128xf32, #tpu.memory_space<vmem>> -> memref<1x256x128xf32, #tpu.memory_space<vmem>>
    %dma_wait3A_1549 = tpu.memref_squeeze %dma_wait3A_1548 : memref<1x256x128xf32, #tpu.memory_space<vmem>> -> memref<256x128xf32, #tpu.memory_space<vmem>>
    tpu.wait_dma2 semaphore(%arg10 : memref<!tpu.dma_semaphore, #tpu.memory_space<semaphore_mem>>) src(%dma_wait3A_1549 : memref<256x128xf32, #tpu.memory_space<vmem>>) dst(%dma_wait3A_1545 : memref<256x128xf32, #tpu.memory_space<hbm>>)
    %sub3A_1550 = arith.subi %add3A_41, %mul3A_2 : i32
    %mul3A_1551 = arith.constant 16 : i32
    %mul3A_1552 = arith.muli %sub3A_1550, %mul3A_1551 : i32
    %add3A_1553 = arith.constant 2 : i32
    %add3A_1554 = arith.addi %mul3A_1552, %add3A_1553 : i32
    %add3A_1555 = arith.constant 0 : i32
    %add3A_1556 = arith.addi %add3A_1554, %add3A_1555 : i32
    %dma_start3A_1557 = arith.constant 1 : i32
    %dma_start3A_1558 = arith.constant 0 : i32
    %dma_start3A_1559 = arith.constant 0 : i32
    %dma_start3A_1560 = tpu.memref_slice %arg7[%dma_start3A_1557, %dma_start3A_1558, %dma_start3A_1559] : memref<2x256x128xf32, #tpu.memory_space<vmem>> -> memref<1x128x128xf32, #tpu.memory_space<vmem>>
    %dma_start3A_1561 = tpu.memref_squeeze %dma_start3A_1560 : memref<1x128x128xf32, #tpu.memory_space<vmem>> -> memref<128x128xf32, #tpu.memory_space<vmem>>
    %dma_start3A_1562 = arith.constant 0 : i32
    %dma_start3A_1563 = tpu.memref_slice %arg5[%add3A_1556, %dma_start3A_1562] : memref<64x128xi32, #tpu.memory_space<vmem>> -> memref<1x128xi32, #tpu.memory_space<vmem>>
    %dma_start3A_1564 = tpu.memref_squeeze %dma_start3A_1563 : memref<1x128xi32, #tpu.memory_space<vmem>> -> memref<128xi32, #tpu.memory_space<vmem>>
    %dma_start3A_1565 = arith.constant 0 : i32
    %dma_start3A_1566 = arith.constant 0 : i32
    %dma_start3A_1567 = tpu.memref_slice %arg2[%dma_start3A_1565, %dma_start3A_1566] : memref<262144x128xf32, #tpu.memory_space<hbm>> -> memref<262144x128xf32, #tpu.memory_space<hbm>>
    tpu.enqueue_indirect_dma source(%dma_start3A_1567 : memref<262144x128xf32, #tpu.memory_space<hbm>>) target(%dma_start3A_1561 : memref<128x128xf32, #tpu.memory_space<vmem>>) offsets(%dma_start3A_1564 : memref<128xi32, #tpu.memory_space<vmem>>) semaphore(%arg9 : memref<!tpu.dma_semaphore, #tpu.memory_space<semaphore_mem>>)
    %sub3A_1568 = arith.subi %add3A_41, %mul3A_2 : i32
    %mul3A_1569 = arith.constant 16 : i32
    %mul3A_1570 = arith.muli %sub3A_1568, %mul3A_1569 : i32
    %add3A_1571 = arith.constant 2 : i32
    %add3A_1572 = arith.addi %mul3A_1570, %add3A_1571 : i32
    %add3A_1573 = arith.constant 1 : i32
    %add3A_1574 = arith.addi %add3A_1572, %add3A_1573 : i32
    %dma_start3A_1575 = arith.constant 1 : i32
    %dma_start3A_1576 = arith.constant 128 : i32
    %dma_start3A_1577 = arith.constant 0 : i32
    %dma_start3A_1578 = tpu.memref_slice %arg7[%dma_start3A_1575, %dma_start3A_1576, %dma_start3A_1577] : memref<2x256x128xf32, #tpu.memory_space<vmem>> -> memref<1x128x128xf32, #tpu.memory_space<vmem>>
    %dma_start3A_1579 = tpu.memref_squeeze %dma_start3A_1578 : memref<1x128x128xf32, #tpu.memory_space<vmem>> -> memref<128x128xf32, #tpu.memory_space<vmem>>
    %dma_start3A_1580 = arith.constant 0 : i32
    %dma_start3A_1581 = tpu.memref_slice %arg5[%add3A_1574, %dma_start3A_1580] : memref<64x128xi32, #tpu.memory_space<vmem>> -> memref<1x128xi32, #tpu.memory_space<vmem>>
    %dma_start3A_1582 = tpu.memref_squeeze %dma_start3A_1581 : memref<1x128xi32, #tpu.memory_space<vmem>> -> memref<128xi32, #tpu.memory_space<vmem>>
    %dma_start3A_1583 = arith.constant 0 : i32
    %dma_start3A_1584 = arith.constant 0 : i32
    %dma_start3A_1585 = tpu.memref_slice %arg2[%dma_start3A_1583, %dma_start3A_1584] : memref<262144x128xf32, #tpu.memory_space<hbm>> -> memref<262144x128xf32, #tpu.memory_space<hbm>>
    tpu.enqueue_indirect_dma source(%dma_start3A_1585 : memref<262144x128xf32, #tpu.memory_space<hbm>>) target(%dma_start3A_1579 : memref<128x128xf32, #tpu.memory_space<vmem>>) offsets(%dma_start3A_1582 : memref<128xi32, #tpu.memory_space<vmem>>) semaphore(%arg9 : memref<!tpu.dma_semaphore, #tpu.memory_space<semaphore_mem>>)
    %dma_wait3A_1586 = arith.constant 0 : i32
    %dma_wait3A_1587 = arith.constant 0 : i32
    %dma_wait3A_1588 = arith.constant 0 : i32
    %dma_wait3A_1589 = tpu.memref_slice %arg7[%dma_wait3A_1586, %dma_wait3A_1587, %dma_wait3A_1588] : memref<2x256x128xf32, #tpu.memory_space<vmem>> -> memref<1x128x128xf32, #tpu.memory_space<vmem>>
    %dma_wait3A_1590 = tpu.memref_squeeze %dma_wait3A_1589 : memref<1x128x128xf32, #tpu.memory_space<vmem>> -> memref<128x128xf32, #tpu.memory_space<vmem>>
    %dma_wait3A_1591 = arith.constant 0 : i32
    %dma_wait3A_1592 = tpu.memref_slice %arg5[%add3A_1468, %dma_wait3A_1591] : memref<64x128xi32, #tpu.memory_space<vmem>> -> memref<1x128xi32, #tpu.memory_space<vmem>>
    %dma_wait3A_1593 = tpu.memref_squeeze %dma_wait3A_1592 : memref<1x128xi32, #tpu.memory_space<vmem>> -> memref<128xi32, #tpu.memory_space<vmem>>
    %dma_wait3A_1594 = arith.constant 0 : i32
    %dma_wait3A_1595 = arith.constant 0 : i32
    %dma_wait3A_1596 = tpu.memref_slice %arg2[%dma_wait3A_1594, %dma_wait3A_1595] : memref<262144x128xf32, #tpu.memory_space<hbm>> -> memref<262144x128xf32, #tpu.memory_space<hbm>>
    tpu.wait_indirect_dma semaphore(%arg9 : memref<!tpu.dma_semaphore, #tpu.memory_space<semaphore_mem>>) src(%dma_wait3A_1596 : memref<262144x128xf32, #tpu.memory_space<hbm>>) dst(%dma_wait3A_1590 : memref<128x128xf32, #tpu.memory_space<vmem>>)
    %dma_wait3A_1597 = arith.constant 0 : i32
    %dma_wait3A_1598 = arith.constant 128 : i32
    %dma_wait3A_1599 = arith.constant 0 : i32
    %dma_wait3A_1600 = tpu.memref_slice %arg7[%dma_wait3A_1597, %dma_wait3A_1598, %dma_wait3A_1599] : memref<2x256x128xf32, #tpu.memory_space<vmem>> -> memref<1x128x128xf32, #tpu.memory_space<vmem>>
    %dma_wait3A_1601 = tpu.memref_squeeze %dma_wait3A_1600 : memref<1x128x128xf32, #tpu.memory_space<vmem>> -> memref<128x128xf32, #tpu.memory_space<vmem>>
    %dma_wait3A_1602 = arith.constant 0 : i32
    %dma_wait3A_1603 = tpu.memref_slice %arg5[%add3A_1486, %dma_wait3A_1602] : memref<64x128xi32, #tpu.memory_space<vmem>> -> memref<1x128xi32, #tpu.memory_space<vmem>>
    %dma_wait3A_1604 = tpu.memref_squeeze %dma_wait3A_1603 : memref<1x128xi32, #tpu.memory_space<vmem>> -> memref<128xi32, #tpu.memory_space<vmem>>
    %dma_wait3A_1605 = arith.constant 0 : i32
    %dma_wait3A_1606 = arith.constant 0 : i32
    %dma_wait3A_1607 = tpu.memref_slice %arg2[%dma_wait3A_1605, %dma_wait3A_1606] : memref<262144x128xf32, #tpu.memory_space<hbm>> -> memref<262144x128xf32, #tpu.memory_space<hbm>>
    tpu.wait_indirect_dma semaphore(%arg9 : memref<!tpu.dma_semaphore, #tpu.memory_space<semaphore_mem>>) src(%dma_wait3A_1607 : memref<262144x128xf32, #tpu.memory_space<hbm>>) dst(%dma_wait3A_1601 : memref<128x128xf32, #tpu.memory_space<vmem>>)
    %mul3A_1608 = arith.constant 4096 : i32
    %mul3A_1609 = arith.muli %add3A_39, %mul3A_1608 : i32
    %add3A_1610 = arith.constant 0 : i32
    %add3A_1611 = arith.addi %mul3A_1609, %add3A_1610 : i32
    %dma_start3A_1612 = arith.constant 0 : i32
    %dma_start3A_1613 = arith.constant 0 : i32
    %dma_start3A_1614 = arith.constant 0 : i32
    %dma_start3A_1615 = tpu.memref_slice %arg7[%dma_start3A_1612, %dma_start3A_1613, %dma_start3A_1614] : memref<2x256x128xf32, #tpu.memory_space<vmem>> -> memref<1x256x128xf32, #tpu.memory_space<vmem>>
    %dma_start3A_1616 = tpu.memref_squeeze %dma_start3A_1615 : memref<1x256x128xf32, #tpu.memory_space<vmem>> -> memref<256x128xf32, #tpu.memory_space<vmem>>
    %dma_start3A_1617 = arith.constant 0 : i32
    %dma_start3A_1618 = tpu.memref_slice %arg4[%add3A_1611, %dma_start3A_1617] : memref<524288x128xf32, #tpu.memory_space<hbm>> -> memref<256x128xf32, #tpu.memory_space<hbm>>
    %dma_start3A_1619 = arith.constant 0 : i32
    %dma_start3A_1620 = tpu.memref_slice %arg4[%add3A_1611, %dma_start3A_1619] : memref<524288x128xf32, #tpu.memory_space<hbm>> -> memref<256x128xf32, #tpu.memory_space<hbm>>
    %dma_start3A_1621 = arith.constant 0 : i32
    %dma_start3A_1622 = arith.constant 0 : i32
    %dma_start3A_1623 = tpu.memref_slice %arg7[%dma_start3A_1612, %dma_start3A_1621, %dma_start3A_1622] : memref<2x256x128xf32, #tpu.memory_space<vmem>> -> memref<1x256x128xf32, #tpu.memory_space<vmem>>
    %dma_start3A_1624 = tpu.memref_squeeze %dma_start3A_1623 : memref<1x256x128xf32, #tpu.memory_space<vmem>> -> memref<256x128xf32, #tpu.memory_space<vmem>>
    tpu.enqueue_dma source(%dma_start3A_1624 : memref<256x128xf32, #tpu.memory_space<vmem>>) target(%dma_start3A_1620 : memref<256x128xf32, #tpu.memory_space<hbm>>) target_semaphore(%arg10 : memref<!tpu.dma_semaphore, #tpu.memory_space<semaphore_mem>>)
    %dma_wait3A_1625 = arith.constant 0 : i32
    %dma_wait3A_1626 = arith.constant 0 : i32
    %dma_wait3A_1627 = arith.constant 0 : i32
    %dma_wait3A_1628 = tpu.memref_slice %arg7[%dma_wait3A_1625, %dma_wait3A_1626, %dma_wait3A_1627] : memref<2x256x128xf32, #tpu.memory_space<vmem>> -> memref<1x256x128xf32, #tpu.memory_space<vmem>>
    %dma_wait3A_1629 = tpu.memref_squeeze %dma_wait3A_1628 : memref<1x256x128xf32, #tpu.memory_space<vmem>> -> memref<256x128xf32, #tpu.memory_space<vmem>>
    %dma_wait3A_1630 = arith.constant 0 : i32
    %dma_wait3A_1631 = tpu.memref_slice %arg4[%add3A_1611, %dma_wait3A_1630] : memref<524288x128xf32, #tpu.memory_space<hbm>> -> memref<256x128xf32, #tpu.memory_space<hbm>>
    %dma_wait3A_1632 = arith.constant 0 : i32
    %dma_wait3A_1633 = tpu.memref_slice %arg4[%add3A_1611, %dma_wait3A_1632] : memref<524288x128xf32, #tpu.memory_space<hbm>> -> memref<256x128xf32, #tpu.memory_space<hbm>>
    %dma_wait3A_1634 = arith.constant 0 : i32
    %dma_wait3A_1635 = arith.constant 0 : i32
    %dma_wait3A_1636 = tpu.memref_slice %arg7[%dma_wait3A_1625, %dma_wait3A_1634, %dma_wait3A_1635] : memref<2x256x128xf32, #tpu.memory_space<vmem>> -> memref<1x256x128xf32, #tpu.memory_space<vmem>>
    %dma_wait3A_1637 = tpu.memref_squeeze %dma_wait3A_1636 : memref<1x256x128xf32, #tpu.memory_space<vmem>> -> memref<256x128xf32, #tpu.memory_space<vmem>>
    tpu.wait_dma2 semaphore(%arg10 : memref<!tpu.dma_semaphore, #tpu.memory_space<semaphore_mem>>) src(%dma_wait3A_1637 : memref<256x128xf32, #tpu.memory_space<vmem>>) dst(%dma_wait3A_1633 : memref<256x128xf32, #tpu.memory_space<hbm>>)
    %sub3A_1638 = arith.subi %add3A_43, %mul3A_2 : i32
    %mul3A_1639 = arith.constant 16 : i32
    %mul3A_1640 = arith.muli %sub3A_1638, %mul3A_1639 : i32
    %add3A_1641 = arith.constant 4 : i32
    %add3A_1642 = arith.addi %mul3A_1640, %add3A_1641 : i32
    %add3A_1643 = arith.constant 0 : i32
    %add3A_1644 = arith.addi %add3A_1642, %add3A_1643 : i32
    %dma_start3A_1645 = arith.constant 0 : i32
    %dma_start3A_1646 = arith.constant 0 : i32
    %dma_start3A_1647 = arith.constant 0 : i32
    %dma_start3A_1648 = tpu.memref_slice %arg7[%dma_start3A_1645, %dma_start3A_1646, %dma_start3A_1647] : memref<2x256x128xf32, #tpu.memory_space<vmem>> -> memref<1x128x128xf32, #tpu.memory_space<vmem>>
    %dma_start3A_1649 = tpu.memref_squeeze %dma_start3A_1648 : memref<1x128x128xf32, #tpu.memory_space<vmem>> -> memref<128x128xf32, #tpu.memory_space<vmem>>
    %dma_start3A_1650 = arith.constant 0 : i32
    %dma_start3A_1651 = tpu.memref_slice %arg5[%add3A_1644, %dma_start3A_1650] : memref<64x128xi32, #tpu.memory_space<vmem>> -> memref<1x128xi32, #tpu.memory_space<vmem>>
    %dma_start3A_1652 = tpu.memref_squeeze %dma_start3A_1651 : memref<1x128xi32, #tpu.memory_space<vmem>> -> memref<128xi32, #tpu.memory_space<vmem>>
    %dma_start3A_1653 = arith.constant 0 : i32
    %dma_start3A_1654 = arith.constant 0 : i32
    %dma_start3A_1655 = tpu.memref_slice %arg2[%dma_start3A_1653, %dma_start3A_1654] : memref<262144x128xf32, #tpu.memory_space<hbm>> -> memref<262144x128xf32, #tpu.memory_space<hbm>>
    tpu.enqueue_indirect_dma source(%dma_start3A_1655 : memref<262144x128xf32, #tpu.memory_space<hbm>>) target(%dma_start3A_1649 : memref<128x128xf32, #tpu.memory_space<vmem>>) offsets(%dma_start3A_1652 : memref<128xi32, #tpu.memory_space<vmem>>) semaphore(%arg9 : memref<!tpu.dma_semaphore, #tpu.memory_space<semaphore_mem>>)
    %sub3A_1656 = arith.subi %add3A_43, %mul3A_2 : i32
    %mul3A_1657 = arith.constant 16 : i32
    %mul3A_1658 = arith.muli %sub3A_1656, %mul3A_1657 : i32
    %add3A_1659 = arith.constant 4 : i32
    %add3A_1660 = arith.addi %mul3A_1658, %add3A_1659 : i32
    %add3A_1661 = arith.constant 1 : i32
    %add3A_1662 = arith.addi %add3A_1660, %add3A_1661 : i32
    %dma_start3A_1663 = arith.constant 0 : i32
    %dma_start3A_1664 = arith.constant 128 : i32
    %dma_start3A_1665 = arith.constant 0 : i32
    %dma_start3A_1666 = tpu.memref_slice %arg7[%dma_start3A_1663, %dma_start3A_1664, %dma_start3A_1665] : memref<2x256x128xf32, #tpu.memory_space<vmem>> -> memref<1x128x128xf32, #tpu.memory_space<vmem>>
    %dma_start3A_1667 = tpu.memref_squeeze %dma_start3A_1666 : memref<1x128x128xf32, #tpu.memory_space<vmem>> -> memref<128x128xf32, #tpu.memory_space<vmem>>
    %dma_start3A_1668 = arith.constant 0 : i32
    %dma_start3A_1669 = tpu.memref_slice %arg5[%add3A_1662, %dma_start3A_1668] : memref<64x128xi32, #tpu.memory_space<vmem>> -> memref<1x128xi32, #tpu.memory_space<vmem>>
    %dma_start3A_1670 = tpu.memref_squeeze %dma_start3A_1669 : memref<1x128xi32, #tpu.memory_space<vmem>> -> memref<128xi32, #tpu.memory_space<vmem>>
    %dma_start3A_1671 = arith.constant 0 : i32
    %dma_start3A_1672 = arith.constant 0 : i32
    %dma_start3A_1673 = tpu.memref_slice %arg2[%dma_start3A_1671, %dma_start3A_1672] : memref<262144x128xf32, #tpu.memory_space<hbm>> -> memref<262144x128xf32, #tpu.memory_space<hbm>>
    tpu.enqueue_indirect_dma source(%dma_start3A_1673 : memref<262144x128xf32, #tpu.memory_space<hbm>>) target(%dma_start3A_1667 : memref<128x128xf32, #tpu.memory_space<vmem>>) offsets(%dma_start3A_1670 : memref<128xi32, #tpu.memory_space<vmem>>) semaphore(%arg9 : memref<!tpu.dma_semaphore, #tpu.memory_space<semaphore_mem>>)
    %dma_wait3A_1674 = arith.constant 1 : i32
    %dma_wait3A_1675 = arith.constant 0 : i32
    %dma_wait3A_1676 = arith.constant 0 : i32
    %dma_wait3A_1677 = tpu.memref_slice %arg7[%dma_wait3A_1674, %dma_wait3A_1675, %dma_wait3A_1676] : memref<2x256x128xf32, #tpu.memory_space<vmem>> -> memref<1x128x128xf32, #tpu.memory_space<vmem>>
    %dma_wait3A_1678 = tpu.memref_squeeze %dma_wait3A_1677 : memref<1x128x128xf32, #tpu.memory_space<vmem>> -> memref<128x128xf32, #tpu.memory_space<vmem>>
    %dma_wait3A_1679 = arith.constant 0 : i32
    %dma_wait3A_1680 = tpu.memref_slice %arg5[%add3A_1556, %dma_wait3A_1679] : memref<64x128xi32, #tpu.memory_space<vmem>> -> memref<1x128xi32, #tpu.memory_space<vmem>>
    %dma_wait3A_1681 = tpu.memref_squeeze %dma_wait3A_1680 : memref<1x128xi32, #tpu.memory_space<vmem>> -> memref<128xi32, #tpu.memory_space<vmem>>
    %dma_wait3A_1682 = arith.constant 0 : i32
    %dma_wait3A_1683 = arith.constant 0 : i32
    %dma_wait3A_1684 = tpu.memref_slice %arg2[%dma_wait3A_1682, %dma_wait3A_1683] : memref<262144x128xf32, #tpu.memory_space<hbm>> -> memref<262144x128xf32, #tpu.memory_space<hbm>>
    tpu.wait_indirect_dma semaphore(%arg9 : memref<!tpu.dma_semaphore, #tpu.memory_space<semaphore_mem>>) src(%dma_wait3A_1684 : memref<262144x128xf32, #tpu.memory_space<hbm>>) dst(%dma_wait3A_1678 : memref<128x128xf32, #tpu.memory_space<vmem>>)
    %dma_wait3A_1685 = arith.constant 1 : i32
    %dma_wait3A_1686 = arith.constant 128 : i32
    %dma_wait3A_1687 = arith.constant 0 : i32
    %dma_wait3A_1688 = tpu.memref_slice %arg7[%dma_wait3A_1685, %dma_wait3A_1686, %dma_wait3A_1687] : memref<2x256x128xf32, #tpu.memory_space<vmem>> -> memref<1x128x128xf32, #tpu.memory_space<vmem>>
    %dma_wait3A_1689 = tpu.memref_squeeze %dma_wait3A_1688 : memref<1x128x128xf32, #tpu.memory_space<vmem>> -> memref<128x128xf32, #tpu.memory_space<vmem>>
    %dma_wait3A_1690 = arith.constant 0 : i32
    %dma_wait3A_1691 = tpu.memref_slice %arg5[%add3A_1574, %dma_wait3A_1690] : memref<64x128xi32, #tpu.memory_space<vmem>> -> memref<1x128xi32, #tpu.memory_space<vmem>>
    %dma_wait3A_1692 = tpu.memref_squeeze %dma_wait3A_1691 : memref<1x128xi32, #tpu.memory_space<vmem>> -> memref<128xi32, #tpu.memory_space<vmem>>
    %dma_wait3A_1693 = arith.constant 0 : i32
    %dma_wait3A_1694 = arith.constant 0 : i32
    %dma_wait3A_1695 = tpu.memref_slice %arg2[%dma_wait3A_1693, %dma_wait3A_1694] : memref<262144x128xf32, #tpu.memory_space<hbm>> -> memref<262144x128xf32, #tpu.memory_space<hbm>>
    tpu.wait_indirect_dma semaphore(%arg9 : memref<!tpu.dma_semaphore, #tpu.memory_space<semaphore_mem>>) src(%dma_wait3A_1695 : memref<262144x128xf32, #tpu.memory_space<hbm>>) dst(%dma_wait3A_1689 : memref<128x128xf32, #tpu.memory_space<vmem>>)
    %mul3A_1696 = arith.constant 4096 : i32
    %mul3A_1697 = arith.muli %add3A_41, %mul3A_1696 : i32
    %add3A_1698 = arith.constant 256 : i32
    %add3A_1699 = arith.addi %mul3A_1697, %add3A_1698 : i32
    %dma_start3A_1700 = arith.constant 1 : i32
    %dma_start3A_1701 = arith.constant 0 : i32
    %dma_start3A_1702 = arith.constant 0 : i32
    %dma_start3A_1703 = tpu.memref_slice %arg7[%dma_start3A_1700, %dma_start3A_1701, %dma_start3A_1702] : memref<2x256x128xf32, #tpu.memory_space<vmem>> -> memref<1x256x128xf32, #tpu.memory_space<vmem>>
    %dma_start3A_1704 = tpu.memref_squeeze %dma_start3A_1703 : memref<1x256x128xf32, #tpu.memory_space<vmem>> -> memref<256x128xf32, #tpu.memory_space<vmem>>
    %dma_start3A_1705 = arith.constant 0 : i32
    %dma_start3A_1706 = tpu.memref_slice %arg4[%add3A_1699, %dma_start3A_1705] : memref<524288x128xf32, #tpu.memory_space<hbm>> -> memref<256x128xf32, #tpu.memory_space<hbm>>
    %dma_start3A_1707 = arith.constant 0 : i32
    %dma_start3A_1708 = tpu.memref_slice %arg4[%add3A_1699, %dma_start3A_1707] : memref<524288x128xf32, #tpu.memory_space<hbm>> -> memref<256x128xf32, #tpu.memory_space<hbm>>
    %dma_start3A_1709 = arith.constant 0 : i32
    %dma_start3A_1710 = arith.constant 0 : i32
    %dma_start3A_1711 = tpu.memref_slice %arg7[%dma_start3A_1700, %dma_start3A_1709, %dma_start3A_1710] : memref<2x256x128xf32, #tpu.memory_space<vmem>> -> memref<1x256x128xf32, #tpu.memory_space<vmem>>
    %dma_start3A_1712 = tpu.memref_squeeze %dma_start3A_1711 : memref<1x256x128xf32, #tpu.memory_space<vmem>> -> memref<256x128xf32, #tpu.memory_space<vmem>>
    tpu.enqueue_dma source(%dma_start3A_1712 : memref<256x128xf32, #tpu.memory_space<vmem>>) target(%dma_start3A_1708 : memref<256x128xf32, #tpu.memory_space<hbm>>) target_semaphore(%arg10 : memref<!tpu.dma_semaphore, #tpu.memory_space<semaphore_mem>>)
    %dma_wait3A_1713 = arith.constant 1 : i32
    %dma_wait3A_1714 = arith.constant 0 : i32
    %dma_wait3A_1715 = arith.constant 0 : i32
    %dma_wait3A_1716 = tpu.memref_slice %arg7[%dma_wait3A_1713, %dma_wait3A_1714, %dma_wait3A_1715] : memref<2x256x128xf32, #tpu.memory_space<vmem>> -> memref<1x256x128xf32, #tpu.memory_space<vmem>>
    %dma_wait3A_1717 = tpu.memref_squeeze %dma_wait3A_1716 : memref<1x256x128xf32, #tpu.memory_space<vmem>> -> memref<256x128xf32, #tpu.memory_space<vmem>>
    %dma_wait3A_1718 = arith.constant 0 : i32
    %dma_wait3A_1719 = tpu.memref_slice %arg4[%add3A_1699, %dma_wait3A_1718] : memref<524288x128xf32, #tpu.memory_space<hbm>> -> memref<256x128xf32, #tpu.memory_space<hbm>>
    %dma_wait3A_1720 = arith.constant 0 : i32
    %dma_wait3A_1721 = tpu.memref_slice %arg4[%add3A_1699, %dma_wait3A_1720] : memref<524288x128xf32, #tpu.memory_space<hbm>> -> memref<256x128xf32, #tpu.memory_space<hbm>>
    %dma_wait3A_1722 = arith.constant 0 : i32
    %dma_wait3A_1723 = arith.constant 0 : i32
    %dma_wait3A_1724 = tpu.memref_slice %arg7[%dma_wait3A_1713, %dma_wait3A_1722, %dma_wait3A_1723] : memref<2x256x128xf32, #tpu.memory_space<vmem>> -> memref<1x256x128xf32, #tpu.memory_space<vmem>>
    %dma_wait3A_1725 = tpu.memref_squeeze %dma_wait3A_1724 : memref<1x256x128xf32, #tpu.memory_space<vmem>> -> memref<256x128xf32, #tpu.memory_space<vmem>>
    tpu.wait_dma2 semaphore(%arg10 : memref<!tpu.dma_semaphore, #tpu.memory_space<semaphore_mem>>) src(%dma_wait3A_1725 : memref<256x128xf32, #tpu.memory_space<vmem>>) dst(%dma_wait3A_1721 : memref<256x128xf32, #tpu.memory_space<hbm>>)
    %sub3A_1726 = arith.subi %add3A_45, %mul3A_2 : i32
    %mul3A_1727 = arith.constant 16 : i32
    %mul3A_1728 = arith.muli %sub3A_1726, %mul3A_1727 : i32
    %add3A_1729 = arith.constant 6 : i32
    %add3A_1730 = arith.addi %mul3A_1728, %add3A_1729 : i32
    %add3A_1731 = arith.constant 0 : i32
    %add3A_1732 = arith.addi %add3A_1730, %add3A_1731 : i32
    %dma_start3A_1733 = arith.constant 1 : i32
    %dma_start3A_1734 = arith.constant 0 : i32
    %dma_start3A_1735 = arith.constant 0 : i32
    %dma_start3A_1736 = tpu.memref_slice %arg7[%dma_start3A_1733, %dma_start3A_1734, %dma_start3A_1735] : memref<2x256x128xf32, #tpu.memory_space<vmem>> -> memref<1x128x128xf32, #tpu.memory_space<vmem>>
    %dma_start3A_1737 = tpu.memref_squeeze %dma_start3A_1736 : memref<1x128x128xf32, #tpu.memory_space<vmem>> -> memref<128x128xf32, #tpu.memory_space<vmem>>
    %dma_start3A_1738 = arith.constant 0 : i32
    %dma_start3A_1739 = tpu.memref_slice %arg5[%add3A_1732, %dma_start3A_1738] : memref<64x128xi32, #tpu.memory_space<vmem>> -> memref<1x128xi32, #tpu.memory_space<vmem>>
    %dma_start3A_1740 = tpu.memref_squeeze %dma_start3A_1739 : memref<1x128xi32, #tpu.memory_space<vmem>> -> memref<128xi32, #tpu.memory_space<vmem>>
    %dma_start3A_1741 = arith.constant 0 : i32
    %dma_start3A_1742 = arith.constant 0 : i32
    %dma_start3A_1743 = tpu.memref_slice %arg2[%dma_start3A_1741, %dma_start3A_1742] : memref<262144x128xf32, #tpu.memory_space<hbm>> -> memref<262144x128xf32, #tpu.memory_space<hbm>>
    tpu.enqueue_indirect_dma source(%dma_start3A_1743 : memref<262144x128xf32, #tpu.memory_space<hbm>>) target(%dma_start3A_1737 : memref<128x128xf32, #tpu.memory_space<vmem>>) offsets(%dma_start3A_1740 : memref<128xi32, #tpu.memory_space<vmem>>) semaphore(%arg9 : memref<!tpu.dma_semaphore, #tpu.memory_space<semaphore_mem>>)
    %sub3A_1744 = arith.subi %add3A_45, %mul3A_2 : i32
    %mul3A_1745 = arith.constant 16 : i32
    %mul3A_1746 = arith.muli %sub3A_1744, %mul3A_1745 : i32
    %add3A_1747 = arith.constant 6 : i32
    %add3A_1748 = arith.addi %mul3A_1746, %add3A_1747 : i32
    %add3A_1749 = arith.constant 1 : i32
    %add3A_1750 = arith.addi %add3A_1748, %add3A_1749 : i32
    %dma_start3A_1751 = arith.constant 1 : i32
    %dma_start3A_1752 = arith.constant 128 : i32
    %dma_start3A_1753 = arith.constant 0 : i32
    %dma_start3A_1754 = tpu.memref_slice %arg7[%dma_start3A_1751, %dma_start3A_1752, %dma_start3A_1753] : memref<2x256x128xf32, #tpu.memory_space<vmem>> -> memref<1x128x128xf32, #tpu.memory_space<vmem>>
    %dma_start3A_1755 = tpu.memref_squeeze %dma_start3A_1754 : memref<1x128x128xf32, #tpu.memory_space<vmem>> -> memref<128x128xf32, #tpu.memory_space<vmem>>
    %dma_start3A_1756 = arith.constant 0 : i32
    %dma_start3A_1757 = tpu.memref_slice %arg5[%add3A_1750, %dma_start3A_1756] : memref<64x128xi32, #tpu.memory_space<vmem>> -> memref<1x128xi32, #tpu.memory_space<vmem>>
    %dma_start3A_1758 = tpu.memref_squeeze %dma_start3A_1757 : memref<1x128xi32, #tpu.memory_space<vmem>> -> memref<128xi32, #tpu.memory_space<vmem>>
    %dma_start3A_1759 = arith.constant 0 : i32
    %dma_start3A_1760 = arith.constant 0 : i32
    %dma_start3A_1761 = tpu.memref_slice %arg2[%dma_start3A_1759, %dma_start3A_1760] : memref<262144x128xf32, #tpu.memory_space<hbm>> -> memref<262144x128xf32, #tpu.memory_space<hbm>>
    tpu.enqueue_indirect_dma source(%dma_start3A_1761 : memref<262144x128xf32, #tpu.memory_space<hbm>>) target(%dma_start3A_1755 : memref<128x128xf32, #tpu.memory_space<vmem>>) offsets(%dma_start3A_1758 : memref<128xi32, #tpu.memory_space<vmem>>) semaphore(%arg9 : memref<!tpu.dma_semaphore, #tpu.memory_space<semaphore_mem>>)
    %dma_wait3A_1762 = arith.constant 0 : i32
    %dma_wait3A_1763 = arith.constant 0 : i32
    %dma_wait3A_1764 = arith.constant 0 : i32
    %dma_wait3A_1765 = tpu.memref_slice %arg7[%dma_wait3A_1762, %dma_wait3A_1763, %dma_wait3A_1764] : memref<2x256x128xf32, #tpu.memory_space<vmem>> -> memref<1x128x128xf32, #tpu.memory_space<vmem>>
    %dma_wait3A_1766 = tpu.memref_squeeze %dma_wait3A_1765 : memref<1x128x128xf32, #tpu.memory_space<vmem>> -> memref<128x128xf32, #tpu.memory_space<vmem>>
    %dma_wait3A_1767 = arith.constant 0 : i32
    %dma_wait3A_1768 = tpu.memref_slice %arg5[%add3A_1644, %dma_wait3A_1767] : memref<64x128xi32, #tpu.memory_space<vmem>> -> memref<1x128xi32, #tpu.memory_space<vmem>>
    %dma_wait3A_1769 = tpu.memref_squeeze %dma_wait3A_1768 : memref<1x128xi32, #tpu.memory_space<vmem>> -> memref<128xi32, #tpu.memory_space<vmem>>
    %dma_wait3A_1770 = arith.constant 0 : i32
    %dma_wait3A_1771 = arith.constant 0 : i32
    %dma_wait3A_1772 = tpu.memref_slice %arg2[%dma_wait3A_1770, %dma_wait3A_1771] : memref<262144x128xf32, #tpu.memory_space<hbm>> -> memref<262144x128xf32, #tpu.memory_space<hbm>>
    tpu.wait_indirect_dma semaphore(%arg9 : memref<!tpu.dma_semaphore, #tpu.memory_space<semaphore_mem>>) src(%dma_wait3A_1772 : memref<262144x128xf32, #tpu.memory_space<hbm>>) dst(%dma_wait3A_1766 : memref<128x128xf32, #tpu.memory_space<vmem>>)
    %dma_wait3A_1773 = arith.constant 0 : i32
    %dma_wait3A_1774 = arith.constant 128 : i32
    %dma_wait3A_1775 = arith.constant 0 : i32
    %dma_wait3A_1776 = tpu.memref_slice %arg7[%dma_wait3A_1773, %dma_wait3A_1774, %dma_wait3A_1775] : memref<2x256x128xf32, #tpu.memory_space<vmem>> -> memref<1x128x128xf32, #tpu.memory_space<vmem>>
    %dma_wait3A_1777 = tpu.memref_squeeze %dma_wait3A_1776 : memref<1x128x128xf32, #tpu.memory_space<vmem>> -> memref<128x128xf32, #tpu.memory_space<vmem>>
    %dma_wait3A_1778 = arith.constant 0 : i32
    %dma_wait3A_1779 = tpu.memref_slice %arg5[%add3A_1662, %dma_wait3A_1778] : memref<64x128xi32, #tpu.memory_space<vmem>> -> memref<1x128xi32, #tpu.memory_space<vmem>>
    %dma_wait3A_1780 = tpu.memref_squeeze %dma_wait3A_1779 : memref<1x128xi32, #tpu.memory_space<vmem>> -> memref<128xi32, #tpu.memory_space<vmem>>
    %dma_wait3A_1781 = arith.constant 0 : i32
    %dma_wait3A_1782 = arith.constant 0 : i32
    %dma_wait3A_1783 = tpu.memref_slice %arg2[%dma_wait3A_1781, %dma_wait3A_1782] : memref<262144x128xf32, #tpu.memory_space<hbm>> -> memref<262144x128xf32, #tpu.memory_space<hbm>>
    tpu.wait_indirect_dma semaphore(%arg9 : memref<!tpu.dma_semaphore, #tpu.memory_space<semaphore_mem>>) src(%dma_wait3A_1783 : memref<262144x128xf32, #tpu.memory_space<hbm>>) dst(%dma_wait3A_1777 : memref<128x128xf32, #tpu.memory_space<vmem>>)
    %mul3A_1784 = arith.constant 4096 : i32
    %mul3A_1785 = arith.muli %add3A_43, %mul3A_1784 : i32
    %add3A_1786 = arith.constant 512 : i32
    %add3A_1787 = arith.addi %mul3A_1785, %add3A_1786 : i32
    %dma_start3A_1788 = arith.constant 0 : i32
    %dma_start3A_1789 = arith.constant 0 : i32
    %dma_start3A_1790 = arith.constant 0 : i32
    %dma_start3A_1791 = tpu.memref_slice %arg7[%dma_start3A_1788, %dma_start3A_1789, %dma_start3A_1790] : memref<2x256x128xf32, #tpu.memory_space<vmem>> -> memref<1x256x128xf32, #tpu.memory_space<vmem>>
    %dma_start3A_1792 = tpu.memref_squeeze %dma_start3A_1791 : memref<1x256x128xf32, #tpu.memory_space<vmem>> -> memref<256x128xf32, #tpu.memory_space<vmem>>
    %dma_start3A_1793 = arith.constant 0 : i32
    %dma_start3A_1794 = tpu.memref_slice %arg4[%add3A_1787, %dma_start3A_1793] : memref<524288x128xf32, #tpu.memory_space<hbm>> -> memref<256x128xf32, #tpu.memory_space<hbm>>
    %dma_start3A_1795 = arith.constant 0 : i32
    %dma_start3A_1796 = tpu.memref_slice %arg4[%add3A_1787, %dma_start3A_1795] : memref<524288x128xf32, #tpu.memory_space<hbm>> -> memref<256x128xf32, #tpu.memory_space<hbm>>
    %dma_start3A_1797 = arith.constant 0 : i32
    %dma_start3A_1798 = arith.constant 0 : i32
    %dma_start3A_1799 = tpu.memref_slice %arg7[%dma_start3A_1788, %dma_start3A_1797, %dma_start3A_1798] : memref<2x256x128xf32, #tpu.memory_space<vmem>> -> memref<1x256x128xf32, #tpu.memory_space<vmem>>
    %dma_start3A_1800 = tpu.memref_squeeze %dma_start3A_1799 : memref<1x256x128xf32, #tpu.memory_space<vmem>> -> memref<256x128xf32, #tpu.memory_space<vmem>>
    tpu.enqueue_dma source(%dma_start3A_1800 : memref<256x128xf32, #tpu.memory_space<vmem>>) target(%dma_start3A_1796 : memref<256x128xf32, #tpu.memory_space<hbm>>) target_semaphore(%arg10 : memref<!tpu.dma_semaphore, #tpu.memory_space<semaphore_mem>>)
    %dma_wait3A_1801 = arith.constant 0 : i32
    %dma_wait3A_1802 = arith.constant 0 : i32
    %dma_wait3A_1803 = arith.constant 0 : i32
    %dma_wait3A_1804 = tpu.memref_slice %arg7[%dma_wait3A_1801, %dma_wait3A_1802, %dma_wait3A_1803] : memref<2x256x128xf32, #tpu.memory_space<vmem>> -> memref<1x256x128xf32, #tpu.memory_space<vmem>>
    %dma_wait3A_1805 = tpu.memref_squeeze %dma_wait3A_1804 : memref<1x256x128xf32, #tpu.memory_space<vmem>> -> memref<256x128xf32, #tpu.memory_space<vmem>>
    %dma_wait3A_1806 = arith.constant 0 : i32
    %dma_wait3A_1807 = tpu.memref_slice %arg4[%add3A_1787, %dma_wait3A_1806] : memref<524288x128xf32, #tpu.memory_space<hbm>> -> memref<256x128xf32, #tpu.memory_space<hbm>>
    %dma_wait3A_1808 = arith.constant 0 : i32
    %dma_wait3A_1809 = tpu.memref_slice %arg4[%add3A_1787, %dma_wait3A_1808] : memref<524288x128xf32, #tpu.memory_space<hbm>> -> memref<256x128xf32, #tpu.memory_space<hbm>>
    %dma_wait3A_1810 = arith.constant 0 : i32
    %dma_wait3A_1811 = arith.constant 0 : i32
    %dma_wait3A_1812 = tpu.memref_slice %arg7[%dma_wait3A_1801, %dma_wait3A_1810, %dma_wait3A_1811] : memref<2x256x128xf32, #tpu.memory_space<vmem>> -> memref<1x256x128xf32, #tpu.memory_space<vmem>>
    %dma_wait3A_1813 = tpu.memref_squeeze %dma_wait3A_1812 : memref<1x256x128xf32, #tpu.memory_space<vmem>> -> memref<256x128xf32, #tpu.memory_space<vmem>>
    tpu.wait_dma2 semaphore(%arg10 : memref<!tpu.dma_semaphore, #tpu.memory_space<semaphore_mem>>) src(%dma_wait3A_1813 : memref<256x128xf32, #tpu.memory_space<vmem>>) dst(%dma_wait3A_1809 : memref<256x128xf32, #tpu.memory_space<hbm>>)
    %sub3A_1814 = arith.subi %add3A_47, %mul3A_2 : i32
    %mul3A_1815 = arith.constant 16 : i32
    %mul3A_1816 = arith.muli %sub3A_1814, %mul3A_1815 : i32
    %add3A_1817 = arith.constant 8 : i32
    %add3A_1818 = arith.addi %mul3A_1816, %add3A_1817 : i32
    %add3A_1819 = arith.constant 0 : i32
    %add3A_1820 = arith.addi %add3A_1818, %add3A_1819 : i32
    %dma_start3A_1821 = arith.constant 0 : i32
    %dma_start3A_1822 = arith.constant 0 : i32
    %dma_start3A_1823 = arith.constant 0 : i32
    %dma_start3A_1824 = tpu.memref_slice %arg7[%dma_start3A_1821, %dma_start3A_1822, %dma_start3A_1823] : memref<2x256x128xf32, #tpu.memory_space<vmem>> -> memref<1x128x128xf32, #tpu.memory_space<vmem>>
    %dma_start3A_1825 = tpu.memref_squeeze %dma_start3A_1824 : memref<1x128x128xf32, #tpu.memory_space<vmem>> -> memref<128x128xf32, #tpu.memory_space<vmem>>
    %dma_start3A_1826 = arith.constant 0 : i32
    %dma_start3A_1827 = tpu.memref_slice %arg5[%add3A_1820, %dma_start3A_1826] : memref<64x128xi32, #tpu.memory_space<vmem>> -> memref<1x128xi32, #tpu.memory_space<vmem>>
    %dma_start3A_1828 = tpu.memref_squeeze %dma_start3A_1827 : memref<1x128xi32, #tpu.memory_space<vmem>> -> memref<128xi32, #tpu.memory_space<vmem>>
    %dma_start3A_1829 = arith.constant 0 : i32
    %dma_start3A_1830 = arith.constant 0 : i32
    %dma_start3A_1831 = tpu.memref_slice %arg2[%dma_start3A_1829, %dma_start3A_1830] : memref<262144x128xf32, #tpu.memory_space<hbm>> -> memref<262144x128xf32, #tpu.memory_space<hbm>>
    tpu.enqueue_indirect_dma source(%dma_start3A_1831 : memref<262144x128xf32, #tpu.memory_space<hbm>>) target(%dma_start3A_1825 : memref<128x128xf32, #tpu.memory_space<vmem>>) offsets(%dma_start3A_1828 : memref<128xi32, #tpu.memory_space<vmem>>) semaphore(%arg9 : memref<!tpu.dma_semaphore, #tpu.memory_space<semaphore_mem>>)
    %sub3A_1832 = arith.subi %add3A_47, %mul3A_2 : i32
    %mul3A_1833 = arith.constant 16 : i32
    %mul3A_1834 = arith.muli %sub3A_1832, %mul3A_1833 : i32
    %add3A_1835 = arith.constant 8 : i32
    %add3A_1836 = arith.addi %mul3A_1834, %add3A_1835 : i32
    %add3A_1837 = arith.constant 1 : i32
    %add3A_1838 = arith.addi %add3A_1836, %add3A_1837 : i32
    %dma_start3A_1839 = arith.constant 0 : i32
    %dma_start3A_1840 = arith.constant 128 : i32
    %dma_start3A_1841 = arith.constant 0 : i32
    %dma_start3A_1842 = tpu.memref_slice %arg7[%dma_start3A_1839, %dma_start3A_1840, %dma_start3A_1841] : memref<2x256x128xf32, #tpu.memory_space<vmem>> -> memref<1x128x128xf32, #tpu.memory_space<vmem>>
    %dma_start3A_1843 = tpu.memref_squeeze %dma_start3A_1842 : memref<1x128x128xf32, #tpu.memory_space<vmem>> -> memref<128x128xf32, #tpu.memory_space<vmem>>
    %dma_start3A_1844 = arith.constant 0 : i32
    %dma_start3A_1845 = tpu.memref_slice %arg5[%add3A_1838, %dma_start3A_1844] : memref<64x128xi32, #tpu.memory_space<vmem>> -> memref<1x128xi32, #tpu.memory_space<vmem>>
    %dma_start3A_1846 = tpu.memref_squeeze %dma_start3A_1845 : memref<1x128xi32, #tpu.memory_space<vmem>> -> memref<128xi32, #tpu.memory_space<vmem>>
    %dma_start3A_1847 = arith.constant 0 : i32
    %dma_start3A_1848 = arith.constant 0 : i32
    %dma_start3A_1849 = tpu.memref_slice %arg2[%dma_start3A_1847, %dma_start3A_1848] : memref<262144x128xf32, #tpu.memory_space<hbm>> -> memref<262144x128xf32, #tpu.memory_space<hbm>>
    tpu.enqueue_indirect_dma source(%dma_start3A_1849 : memref<262144x128xf32, #tpu.memory_space<hbm>>) target(%dma_start3A_1843 : memref<128x128xf32, #tpu.memory_space<vmem>>) offsets(%dma_start3A_1846 : memref<128xi32, #tpu.memory_space<vmem>>) semaphore(%arg9 : memref<!tpu.dma_semaphore, #tpu.memory_space<semaphore_mem>>)
    %dma_wait3A_1850 = arith.constant 1 : i32
    %dma_wait3A_1851 = arith.constant 0 : i32
    %dma_wait3A_1852 = arith.constant 0 : i32
    %dma_wait3A_1853 = tpu.memref_slice %arg7[%dma_wait3A_1850, %dma_wait3A_1851, %dma_wait3A_1852] : memref<2x256x128xf32, #tpu.memory_space<vmem>> -> memref<1x128x128xf32, #tpu.memory_space<vmem>>
    %dma_wait3A_1854 = tpu.memref_squeeze %dma_wait3A_1853 : memref<1x128x128xf32, #tpu.memory_space<vmem>> -> memref<128x128xf32, #tpu.memory_space<vmem>>
    %dma_wait3A_1855 = arith.constant 0 : i32
    %dma_wait3A_1856 = tpu.memref_slice %arg5[%add3A_1732, %dma_wait3A_1855] : memref<64x128xi32, #tpu.memory_space<vmem>> -> memref<1x128xi32, #tpu.memory_space<vmem>>
    %dma_wait3A_1857 = tpu.memref_squeeze %dma_wait3A_1856 : memref<1x128xi32, #tpu.memory_space<vmem>> -> memref<128xi32, #tpu.memory_space<vmem>>
    %dma_wait3A_1858 = arith.constant 0 : i32
    %dma_wait3A_1859 = arith.constant 0 : i32
    %dma_wait3A_1860 = tpu.memref_slice %arg2[%dma_wait3A_1858, %dma_wait3A_1859] : memref<262144x128xf32, #tpu.memory_space<hbm>> -> memref<262144x128xf32, #tpu.memory_space<hbm>>
    tpu.wait_indirect_dma semaphore(%arg9 : memref<!tpu.dma_semaphore, #tpu.memory_space<semaphore_mem>>) src(%dma_wait3A_1860 : memref<262144x128xf32, #tpu.memory_space<hbm>>) dst(%dma_wait3A_1854 : memref<128x128xf32, #tpu.memory_space<vmem>>)
    %dma_wait3A_1861 = arith.constant 1 : i32
    %dma_wait3A_1862 = arith.constant 128 : i32
    %dma_wait3A_1863 = arith.constant 0 : i32
    %dma_wait3A_1864 = tpu.memref_slice %arg7[%dma_wait3A_1861, %dma_wait3A_1862, %dma_wait3A_1863] : memref<2x256x128xf32, #tpu.memory_space<vmem>> -> memref<1x128x128xf32, #tpu.memory_space<vmem>>
    %dma_wait3A_1865 = tpu.memref_squeeze %dma_wait3A_1864 : memref<1x128x128xf32, #tpu.memory_space<vmem>> -> memref<128x128xf32, #tpu.memory_space<vmem>>
    %dma_wait3A_1866 = arith.constant 0 : i32
    %dma_wait3A_1867 = tpu.memref_slice %arg5[%add3A_1750, %dma_wait3A_1866] : memref<64x128xi32, #tpu.memory_space<vmem>> -> memref<1x128xi32, #tpu.memory_space<vmem>>
    %dma_wait3A_1868 = tpu.memref_squeeze %dma_wait3A_1867 : memref<1x128xi32, #tpu.memory_space<vmem>> -> memref<128xi32, #tpu.memory_space<vmem>>
    %dma_wait3A_1869 = arith.constant 0 : i32
    %dma_wait3A_1870 = arith.constant 0 : i32
    %dma_wait3A_1871 = tpu.memref_slice %arg2[%dma_wait3A_1869, %dma_wait3A_1870] : memref<262144x128xf32, #tpu.memory_space<hbm>> -> memref<262144x128xf32, #tpu.memory_space<hbm>>
    tpu.wait_indirect_dma semaphore(%arg9 : memref<!tpu.dma_semaphore, #tpu.memory_space<semaphore_mem>>) src(%dma_wait3A_1871 : memref<262144x128xf32, #tpu.memory_space<hbm>>) dst(%dma_wait3A_1865 : memref<128x128xf32, #tpu.memory_space<vmem>>)
    %mul3A_1872 = arith.constant 4096 : i32
    %mul3A_1873 = arith.muli %add3A_45, %mul3A_1872 : i32
    %add3A_1874 = arith.constant 768 : i32
    %add3A_1875 = arith.addi %mul3A_1873, %add3A_1874 : i32
    %dma_start3A_1876 = arith.constant 1 : i32
    %dma_start3A_1877 = arith.constant 0 : i32
    %dma_start3A_1878 = arith.constant 0 : i32
    %dma_start3A_1879 = tpu.memref_slice %arg7[%dma_start3A_1876, %dma_start3A_1877, %dma_start3A_1878] : memref<2x256x128xf32, #tpu.memory_space<vmem>> -> memref<1x256x128xf32, #tpu.memory_space<vmem>>
    %dma_start3A_1880 = tpu.memref_squeeze %dma_start3A_1879 : memref<1x256x128xf32, #tpu.memory_space<vmem>> -> memref<256x128xf32, #tpu.memory_space<vmem>>
    %dma_start3A_1881 = arith.constant 0 : i32
    %dma_start3A_1882 = tpu.memref_slice %arg4[%add3A_1875, %dma_start3A_1881] : memref<524288x128xf32, #tpu.memory_space<hbm>> -> memref<256x128xf32, #tpu.memory_space<hbm>>
    %dma_start3A_1883 = arith.constant 0 : i32
    %dma_start3A_1884 = tpu.memref_slice %arg4[%add3A_1875, %dma_start3A_1883] : memref<524288x128xf32, #tpu.memory_space<hbm>> -> memref<256x128xf32, #tpu.memory_space<hbm>>
    %dma_start3A_1885 = arith.constant 0 : i32
    %dma_start3A_1886 = arith.constant 0 : i32
    %dma_start3A_1887 = tpu.memref_slice %arg7[%dma_start3A_1876, %dma_start3A_1885, %dma_start3A_1886] : memref<2x256x128xf32, #tpu.memory_space<vmem>> -> memref<1x256x128xf32, #tpu.memory_space<vmem>>
    %dma_start3A_1888 = tpu.memref_squeeze %dma_start3A_1887 : memref<1x256x128xf32, #tpu.memory_space<vmem>> -> memref<256x128xf32, #tpu.memory_space<vmem>>
    tpu.enqueue_dma source(%dma_start3A_1888 : memref<256x128xf32, #tpu.memory_space<vmem>>) target(%dma_start3A_1884 : memref<256x128xf32, #tpu.memory_space<hbm>>) target_semaphore(%arg10 : memref<!tpu.dma_semaphore, #tpu.memory_space<semaphore_mem>>)
    %dma_wait3A_1889 = arith.constant 1 : i32
    %dma_wait3A_1890 = arith.constant 0 : i32
    %dma_wait3A_1891 = arith.constant 0 : i32
    %dma_wait3A_1892 = tpu.memref_slice %arg7[%dma_wait3A_1889, %dma_wait3A_1890, %dma_wait3A_1891] : memref<2x256x128xf32, #tpu.memory_space<vmem>> -> memref<1x256x128xf32, #tpu.memory_space<vmem>>
    %dma_wait3A_1893 = tpu.memref_squeeze %dma_wait3A_1892 : memref<1x256x128xf32, #tpu.memory_space<vmem>> -> memref<256x128xf32, #tpu.memory_space<vmem>>
    %dma_wait3A_1894 = arith.constant 0 : i32
    %dma_wait3A_1895 = tpu.memref_slice %arg4[%add3A_1875, %dma_wait3A_1894] : memref<524288x128xf32, #tpu.memory_space<hbm>> -> memref<256x128xf32, #tpu.memory_space<hbm>>
    %dma_wait3A_1896 = arith.constant 0 : i32
    %dma_wait3A_1897 = tpu.memref_slice %arg4[%add3A_1875, %dma_wait3A_1896] : memref<524288x128xf32, #tpu.memory_space<hbm>> -> memref<256x128xf32, #tpu.memory_space<hbm>>
    %dma_wait3A_1898 = arith.constant 0 : i32
    %dma_wait3A_1899 = arith.constant 0 : i32
    %dma_wait3A_1900 = tpu.memref_slice %arg7[%dma_wait3A_1889, %dma_wait3A_1898, %dma_wait3A_1899] : memref<2x256x128xf32, #tpu.memory_space<vmem>> -> memref<1x256x128xf32, #tpu.memory_space<vmem>>
    %dma_wait3A_1901 = tpu.memref_squeeze %dma_wait3A_1900 : memref<1x256x128xf32, #tpu.memory_space<vmem>> -> memref<256x128xf32, #tpu.memory_space<vmem>>
    tpu.wait_dma2 semaphore(%arg10 : memref<!tpu.dma_semaphore, #tpu.memory_space<semaphore_mem>>) src(%dma_wait3A_1901 : memref<256x128xf32, #tpu.memory_space<vmem>>) dst(%dma_wait3A_1897 : memref<256x128xf32, #tpu.memory_space<hbm>>)
    %sub3A_1902 = arith.subi %add3A_49, %mul3A_2 : i32
    %mul3A_1903 = arith.constant 16 : i32
    %mul3A_1904 = arith.muli %sub3A_1902, %mul3A_1903 : i32
    %add3A_1905 = arith.constant 10 : i32
    %add3A_1906 = arith.addi %mul3A_1904, %add3A_1905 : i32
    %add3A_1907 = arith.constant 0 : i32
    %add3A_1908 = arith.addi %add3A_1906, %add3A_1907 : i32
    %dma_start3A_1909 = arith.constant 1 : i32
    %dma_start3A_1910 = arith.constant 0 : i32
    %dma_start3A_1911 = arith.constant 0 : i32
    %dma_start3A_1912 = tpu.memref_slice %arg7[%dma_start3A_1909, %dma_start3A_1910, %dma_start3A_1911] : memref<2x256x128xf32, #tpu.memory_space<vmem>> -> memref<1x128x128xf32, #tpu.memory_space<vmem>>
    %dma_start3A_1913 = tpu.memref_squeeze %dma_start3A_1912 : memref<1x128x128xf32, #tpu.memory_space<vmem>> -> memref<128x128xf32, #tpu.memory_space<vmem>>
    %dma_start3A_1914 = arith.constant 0 : i32
    %dma_start3A_1915 = tpu.memref_slice %arg5[%add3A_1908, %dma_start3A_1914] : memref<64x128xi32, #tpu.memory_space<vmem>> -> memref<1x128xi32, #tpu.memory_space<vmem>>
    %dma_start3A_1916 = tpu.memref_squeeze %dma_start3A_1915 : memref<1x128xi32, #tpu.memory_space<vmem>> -> memref<128xi32, #tpu.memory_space<vmem>>
    %dma_start3A_1917 = arith.constant 0 : i32
    %dma_start3A_1918 = arith.constant 0 : i32
    %dma_start3A_1919 = tpu.memref_slice %arg2[%dma_start3A_1917, %dma_start3A_1918] : memref<262144x128xf32, #tpu.memory_space<hbm>> -> memref<262144x128xf32, #tpu.memory_space<hbm>>
    tpu.enqueue_indirect_dma source(%dma_start3A_1919 : memref<262144x128xf32, #tpu.memory_space<hbm>>) target(%dma_start3A_1913 : memref<128x128xf32, #tpu.memory_space<vmem>>) offsets(%dma_start3A_1916 : memref<128xi32, #tpu.memory_space<vmem>>) semaphore(%arg9 : memref<!tpu.dma_semaphore, #tpu.memory_space<semaphore_mem>>)
    %sub3A_1920 = arith.subi %add3A_49, %mul3A_2 : i32
    %mul3A_1921 = arith.constant 16 : i32
    %mul3A_1922 = arith.muli %sub3A_1920, %mul3A_1921 : i32
    %add3A_1923 = arith.constant 10 : i32
    %add3A_1924 = arith.addi %mul3A_1922, %add3A_1923 : i32
    %add3A_1925 = arith.constant 1 : i32
    %add3A_1926 = arith.addi %add3A_1924, %add3A_1925 : i32
    %dma_start3A_1927 = arith.constant 1 : i32
    %dma_start3A_1928 = arith.constant 128 : i32
    %dma_start3A_1929 = arith.constant 0 : i32
    %dma_start3A_1930 = tpu.memref_slice %arg7[%dma_start3A_1927, %dma_start3A_1928, %dma_start3A_1929] : memref<2x256x128xf32, #tpu.memory_space<vmem>> -> memref<1x128x128xf32, #tpu.memory_space<vmem>>
    %dma_start3A_1931 = tpu.memref_squeeze %dma_start3A_1930 : memref<1x128x128xf32, #tpu.memory_space<vmem>> -> memref<128x128xf32, #tpu.memory_space<vmem>>
    %dma_start3A_1932 = arith.constant 0 : i32
    %dma_start3A_1933 = tpu.memref_slice %arg5[%add3A_1926, %dma_start3A_1932] : memref<64x128xi32, #tpu.memory_space<vmem>> -> memref<1x128xi32, #tpu.memory_space<vmem>>
    %dma_start3A_1934 = tpu.memref_squeeze %dma_start3A_1933 : memref<1x128xi32, #tpu.memory_space<vmem>> -> memref<128xi32, #tpu.memory_space<vmem>>
    %dma_start3A_1935 = arith.constant 0 : i32
    %dma_start3A_1936 = arith.constant 0 : i32
    %dma_start3A_1937 = tpu.memref_slice %arg2[%dma_start3A_1935, %dma_start3A_1936] : memref<262144x128xf32, #tpu.memory_space<hbm>> -> memref<262144x128xf32, #tpu.memory_space<hbm>>
    tpu.enqueue_indirect_dma source(%dma_start3A_1937 : memref<262144x128xf32, #tpu.memory_space<hbm>>) target(%dma_start3A_1931 : memref<128x128xf32, #tpu.memory_space<vmem>>) offsets(%dma_start3A_1934 : memref<128xi32, #tpu.memory_space<vmem>>) semaphore(%arg9 : memref<!tpu.dma_semaphore, #tpu.memory_space<semaphore_mem>>)
    %dma_wait3A_1938 = arith.constant 0 : i32
    %dma_wait3A_1939 = arith.constant 0 : i32
    %dma_wait3A_1940 = arith.constant 0 : i32
    %dma_wait3A_1941 = tpu.memref_slice %arg7[%dma_wait3A_1938, %dma_wait3A_1939, %dma_wait3A_1940] : memref<2x256x128xf32, #tpu.memory_space<vmem>> -> memref<1x128x128xf32, #tpu.memory_space<vmem>>
    %dma_wait3A_1942 = tpu.memref_squeeze %dma_wait3A_1941 : memref<1x128x128xf32, #tpu.memory_space<vmem>> -> memref<128x128xf32, #tpu.memory_space<vmem>>
    %dma_wait3A_1943 = arith.constant 0 : i32
    %dma_wait3A_1944 = tpu.memref_slice %arg5[%add3A_1820, %dma_wait3A_1943] : memref<64x128xi32, #tpu.memory_space<vmem>> -> memref<1x128xi32, #tpu.memory_space<vmem>>
    %dma_wait3A_1945 = tpu.memref_squeeze %dma_wait3A_1944 : memref<1x128xi32, #tpu.memory_space<vmem>> -> memref<128xi32, #tpu.memory_space<vmem>>
    %dma_wait3A_1946 = arith.constant 0 : i32
    %dma_wait3A_1947 = arith.constant 0 : i32
    %dma_wait3A_1948 = tpu.memref_slice %arg2[%dma_wait3A_1946, %dma_wait3A_1947] : memref<262144x128xf32, #tpu.memory_space<hbm>> -> memref<262144x128xf32, #tpu.memory_space<hbm>>
    tpu.wait_indirect_dma semaphore(%arg9 : memref<!tpu.dma_semaphore, #tpu.memory_space<semaphore_mem>>) src(%dma_wait3A_1948 : memref<262144x128xf32, #tpu.memory_space<hbm>>) dst(%dma_wait3A_1942 : memref<128x128xf32, #tpu.memory_space<vmem>>)
    %dma_wait3A_1949 = arith.constant 0 : i32
    %dma_wait3A_1950 = arith.constant 128 : i32
    %dma_wait3A_1951 = arith.constant 0 : i32
    %dma_wait3A_1952 = tpu.memref_slice %arg7[%dma_wait3A_1949, %dma_wait3A_1950, %dma_wait3A_1951] : memref<2x256x128xf32, #tpu.memory_space<vmem>> -> memref<1x128x128xf32, #tpu.memory_space<vmem>>
    %dma_wait3A_1953 = tpu.memref_squeeze %dma_wait3A_1952 : memref<1x128x128xf32, #tpu.memory_space<vmem>> -> memref<128x128xf32, #tpu.memory_space<vmem>>
    %dma_wait3A_1954 = arith.constant 0 : i32
    %dma_wait3A_1955 = tpu.memref_slice %arg5[%add3A_1838, %dma_wait3A_1954] : memref<64x128xi32, #tpu.memory_space<vmem>> -> memref<1x128xi32, #tpu.memory_space<vmem>>
    %dma_wait3A_1956 = tpu.memref_squeeze %dma_wait3A_1955 : memref<1x128xi32, #tpu.memory_space<vmem>> -> memref<128xi32, #tpu.memory_space<vmem>>
    %dma_wait3A_1957 = arith.constant 0 : i32
    %dma_wait3A_1958 = arith.constant 0 : i32
    %dma_wait3A_1959 = tpu.memref_slice %arg2[%dma_wait3A_1957, %dma_wait3A_1958] : memref<262144x128xf32, #tpu.memory_space<hbm>> -> memref<262144x128xf32, #tpu.memory_space<hbm>>
    tpu.wait_indirect_dma semaphore(%arg9 : memref<!tpu.dma_semaphore, #tpu.memory_space<semaphore_mem>>) src(%dma_wait3A_1959 : memref<262144x128xf32, #tpu.memory_space<hbm>>) dst(%dma_wait3A_1953 : memref<128x128xf32, #tpu.memory_space<vmem>>)
    %mul3A_1960 = arith.constant 4096 : i32
    %mul3A_1961 = arith.muli %add3A_47, %mul3A_1960 : i32
    %add3A_1962 = arith.constant 1024 : i32
    %add3A_1963 = arith.addi %mul3A_1961, %add3A_1962 : i32
    %dma_start3A_1964 = arith.constant 0 : i32
    %dma_start3A_1965 = arith.constant 0 : i32
    %dma_start3A_1966 = arith.constant 0 : i32
    %dma_start3A_1967 = tpu.memref_slice %arg7[%dma_start3A_1964, %dma_start3A_1965, %dma_start3A_1966] : memref<2x256x128xf32, #tpu.memory_space<vmem>> -> memref<1x256x128xf32, #tpu.memory_space<vmem>>
    %dma_start3A_1968 = tpu.memref_squeeze %dma_start3A_1967 : memref<1x256x128xf32, #tpu.memory_space<vmem>> -> memref<256x128xf32, #tpu.memory_space<vmem>>
    %dma_start3A_1969 = arith.constant 0 : i32
    %dma_start3A_1970 = tpu.memref_slice %arg4[%add3A_1963, %dma_start3A_1969] : memref<524288x128xf32, #tpu.memory_space<hbm>> -> memref<256x128xf32, #tpu.memory_space<hbm>>
    %dma_start3A_1971 = arith.constant 0 : i32
    %dma_start3A_1972 = tpu.memref_slice %arg4[%add3A_1963, %dma_start3A_1971] : memref<524288x128xf32, #tpu.memory_space<hbm>> -> memref<256x128xf32, #tpu.memory_space<hbm>>
    %dma_start3A_1973 = arith.constant 0 : i32
    %dma_start3A_1974 = arith.constant 0 : i32
    %dma_start3A_1975 = tpu.memref_slice %arg7[%dma_start3A_1964, %dma_start3A_1973, %dma_start3A_1974] : memref<2x256x128xf32, #tpu.memory_space<vmem>> -> memref<1x256x128xf32, #tpu.memory_space<vmem>>
    %dma_start3A_1976 = tpu.memref_squeeze %dma_start3A_1975 : memref<1x256x128xf32, #tpu.memory_space<vmem>> -> memref<256x128xf32, #tpu.memory_space<vmem>>
    tpu.enqueue_dma source(%dma_start3A_1976 : memref<256x128xf32, #tpu.memory_space<vmem>>) target(%dma_start3A_1972 : memref<256x128xf32, #tpu.memory_space<hbm>>) target_semaphore(%arg10 : memref<!tpu.dma_semaphore, #tpu.memory_space<semaphore_mem>>)
    %dma_wait3A_1977 = arith.constant 0 : i32
    %dma_wait3A_1978 = arith.constant 0 : i32
    %dma_wait3A_1979 = arith.constant 0 : i32
    %dma_wait3A_1980 = tpu.memref_slice %arg7[%dma_wait3A_1977, %dma_wait3A_1978, %dma_wait3A_1979] : memref<2x256x128xf32, #tpu.memory_space<vmem>> -> memref<1x256x128xf32, #tpu.memory_space<vmem>>
    %dma_wait3A_1981 = tpu.memref_squeeze %dma_wait3A_1980 : memref<1x256x128xf32, #tpu.memory_space<vmem>> -> memref<256x128xf32, #tpu.memory_space<vmem>>
    %dma_wait3A_1982 = arith.constant 0 : i32
    %dma_wait3A_1983 = tpu.memref_slice %arg4[%add3A_1963, %dma_wait3A_1982] : memref<524288x128xf32, #tpu.memory_space<hbm>> -> memref<256x128xf32, #tpu.memory_space<hbm>>
    %dma_wait3A_1984 = arith.constant 0 : i32
    %dma_wait3A_1985 = tpu.memref_slice %arg4[%add3A_1963, %dma_wait3A_1984] : memref<524288x128xf32, #tpu.memory_space<hbm>> -> memref<256x128xf32, #tpu.memory_space<hbm>>
    %dma_wait3A_1986 = arith.constant 0 : i32
    %dma_wait3A_1987 = arith.constant 0 : i32
    %dma_wait3A_1988 = tpu.memref_slice %arg7[%dma_wait3A_1977, %dma_wait3A_1986, %dma_wait3A_1987] : memref<2x256x128xf32, #tpu.memory_space<vmem>> -> memref<1x256x128xf32, #tpu.memory_space<vmem>>
    %dma_wait3A_1989 = tpu.memref_squeeze %dma_wait3A_1988 : memref<1x256x128xf32, #tpu.memory_space<vmem>> -> memref<256x128xf32, #tpu.memory_space<vmem>>
    tpu.wait_dma2 semaphore(%arg10 : memref<!tpu.dma_semaphore, #tpu.memory_space<semaphore_mem>>) src(%dma_wait3A_1989 : memref<256x128xf32, #tpu.memory_space<vmem>>) dst(%dma_wait3A_1985 : memref<256x128xf32, #tpu.memory_space<hbm>>)
    %sub3A_1990 = arith.subi %add3A_51, %mul3A_2 : i32
    %mul3A_1991 = arith.constant 16 : i32
    %mul3A_1992 = arith.muli %sub3A_1990, %mul3A_1991 : i32
    %add3A_1993 = arith.constant 12 : i32
    %add3A_1994 = arith.addi %mul3A_1992, %add3A_1993 : i32
    %add3A_1995 = arith.constant 0 : i32
    %add3A_1996 = arith.addi %add3A_1994, %add3A_1995 : i32
    %dma_start3A_1997 = arith.constant 0 : i32
    %dma_start3A_1998 = arith.constant 0 : i32
    %dma_start3A_1999 = arith.constant 0 : i32
    %dma_start3A_2000 = tpu.memref_slice %arg7[%dma_start3A_1997, %dma_start3A_1998, %dma_start3A_1999] : memref<2x256x128xf32, #tpu.memory_space<vmem>> -> memref<1x128x128xf32, #tpu.memory_space<vmem>>
    %dma_start3A_2001 = tpu.memref_squeeze %dma_start3A_2000 : memref<1x128x128xf32, #tpu.memory_space<vmem>> -> memref<128x128xf32, #tpu.memory_space<vmem>>
    %dma_start3A_2002 = arith.constant 0 : i32
    %dma_start3A_2003 = tpu.memref_slice %arg5[%add3A_1996, %dma_start3A_2002] : memref<64x128xi32, #tpu.memory_space<vmem>> -> memref<1x128xi32, #tpu.memory_space<vmem>>
    %dma_start3A_2004 = tpu.memref_squeeze %dma_start3A_2003 : memref<1x128xi32, #tpu.memory_space<vmem>> -> memref<128xi32, #tpu.memory_space<vmem>>
    %dma_start3A_2005 = arith.constant 0 : i32
    %dma_start3A_2006 = arith.constant 0 : i32
    %dma_start3A_2007 = tpu.memref_slice %arg2[%dma_start3A_2005, %dma_start3A_2006] : memref<262144x128xf32, #tpu.memory_space<hbm>> -> memref<262144x128xf32, #tpu.memory_space<hbm>>
    tpu.enqueue_indirect_dma source(%dma_start3A_2007 : memref<262144x128xf32, #tpu.memory_space<hbm>>) target(%dma_start3A_2001 : memref<128x128xf32, #tpu.memory_space<vmem>>) offsets(%dma_start3A_2004 : memref<128xi32, #tpu.memory_space<vmem>>) semaphore(%arg9 : memref<!tpu.dma_semaphore, #tpu.memory_space<semaphore_mem>>)
    %sub3A_2008 = arith.subi %add3A_51, %mul3A_2 : i32
    %mul3A_2009 = arith.constant 16 : i32
    %mul3A_2010 = arith.muli %sub3A_2008, %mul3A_2009 : i32
    %add3A_2011 = arith.constant 12 : i32
    %add3A_2012 = arith.addi %mul3A_2010, %add3A_2011 : i32
    %add3A_2013 = arith.constant 1 : i32
    %add3A_2014 = arith.addi %add3A_2012, %add3A_2013 : i32
    %dma_start3A_2015 = arith.constant 0 : i32
    %dma_start3A_2016 = arith.constant 128 : i32
    %dma_start3A_2017 = arith.constant 0 : i32
    %dma_start3A_2018 = tpu.memref_slice %arg7[%dma_start3A_2015, %dma_start3A_2016, %dma_start3A_2017] : memref<2x256x128xf32, #tpu.memory_space<vmem>> -> memref<1x128x128xf32, #tpu.memory_space<vmem>>
    %dma_start3A_2019 = tpu.memref_squeeze %dma_start3A_2018 : memref<1x128x128xf32, #tpu.memory_space<vmem>> -> memref<128x128xf32, #tpu.memory_space<vmem>>
    %dma_start3A_2020 = arith.constant 0 : i32
    %dma_start3A_2021 = tpu.memref_slice %arg5[%add3A_2014, %dma_start3A_2020] : memref<64x128xi32, #tpu.memory_space<vmem>> -> memref<1x128xi32, #tpu.memory_space<vmem>>
    %dma_start3A_2022 = tpu.memref_squeeze %dma_start3A_2021 : memref<1x128xi32, #tpu.memory_space<vmem>> -> memref<128xi32, #tpu.memory_space<vmem>>
    %dma_start3A_2023 = arith.constant 0 : i32
    %dma_start3A_2024 = arith.constant 0 : i32
    %dma_start3A_2025 = tpu.memref_slice %arg2[%dma_start3A_2023, %dma_start3A_2024] : memref<262144x128xf32, #tpu.memory_space<hbm>> -> memref<262144x128xf32, #tpu.memory_space<hbm>>
    tpu.enqueue_indirect_dma source(%dma_start3A_2025 : memref<262144x128xf32, #tpu.memory_space<hbm>>) target(%dma_start3A_2019 : memref<128x128xf32, #tpu.memory_space<vmem>>) offsets(%dma_start3A_2022 : memref<128xi32, #tpu.memory_space<vmem>>) semaphore(%arg9 : memref<!tpu.dma_semaphore, #tpu.memory_space<semaphore_mem>>)
    %dma_wait3A_2026 = arith.constant 1 : i32
    %dma_wait3A_2027 = arith.constant 0 : i32
    %dma_wait3A_2028 = arith.constant 0 : i32
    %dma_wait3A_2029 = tpu.memref_slice %arg7[%dma_wait3A_2026, %dma_wait3A_2027, %dma_wait3A_2028] : memref<2x256x128xf32, #tpu.memory_space<vmem>> -> memref<1x128x128xf32, #tpu.memory_space<vmem>>
    %dma_wait3A_2030 = tpu.memref_squeeze %dma_wait3A_2029 : memref<1x128x128xf32, #tpu.memory_space<vmem>> -> memref<128x128xf32, #tpu.memory_space<vmem>>
    %dma_wait3A_2031 = arith.constant 0 : i32
    %dma_wait3A_2032 = tpu.memref_slice %arg5[%add3A_1908, %dma_wait3A_2031] : memref<64x128xi32, #tpu.memory_space<vmem>> -> memref<1x128xi32, #tpu.memory_space<vmem>>
    %dma_wait3A_2033 = tpu.memref_squeeze %dma_wait3A_2032 : memref<1x128xi32, #tpu.memory_space<vmem>> -> memref<128xi32, #tpu.memory_space<vmem>>
    %dma_wait3A_2034 = arith.constant 0 : i32
    %dma_wait3A_2035 = arith.constant 0 : i32
    %dma_wait3A_2036 = tpu.memref_slice %arg2[%dma_wait3A_2034, %dma_wait3A_2035] : memref<262144x128xf32, #tpu.memory_space<hbm>> -> memref<262144x128xf32, #tpu.memory_space<hbm>>
    tpu.wait_indirect_dma semaphore(%arg9 : memref<!tpu.dma_semaphore, #tpu.memory_space<semaphore_mem>>) src(%dma_wait3A_2036 : memref<262144x128xf32, #tpu.memory_space<hbm>>) dst(%dma_wait3A_2030 : memref<128x128xf32, #tpu.memory_space<vmem>>)
    %dma_wait3A_2037 = arith.constant 1 : i32
    %dma_wait3A_2038 = arith.constant 128 : i32
    %dma_wait3A_2039 = arith.constant 0 : i32
    %dma_wait3A_2040 = tpu.memref_slice %arg7[%dma_wait3A_2037, %dma_wait3A_2038, %dma_wait3A_2039] : memref<2x256x128xf32, #tpu.memory_space<vmem>> -> memref<1x128x128xf32, #tpu.memory_space<vmem>>
    %dma_wait3A_2041 = tpu.memref_squeeze %dma_wait3A_2040 : memref<1x128x128xf32, #tpu.memory_space<vmem>> -> memref<128x128xf32, #tpu.memory_space<vmem>>
    %dma_wait3A_2042 = arith.constant 0 : i32
    %dma_wait3A_2043 = tpu.memref_slice %arg5[%add3A_1926, %dma_wait3A_2042] : memref<64x128xi32, #tpu.memory_space<vmem>> -> memref<1x128xi32, #tpu.memory_space<vmem>>
    %dma_wait3A_2044 = tpu.memref_squeeze %dma_wait3A_2043 : memref<1x128xi32, #tpu.memory_space<vmem>> -> memref<128xi32, #tpu.memory_space<vmem>>
    %dma_wait3A_2045 = arith.constant 0 : i32
    %dma_wait3A_2046 = arith.constant 0 : i32
    %dma_wait3A_2047 = tpu.memref_slice %arg2[%dma_wait3A_2045, %dma_wait3A_2046] : memref<262144x128xf32, #tpu.memory_space<hbm>> -> memref<262144x128xf32, #tpu.memory_space<hbm>>
    tpu.wait_indirect_dma semaphore(%arg9 : memref<!tpu.dma_semaphore, #tpu.memory_space<semaphore_mem>>) src(%dma_wait3A_2047 : memref<262144x128xf32, #tpu.memory_space<hbm>>) dst(%dma_wait3A_2041 : memref<128x128xf32, #tpu.memory_space<vmem>>)
    %mul3A_2048 = arith.constant 4096 : i32
    %mul3A_2049 = arith.muli %add3A_49, %mul3A_2048 : i32
    %add3A_2050 = arith.constant 1280 : i32
    %add3A_2051 = arith.addi %mul3A_2049, %add3A_2050 : i32
    %dma_start3A_2052 = arith.constant 1 : i32
    %dma_start3A_2053 = arith.constant 0 : i32
    %dma_start3A_2054 = arith.constant 0 : i32
    %dma_start3A_2055 = tpu.memref_slice %arg7[%dma_start3A_2052, %dma_start3A_2053, %dma_start3A_2054] : memref<2x256x128xf32, #tpu.memory_space<vmem>> -> memref<1x256x128xf32, #tpu.memory_space<vmem>>
    %dma_start3A_2056 = tpu.memref_squeeze %dma_start3A_2055 : memref<1x256x128xf32, #tpu.memory_space<vmem>> -> memref<256x128xf32, #tpu.memory_space<vmem>>
    %dma_start3A_2057 = arith.constant 0 : i32
    %dma_start3A_2058 = tpu.memref_slice %arg4[%add3A_2051, %dma_start3A_2057] : memref<524288x128xf32, #tpu.memory_space<hbm>> -> memref<256x128xf32, #tpu.memory_space<hbm>>
    %dma_start3A_2059 = arith.constant 0 : i32
    %dma_start3A_2060 = tpu.memref_slice %arg4[%add3A_2051, %dma_start3A_2059] : memref<524288x128xf32, #tpu.memory_space<hbm>> -> memref<256x128xf32, #tpu.memory_space<hbm>>
    %dma_start3A_2061 = arith.constant 0 : i32
    %dma_start3A_2062 = arith.constant 0 : i32
    %dma_start3A_2063 = tpu.memref_slice %arg7[%dma_start3A_2052, %dma_start3A_2061, %dma_start3A_2062] : memref<2x256x128xf32, #tpu.memory_space<vmem>> -> memref<1x256x128xf32, #tpu.memory_space<vmem>>
    %dma_start3A_2064 = tpu.memref_squeeze %dma_start3A_2063 : memref<1x256x128xf32, #tpu.memory_space<vmem>> -> memref<256x128xf32, #tpu.memory_space<vmem>>
    tpu.enqueue_dma source(%dma_start3A_2064 : memref<256x128xf32, #tpu.memory_space<vmem>>) target(%dma_start3A_2060 : memref<256x128xf32, #tpu.memory_space<hbm>>) target_semaphore(%arg10 : memref<!tpu.dma_semaphore, #tpu.memory_space<semaphore_mem>>)
    %dma_wait3A_2065 = arith.constant 1 : i32
    %dma_wait3A_2066 = arith.constant 0 : i32
    %dma_wait3A_2067 = arith.constant 0 : i32
    %dma_wait3A_2068 = tpu.memref_slice %arg7[%dma_wait3A_2065, %dma_wait3A_2066, %dma_wait3A_2067] : memref<2x256x128xf32, #tpu.memory_space<vmem>> -> memref<1x256x128xf32, #tpu.memory_space<vmem>>
    %dma_wait3A_2069 = tpu.memref_squeeze %dma_wait3A_2068 : memref<1x256x128xf32, #tpu.memory_space<vmem>> -> memref<256x128xf32, #tpu.memory_space<vmem>>
    %dma_wait3A_2070 = arith.constant 0 : i32
    %dma_wait3A_2071 = tpu.memref_slice %arg4[%add3A_2051, %dma_wait3A_2070] : memref<524288x128xf32, #tpu.memory_space<hbm>> -> memref<256x128xf32, #tpu.memory_space<hbm>>
    %dma_wait3A_2072 = arith.constant 0 : i32
    %dma_wait3A_2073 = tpu.memref_slice %arg4[%add3A_2051, %dma_wait3A_2072] : memref<524288x128xf32, #tpu.memory_space<hbm>> -> memref<256x128xf32, #tpu.memory_space<hbm>>
    %dma_wait3A_2074 = arith.constant 0 : i32
    %dma_wait3A_2075 = arith.constant 0 : i32
    %dma_wait3A_2076 = tpu.memref_slice %arg7[%dma_wait3A_2065, %dma_wait3A_2074, %dma_wait3A_2075] : memref<2x256x128xf32, #tpu.memory_space<vmem>> -> memref<1x256x128xf32, #tpu.memory_space<vmem>>
    %dma_wait3A_2077 = tpu.memref_squeeze %dma_wait3A_2076 : memref<1x256x128xf32, #tpu.memory_space<vmem>> -> memref<256x128xf32, #tpu.memory_space<vmem>>
    tpu.wait_dma2 semaphore(%arg10 : memref<!tpu.dma_semaphore, #tpu.memory_space<semaphore_mem>>) src(%dma_wait3A_2077 : memref<256x128xf32, #tpu.memory_space<vmem>>) dst(%dma_wait3A_2073 : memref<256x128xf32, #tpu.memory_space<hbm>>)
    %sub3A_2078 = arith.subi %add3A_53, %mul3A_2 : i32
    %mul3A_2079 = arith.constant 16 : i32
    %mul3A_2080 = arith.muli %sub3A_2078, %mul3A_2079 : i32
    %add3A_2081 = arith.constant 14 : i32
    %add3A_2082 = arith.addi %mul3A_2080, %add3A_2081 : i32
    %add3A_2083 = arith.constant 0 : i32
    %add3A_2084 = arith.addi %add3A_2082, %add3A_2083 : i32
    %dma_start3A_2085 = arith.constant 1 : i32
    %dma_start3A_2086 = arith.constant 0 : i32
    %dma_start3A_2087 = arith.constant 0 : i32
    %dma_start3A_2088 = tpu.memref_slice %arg7[%dma_start3A_2085, %dma_start3A_2086, %dma_start3A_2087] : memref<2x256x128xf32, #tpu.memory_space<vmem>> -> memref<1x128x128xf32, #tpu.memory_space<vmem>>
    %dma_start3A_2089 = tpu.memref_squeeze %dma_start3A_2088 : memref<1x128x128xf32, #tpu.memory_space<vmem>> -> memref<128x128xf32, #tpu.memory_space<vmem>>
    %dma_start3A_2090 = arith.constant 0 : i32
    %dma_start3A_2091 = tpu.memref_slice %arg5[%add3A_2084, %dma_start3A_2090] : memref<64x128xi32, #tpu.memory_space<vmem>> -> memref<1x128xi32, #tpu.memory_space<vmem>>
    %dma_start3A_2092 = tpu.memref_squeeze %dma_start3A_2091 : memref<1x128xi32, #tpu.memory_space<vmem>> -> memref<128xi32, #tpu.memory_space<vmem>>
    %dma_start3A_2093 = arith.constant 0 : i32
    %dma_start3A_2094 = arith.constant 0 : i32
    %dma_start3A_2095 = tpu.memref_slice %arg2[%dma_start3A_2093, %dma_start3A_2094] : memref<262144x128xf32, #tpu.memory_space<hbm>> -> memref<262144x128xf32, #tpu.memory_space<hbm>>
    tpu.enqueue_indirect_dma source(%dma_start3A_2095 : memref<262144x128xf32, #tpu.memory_space<hbm>>) target(%dma_start3A_2089 : memref<128x128xf32, #tpu.memory_space<vmem>>) offsets(%dma_start3A_2092 : memref<128xi32, #tpu.memory_space<vmem>>) semaphore(%arg9 : memref<!tpu.dma_semaphore, #tpu.memory_space<semaphore_mem>>)
    %sub3A_2096 = arith.subi %add3A_53, %mul3A_2 : i32
    %mul3A_2097 = arith.constant 16 : i32
    %mul3A_2098 = arith.muli %sub3A_2096, %mul3A_2097 : i32
    %add3A_2099 = arith.constant 14 : i32
    %add3A_2100 = arith.addi %mul3A_2098, %add3A_2099 : i32
    %add3A_2101 = arith.constant 1 : i32
    %add3A_2102 = arith.addi %add3A_2100, %add3A_2101 : i32
    %dma_start3A_2103 = arith.constant 1 : i32
    %dma_start3A_2104 = arith.constant 128 : i32
    %dma_start3A_2105 = arith.constant 0 : i32
    %dma_start3A_2106 = tpu.memref_slice %arg7[%dma_start3A_2103, %dma_start3A_2104, %dma_start3A_2105] : memref<2x256x128xf32, #tpu.memory_space<vmem>> -> memref<1x128x128xf32, #tpu.memory_space<vmem>>
    %dma_start3A_2107 = tpu.memref_squeeze %dma_start3A_2106 : memref<1x128x128xf32, #tpu.memory_space<vmem>> -> memref<128x128xf32, #tpu.memory_space<vmem>>
    %dma_start3A_2108 = arith.constant 0 : i32
    %dma_start3A_2109 = tpu.memref_slice %arg5[%add3A_2102, %dma_start3A_2108] : memref<64x128xi32, #tpu.memory_space<vmem>> -> memref<1x128xi32, #tpu.memory_space<vmem>>
    %dma_start3A_2110 = tpu.memref_squeeze %dma_start3A_2109 : memref<1x128xi32, #tpu.memory_space<vmem>> -> memref<128xi32, #tpu.memory_space<vmem>>
    %dma_start3A_2111 = arith.constant 0 : i32
    %dma_start3A_2112 = arith.constant 0 : i32
    %dma_start3A_2113 = tpu.memref_slice %arg2[%dma_start3A_2111, %dma_start3A_2112] : memref<262144x128xf32, #tpu.memory_space<hbm>> -> memref<262144x128xf32, #tpu.memory_space<hbm>>
    tpu.enqueue_indirect_dma source(%dma_start3A_2113 : memref<262144x128xf32, #tpu.memory_space<hbm>>) target(%dma_start3A_2107 : memref<128x128xf32, #tpu.memory_space<vmem>>) offsets(%dma_start3A_2110 : memref<128xi32, #tpu.memory_space<vmem>>) semaphore(%arg9 : memref<!tpu.dma_semaphore, #tpu.memory_space<semaphore_mem>>)
    %dma_wait3A_2114 = arith.constant 0 : i32
    %dma_wait3A_2115 = arith.constant 0 : i32
    %dma_wait3A_2116 = arith.constant 0 : i32
    %dma_wait3A_2117 = tpu.memref_slice %arg7[%dma_wait3A_2114, %dma_wait3A_2115, %dma_wait3A_2116] : memref<2x256x128xf32, #tpu.memory_space<vmem>> -> memref<1x128x128xf32, #tpu.memory_space<vmem>>
    %dma_wait3A_2118 = tpu.memref_squeeze %dma_wait3A_2117 : memref<1x128x128xf32, #tpu.memory_space<vmem>> -> memref<128x128xf32, #tpu.memory_space<vmem>>
    %dma_wait3A_2119 = arith.constant 0 : i32
    %dma_wait3A_2120 = tpu.memref_slice %arg5[%add3A_1996, %dma_wait3A_2119] : memref<64x128xi32, #tpu.memory_space<vmem>> -> memref<1x128xi32, #tpu.memory_space<vmem>>
    %dma_wait3A_2121 = tpu.memref_squeeze %dma_wait3A_2120 : memref<1x128xi32, #tpu.memory_space<vmem>> -> memref<128xi32, #tpu.memory_space<vmem>>
    %dma_wait3A_2122 = arith.constant 0 : i32
    %dma_wait3A_2123 = arith.constant 0 : i32
    %dma_wait3A_2124 = tpu.memref_slice %arg2[%dma_wait3A_2122, %dma_wait3A_2123] : memref<262144x128xf32, #tpu.memory_space<hbm>> -> memref<262144x128xf32, #tpu.memory_space<hbm>>
    tpu.wait_indirect_dma semaphore(%arg9 : memref<!tpu.dma_semaphore, #tpu.memory_space<semaphore_mem>>) src(%dma_wait3A_2124 : memref<262144x128xf32, #tpu.memory_space<hbm>>) dst(%dma_wait3A_2118 : memref<128x128xf32, #tpu.memory_space<vmem>>)
    %dma_wait3A_2125 = arith.constant 0 : i32
    %dma_wait3A_2126 = arith.constant 128 : i32
    %dma_wait3A_2127 = arith.constant 0 : i32
    %dma_wait3A_2128 = tpu.memref_slice %arg7[%dma_wait3A_2125, %dma_wait3A_2126, %dma_wait3A_2127] : memref<2x256x128xf32, #tpu.memory_space<vmem>> -> memref<1x128x128xf32, #tpu.memory_space<vmem>>
    %dma_wait3A_2129 = tpu.memref_squeeze %dma_wait3A_2128 : memref<1x128x128xf32, #tpu.memory_space<vmem>> -> memref<128x128xf32, #tpu.memory_space<vmem>>
    %dma_wait3A_2130 = arith.constant 0 : i32
    %dma_wait3A_2131 = tpu.memref_slice %arg5[%add3A_2014, %dma_wait3A_2130] : memref<64x128xi32, #tpu.memory_space<vmem>> -> memref<1x128xi32, #tpu.memory_space<vmem>>
    %dma_wait3A_2132 = tpu.memref_squeeze %dma_wait3A_2131 : memref<1x128xi32, #tpu.memory_space<vmem>> -> memref<128xi32, #tpu.memory_space<vmem>>
    %dma_wait3A_2133 = arith.constant 0 : i32
    %dma_wait3A_2134 = arith.constant 0 : i32
    %dma_wait3A_2135 = tpu.memref_slice %arg2[%dma_wait3A_2133, %dma_wait3A_2134] : memref<262144x128xf32, #tpu.memory_space<hbm>> -> memref<262144x128xf32, #tpu.memory_space<hbm>>
    tpu.wait_indirect_dma semaphore(%arg9 : memref<!tpu.dma_semaphore, #tpu.memory_space<semaphore_mem>>) src(%dma_wait3A_2135 : memref<262144x128xf32, #tpu.memory_space<hbm>>) dst(%dma_wait3A_2129 : memref<128x128xf32, #tpu.memory_space<vmem>>)
    %mul3A_2136 = arith.constant 4096 : i32
    %mul3A_2137 = arith.muli %add3A_51, %mul3A_2136 : i32
    %add3A_2138 = arith.constant 1536 : i32
    %add3A_2139 = arith.addi %mul3A_2137, %add3A_2138 : i32
    %dma_start3A_2140 = arith.constant 0 : i32
    %dma_start3A_2141 = arith.constant 0 : i32
    %dma_start3A_2142 = arith.constant 0 : i32
    %dma_start3A_2143 = tpu.memref_slice %arg7[%dma_start3A_2140, %dma_start3A_2141, %dma_start3A_2142] : memref<2x256x128xf32, #tpu.memory_space<vmem>> -> memref<1x256x128xf32, #tpu.memory_space<vmem>>
    %dma_start3A_2144 = tpu.memref_squeeze %dma_start3A_2143 : memref<1x256x128xf32, #tpu.memory_space<vmem>> -> memref<256x128xf32, #tpu.memory_space<vmem>>
    %dma_start3A_2145 = arith.constant 0 : i32
    %dma_start3A_2146 = tpu.memref_slice %arg4[%add3A_2139, %dma_start3A_2145] : memref<524288x128xf32, #tpu.memory_space<hbm>> -> memref<256x128xf32, #tpu.memory_space<hbm>>
    %dma_start3A_2147 = arith.constant 0 : i32
    %dma_start3A_2148 = tpu.memref_slice %arg4[%add3A_2139, %dma_start3A_2147] : memref<524288x128xf32, #tpu.memory_space<hbm>> -> memref<256x128xf32, #tpu.memory_space<hbm>>
    %dma_start3A_2149 = arith.constant 0 : i32
    %dma_start3A_2150 = arith.constant 0 : i32
    %dma_start3A_2151 = tpu.memref_slice %arg7[%dma_start3A_2140, %dma_start3A_2149, %dma_start3A_2150] : memref<2x256x128xf32, #tpu.memory_space<vmem>> -> memref<1x256x128xf32, #tpu.memory_space<vmem>>
    %dma_start3A_2152 = tpu.memref_squeeze %dma_start3A_2151 : memref<1x256x128xf32, #tpu.memory_space<vmem>> -> memref<256x128xf32, #tpu.memory_space<vmem>>
    tpu.enqueue_dma source(%dma_start3A_2152 : memref<256x128xf32, #tpu.memory_space<vmem>>) target(%dma_start3A_2148 : memref<256x128xf32, #tpu.memory_space<hbm>>) target_semaphore(%arg10 : memref<!tpu.dma_semaphore, #tpu.memory_space<semaphore_mem>>)
    %dma_wait3A_2153 = arith.constant 0 : i32
    %dma_wait3A_2154 = arith.constant 0 : i32
    %dma_wait3A_2155 = arith.constant 0 : i32
    %dma_wait3A_2156 = tpu.memref_slice %arg7[%dma_wait3A_2153, %dma_wait3A_2154, %dma_wait3A_2155] : memref<2x256x128xf32, #tpu.memory_space<vmem>> -> memref<1x256x128xf32, #tpu.memory_space<vmem>>
    %dma_wait3A_2157 = tpu.memref_squeeze %dma_wait3A_2156 : memref<1x256x128xf32, #tpu.memory_space<vmem>> -> memref<256x128xf32, #tpu.memory_space<vmem>>
    %dma_wait3A_2158 = arith.constant 0 : i32
    %dma_wait3A_2159 = tpu.memref_slice %arg4[%add3A_2139, %dma_wait3A_2158] : memref<524288x128xf32, #tpu.memory_space<hbm>> -> memref<256x128xf32, #tpu.memory_space<hbm>>
    %dma_wait3A_2160 = arith.constant 0 : i32
    %dma_wait3A_2161 = tpu.memref_slice %arg4[%add3A_2139, %dma_wait3A_2160] : memref<524288x128xf32, #tpu.memory_space<hbm>> -> memref<256x128xf32, #tpu.memory_space<hbm>>
    %dma_wait3A_2162 = arith.constant 0 : i32
    %dma_wait3A_2163 = arith.constant 0 : i32
    %dma_wait3A_2164 = tpu.memref_slice %arg7[%dma_wait3A_2153, %dma_wait3A_2162, %dma_wait3A_2163] : memref<2x256x128xf32, #tpu.memory_space<vmem>> -> memref<1x256x128xf32, #tpu.memory_space<vmem>>
    %dma_wait3A_2165 = tpu.memref_squeeze %dma_wait3A_2164 : memref<1x256x128xf32, #tpu.memory_space<vmem>> -> memref<256x128xf32, #tpu.memory_space<vmem>>
    tpu.wait_dma2 semaphore(%arg10 : memref<!tpu.dma_semaphore, #tpu.memory_space<semaphore_mem>>) src(%dma_wait3A_2165 : memref<256x128xf32, #tpu.memory_space<vmem>>) dst(%dma_wait3A_2161 : memref<256x128xf32, #tpu.memory_space<hbm>>)
    %sub3A_2166 = arith.subi %add3A_55, %mul3A_2 : i32
    %mul3A_2167 = arith.constant 16 : i32
    %mul3A_2168 = arith.muli %sub3A_2166, %mul3A_2167 : i32
    %add3A_2169 = arith.constant 0 : i32
    %add3A_2170 = arith.addi %mul3A_2168, %add3A_2169 : i32
    %add3A_2171 = arith.constant 0 : i32
    %add3A_2172 = arith.addi %add3A_2170, %add3A_2171 : i32
    %dma_start3A_2173 = arith.constant 0 : i32
    %dma_start3A_2174 = arith.constant 0 : i32
    %dma_start3A_2175 = arith.constant 0 : i32
    %dma_start3A_2176 = tpu.memref_slice %arg7[%dma_start3A_2173, %dma_start3A_2174, %dma_start3A_2175] : memref<2x256x128xf32, #tpu.memory_space<vmem>> -> memref<1x128x128xf32, #tpu.memory_space<vmem>>
    %dma_start3A_2177 = tpu.memref_squeeze %dma_start3A_2176 : memref<1x128x128xf32, #tpu.memory_space<vmem>> -> memref<128x128xf32, #tpu.memory_space<vmem>>
    %dma_start3A_2178 = arith.constant 0 : i32
    %dma_start3A_2179 = tpu.memref_slice %arg5[%add3A_2172, %dma_start3A_2178] : memref<64x128xi32, #tpu.memory_space<vmem>> -> memref<1x128xi32, #tpu.memory_space<vmem>>
    %dma_start3A_2180 = tpu.memref_squeeze %dma_start3A_2179 : memref<1x128xi32, #tpu.memory_space<vmem>> -> memref<128xi32, #tpu.memory_space<vmem>>
    %dma_start3A_2181 = arith.constant 0 : i32
    %dma_start3A_2182 = arith.constant 0 : i32
    %dma_start3A_2183 = tpu.memref_slice %arg2[%dma_start3A_2181, %dma_start3A_2182] : memref<262144x128xf32, #tpu.memory_space<hbm>> -> memref<262144x128xf32, #tpu.memory_space<hbm>>
    tpu.enqueue_indirect_dma source(%dma_start3A_2183 : memref<262144x128xf32, #tpu.memory_space<hbm>>) target(%dma_start3A_2177 : memref<128x128xf32, #tpu.memory_space<vmem>>) offsets(%dma_start3A_2180 : memref<128xi32, #tpu.memory_space<vmem>>) semaphore(%arg9 : memref<!tpu.dma_semaphore, #tpu.memory_space<semaphore_mem>>)
    %sub3A_2184 = arith.subi %add3A_55, %mul3A_2 : i32
    %mul3A_2185 = arith.constant 16 : i32
    %mul3A_2186 = arith.muli %sub3A_2184, %mul3A_2185 : i32
    %add3A_2187 = arith.constant 0 : i32
    %add3A_2188 = arith.addi %mul3A_2186, %add3A_2187 : i32
    %add3A_2189 = arith.constant 1 : i32
    %add3A_2190 = arith.addi %add3A_2188, %add3A_2189 : i32
    %dma_start3A_2191 = arith.constant 0 : i32
    %dma_start3A_2192 = arith.constant 128 : i32
    %dma_start3A_2193 = arith.constant 0 : i32
    %dma_start3A_2194 = tpu.memref_slice %arg7[%dma_start3A_2191, %dma_start3A_2192, %dma_start3A_2193] : memref<2x256x128xf32, #tpu.memory_space<vmem>> -> memref<1x128x128xf32, #tpu.memory_space<vmem>>
    %dma_start3A_2195 = tpu.memref_squeeze %dma_start3A_2194 : memref<1x128x128xf32, #tpu.memory_space<vmem>> -> memref<128x128xf32, #tpu.memory_space<vmem>>
    %dma_start3A_2196 = arith.constant 0 : i32
    %dma_start3A_2197 = tpu.memref_slice %arg5[%add3A_2190, %dma_start3A_2196] : memref<64x128xi32, #tpu.memory_space<vmem>> -> memref<1x128xi32, #tpu.memory_space<vmem>>
    %dma_start3A_2198 = tpu.memref_squeeze %dma_start3A_2197 : memref<1x128xi32, #tpu.memory_space<vmem>> -> memref<128xi32, #tpu.memory_space<vmem>>
    %dma_start3A_2199 = arith.constant 0 : i32
    %dma_start3A_2200 = arith.constant 0 : i32
    %dma_start3A_2201 = tpu.memref_slice %arg2[%dma_start3A_2199, %dma_start3A_2200] : memref<262144x128xf32, #tpu.memory_space<hbm>> -> memref<262144x128xf32, #tpu.memory_space<hbm>>
    tpu.enqueue_indirect_dma source(%dma_start3A_2201 : memref<262144x128xf32, #tpu.memory_space<hbm>>) target(%dma_start3A_2195 : memref<128x128xf32, #tpu.memory_space<vmem>>) offsets(%dma_start3A_2198 : memref<128xi32, #tpu.memory_space<vmem>>) semaphore(%arg9 : memref<!tpu.dma_semaphore, #tpu.memory_space<semaphore_mem>>)
    %dma_wait3A_2202 = arith.constant 1 : i32
    %dma_wait3A_2203 = arith.constant 0 : i32
    %dma_wait3A_2204 = arith.constant 0 : i32
    %dma_wait3A_2205 = tpu.memref_slice %arg7[%dma_wait3A_2202, %dma_wait3A_2203, %dma_wait3A_2204] : memref<2x256x128xf32, #tpu.memory_space<vmem>> -> memref<1x128x128xf32, #tpu.memory_space<vmem>>
    %dma_wait3A_2206 = tpu.memref_squeeze %dma_wait3A_2205 : memref<1x128x128xf32, #tpu.memory_space<vmem>> -> memref<128x128xf32, #tpu.memory_space<vmem>>
    %dma_wait3A_2207 = arith.constant 0 : i32
    %dma_wait3A_2208 = tpu.memref_slice %arg5[%add3A_2084, %dma_wait3A_2207] : memref<64x128xi32, #tpu.memory_space<vmem>> -> memref<1x128xi32, #tpu.memory_space<vmem>>
    %dma_wait3A_2209 = tpu.memref_squeeze %dma_wait3A_2208 : memref<1x128xi32, #tpu.memory_space<vmem>> -> memref<128xi32, #tpu.memory_space<vmem>>
    %dma_wait3A_2210 = arith.constant 0 : i32
    %dma_wait3A_2211 = arith.constant 0 : i32
    %dma_wait3A_2212 = tpu.memref_slice %arg2[%dma_wait3A_2210, %dma_wait3A_2211] : memref<262144x128xf32, #tpu.memory_space<hbm>> -> memref<262144x128xf32, #tpu.memory_space<hbm>>
    tpu.wait_indirect_dma semaphore(%arg9 : memref<!tpu.dma_semaphore, #tpu.memory_space<semaphore_mem>>) src(%dma_wait3A_2212 : memref<262144x128xf32, #tpu.memory_space<hbm>>) dst(%dma_wait3A_2206 : memref<128x128xf32, #tpu.memory_space<vmem>>)
    %dma_wait3A_2213 = arith.constant 1 : i32
    %dma_wait3A_2214 = arith.constant 128 : i32
    %dma_wait3A_2215 = arith.constant 0 : i32
    %dma_wait3A_2216 = tpu.memref_slice %arg7[%dma_wait3A_2213, %dma_wait3A_2214, %dma_wait3A_2215] : memref<2x256x128xf32, #tpu.memory_space<vmem>> -> memref<1x128x128xf32, #tpu.memory_space<vmem>>
    %dma_wait3A_2217 = tpu.memref_squeeze %dma_wait3A_2216 : memref<1x128x128xf32, #tpu.memory_space<vmem>> -> memref<128x128xf32, #tpu.memory_space<vmem>>
    %dma_wait3A_2218 = arith.constant 0 : i32
    %dma_wait3A_2219 = tpu.memref_slice %arg5[%add3A_2102, %dma_wait3A_2218] : memref<64x128xi32, #tpu.memory_space<vmem>> -> memref<1x128xi32, #tpu.memory_space<vmem>>
    %dma_wait3A_2220 = tpu.memref_squeeze %dma_wait3A_2219 : memref<1x128xi32, #tpu.memory_space<vmem>> -> memref<128xi32, #tpu.memory_space<vmem>>
    %dma_wait3A_2221 = arith.constant 0 : i32
    %dma_wait3A_2222 = arith.constant 0 : i32
    %dma_wait3A_2223 = tpu.memref_slice %arg2[%dma_wait3A_2221, %dma_wait3A_2222] : memref<262144x128xf32, #tpu.memory_space<hbm>> -> memref<262144x128xf32, #tpu.memory_space<hbm>>
    tpu.wait_indirect_dma semaphore(%arg9 : memref<!tpu.dma_semaphore, #tpu.memory_space<semaphore_mem>>) src(%dma_wait3A_2223 : memref<262144x128xf32, #tpu.memory_space<hbm>>) dst(%dma_wait3A_2217 : memref<128x128xf32, #tpu.memory_space<vmem>>)
    %mul3A_2224 = arith.constant 4096 : i32
    %mul3A_2225 = arith.muli %add3A_53, %mul3A_2224 : i32
    %add3A_2226 = arith.constant 1792 : i32
    %add3A_2227 = arith.addi %mul3A_2225, %add3A_2226 : i32
    %dma_start3A_2228 = arith.constant 1 : i32
    %dma_start3A_2229 = arith.constant 0 : i32
    %dma_start3A_2230 = arith.constant 0 : i32
    %dma_start3A_2231 = tpu.memref_slice %arg7[%dma_start3A_2228, %dma_start3A_2229, %dma_start3A_2230] : memref<2x256x128xf32, #tpu.memory_space<vmem>> -> memref<1x256x128xf32, #tpu.memory_space<vmem>>
    %dma_start3A_2232 = tpu.memref_squeeze %dma_start3A_2231 : memref<1x256x128xf32, #tpu.memory_space<vmem>> -> memref<256x128xf32, #tpu.memory_space<vmem>>
    %dma_start3A_2233 = arith.constant 0 : i32
    %dma_start3A_2234 = tpu.memref_slice %arg4[%add3A_2227, %dma_start3A_2233] : memref<524288x128xf32, #tpu.memory_space<hbm>> -> memref<256x128xf32, #tpu.memory_space<hbm>>
    %dma_start3A_2235 = arith.constant 0 : i32
    %dma_start3A_2236 = tpu.memref_slice %arg4[%add3A_2227, %dma_start3A_2235] : memref<524288x128xf32, #tpu.memory_space<hbm>> -> memref<256x128xf32, #tpu.memory_space<hbm>>
    %dma_start3A_2237 = arith.constant 0 : i32
    %dma_start3A_2238 = arith.constant 0 : i32
    %dma_start3A_2239 = tpu.memref_slice %arg7[%dma_start3A_2228, %dma_start3A_2237, %dma_start3A_2238] : memref<2x256x128xf32, #tpu.memory_space<vmem>> -> memref<1x256x128xf32, #tpu.memory_space<vmem>>
    %dma_start3A_2240 = tpu.memref_squeeze %dma_start3A_2239 : memref<1x256x128xf32, #tpu.memory_space<vmem>> -> memref<256x128xf32, #tpu.memory_space<vmem>>
    tpu.enqueue_dma source(%dma_start3A_2240 : memref<256x128xf32, #tpu.memory_space<vmem>>) target(%dma_start3A_2236 : memref<256x128xf32, #tpu.memory_space<hbm>>) target_semaphore(%arg10 : memref<!tpu.dma_semaphore, #tpu.memory_space<semaphore_mem>>)
    %dma_wait3A_2241 = arith.constant 1 : i32
    %dma_wait3A_2242 = arith.constant 0 : i32
    %dma_wait3A_2243 = arith.constant 0 : i32
    %dma_wait3A_2244 = tpu.memref_slice %arg7[%dma_wait3A_2241, %dma_wait3A_2242, %dma_wait3A_2243] : memref<2x256x128xf32, #tpu.memory_space<vmem>> -> memref<1x256x128xf32, #tpu.memory_space<vmem>>
    %dma_wait3A_2245 = tpu.memref_squeeze %dma_wait3A_2244 : memref<1x256x128xf32, #tpu.memory_space<vmem>> -> memref<256x128xf32, #tpu.memory_space<vmem>>
    %dma_wait3A_2246 = arith.constant 0 : i32
    %dma_wait3A_2247 = tpu.memref_slice %arg4[%add3A_2227, %dma_wait3A_2246] : memref<524288x128xf32, #tpu.memory_space<hbm>> -> memref<256x128xf32, #tpu.memory_space<hbm>>
    %dma_wait3A_2248 = arith.constant 0 : i32
    %dma_wait3A_2249 = tpu.memref_slice %arg4[%add3A_2227, %dma_wait3A_2248] : memref<524288x128xf32, #tpu.memory_space<hbm>> -> memref<256x128xf32, #tpu.memory_space<hbm>>
    %dma_wait3A_2250 = arith.constant 0 : i32
    %dma_wait3A_2251 = arith.constant 0 : i32
    %dma_wait3A_2252 = tpu.memref_slice %arg7[%dma_wait3A_2241, %dma_wait3A_2250, %dma_wait3A_2251] : memref<2x256x128xf32, #tpu.memory_space<vmem>> -> memref<1x256x128xf32, #tpu.memory_space<vmem>>
    %dma_wait3A_2253 = tpu.memref_squeeze %dma_wait3A_2252 : memref<1x256x128xf32, #tpu.memory_space<vmem>> -> memref<256x128xf32, #tpu.memory_space<vmem>>
    tpu.wait_dma2 semaphore(%arg10 : memref<!tpu.dma_semaphore, #tpu.memory_space<semaphore_mem>>) src(%dma_wait3A_2253 : memref<256x128xf32, #tpu.memory_space<vmem>>) dst(%dma_wait3A_2249 : memref<256x128xf32, #tpu.memory_space<hbm>>)
    %sub3A_2254 = arith.subi %add3A_57, %mul3A_2 : i32
    %mul3A_2255 = arith.constant 16 : i32
    %mul3A_2256 = arith.muli %sub3A_2254, %mul3A_2255 : i32
    %add3A_2257 = arith.constant 2 : i32
    %add3A_2258 = arith.addi %mul3A_2256, %add3A_2257 : i32
    %add3A_2259 = arith.constant 0 : i32
    %add3A_2260 = arith.addi %add3A_2258, %add3A_2259 : i32
    %dma_start3A_2261 = arith.constant 1 : i32
    %dma_start3A_2262 = arith.constant 0 : i32
    %dma_start3A_2263 = arith.constant 0 : i32
    %dma_start3A_2264 = tpu.memref_slice %arg7[%dma_start3A_2261, %dma_start3A_2262, %dma_start3A_2263] : memref<2x256x128xf32, #tpu.memory_space<vmem>> -> memref<1x128x128xf32, #tpu.memory_space<vmem>>
    %dma_start3A_2265 = tpu.memref_squeeze %dma_start3A_2264 : memref<1x128x128xf32, #tpu.memory_space<vmem>> -> memref<128x128xf32, #tpu.memory_space<vmem>>
    %dma_start3A_2266 = arith.constant 0 : i32
    %dma_start3A_2267 = tpu.memref_slice %arg5[%add3A_2260, %dma_start3A_2266] : memref<64x128xi32, #tpu.memory_space<vmem>> -> memref<1x128xi32, #tpu.memory_space<vmem>>
    %dma_start3A_2268 = tpu.memref_squeeze %dma_start3A_2267 : memref<1x128xi32, #tpu.memory_space<vmem>> -> memref<128xi32, #tpu.memory_space<vmem>>
    %dma_start3A_2269 = arith.constant 0 : i32
    %dma_start3A_2270 = arith.constant 0 : i32
    %dma_start3A_2271 = tpu.memref_slice %arg2[%dma_start3A_2269, %dma_start3A_2270] : memref<262144x128xf32, #tpu.memory_space<hbm>> -> memref<262144x128xf32, #tpu.memory_space<hbm>>
    tpu.enqueue_indirect_dma source(%dma_start3A_2271 : memref<262144x128xf32, #tpu.memory_space<hbm>>) target(%dma_start3A_2265 : memref<128x128xf32, #tpu.memory_space<vmem>>) offsets(%dma_start3A_2268 : memref<128xi32, #tpu.memory_space<vmem>>) semaphore(%arg9 : memref<!tpu.dma_semaphore, #tpu.memory_space<semaphore_mem>>)
    %sub3A_2272 = arith.subi %add3A_57, %mul3A_2 : i32
    %mul3A_2273 = arith.constant 16 : i32
    %mul3A_2274 = arith.muli %sub3A_2272, %mul3A_2273 : i32
    %add3A_2275 = arith.constant 2 : i32
    %add3A_2276 = arith.addi %mul3A_2274, %add3A_2275 : i32
    %add3A_2277 = arith.constant 1 : i32
    %add3A_2278 = arith.addi %add3A_2276, %add3A_2277 : i32
    %dma_start3A_2279 = arith.constant 1 : i32
    %dma_start3A_2280 = arith.constant 128 : i32
    %dma_start3A_2281 = arith.constant 0 : i32
    %dma_start3A_2282 = tpu.memref_slice %arg7[%dma_start3A_2279, %dma_start3A_2280, %dma_start3A_2281] : memref<2x256x128xf32, #tpu.memory_space<vmem>> -> memref<1x128x128xf32, #tpu.memory_space<vmem>>
    %dma_start3A_2283 = tpu.memref_squeeze %dma_start3A_2282 : memref<1x128x128xf32, #tpu.memory_space<vmem>> -> memref<128x128xf32, #tpu.memory_space<vmem>>
    %dma_start3A_2284 = arith.constant 0 : i32
    %dma_start3A_2285 = tpu.memref_slice %arg5[%add3A_2278, %dma_start3A_2284] : memref<64x128xi32, #tpu.memory_space<vmem>> -> memref<1x128xi32, #tpu.memory_space<vmem>>
    %dma_start3A_2286 = tpu.memref_squeeze %dma_start3A_2285 : memref<1x128xi32, #tpu.memory_space<vmem>> -> memref<128xi32, #tpu.memory_space<vmem>>
    %dma_start3A_2287 = arith.constant 0 : i32
    %dma_start3A_2288 = arith.constant 0 : i32
    %dma_start3A_2289 = tpu.memref_slice %arg2[%dma_start3A_2287, %dma_start3A_2288] : memref<262144x128xf32, #tpu.memory_space<hbm>> -> memref<262144x128xf32, #tpu.memory_space<hbm>>
    tpu.enqueue_indirect_dma source(%dma_start3A_2289 : memref<262144x128xf32, #tpu.memory_space<hbm>>) target(%dma_start3A_2283 : memref<128x128xf32, #tpu.memory_space<vmem>>) offsets(%dma_start3A_2286 : memref<128xi32, #tpu.memory_space<vmem>>) semaphore(%arg9 : memref<!tpu.dma_semaphore, #tpu.memory_space<semaphore_mem>>)
    %dma_wait3A_2290 = arith.constant 0 : i32
    %dma_wait3A_2291 = arith.constant 0 : i32
    %dma_wait3A_2292 = arith.constant 0 : i32
    %dma_wait3A_2293 = tpu.memref_slice %arg7[%dma_wait3A_2290, %dma_wait3A_2291, %dma_wait3A_2292] : memref<2x256x128xf32, #tpu.memory_space<vmem>> -> memref<1x128x128xf32, #tpu.memory_space<vmem>>
    %dma_wait3A_2294 = tpu.memref_squeeze %dma_wait3A_2293 : memref<1x128x128xf32, #tpu.memory_space<vmem>> -> memref<128x128xf32, #tpu.memory_space<vmem>>
    %dma_wait3A_2295 = arith.constant 0 : i32
    %dma_wait3A_2296 = tpu.memref_slice %arg5[%add3A_2172, %dma_wait3A_2295] : memref<64x128xi32, #tpu.memory_space<vmem>> -> memref<1x128xi32, #tpu.memory_space<vmem>>
    %dma_wait3A_2297 = tpu.memref_squeeze %dma_wait3A_2296 : memref<1x128xi32, #tpu.memory_space<vmem>> -> memref<128xi32, #tpu.memory_space<vmem>>
    %dma_wait3A_2298 = arith.constant 0 : i32
    %dma_wait3A_2299 = arith.constant 0 : i32
    %dma_wait3A_2300 = tpu.memref_slice %arg2[%dma_wait3A_2298, %dma_wait3A_2299] : memref<262144x128xf32, #tpu.memory_space<hbm>> -> memref<262144x128xf32, #tpu.memory_space<hbm>>
    tpu.wait_indirect_dma semaphore(%arg9 : memref<!tpu.dma_semaphore, #tpu.memory_space<semaphore_mem>>) src(%dma_wait3A_2300 : memref<262144x128xf32, #tpu.memory_space<hbm>>) dst(%dma_wait3A_2294 : memref<128x128xf32, #tpu.memory_space<vmem>>)
    %dma_wait3A_2301 = arith.constant 0 : i32
    %dma_wait3A_2302 = arith.constant 128 : i32
    %dma_wait3A_2303 = arith.constant 0 : i32
    %dma_wait3A_2304 = tpu.memref_slice %arg7[%dma_wait3A_2301, %dma_wait3A_2302, %dma_wait3A_2303] : memref<2x256x128xf32, #tpu.memory_space<vmem>> -> memref<1x128x128xf32, #tpu.memory_space<vmem>>
    %dma_wait3A_2305 = tpu.memref_squeeze %dma_wait3A_2304 : memref<1x128x128xf32, #tpu.memory_space<vmem>> -> memref<128x128xf32, #tpu.memory_space<vmem>>
    %dma_wait3A_2306 = arith.constant 0 : i32
    %dma_wait3A_2307 = tpu.memref_slice %arg5[%add3A_2190, %dma_wait3A_2306] : memref<64x128xi32, #tpu.memory_space<vmem>> -> memref<1x128xi32, #tpu.memory_space<vmem>>
    %dma_wait3A_2308 = tpu.memref_squeeze %dma_wait3A_2307 : memref<1x128xi32, #tpu.memory_space<vmem>> -> memref<128xi32, #tpu.memory_space<vmem>>
    %dma_wait3A_2309 = arith.constant 0 : i32
    %dma_wait3A_2310 = arith.constant 0 : i32
    %dma_wait3A_2311 = tpu.memref_slice %arg2[%dma_wait3A_2309, %dma_wait3A_2310] : memref<262144x128xf32, #tpu.memory_space<hbm>> -> memref<262144x128xf32, #tpu.memory_space<hbm>>
    tpu.wait_indirect_dma semaphore(%arg9 : memref<!tpu.dma_semaphore, #tpu.memory_space<semaphore_mem>>) src(%dma_wait3A_2311 : memref<262144x128xf32, #tpu.memory_space<hbm>>) dst(%dma_wait3A_2305 : memref<128x128xf32, #tpu.memory_space<vmem>>)
    %mul3A_2312 = arith.constant 4096 : i32
    %mul3A_2313 = arith.muli %add3A_55, %mul3A_2312 : i32
    %add3A_2314 = arith.constant 0 : i32
    %add3A_2315 = arith.addi %mul3A_2313, %add3A_2314 : i32
    %dma_start3A_2316 = arith.constant 0 : i32
    %dma_start3A_2317 = arith.constant 0 : i32
    %dma_start3A_2318 = arith.constant 0 : i32
    %dma_start3A_2319 = tpu.memref_slice %arg7[%dma_start3A_2316, %dma_start3A_2317, %dma_start3A_2318] : memref<2x256x128xf32, #tpu.memory_space<vmem>> -> memref<1x256x128xf32, #tpu.memory_space<vmem>>
    %dma_start3A_2320 = tpu.memref_squeeze %dma_start3A_2319 : memref<1x256x128xf32, #tpu.memory_space<vmem>> -> memref<256x128xf32, #tpu.memory_space<vmem>>
    %dma_start3A_2321 = arith.constant 0 : i32
    %dma_start3A_2322 = tpu.memref_slice %arg4[%add3A_2315, %dma_start3A_2321] : memref<524288x128xf32, #tpu.memory_space<hbm>> -> memref<256x128xf32, #tpu.memory_space<hbm>>
    %dma_start3A_2323 = arith.constant 0 : i32
    %dma_start3A_2324 = tpu.memref_slice %arg4[%add3A_2315, %dma_start3A_2323] : memref<524288x128xf32, #tpu.memory_space<hbm>> -> memref<256x128xf32, #tpu.memory_space<hbm>>
    %dma_start3A_2325 = arith.constant 0 : i32
    %dma_start3A_2326 = arith.constant 0 : i32
    %dma_start3A_2327 = tpu.memref_slice %arg7[%dma_start3A_2316, %dma_start3A_2325, %dma_start3A_2326] : memref<2x256x128xf32, #tpu.memory_space<vmem>> -> memref<1x256x128xf32, #tpu.memory_space<vmem>>
    %dma_start3A_2328 = tpu.memref_squeeze %dma_start3A_2327 : memref<1x256x128xf32, #tpu.memory_space<vmem>> -> memref<256x128xf32, #tpu.memory_space<vmem>>
    tpu.enqueue_dma source(%dma_start3A_2328 : memref<256x128xf32, #tpu.memory_space<vmem>>) target(%dma_start3A_2324 : memref<256x128xf32, #tpu.memory_space<hbm>>) target_semaphore(%arg10 : memref<!tpu.dma_semaphore, #tpu.memory_space<semaphore_mem>>)
    %dma_wait3A_2329 = arith.constant 0 : i32
    %dma_wait3A_2330 = arith.constant 0 : i32
    %dma_wait3A_2331 = arith.constant 0 : i32
    %dma_wait3A_2332 = tpu.memref_slice %arg7[%dma_wait3A_2329, %dma_wait3A_2330, %dma_wait3A_2331] : memref<2x256x128xf32, #tpu.memory_space<vmem>> -> memref<1x256x128xf32, #tpu.memory_space<vmem>>
    %dma_wait3A_2333 = tpu.memref_squeeze %dma_wait3A_2332 : memref<1x256x128xf32, #tpu.memory_space<vmem>> -> memref<256x128xf32, #tpu.memory_space<vmem>>
    %dma_wait3A_2334 = arith.constant 0 : i32
    %dma_wait3A_2335 = tpu.memref_slice %arg4[%add3A_2315, %dma_wait3A_2334] : memref<524288x128xf32, #tpu.memory_space<hbm>> -> memref<256x128xf32, #tpu.memory_space<hbm>>
    %dma_wait3A_2336 = arith.constant 0 : i32
    %dma_wait3A_2337 = tpu.memref_slice %arg4[%add3A_2315, %dma_wait3A_2336] : memref<524288x128xf32, #tpu.memory_space<hbm>> -> memref<256x128xf32, #tpu.memory_space<hbm>>
    %dma_wait3A_2338 = arith.constant 0 : i32
    %dma_wait3A_2339 = arith.constant 0 : i32
    %dma_wait3A_2340 = tpu.memref_slice %arg7[%dma_wait3A_2329, %dma_wait3A_2338, %dma_wait3A_2339] : memref<2x256x128xf32, #tpu.memory_space<vmem>> -> memref<1x256x128xf32, #tpu.memory_space<vmem>>
    %dma_wait3A_2341 = tpu.memref_squeeze %dma_wait3A_2340 : memref<1x256x128xf32, #tpu.memory_space<vmem>> -> memref<256x128xf32, #tpu.memory_space<vmem>>
    tpu.wait_dma2 semaphore(%arg10 : memref<!tpu.dma_semaphore, #tpu.memory_space<semaphore_mem>>) src(%dma_wait3A_2341 : memref<256x128xf32, #tpu.memory_space<vmem>>) dst(%dma_wait3A_2337 : memref<256x128xf32, #tpu.memory_space<hbm>>)
    %sub3A_2342 = arith.subi %add3A_59, %mul3A_2 : i32
    %mul3A_2343 = arith.constant 16 : i32
    %mul3A_2344 = arith.muli %sub3A_2342, %mul3A_2343 : i32
    %add3A_2345 = arith.constant 4 : i32
    %add3A_2346 = arith.addi %mul3A_2344, %add3A_2345 : i32
    %add3A_2347 = arith.constant 0 : i32
    %add3A_2348 = arith.addi %add3A_2346, %add3A_2347 : i32
    %dma_start3A_2349 = arith.constant 0 : i32
    %dma_start3A_2350 = arith.constant 0 : i32
    %dma_start3A_2351 = arith.constant 0 : i32
    %dma_start3A_2352 = tpu.memref_slice %arg7[%dma_start3A_2349, %dma_start3A_2350, %dma_start3A_2351] : memref<2x256x128xf32, #tpu.memory_space<vmem>> -> memref<1x128x128xf32, #tpu.memory_space<vmem>>
    %dma_start3A_2353 = tpu.memref_squeeze %dma_start3A_2352 : memref<1x128x128xf32, #tpu.memory_space<vmem>> -> memref<128x128xf32, #tpu.memory_space<vmem>>
    %dma_start3A_2354 = arith.constant 0 : i32
    %dma_start3A_2355 = tpu.memref_slice %arg5[%add3A_2348, %dma_start3A_2354] : memref<64x128xi32, #tpu.memory_space<vmem>> -> memref<1x128xi32, #tpu.memory_space<vmem>>
    %dma_start3A_2356 = tpu.memref_squeeze %dma_start3A_2355 : memref<1x128xi32, #tpu.memory_space<vmem>> -> memref<128xi32, #tpu.memory_space<vmem>>
    %dma_start3A_2357 = arith.constant 0 : i32
    %dma_start3A_2358 = arith.constant 0 : i32
    %dma_start3A_2359 = tpu.memref_slice %arg2[%dma_start3A_2357, %dma_start3A_2358] : memref<262144x128xf32, #tpu.memory_space<hbm>> -> memref<262144x128xf32, #tpu.memory_space<hbm>>
    tpu.enqueue_indirect_dma source(%dma_start3A_2359 : memref<262144x128xf32, #tpu.memory_space<hbm>>) target(%dma_start3A_2353 : memref<128x128xf32, #tpu.memory_space<vmem>>) offsets(%dma_start3A_2356 : memref<128xi32, #tpu.memory_space<vmem>>) semaphore(%arg9 : memref<!tpu.dma_semaphore, #tpu.memory_space<semaphore_mem>>)
    %sub3A_2360 = arith.subi %add3A_59, %mul3A_2 : i32
    %mul3A_2361 = arith.constant 16 : i32
    %mul3A_2362 = arith.muli %sub3A_2360, %mul3A_2361 : i32
    %add3A_2363 = arith.constant 4 : i32
    %add3A_2364 = arith.addi %mul3A_2362, %add3A_2363 : i32
    %add3A_2365 = arith.constant 1 : i32
    %add3A_2366 = arith.addi %add3A_2364, %add3A_2365 : i32
    %dma_start3A_2367 = arith.constant 0 : i32
    %dma_start3A_2368 = arith.constant 128 : i32
    %dma_start3A_2369 = arith.constant 0 : i32
    %dma_start3A_2370 = tpu.memref_slice %arg7[%dma_start3A_2367, %dma_start3A_2368, %dma_start3A_2369] : memref<2x256x128xf32, #tpu.memory_space<vmem>> -> memref<1x128x128xf32, #tpu.memory_space<vmem>>
    %dma_start3A_2371 = tpu.memref_squeeze %dma_start3A_2370 : memref<1x128x128xf32, #tpu.memory_space<vmem>> -> memref<128x128xf32, #tpu.memory_space<vmem>>
    %dma_start3A_2372 = arith.constant 0 : i32
    %dma_start3A_2373 = tpu.memref_slice %arg5[%add3A_2366, %dma_start3A_2372] : memref<64x128xi32, #tpu.memory_space<vmem>> -> memref<1x128xi32, #tpu.memory_space<vmem>>
    %dma_start3A_2374 = tpu.memref_squeeze %dma_start3A_2373 : memref<1x128xi32, #tpu.memory_space<vmem>> -> memref<128xi32, #tpu.memory_space<vmem>>
    %dma_start3A_2375 = arith.constant 0 : i32
    %dma_start3A_2376 = arith.constant 0 : i32
    %dma_start3A_2377 = tpu.memref_slice %arg2[%dma_start3A_2375, %dma_start3A_2376] : memref<262144x128xf32, #tpu.memory_space<hbm>> -> memref<262144x128xf32, #tpu.memory_space<hbm>>
    tpu.enqueue_indirect_dma source(%dma_start3A_2377 : memref<262144x128xf32, #tpu.memory_space<hbm>>) target(%dma_start3A_2371 : memref<128x128xf32, #tpu.memory_space<vmem>>) offsets(%dma_start3A_2374 : memref<128xi32, #tpu.memory_space<vmem>>) semaphore(%arg9 : memref<!tpu.dma_semaphore, #tpu.memory_space<semaphore_mem>>)
    %dma_wait3A_2378 = arith.constant 1 : i32
    %dma_wait3A_2379 = arith.constant 0 : i32
    %dma_wait3A_2380 = arith.constant 0 : i32
    %dma_wait3A_2381 = tpu.memref_slice %arg7[%dma_wait3A_2378, %dma_wait3A_2379, %dma_wait3A_2380] : memref<2x256x128xf32, #tpu.memory_space<vmem>> -> memref<1x128x128xf32, #tpu.memory_space<vmem>>
    %dma_wait3A_2382 = tpu.memref_squeeze %dma_wait3A_2381 : memref<1x128x128xf32, #tpu.memory_space<vmem>> -> memref<128x128xf32, #tpu.memory_space<vmem>>
    %dma_wait3A_2383 = arith.constant 0 : i32
    %dma_wait3A_2384 = tpu.memref_slice %arg5[%add3A_2260, %dma_wait3A_2383] : memref<64x128xi32, #tpu.memory_space<vmem>> -> memref<1x128xi32, #tpu.memory_space<vmem>>
    %dma_wait3A_2385 = tpu.memref_squeeze %dma_wait3A_2384 : memref<1x128xi32, #tpu.memory_space<vmem>> -> memref<128xi32, #tpu.memory_space<vmem>>
    %dma_wait3A_2386 = arith.constant 0 : i32
    %dma_wait3A_2387 = arith.constant 0 : i32
    %dma_wait3A_2388 = tpu.memref_slice %arg2[%dma_wait3A_2386, %dma_wait3A_2387] : memref<262144x128xf32, #tpu.memory_space<hbm>> -> memref<262144x128xf32, #tpu.memory_space<hbm>>
    tpu.wait_indirect_dma semaphore(%arg9 : memref<!tpu.dma_semaphore, #tpu.memory_space<semaphore_mem>>) src(%dma_wait3A_2388 : memref<262144x128xf32, #tpu.memory_space<hbm>>) dst(%dma_wait3A_2382 : memref<128x128xf32, #tpu.memory_space<vmem>>)
    %dma_wait3A_2389 = arith.constant 1 : i32
    %dma_wait3A_2390 = arith.constant 128 : i32
    %dma_wait3A_2391 = arith.constant 0 : i32
    %dma_wait3A_2392 = tpu.memref_slice %arg7[%dma_wait3A_2389, %dma_wait3A_2390, %dma_wait3A_2391] : memref<2x256x128xf32, #tpu.memory_space<vmem>> -> memref<1x128x128xf32, #tpu.memory_space<vmem>>
    %dma_wait3A_2393 = tpu.memref_squeeze %dma_wait3A_2392 : memref<1x128x128xf32, #tpu.memory_space<vmem>> -> memref<128x128xf32, #tpu.memory_space<vmem>>
    %dma_wait3A_2394 = arith.constant 0 : i32
    %dma_wait3A_2395 = tpu.memref_slice %arg5[%add3A_2278, %dma_wait3A_2394] : memref<64x128xi32, #tpu.memory_space<vmem>> -> memref<1x128xi32, #tpu.memory_space<vmem>>
    %dma_wait3A_2396 = tpu.memref_squeeze %dma_wait3A_2395 : memref<1x128xi32, #tpu.memory_space<vmem>> -> memref<128xi32, #tpu.memory_space<vmem>>
    %dma_wait3A_2397 = arith.constant 0 : i32
    %dma_wait3A_2398 = arith.constant 0 : i32
    %dma_wait3A_2399 = tpu.memref_slice %arg2[%dma_wait3A_2397, %dma_wait3A_2398] : memref<262144x128xf32, #tpu.memory_space<hbm>> -> memref<262144x128xf32, #tpu.memory_space<hbm>>
    tpu.wait_indirect_dma semaphore(%arg9 : memref<!tpu.dma_semaphore, #tpu.memory_space<semaphore_mem>>) src(%dma_wait3A_2399 : memref<262144x128xf32, #tpu.memory_space<hbm>>) dst(%dma_wait3A_2393 : memref<128x128xf32, #tpu.memory_space<vmem>>)
    %mul3A_2400 = arith.constant 4096 : i32
    %mul3A_2401 = arith.muli %add3A_57, %mul3A_2400 : i32
    %add3A_2402 = arith.constant 256 : i32
    %add3A_2403 = arith.addi %mul3A_2401, %add3A_2402 : i32
    %dma_start3A_2404 = arith.constant 1 : i32
    %dma_start3A_2405 = arith.constant 0 : i32
    %dma_start3A_2406 = arith.constant 0 : i32
    %dma_start3A_2407 = tpu.memref_slice %arg7[%dma_start3A_2404, %dma_start3A_2405, %dma_start3A_2406] : memref<2x256x128xf32, #tpu.memory_space<vmem>> -> memref<1x256x128xf32, #tpu.memory_space<vmem>>
    %dma_start3A_2408 = tpu.memref_squeeze %dma_start3A_2407 : memref<1x256x128xf32, #tpu.memory_space<vmem>> -> memref<256x128xf32, #tpu.memory_space<vmem>>
    %dma_start3A_2409 = arith.constant 0 : i32
    %dma_start3A_2410 = tpu.memref_slice %arg4[%add3A_2403, %dma_start3A_2409] : memref<524288x128xf32, #tpu.memory_space<hbm>> -> memref<256x128xf32, #tpu.memory_space<hbm>>
    %dma_start3A_2411 = arith.constant 0 : i32
    %dma_start3A_2412 = tpu.memref_slice %arg4[%add3A_2403, %dma_start3A_2411] : memref<524288x128xf32, #tpu.memory_space<hbm>> -> memref<256x128xf32, #tpu.memory_space<hbm>>
    %dma_start3A_2413 = arith.constant 0 : i32
    %dma_start3A_2414 = arith.constant 0 : i32
    %dma_start3A_2415 = tpu.memref_slice %arg7[%dma_start3A_2404, %dma_start3A_2413, %dma_start3A_2414] : memref<2x256x128xf32, #tpu.memory_space<vmem>> -> memref<1x256x128xf32, #tpu.memory_space<vmem>>
    %dma_start3A_2416 = tpu.memref_squeeze %dma_start3A_2415 : memref<1x256x128xf32, #tpu.memory_space<vmem>> -> memref<256x128xf32, #tpu.memory_space<vmem>>
    tpu.enqueue_dma source(%dma_start3A_2416 : memref<256x128xf32, #tpu.memory_space<vmem>>) target(%dma_start3A_2412 : memref<256x128xf32, #tpu.memory_space<hbm>>) target_semaphore(%arg10 : memref<!tpu.dma_semaphore, #tpu.memory_space<semaphore_mem>>)
    %dma_wait3A_2417 = arith.constant 1 : i32
    %dma_wait3A_2418 = arith.constant 0 : i32
    %dma_wait3A_2419 = arith.constant 0 : i32
    %dma_wait3A_2420 = tpu.memref_slice %arg7[%dma_wait3A_2417, %dma_wait3A_2418, %dma_wait3A_2419] : memref<2x256x128xf32, #tpu.memory_space<vmem>> -> memref<1x256x128xf32, #tpu.memory_space<vmem>>
    %dma_wait3A_2421 = tpu.memref_squeeze %dma_wait3A_2420 : memref<1x256x128xf32, #tpu.memory_space<vmem>> -> memref<256x128xf32, #tpu.memory_space<vmem>>
    %dma_wait3A_2422 = arith.constant 0 : i32
    %dma_wait3A_2423 = tpu.memref_slice %arg4[%add3A_2403, %dma_wait3A_2422] : memref<524288x128xf32, #tpu.memory_space<hbm>> -> memref<256x128xf32, #tpu.memory_space<hbm>>
    %dma_wait3A_2424 = arith.constant 0 : i32
    %dma_wait3A_2425 = tpu.memref_slice %arg4[%add3A_2403, %dma_wait3A_2424] : memref<524288x128xf32, #tpu.memory_space<hbm>> -> memref<256x128xf32, #tpu.memory_space<hbm>>
    %dma_wait3A_2426 = arith.constant 0 : i32
    %dma_wait3A_2427 = arith.constant 0 : i32
    %dma_wait3A_2428 = tpu.memref_slice %arg7[%dma_wait3A_2417, %dma_wait3A_2426, %dma_wait3A_2427] : memref<2x256x128xf32, #tpu.memory_space<vmem>> -> memref<1x256x128xf32, #tpu.memory_space<vmem>>
    %dma_wait3A_2429 = tpu.memref_squeeze %dma_wait3A_2428 : memref<1x256x128xf32, #tpu.memory_space<vmem>> -> memref<256x128xf32, #tpu.memory_space<vmem>>
    tpu.wait_dma2 semaphore(%arg10 : memref<!tpu.dma_semaphore, #tpu.memory_space<semaphore_mem>>) src(%dma_wait3A_2429 : memref<256x128xf32, #tpu.memory_space<vmem>>) dst(%dma_wait3A_2425 : memref<256x128xf32, #tpu.memory_space<hbm>>)
    %sub3A_2430 = arith.subi %add3A_61, %mul3A_2 : i32
    %mul3A_2431 = arith.constant 16 : i32
    %mul3A_2432 = arith.muli %sub3A_2430, %mul3A_2431 : i32
    %add3A_2433 = arith.constant 6 : i32
    %add3A_2434 = arith.addi %mul3A_2432, %add3A_2433 : i32
    %add3A_2435 = arith.constant 0 : i32
    %add3A_2436 = arith.addi %add3A_2434, %add3A_2435 : i32
    %dma_start3A_2437 = arith.constant 1 : i32
    %dma_start3A_2438 = arith.constant 0 : i32
    %dma_start3A_2439 = arith.constant 0 : i32
    %dma_start3A_2440 = tpu.memref_slice %arg7[%dma_start3A_2437, %dma_start3A_2438, %dma_start3A_2439] : memref<2x256x128xf32, #tpu.memory_space<vmem>> -> memref<1x128x128xf32, #tpu.memory_space<vmem>>
    %dma_start3A_2441 = tpu.memref_squeeze %dma_start3A_2440 : memref<1x128x128xf32, #tpu.memory_space<vmem>> -> memref<128x128xf32, #tpu.memory_space<vmem>>
    %dma_start3A_2442 = arith.constant 0 : i32
    %dma_start3A_2443 = tpu.memref_slice %arg5[%add3A_2436, %dma_start3A_2442] : memref<64x128xi32, #tpu.memory_space<vmem>> -> memref<1x128xi32, #tpu.memory_space<vmem>>
    %dma_start3A_2444 = tpu.memref_squeeze %dma_start3A_2443 : memref<1x128xi32, #tpu.memory_space<vmem>> -> memref<128xi32, #tpu.memory_space<vmem>>
    %dma_start3A_2445 = arith.constant 0 : i32
    %dma_start3A_2446 = arith.constant 0 : i32
    %dma_start3A_2447 = tpu.memref_slice %arg2[%dma_start3A_2445, %dma_start3A_2446] : memref<262144x128xf32, #tpu.memory_space<hbm>> -> memref<262144x128xf32, #tpu.memory_space<hbm>>
    tpu.enqueue_indirect_dma source(%dma_start3A_2447 : memref<262144x128xf32, #tpu.memory_space<hbm>>) target(%dma_start3A_2441 : memref<128x128xf32, #tpu.memory_space<vmem>>) offsets(%dma_start3A_2444 : memref<128xi32, #tpu.memory_space<vmem>>) semaphore(%arg9 : memref<!tpu.dma_semaphore, #tpu.memory_space<semaphore_mem>>)
    %sub3A_2448 = arith.subi %add3A_61, %mul3A_2 : i32
    %mul3A_2449 = arith.constant 16 : i32
    %mul3A_2450 = arith.muli %sub3A_2448, %mul3A_2449 : i32
    %add3A_2451 = arith.constant 6 : i32
    %add3A_2452 = arith.addi %mul3A_2450, %add3A_2451 : i32
    %add3A_2453 = arith.constant 1 : i32
    %add3A_2454 = arith.addi %add3A_2452, %add3A_2453 : i32
    %dma_start3A_2455 = arith.constant 1 : i32
    %dma_start3A_2456 = arith.constant 128 : i32
    %dma_start3A_2457 = arith.constant 0 : i32
    %dma_start3A_2458 = tpu.memref_slice %arg7[%dma_start3A_2455, %dma_start3A_2456, %dma_start3A_2457] : memref<2x256x128xf32, #tpu.memory_space<vmem>> -> memref<1x128x128xf32, #tpu.memory_space<vmem>>
    %dma_start3A_2459 = tpu.memref_squeeze %dma_start3A_2458 : memref<1x128x128xf32, #tpu.memory_space<vmem>> -> memref<128x128xf32, #tpu.memory_space<vmem>>
    %dma_start3A_2460 = arith.constant 0 : i32
    %dma_start3A_2461 = tpu.memref_slice %arg5[%add3A_2454, %dma_start3A_2460] : memref<64x128xi32, #tpu.memory_space<vmem>> -> memref<1x128xi32, #tpu.memory_space<vmem>>
    %dma_start3A_2462 = tpu.memref_squeeze %dma_start3A_2461 : memref<1x128xi32, #tpu.memory_space<vmem>> -> memref<128xi32, #tpu.memory_space<vmem>>
    %dma_start3A_2463 = arith.constant 0 : i32
    %dma_start3A_2464 = arith.constant 0 : i32
    %dma_start3A_2465 = tpu.memref_slice %arg2[%dma_start3A_2463, %dma_start3A_2464] : memref<262144x128xf32, #tpu.memory_space<hbm>> -> memref<262144x128xf32, #tpu.memory_space<hbm>>
    tpu.enqueue_indirect_dma source(%dma_start3A_2465 : memref<262144x128xf32, #tpu.memory_space<hbm>>) target(%dma_start3A_2459 : memref<128x128xf32, #tpu.memory_space<vmem>>) offsets(%dma_start3A_2462 : memref<128xi32, #tpu.memory_space<vmem>>) semaphore(%arg9 : memref<!tpu.dma_semaphore, #tpu.memory_space<semaphore_mem>>)
    %dma_wait3A_2466 = arith.constant 0 : i32
    %dma_wait3A_2467 = arith.constant 0 : i32
    %dma_wait3A_2468 = arith.constant 0 : i32
    %dma_wait3A_2469 = tpu.memref_slice %arg7[%dma_wait3A_2466, %dma_wait3A_2467, %dma_wait3A_2468] : memref<2x256x128xf32, #tpu.memory_space<vmem>> -> memref<1x128x128xf32, #tpu.memory_space<vmem>>
    %dma_wait3A_2470 = tpu.memref_squeeze %dma_wait3A_2469 : memref<1x128x128xf32, #tpu.memory_space<vmem>> -> memref<128x128xf32, #tpu.memory_space<vmem>>
    %dma_wait3A_2471 = arith.constant 0 : i32
    %dma_wait3A_2472 = tpu.memref_slice %arg5[%add3A_2348, %dma_wait3A_2471] : memref<64x128xi32, #tpu.memory_space<vmem>> -> memref<1x128xi32, #tpu.memory_space<vmem>>
    %dma_wait3A_2473 = tpu.memref_squeeze %dma_wait3A_2472 : memref<1x128xi32, #tpu.memory_space<vmem>> -> memref<128xi32, #tpu.memory_space<vmem>>
    %dma_wait3A_2474 = arith.constant 0 : i32
    %dma_wait3A_2475 = arith.constant 0 : i32
    %dma_wait3A_2476 = tpu.memref_slice %arg2[%dma_wait3A_2474, %dma_wait3A_2475] : memref<262144x128xf32, #tpu.memory_space<hbm>> -> memref<262144x128xf32, #tpu.memory_space<hbm>>
    tpu.wait_indirect_dma semaphore(%arg9 : memref<!tpu.dma_semaphore, #tpu.memory_space<semaphore_mem>>) src(%dma_wait3A_2476 : memref<262144x128xf32, #tpu.memory_space<hbm>>) dst(%dma_wait3A_2470 : memref<128x128xf32, #tpu.memory_space<vmem>>)
    %dma_wait3A_2477 = arith.constant 0 : i32
    %dma_wait3A_2478 = arith.constant 128 : i32
    %dma_wait3A_2479 = arith.constant 0 : i32
    %dma_wait3A_2480 = tpu.memref_slice %arg7[%dma_wait3A_2477, %dma_wait3A_2478, %dma_wait3A_2479] : memref<2x256x128xf32, #tpu.memory_space<vmem>> -> memref<1x128x128xf32, #tpu.memory_space<vmem>>
    %dma_wait3A_2481 = tpu.memref_squeeze %dma_wait3A_2480 : memref<1x128x128xf32, #tpu.memory_space<vmem>> -> memref<128x128xf32, #tpu.memory_space<vmem>>
    %dma_wait3A_2482 = arith.constant 0 : i32
    %dma_wait3A_2483 = tpu.memref_slice %arg5[%add3A_2366, %dma_wait3A_2482] : memref<64x128xi32, #tpu.memory_space<vmem>> -> memref<1x128xi32, #tpu.memory_space<vmem>>
    %dma_wait3A_2484 = tpu.memref_squeeze %dma_wait3A_2483 : memref<1x128xi32, #tpu.memory_space<vmem>> -> memref<128xi32, #tpu.memory_space<vmem>>
    %dma_wait3A_2485 = arith.constant 0 : i32
    %dma_wait3A_2486 = arith.constant 0 : i32
    %dma_wait3A_2487 = tpu.memref_slice %arg2[%dma_wait3A_2485, %dma_wait3A_2486] : memref<262144x128xf32, #tpu.memory_space<hbm>> -> memref<262144x128xf32, #tpu.memory_space<hbm>>
    tpu.wait_indirect_dma semaphore(%arg9 : memref<!tpu.dma_semaphore, #tpu.memory_space<semaphore_mem>>) src(%dma_wait3A_2487 : memref<262144x128xf32, #tpu.memory_space<hbm>>) dst(%dma_wait3A_2481 : memref<128x128xf32, #tpu.memory_space<vmem>>)
    %mul3A_2488 = arith.constant 4096 : i32
    %mul3A_2489 = arith.muli %add3A_59, %mul3A_2488 : i32
    %add3A_2490 = arith.constant 512 : i32
    %add3A_2491 = arith.addi %mul3A_2489, %add3A_2490 : i32
    %dma_start3A_2492 = arith.constant 0 : i32
    %dma_start3A_2493 = arith.constant 0 : i32
    %dma_start3A_2494 = arith.constant 0 : i32
    %dma_start3A_2495 = tpu.memref_slice %arg7[%dma_start3A_2492, %dma_start3A_2493, %dma_start3A_2494] : memref<2x256x128xf32, #tpu.memory_space<vmem>> -> memref<1x256x128xf32, #tpu.memory_space<vmem>>
    %dma_start3A_2496 = tpu.memref_squeeze %dma_start3A_2495 : memref<1x256x128xf32, #tpu.memory_space<vmem>> -> memref<256x128xf32, #tpu.memory_space<vmem>>
    %dma_start3A_2497 = arith.constant 0 : i32
    %dma_start3A_2498 = tpu.memref_slice %arg4[%add3A_2491, %dma_start3A_2497] : memref<524288x128xf32, #tpu.memory_space<hbm>> -> memref<256x128xf32, #tpu.memory_space<hbm>>
    %dma_start3A_2499 = arith.constant 0 : i32
    %dma_start3A_2500 = tpu.memref_slice %arg4[%add3A_2491, %dma_start3A_2499] : memref<524288x128xf32, #tpu.memory_space<hbm>> -> memref<256x128xf32, #tpu.memory_space<hbm>>
    %dma_start3A_2501 = arith.constant 0 : i32
    %dma_start3A_2502 = arith.constant 0 : i32
    %dma_start3A_2503 = tpu.memref_slice %arg7[%dma_start3A_2492, %dma_start3A_2501, %dma_start3A_2502] : memref<2x256x128xf32, #tpu.memory_space<vmem>> -> memref<1x256x128xf32, #tpu.memory_space<vmem>>
    %dma_start3A_2504 = tpu.memref_squeeze %dma_start3A_2503 : memref<1x256x128xf32, #tpu.memory_space<vmem>> -> memref<256x128xf32, #tpu.memory_space<vmem>>
    tpu.enqueue_dma source(%dma_start3A_2504 : memref<256x128xf32, #tpu.memory_space<vmem>>) target(%dma_start3A_2500 : memref<256x128xf32, #tpu.memory_space<hbm>>) target_semaphore(%arg10 : memref<!tpu.dma_semaphore, #tpu.memory_space<semaphore_mem>>)
    %dma_wait3A_2505 = arith.constant 0 : i32
    %dma_wait3A_2506 = arith.constant 0 : i32
    %dma_wait3A_2507 = arith.constant 0 : i32
    %dma_wait3A_2508 = tpu.memref_slice %arg7[%dma_wait3A_2505, %dma_wait3A_2506, %dma_wait3A_2507] : memref<2x256x128xf32, #tpu.memory_space<vmem>> -> memref<1x256x128xf32, #tpu.memory_space<vmem>>
    %dma_wait3A_2509 = tpu.memref_squeeze %dma_wait3A_2508 : memref<1x256x128xf32, #tpu.memory_space<vmem>> -> memref<256x128xf32, #tpu.memory_space<vmem>>
    %dma_wait3A_2510 = arith.constant 0 : i32
    %dma_wait3A_2511 = tpu.memref_slice %arg4[%add3A_2491, %dma_wait3A_2510] : memref<524288x128xf32, #tpu.memory_space<hbm>> -> memref<256x128xf32, #tpu.memory_space<hbm>>
    %dma_wait3A_2512 = arith.constant 0 : i32
    %dma_wait3A_2513 = tpu.memref_slice %arg4[%add3A_2491, %dma_wait3A_2512] : memref<524288x128xf32, #tpu.memory_space<hbm>> -> memref<256x128xf32, #tpu.memory_space<hbm>>
    %dma_wait3A_2514 = arith.constant 0 : i32
    %dma_wait3A_2515 = arith.constant 0 : i32
    %dma_wait3A_2516 = tpu.memref_slice %arg7[%dma_wait3A_2505, %dma_wait3A_2514, %dma_wait3A_2515] : memref<2x256x128xf32, #tpu.memory_space<vmem>> -> memref<1x256x128xf32, #tpu.memory_space<vmem>>
    %dma_wait3A_2517 = tpu.memref_squeeze %dma_wait3A_2516 : memref<1x256x128xf32, #tpu.memory_space<vmem>> -> memref<256x128xf32, #tpu.memory_space<vmem>>
    tpu.wait_dma2 semaphore(%arg10 : memref<!tpu.dma_semaphore, #tpu.memory_space<semaphore_mem>>) src(%dma_wait3A_2517 : memref<256x128xf32, #tpu.memory_space<vmem>>) dst(%dma_wait3A_2513 : memref<256x128xf32, #tpu.memory_space<hbm>>)
    %sub3A_2518 = arith.subi %add3A_63, %mul3A_2 : i32
    %mul3A_2519 = arith.constant 16 : i32
    %mul3A_2520 = arith.muli %sub3A_2518, %mul3A_2519 : i32
    %add3A_2521 = arith.constant 8 : i32
    %add3A_2522 = arith.addi %mul3A_2520, %add3A_2521 : i32
    %add3A_2523 = arith.constant 0 : i32
    %add3A_2524 = arith.addi %add3A_2522, %add3A_2523 : i32
    %dma_start3A_2525 = arith.constant 0 : i32
    %dma_start3A_2526 = arith.constant 0 : i32
    %dma_start3A_2527 = arith.constant 0 : i32
    %dma_start3A_2528 = tpu.memref_slice %arg7[%dma_start3A_2525, %dma_start3A_2526, %dma_start3A_2527] : memref<2x256x128xf32, #tpu.memory_space<vmem>> -> memref<1x128x128xf32, #tpu.memory_space<vmem>>
    %dma_start3A_2529 = tpu.memref_squeeze %dma_start3A_2528 : memref<1x128x128xf32, #tpu.memory_space<vmem>> -> memref<128x128xf32, #tpu.memory_space<vmem>>
    %dma_start3A_2530 = arith.constant 0 : i32
    %dma_start3A_2531 = tpu.memref_slice %arg5[%add3A_2524, %dma_start3A_2530] : memref<64x128xi32, #tpu.memory_space<vmem>> -> memref<1x128xi32, #tpu.memory_space<vmem>>
    %dma_start3A_2532 = tpu.memref_squeeze %dma_start3A_2531 : memref<1x128xi32, #tpu.memory_space<vmem>> -> memref<128xi32, #tpu.memory_space<vmem>>
    %dma_start3A_2533 = arith.constant 0 : i32
    %dma_start3A_2534 = arith.constant 0 : i32
    %dma_start3A_2535 = tpu.memref_slice %arg2[%dma_start3A_2533, %dma_start3A_2534] : memref<262144x128xf32, #tpu.memory_space<hbm>> -> memref<262144x128xf32, #tpu.memory_space<hbm>>
    tpu.enqueue_indirect_dma source(%dma_start3A_2535 : memref<262144x128xf32, #tpu.memory_space<hbm>>) target(%dma_start3A_2529 : memref<128x128xf32, #tpu.memory_space<vmem>>) offsets(%dma_start3A_2532 : memref<128xi32, #tpu.memory_space<vmem>>) semaphore(%arg9 : memref<!tpu.dma_semaphore, #tpu.memory_space<semaphore_mem>>)
    %sub3A_2536 = arith.subi %add3A_63, %mul3A_2 : i32
    %mul3A_2537 = arith.constant 16 : i32
    %mul3A_2538 = arith.muli %sub3A_2536, %mul3A_2537 : i32
    %add3A_2539 = arith.constant 8 : i32
    %add3A_2540 = arith.addi %mul3A_2538, %add3A_2539 : i32
    %add3A_2541 = arith.constant 1 : i32
    %add3A_2542 = arith.addi %add3A_2540, %add3A_2541 : i32
    %dma_start3A_2543 = arith.constant 0 : i32
    %dma_start3A_2544 = arith.constant 128 : i32
    %dma_start3A_2545 = arith.constant 0 : i32
    %dma_start3A_2546 = tpu.memref_slice %arg7[%dma_start3A_2543, %dma_start3A_2544, %dma_start3A_2545] : memref<2x256x128xf32, #tpu.memory_space<vmem>> -> memref<1x128x128xf32, #tpu.memory_space<vmem>>
    %dma_start3A_2547 = tpu.memref_squeeze %dma_start3A_2546 : memref<1x128x128xf32, #tpu.memory_space<vmem>> -> memref<128x128xf32, #tpu.memory_space<vmem>>
    %dma_start3A_2548 = arith.constant 0 : i32
    %dma_start3A_2549 = tpu.memref_slice %arg5[%add3A_2542, %dma_start3A_2548] : memref<64x128xi32, #tpu.memory_space<vmem>> -> memref<1x128xi32, #tpu.memory_space<vmem>>
    %dma_start3A_2550 = tpu.memref_squeeze %dma_start3A_2549 : memref<1x128xi32, #tpu.memory_space<vmem>> -> memref<128xi32, #tpu.memory_space<vmem>>
    %dma_start3A_2551 = arith.constant 0 : i32
    %dma_start3A_2552 = arith.constant 0 : i32
    %dma_start3A_2553 = tpu.memref_slice %arg2[%dma_start3A_2551, %dma_start3A_2552] : memref<262144x128xf32, #tpu.memory_space<hbm>> -> memref<262144x128xf32, #tpu.memory_space<hbm>>
    tpu.enqueue_indirect_dma source(%dma_start3A_2553 : memref<262144x128xf32, #tpu.memory_space<hbm>>) target(%dma_start3A_2547 : memref<128x128xf32, #tpu.memory_space<vmem>>) offsets(%dma_start3A_2550 : memref<128xi32, #tpu.memory_space<vmem>>) semaphore(%arg9 : memref<!tpu.dma_semaphore, #tpu.memory_space<semaphore_mem>>)
    %dma_wait3A_2554 = arith.constant 1 : i32
    %dma_wait3A_2555 = arith.constant 0 : i32
    %dma_wait3A_2556 = arith.constant 0 : i32
    %dma_wait3A_2557 = tpu.memref_slice %arg7[%dma_wait3A_2554, %dma_wait3A_2555, %dma_wait3A_2556] : memref<2x256x128xf32, #tpu.memory_space<vmem>> -> memref<1x128x128xf32, #tpu.memory_space<vmem>>
    %dma_wait3A_2558 = tpu.memref_squeeze %dma_wait3A_2557 : memref<1x128x128xf32, #tpu.memory_space<vmem>> -> memref<128x128xf32, #tpu.memory_space<vmem>>
    %dma_wait3A_2559 = arith.constant 0 : i32
    %dma_wait3A_2560 = tpu.memref_slice %arg5[%add3A_2436, %dma_wait3A_2559] : memref<64x128xi32, #tpu.memory_space<vmem>> -> memref<1x128xi32, #tpu.memory_space<vmem>>
    %dma_wait3A_2561 = tpu.memref_squeeze %dma_wait3A_2560 : memref<1x128xi32, #tpu.memory_space<vmem>> -> memref<128xi32, #tpu.memory_space<vmem>>
    %dma_wait3A_2562 = arith.constant 0 : i32
    %dma_wait3A_2563 = arith.constant 0 : i32
    %dma_wait3A_2564 = tpu.memref_slice %arg2[%dma_wait3A_2562, %dma_wait3A_2563] : memref<262144x128xf32, #tpu.memory_space<hbm>> -> memref<262144x128xf32, #tpu.memory_space<hbm>>
    tpu.wait_indirect_dma semaphore(%arg9 : memref<!tpu.dma_semaphore, #tpu.memory_space<semaphore_mem>>) src(%dma_wait3A_2564 : memref<262144x128xf32, #tpu.memory_space<hbm>>) dst(%dma_wait3A_2558 : memref<128x128xf32, #tpu.memory_space<vmem>>)
    %dma_wait3A_2565 = arith.constant 1 : i32
    %dma_wait3A_2566 = arith.constant 128 : i32
    %dma_wait3A_2567 = arith.constant 0 : i32
    %dma_wait3A_2568 = tpu.memref_slice %arg7[%dma_wait3A_2565, %dma_wait3A_2566, %dma_wait3A_2567] : memref<2x256x128xf32, #tpu.memory_space<vmem>> -> memref<1x128x128xf32, #tpu.memory_space<vmem>>
    %dma_wait3A_2569 = tpu.memref_squeeze %dma_wait3A_2568 : memref<1x128x128xf32, #tpu.memory_space<vmem>> -> memref<128x128xf32, #tpu.memory_space<vmem>>
    %dma_wait3A_2570 = arith.constant 0 : i32
    %dma_wait3A_2571 = tpu.memref_slice %arg5[%add3A_2454, %dma_wait3A_2570] : memref<64x128xi32, #tpu.memory_space<vmem>> -> memref<1x128xi32, #tpu.memory_space<vmem>>
    %dma_wait3A_2572 = tpu.memref_squeeze %dma_wait3A_2571 : memref<1x128xi32, #tpu.memory_space<vmem>> -> memref<128xi32, #tpu.memory_space<vmem>>
    %dma_wait3A_2573 = arith.constant 0 : i32
    %dma_wait3A_2574 = arith.constant 0 : i32
    %dma_wait3A_2575 = tpu.memref_slice %arg2[%dma_wait3A_2573, %dma_wait3A_2574] : memref<262144x128xf32, #tpu.memory_space<hbm>> -> memref<262144x128xf32, #tpu.memory_space<hbm>>
    tpu.wait_indirect_dma semaphore(%arg9 : memref<!tpu.dma_semaphore, #tpu.memory_space<semaphore_mem>>) src(%dma_wait3A_2575 : memref<262144x128xf32, #tpu.memory_space<hbm>>) dst(%dma_wait3A_2569 : memref<128x128xf32, #tpu.memory_space<vmem>>)
    %mul3A_2576 = arith.constant 4096 : i32
    %mul3A_2577 = arith.muli %add3A_61, %mul3A_2576 : i32
    %add3A_2578 = arith.constant 768 : i32
    %add3A_2579 = arith.addi %mul3A_2577, %add3A_2578 : i32
    %dma_start3A_2580 = arith.constant 1 : i32
    %dma_start3A_2581 = arith.constant 0 : i32
    %dma_start3A_2582 = arith.constant 0 : i32
    %dma_start3A_2583 = tpu.memref_slice %arg7[%dma_start3A_2580, %dma_start3A_2581, %dma_start3A_2582] : memref<2x256x128xf32, #tpu.memory_space<vmem>> -> memref<1x256x128xf32, #tpu.memory_space<vmem>>
    %dma_start3A_2584 = tpu.memref_squeeze %dma_start3A_2583 : memref<1x256x128xf32, #tpu.memory_space<vmem>> -> memref<256x128xf32, #tpu.memory_space<vmem>>
    %dma_start3A_2585 = arith.constant 0 : i32
    %dma_start3A_2586 = tpu.memref_slice %arg4[%add3A_2579, %dma_start3A_2585] : memref<524288x128xf32, #tpu.memory_space<hbm>> -> memref<256x128xf32, #tpu.memory_space<hbm>>
    %dma_start3A_2587 = arith.constant 0 : i32
    %dma_start3A_2588 = tpu.memref_slice %arg4[%add3A_2579, %dma_start3A_2587] : memref<524288x128xf32, #tpu.memory_space<hbm>> -> memref<256x128xf32, #tpu.memory_space<hbm>>
    %dma_start3A_2589 = arith.constant 0 : i32
    %dma_start3A_2590 = arith.constant 0 : i32
    %dma_start3A_2591 = tpu.memref_slice %arg7[%dma_start3A_2580, %dma_start3A_2589, %dma_start3A_2590] : memref<2x256x128xf32, #tpu.memory_space<vmem>> -> memref<1x256x128xf32, #tpu.memory_space<vmem>>
    %dma_start3A_2592 = tpu.memref_squeeze %dma_start3A_2591 : memref<1x256x128xf32, #tpu.memory_space<vmem>> -> memref<256x128xf32, #tpu.memory_space<vmem>>
    tpu.enqueue_dma source(%dma_start3A_2592 : memref<256x128xf32, #tpu.memory_space<vmem>>) target(%dma_start3A_2588 : memref<256x128xf32, #tpu.memory_space<hbm>>) target_semaphore(%arg10 : memref<!tpu.dma_semaphore, #tpu.memory_space<semaphore_mem>>)
    %dma_wait3A_2593 = arith.constant 1 : i32
    %dma_wait3A_2594 = arith.constant 0 : i32
    %dma_wait3A_2595 = arith.constant 0 : i32
    %dma_wait3A_2596 = tpu.memref_slice %arg7[%dma_wait3A_2593, %dma_wait3A_2594, %dma_wait3A_2595] : memref<2x256x128xf32, #tpu.memory_space<vmem>> -> memref<1x256x128xf32, #tpu.memory_space<vmem>>
    %dma_wait3A_2597 = tpu.memref_squeeze %dma_wait3A_2596 : memref<1x256x128xf32, #tpu.memory_space<vmem>> -> memref<256x128xf32, #tpu.memory_space<vmem>>
    %dma_wait3A_2598 = arith.constant 0 : i32
    %dma_wait3A_2599 = tpu.memref_slice %arg4[%add3A_2579, %dma_wait3A_2598] : memref<524288x128xf32, #tpu.memory_space<hbm>> -> memref<256x128xf32, #tpu.memory_space<hbm>>
    %dma_wait3A_2600 = arith.constant 0 : i32
    %dma_wait3A_2601 = tpu.memref_slice %arg4[%add3A_2579, %dma_wait3A_2600] : memref<524288x128xf32, #tpu.memory_space<hbm>> -> memref<256x128xf32, #tpu.memory_space<hbm>>
    %dma_wait3A_2602 = arith.constant 0 : i32
    %dma_wait3A_2603 = arith.constant 0 : i32
    %dma_wait3A_2604 = tpu.memref_slice %arg7[%dma_wait3A_2593, %dma_wait3A_2602, %dma_wait3A_2603] : memref<2x256x128xf32, #tpu.memory_space<vmem>> -> memref<1x256x128xf32, #tpu.memory_space<vmem>>
    %dma_wait3A_2605 = tpu.memref_squeeze %dma_wait3A_2604 : memref<1x256x128xf32, #tpu.memory_space<vmem>> -> memref<256x128xf32, #tpu.memory_space<vmem>>
    tpu.wait_dma2 semaphore(%arg10 : memref<!tpu.dma_semaphore, #tpu.memory_space<semaphore_mem>>) src(%dma_wait3A_2605 : memref<256x128xf32, #tpu.memory_space<vmem>>) dst(%dma_wait3A_2601 : memref<256x128xf32, #tpu.memory_space<hbm>>)
    %sub3A_2606 = arith.subi %add3A_65, %mul3A_2 : i32
    %mul3A_2607 = arith.constant 16 : i32
    %mul3A_2608 = arith.muli %sub3A_2606, %mul3A_2607 : i32
    %add3A_2609 = arith.constant 10 : i32
    %add3A_2610 = arith.addi %mul3A_2608, %add3A_2609 : i32
    %add3A_2611 = arith.constant 0 : i32
    %add3A_2612 = arith.addi %add3A_2610, %add3A_2611 : i32
    %dma_start3A_2613 = arith.constant 1 : i32
    %dma_start3A_2614 = arith.constant 0 : i32
    %dma_start3A_2615 = arith.constant 0 : i32
    %dma_start3A_2616 = tpu.memref_slice %arg7[%dma_start3A_2613, %dma_start3A_2614, %dma_start3A_2615] : memref<2x256x128xf32, #tpu.memory_space<vmem>> -> memref<1x128x128xf32, #tpu.memory_space<vmem>>
    %dma_start3A_2617 = tpu.memref_squeeze %dma_start3A_2616 : memref<1x128x128xf32, #tpu.memory_space<vmem>> -> memref<128x128xf32, #tpu.memory_space<vmem>>
    %dma_start3A_2618 = arith.constant 0 : i32
    %dma_start3A_2619 = tpu.memref_slice %arg5[%add3A_2612, %dma_start3A_2618] : memref<64x128xi32, #tpu.memory_space<vmem>> -> memref<1x128xi32, #tpu.memory_space<vmem>>
    %dma_start3A_2620 = tpu.memref_squeeze %dma_start3A_2619 : memref<1x128xi32, #tpu.memory_space<vmem>> -> memref<128xi32, #tpu.memory_space<vmem>>
    %dma_start3A_2621 = arith.constant 0 : i32
    %dma_start3A_2622 = arith.constant 0 : i32
    %dma_start3A_2623 = tpu.memref_slice %arg2[%dma_start3A_2621, %dma_start3A_2622] : memref<262144x128xf32, #tpu.memory_space<hbm>> -> memref<262144x128xf32, #tpu.memory_space<hbm>>
    tpu.enqueue_indirect_dma source(%dma_start3A_2623 : memref<262144x128xf32, #tpu.memory_space<hbm>>) target(%dma_start3A_2617 : memref<128x128xf32, #tpu.memory_space<vmem>>) offsets(%dma_start3A_2620 : memref<128xi32, #tpu.memory_space<vmem>>) semaphore(%arg9 : memref<!tpu.dma_semaphore, #tpu.memory_space<semaphore_mem>>)
    %sub3A_2624 = arith.subi %add3A_65, %mul3A_2 : i32
    %mul3A_2625 = arith.constant 16 : i32
    %mul3A_2626 = arith.muli %sub3A_2624, %mul3A_2625 : i32
    %add3A_2627 = arith.constant 10 : i32
    %add3A_2628 = arith.addi %mul3A_2626, %add3A_2627 : i32
    %add3A_2629 = arith.constant 1 : i32
    %add3A_2630 = arith.addi %add3A_2628, %add3A_2629 : i32
    %dma_start3A_2631 = arith.constant 1 : i32
    %dma_start3A_2632 = arith.constant 128 : i32
    %dma_start3A_2633 = arith.constant 0 : i32
    %dma_start3A_2634 = tpu.memref_slice %arg7[%dma_start3A_2631, %dma_start3A_2632, %dma_start3A_2633] : memref<2x256x128xf32, #tpu.memory_space<vmem>> -> memref<1x128x128xf32, #tpu.memory_space<vmem>>
    %dma_start3A_2635 = tpu.memref_squeeze %dma_start3A_2634 : memref<1x128x128xf32, #tpu.memory_space<vmem>> -> memref<128x128xf32, #tpu.memory_space<vmem>>
    %dma_start3A_2636 = arith.constant 0 : i32
    %dma_start3A_2637 = tpu.memref_slice %arg5[%add3A_2630, %dma_start3A_2636] : memref<64x128xi32, #tpu.memory_space<vmem>> -> memref<1x128xi32, #tpu.memory_space<vmem>>
    %dma_start3A_2638 = tpu.memref_squeeze %dma_start3A_2637 : memref<1x128xi32, #tpu.memory_space<vmem>> -> memref<128xi32, #tpu.memory_space<vmem>>
    %dma_start3A_2639 = arith.constant 0 : i32
    %dma_start3A_2640 = arith.constant 0 : i32
    %dma_start3A_2641 = tpu.memref_slice %arg2[%dma_start3A_2639, %dma_start3A_2640] : memref<262144x128xf32, #tpu.memory_space<hbm>> -> memref<262144x128xf32, #tpu.memory_space<hbm>>
    tpu.enqueue_indirect_dma source(%dma_start3A_2641 : memref<262144x128xf32, #tpu.memory_space<hbm>>) target(%dma_start3A_2635 : memref<128x128xf32, #tpu.memory_space<vmem>>) offsets(%dma_start3A_2638 : memref<128xi32, #tpu.memory_space<vmem>>) semaphore(%arg9 : memref<!tpu.dma_semaphore, #tpu.memory_space<semaphore_mem>>)
    %dma_wait3A_2642 = arith.constant 0 : i32
    %dma_wait3A_2643 = arith.constant 0 : i32
    %dma_wait3A_2644 = arith.constant 0 : i32
    %dma_wait3A_2645 = tpu.memref_slice %arg7[%dma_wait3A_2642, %dma_wait3A_2643, %dma_wait3A_2644] : memref<2x256x128xf32, #tpu.memory_space<vmem>> -> memref<1x128x128xf32, #tpu.memory_space<vmem>>
    %dma_wait3A_2646 = tpu.memref_squeeze %dma_wait3A_2645 : memref<1x128x128xf32, #tpu.memory_space<vmem>> -> memref<128x128xf32, #tpu.memory_space<vmem>>
    %dma_wait3A_2647 = arith.constant 0 : i32
    %dma_wait3A_2648 = tpu.memref_slice %arg5[%add3A_2524, %dma_wait3A_2647] : memref<64x128xi32, #tpu.memory_space<vmem>> -> memref<1x128xi32, #tpu.memory_space<vmem>>
    %dma_wait3A_2649 = tpu.memref_squeeze %dma_wait3A_2648 : memref<1x128xi32, #tpu.memory_space<vmem>> -> memref<128xi32, #tpu.memory_space<vmem>>
    %dma_wait3A_2650 = arith.constant 0 : i32
    %dma_wait3A_2651 = arith.constant 0 : i32
    %dma_wait3A_2652 = tpu.memref_slice %arg2[%dma_wait3A_2650, %dma_wait3A_2651] : memref<262144x128xf32, #tpu.memory_space<hbm>> -> memref<262144x128xf32, #tpu.memory_space<hbm>>
    tpu.wait_indirect_dma semaphore(%arg9 : memref<!tpu.dma_semaphore, #tpu.memory_space<semaphore_mem>>) src(%dma_wait3A_2652 : memref<262144x128xf32, #tpu.memory_space<hbm>>) dst(%dma_wait3A_2646 : memref<128x128xf32, #tpu.memory_space<vmem>>)
    %dma_wait3A_2653 = arith.constant 0 : i32
    %dma_wait3A_2654 = arith.constant 128 : i32
    %dma_wait3A_2655 = arith.constant 0 : i32
    %dma_wait3A_2656 = tpu.memref_slice %arg7[%dma_wait3A_2653, %dma_wait3A_2654, %dma_wait3A_2655] : memref<2x256x128xf32, #tpu.memory_space<vmem>> -> memref<1x128x128xf32, #tpu.memory_space<vmem>>
    %dma_wait3A_2657 = tpu.memref_squeeze %dma_wait3A_2656 : memref<1x128x128xf32, #tpu.memory_space<vmem>> -> memref<128x128xf32, #tpu.memory_space<vmem>>
    %dma_wait3A_2658 = arith.constant 0 : i32
    %dma_wait3A_2659 = tpu.memref_slice %arg5[%add3A_2542, %dma_wait3A_2658] : memref<64x128xi32, #tpu.memory_space<vmem>> -> memref<1x128xi32, #tpu.memory_space<vmem>>
    %dma_wait3A_2660 = tpu.memref_squeeze %dma_wait3A_2659 : memref<1x128xi32, #tpu.memory_space<vmem>> -> memref<128xi32, #tpu.memory_space<vmem>>
    %dma_wait3A_2661 = arith.constant 0 : i32
    %dma_wait3A_2662 = arith.constant 0 : i32
    %dma_wait3A_2663 = tpu.memref_slice %arg2[%dma_wait3A_2661, %dma_wait3A_2662] : memref<262144x128xf32, #tpu.memory_space<hbm>> -> memref<262144x128xf32, #tpu.memory_space<hbm>>
    tpu.wait_indirect_dma semaphore(%arg9 : memref<!tpu.dma_semaphore, #tpu.memory_space<semaphore_mem>>) src(%dma_wait3A_2663 : memref<262144x128xf32, #tpu.memory_space<hbm>>) dst(%dma_wait3A_2657 : memref<128x128xf32, #tpu.memory_space<vmem>>)
    %mul3A_2664 = arith.constant 4096 : i32
    %mul3A_2665 = arith.muli %add3A_63, %mul3A_2664 : i32
    %add3A_2666 = arith.constant 1024 : i32
    %add3A_2667 = arith.addi %mul3A_2665, %add3A_2666 : i32
    %dma_start3A_2668 = arith.constant 0 : i32
    %dma_start3A_2669 = arith.constant 0 : i32
    %dma_start3A_2670 = arith.constant 0 : i32
    %dma_start3A_2671 = tpu.memref_slice %arg7[%dma_start3A_2668, %dma_start3A_2669, %dma_start3A_2670] : memref<2x256x128xf32, #tpu.memory_space<vmem>> -> memref<1x256x128xf32, #tpu.memory_space<vmem>>
    %dma_start3A_2672 = tpu.memref_squeeze %dma_start3A_2671 : memref<1x256x128xf32, #tpu.memory_space<vmem>> -> memref<256x128xf32, #tpu.memory_space<vmem>>
    %dma_start3A_2673 = arith.constant 0 : i32
    %dma_start3A_2674 = tpu.memref_slice %arg4[%add3A_2667, %dma_start3A_2673] : memref<524288x128xf32, #tpu.memory_space<hbm>> -> memref<256x128xf32, #tpu.memory_space<hbm>>
    %dma_start3A_2675 = arith.constant 0 : i32
    %dma_start3A_2676 = tpu.memref_slice %arg4[%add3A_2667, %dma_start3A_2675] : memref<524288x128xf32, #tpu.memory_space<hbm>> -> memref<256x128xf32, #tpu.memory_space<hbm>>
    %dma_start3A_2677 = arith.constant 0 : i32
    %dma_start3A_2678 = arith.constant 0 : i32
    %dma_start3A_2679 = tpu.memref_slice %arg7[%dma_start3A_2668, %dma_start3A_2677, %dma_start3A_2678] : memref<2x256x128xf32, #tpu.memory_space<vmem>> -> memref<1x256x128xf32, #tpu.memory_space<vmem>>
    %dma_start3A_2680 = tpu.memref_squeeze %dma_start3A_2679 : memref<1x256x128xf32, #tpu.memory_space<vmem>> -> memref<256x128xf32, #tpu.memory_space<vmem>>
    tpu.enqueue_dma source(%dma_start3A_2680 : memref<256x128xf32, #tpu.memory_space<vmem>>) target(%dma_start3A_2676 : memref<256x128xf32, #tpu.memory_space<hbm>>) target_semaphore(%arg10 : memref<!tpu.dma_semaphore, #tpu.memory_space<semaphore_mem>>)
    %dma_wait3A_2681 = arith.constant 0 : i32
    %dma_wait3A_2682 = arith.constant 0 : i32
    %dma_wait3A_2683 = arith.constant 0 : i32
    %dma_wait3A_2684 = tpu.memref_slice %arg7[%dma_wait3A_2681, %dma_wait3A_2682, %dma_wait3A_2683] : memref<2x256x128xf32, #tpu.memory_space<vmem>> -> memref<1x256x128xf32, #tpu.memory_space<vmem>>
    %dma_wait3A_2685 = tpu.memref_squeeze %dma_wait3A_2684 : memref<1x256x128xf32, #tpu.memory_space<vmem>> -> memref<256x128xf32, #tpu.memory_space<vmem>>
    %dma_wait3A_2686 = arith.constant 0 : i32
    %dma_wait3A_2687 = tpu.memref_slice %arg4[%add3A_2667, %dma_wait3A_2686] : memref<524288x128xf32, #tpu.memory_space<hbm>> -> memref<256x128xf32, #tpu.memory_space<hbm>>
    %dma_wait3A_2688 = arith.constant 0 : i32
    %dma_wait3A_2689 = tpu.memref_slice %arg4[%add3A_2667, %dma_wait3A_2688] : memref<524288x128xf32, #tpu.memory_space<hbm>> -> memref<256x128xf32, #tpu.memory_space<hbm>>
    %dma_wait3A_2690 = arith.constant 0 : i32
    %dma_wait3A_2691 = arith.constant 0 : i32
    %dma_wait3A_2692 = tpu.memref_slice %arg7[%dma_wait3A_2681, %dma_wait3A_2690, %dma_wait3A_2691] : memref<2x256x128xf32, #tpu.memory_space<vmem>> -> memref<1x256x128xf32, #tpu.memory_space<vmem>>
    %dma_wait3A_2693 = tpu.memref_squeeze %dma_wait3A_2692 : memref<1x256x128xf32, #tpu.memory_space<vmem>> -> memref<256x128xf32, #tpu.memory_space<vmem>>
    tpu.wait_dma2 semaphore(%arg10 : memref<!tpu.dma_semaphore, #tpu.memory_space<semaphore_mem>>) src(%dma_wait3A_2693 : memref<256x128xf32, #tpu.memory_space<vmem>>) dst(%dma_wait3A_2689 : memref<256x128xf32, #tpu.memory_space<hbm>>)
    %sub3A_2694 = arith.subi %add3A_67, %mul3A_2 : i32
    %mul3A_2695 = arith.constant 16 : i32
    %mul3A_2696 = arith.muli %sub3A_2694, %mul3A_2695 : i32
    %add3A_2697 = arith.constant 12 : i32
    %add3A_2698 = arith.addi %mul3A_2696, %add3A_2697 : i32
    %add3A_2699 = arith.constant 0 : i32
    %add3A_2700 = arith.addi %add3A_2698, %add3A_2699 : i32
    %dma_start3A_2701 = arith.constant 0 : i32
    %dma_start3A_2702 = arith.constant 0 : i32
    %dma_start3A_2703 = arith.constant 0 : i32
    %dma_start3A_2704 = tpu.memref_slice %arg7[%dma_start3A_2701, %dma_start3A_2702, %dma_start3A_2703] : memref<2x256x128xf32, #tpu.memory_space<vmem>> -> memref<1x128x128xf32, #tpu.memory_space<vmem>>
    %dma_start3A_2705 = tpu.memref_squeeze %dma_start3A_2704 : memref<1x128x128xf32, #tpu.memory_space<vmem>> -> memref<128x128xf32, #tpu.memory_space<vmem>>
    %dma_start3A_2706 = arith.constant 0 : i32
    %dma_start3A_2707 = tpu.memref_slice %arg5[%add3A_2700, %dma_start3A_2706] : memref<64x128xi32, #tpu.memory_space<vmem>> -> memref<1x128xi32, #tpu.memory_space<vmem>>
    %dma_start3A_2708 = tpu.memref_squeeze %dma_start3A_2707 : memref<1x128xi32, #tpu.memory_space<vmem>> -> memref<128xi32, #tpu.memory_space<vmem>>
    %dma_start3A_2709 = arith.constant 0 : i32
    %dma_start3A_2710 = arith.constant 0 : i32
    %dma_start3A_2711 = tpu.memref_slice %arg2[%dma_start3A_2709, %dma_start3A_2710] : memref<262144x128xf32, #tpu.memory_space<hbm>> -> memref<262144x128xf32, #tpu.memory_space<hbm>>
    tpu.enqueue_indirect_dma source(%dma_start3A_2711 : memref<262144x128xf32, #tpu.memory_space<hbm>>) target(%dma_start3A_2705 : memref<128x128xf32, #tpu.memory_space<vmem>>) offsets(%dma_start3A_2708 : memref<128xi32, #tpu.memory_space<vmem>>) semaphore(%arg9 : memref<!tpu.dma_semaphore, #tpu.memory_space<semaphore_mem>>)
    %sub3A_2712 = arith.subi %add3A_67, %mul3A_2 : i32
    %mul3A_2713 = arith.constant 16 : i32
    %mul3A_2714 = arith.muli %sub3A_2712, %mul3A_2713 : i32
    %add3A_2715 = arith.constant 12 : i32
    %add3A_2716 = arith.addi %mul3A_2714, %add3A_2715 : i32
    %add3A_2717 = arith.constant 1 : i32
    %add3A_2718 = arith.addi %add3A_2716, %add3A_2717 : i32
    %dma_start3A_2719 = arith.constant 0 : i32
    %dma_start3A_2720 = arith.constant 128 : i32
    %dma_start3A_2721 = arith.constant 0 : i32
    %dma_start3A_2722 = tpu.memref_slice %arg7[%dma_start3A_2719, %dma_start3A_2720, %dma_start3A_2721] : memref<2x256x128xf32, #tpu.memory_space<vmem>> -> memref<1x128x128xf32, #tpu.memory_space<vmem>>
    %dma_start3A_2723 = tpu.memref_squeeze %dma_start3A_2722 : memref<1x128x128xf32, #tpu.memory_space<vmem>> -> memref<128x128xf32, #tpu.memory_space<vmem>>
    %dma_start3A_2724 = arith.constant 0 : i32
    %dma_start3A_2725 = tpu.memref_slice %arg5[%add3A_2718, %dma_start3A_2724] : memref<64x128xi32, #tpu.memory_space<vmem>> -> memref<1x128xi32, #tpu.memory_space<vmem>>
    %dma_start3A_2726 = tpu.memref_squeeze %dma_start3A_2725 : memref<1x128xi32, #tpu.memory_space<vmem>> -> memref<128xi32, #tpu.memory_space<vmem>>
    %dma_start3A_2727 = arith.constant 0 : i32
    %dma_start3A_2728 = arith.constant 0 : i32
    %dma_start3A_2729 = tpu.memref_slice %arg2[%dma_start3A_2727, %dma_start3A_2728] : memref<262144x128xf32, #tpu.memory_space<hbm>> -> memref<262144x128xf32, #tpu.memory_space<hbm>>
    tpu.enqueue_indirect_dma source(%dma_start3A_2729 : memref<262144x128xf32, #tpu.memory_space<hbm>>) target(%dma_start3A_2723 : memref<128x128xf32, #tpu.memory_space<vmem>>) offsets(%dma_start3A_2726 : memref<128xi32, #tpu.memory_space<vmem>>) semaphore(%arg9 : memref<!tpu.dma_semaphore, #tpu.memory_space<semaphore_mem>>)
    %dma_wait3A_2730 = arith.constant 1 : i32
    %dma_wait3A_2731 = arith.constant 0 : i32
    %dma_wait3A_2732 = arith.constant 0 : i32
    %dma_wait3A_2733 = tpu.memref_slice %arg7[%dma_wait3A_2730, %dma_wait3A_2731, %dma_wait3A_2732] : memref<2x256x128xf32, #tpu.memory_space<vmem>> -> memref<1x128x128xf32, #tpu.memory_space<vmem>>
    %dma_wait3A_2734 = tpu.memref_squeeze %dma_wait3A_2733 : memref<1x128x128xf32, #tpu.memory_space<vmem>> -> memref<128x128xf32, #tpu.memory_space<vmem>>
    %dma_wait3A_2735 = arith.constant 0 : i32
    %dma_wait3A_2736 = tpu.memref_slice %arg5[%add3A_2612, %dma_wait3A_2735] : memref<64x128xi32, #tpu.memory_space<vmem>> -> memref<1x128xi32, #tpu.memory_space<vmem>>
    %dma_wait3A_2737 = tpu.memref_squeeze %dma_wait3A_2736 : memref<1x128xi32, #tpu.memory_space<vmem>> -> memref<128xi32, #tpu.memory_space<vmem>>
    %dma_wait3A_2738 = arith.constant 0 : i32
    %dma_wait3A_2739 = arith.constant 0 : i32
    %dma_wait3A_2740 = tpu.memref_slice %arg2[%dma_wait3A_2738, %dma_wait3A_2739] : memref<262144x128xf32, #tpu.memory_space<hbm>> -> memref<262144x128xf32, #tpu.memory_space<hbm>>
    tpu.wait_indirect_dma semaphore(%arg9 : memref<!tpu.dma_semaphore, #tpu.memory_space<semaphore_mem>>) src(%dma_wait3A_2740 : memref<262144x128xf32, #tpu.memory_space<hbm>>) dst(%dma_wait3A_2734 : memref<128x128xf32, #tpu.memory_space<vmem>>)
    %dma_wait3A_2741 = arith.constant 1 : i32
    %dma_wait3A_2742 = arith.constant 128 : i32
    %dma_wait3A_2743 = arith.constant 0 : i32
    %dma_wait3A_2744 = tpu.memref_slice %arg7[%dma_wait3A_2741, %dma_wait3A_2742, %dma_wait3A_2743] : memref<2x256x128xf32, #tpu.memory_space<vmem>> -> memref<1x128x128xf32, #tpu.memory_space<vmem>>
    %dma_wait3A_2745 = tpu.memref_squeeze %dma_wait3A_2744 : memref<1x128x128xf32, #tpu.memory_space<vmem>> -> memref<128x128xf32, #tpu.memory_space<vmem>>
    %dma_wait3A_2746 = arith.constant 0 : i32
    %dma_wait3A_2747 = tpu.memref_slice %arg5[%add3A_2630, %dma_wait3A_2746] : memref<64x128xi32, #tpu.memory_space<vmem>> -> memref<1x128xi32, #tpu.memory_space<vmem>>
    %dma_wait3A_2748 = tpu.memref_squeeze %dma_wait3A_2747 : memref<1x128xi32, #tpu.memory_space<vmem>> -> memref<128xi32, #tpu.memory_space<vmem>>
    %dma_wait3A_2749 = arith.constant 0 : i32
    %dma_wait3A_2750 = arith.constant 0 : i32
    %dma_wait3A_2751 = tpu.memref_slice %arg2[%dma_wait3A_2749, %dma_wait3A_2750] : memref<262144x128xf32, #tpu.memory_space<hbm>> -> memref<262144x128xf32, #tpu.memory_space<hbm>>
    tpu.wait_indirect_dma semaphore(%arg9 : memref<!tpu.dma_semaphore, #tpu.memory_space<semaphore_mem>>) src(%dma_wait3A_2751 : memref<262144x128xf32, #tpu.memory_space<hbm>>) dst(%dma_wait3A_2745 : memref<128x128xf32, #tpu.memory_space<vmem>>)
    %mul3A_2752 = arith.constant 4096 : i32
    %mul3A_2753 = arith.muli %add3A_65, %mul3A_2752 : i32
    %add3A_2754 = arith.constant 1280 : i32
    %add3A_2755 = arith.addi %mul3A_2753, %add3A_2754 : i32
    %dma_start3A_2756 = arith.constant 1 : i32
    %dma_start3A_2757 = arith.constant 0 : i32
    %dma_start3A_2758 = arith.constant 0 : i32
    %dma_start3A_2759 = tpu.memref_slice %arg7[%dma_start3A_2756, %dma_start3A_2757, %dma_start3A_2758] : memref<2x256x128xf32, #tpu.memory_space<vmem>> -> memref<1x256x128xf32, #tpu.memory_space<vmem>>
    %dma_start3A_2760 = tpu.memref_squeeze %dma_start3A_2759 : memref<1x256x128xf32, #tpu.memory_space<vmem>> -> memref<256x128xf32, #tpu.memory_space<vmem>>
    %dma_start3A_2761 = arith.constant 0 : i32
    %dma_start3A_2762 = tpu.memref_slice %arg4[%add3A_2755, %dma_start3A_2761] : memref<524288x128xf32, #tpu.memory_space<hbm>> -> memref<256x128xf32, #tpu.memory_space<hbm>>
    %dma_start3A_2763 = arith.constant 0 : i32
    %dma_start3A_2764 = tpu.memref_slice %arg4[%add3A_2755, %dma_start3A_2763] : memref<524288x128xf32, #tpu.memory_space<hbm>> -> memref<256x128xf32, #tpu.memory_space<hbm>>
    %dma_start3A_2765 = arith.constant 0 : i32
    %dma_start3A_2766 = arith.constant 0 : i32
    %dma_start3A_2767 = tpu.memref_slice %arg7[%dma_start3A_2756, %dma_start3A_2765, %dma_start3A_2766] : memref<2x256x128xf32, #tpu.memory_space<vmem>> -> memref<1x256x128xf32, #tpu.memory_space<vmem>>
    %dma_start3A_2768 = tpu.memref_squeeze %dma_start3A_2767 : memref<1x256x128xf32, #tpu.memory_space<vmem>> -> memref<256x128xf32, #tpu.memory_space<vmem>>
    tpu.enqueue_dma source(%dma_start3A_2768 : memref<256x128xf32, #tpu.memory_space<vmem>>) target(%dma_start3A_2764 : memref<256x128xf32, #tpu.memory_space<hbm>>) target_semaphore(%arg10 : memref<!tpu.dma_semaphore, #tpu.memory_space<semaphore_mem>>)
    %dma_wait3A_2769 = arith.constant 1 : i32
    %dma_wait3A_2770 = arith.constant 0 : i32
    %dma_wait3A_2771 = arith.constant 0 : i32
    %dma_wait3A_2772 = tpu.memref_slice %arg7[%dma_wait3A_2769, %dma_wait3A_2770, %dma_wait3A_2771] : memref<2x256x128xf32, #tpu.memory_space<vmem>> -> memref<1x256x128xf32, #tpu.memory_space<vmem>>
    %dma_wait3A_2773 = tpu.memref_squeeze %dma_wait3A_2772 : memref<1x256x128xf32, #tpu.memory_space<vmem>> -> memref<256x128xf32, #tpu.memory_space<vmem>>
    %dma_wait3A_2774 = arith.constant 0 : i32
    %dma_wait3A_2775 = tpu.memref_slice %arg4[%add3A_2755, %dma_wait3A_2774] : memref<524288x128xf32, #tpu.memory_space<hbm>> -> memref<256x128xf32, #tpu.memory_space<hbm>>
    %dma_wait3A_2776 = arith.constant 0 : i32
    %dma_wait3A_2777 = tpu.memref_slice %arg4[%add3A_2755, %dma_wait3A_2776] : memref<524288x128xf32, #tpu.memory_space<hbm>> -> memref<256x128xf32, #tpu.memory_space<hbm>>
    %dma_wait3A_2778 = arith.constant 0 : i32
    %dma_wait3A_2779 = arith.constant 0 : i32
    %dma_wait3A_2780 = tpu.memref_slice %arg7[%dma_wait3A_2769, %dma_wait3A_2778, %dma_wait3A_2779] : memref<2x256x128xf32, #tpu.memory_space<vmem>> -> memref<1x256x128xf32, #tpu.memory_space<vmem>>
    %dma_wait3A_2781 = tpu.memref_squeeze %dma_wait3A_2780 : memref<1x256x128xf32, #tpu.memory_space<vmem>> -> memref<256x128xf32, #tpu.memory_space<vmem>>
    tpu.wait_dma2 semaphore(%arg10 : memref<!tpu.dma_semaphore, #tpu.memory_space<semaphore_mem>>) src(%dma_wait3A_2781 : memref<256x128xf32, #tpu.memory_space<vmem>>) dst(%dma_wait3A_2777 : memref<256x128xf32, #tpu.memory_space<hbm>>)
    %sub3A_2782 = arith.subi %add3A_69, %mul3A_2 : i32
    %mul3A_2783 = arith.constant 16 : i32
    %mul3A_2784 = arith.muli %sub3A_2782, %mul3A_2783 : i32
    %add3A_2785 = arith.constant 14 : i32
    %add3A_2786 = arith.addi %mul3A_2784, %add3A_2785 : i32
    %add3A_2787 = arith.constant 0 : i32
    %add3A_2788 = arith.addi %add3A_2786, %add3A_2787 : i32
    %dma_start3A_2789 = arith.constant 1 : i32
    %dma_start3A_2790 = arith.constant 0 : i32
    %dma_start3A_2791 = arith.constant 0 : i32
    %dma_start3A_2792 = tpu.memref_slice %arg7[%dma_start3A_2789, %dma_start3A_2790, %dma_start3A_2791] : memref<2x256x128xf32, #tpu.memory_space<vmem>> -> memref<1x128x128xf32, #tpu.memory_space<vmem>>
    %dma_start3A_2793 = tpu.memref_squeeze %dma_start3A_2792 : memref<1x128x128xf32, #tpu.memory_space<vmem>> -> memref<128x128xf32, #tpu.memory_space<vmem>>
    %dma_start3A_2794 = arith.constant 0 : i32
    %dma_start3A_2795 = tpu.memref_slice %arg5[%add3A_2788, %dma_start3A_2794] : memref<64x128xi32, #tpu.memory_space<vmem>> -> memref<1x128xi32, #tpu.memory_space<vmem>>
    %dma_start3A_2796 = tpu.memref_squeeze %dma_start3A_2795 : memref<1x128xi32, #tpu.memory_space<vmem>> -> memref<128xi32, #tpu.memory_space<vmem>>
    %dma_start3A_2797 = arith.constant 0 : i32
    %dma_start3A_2798 = arith.constant 0 : i32
    %dma_start3A_2799 = tpu.memref_slice %arg2[%dma_start3A_2797, %dma_start3A_2798] : memref<262144x128xf32, #tpu.memory_space<hbm>> -> memref<262144x128xf32, #tpu.memory_space<hbm>>
    tpu.enqueue_indirect_dma source(%dma_start3A_2799 : memref<262144x128xf32, #tpu.memory_space<hbm>>) target(%dma_start3A_2793 : memref<128x128xf32, #tpu.memory_space<vmem>>) offsets(%dma_start3A_2796 : memref<128xi32, #tpu.memory_space<vmem>>) semaphore(%arg9 : memref<!tpu.dma_semaphore, #tpu.memory_space<semaphore_mem>>)
    %sub3A_2800 = arith.subi %add3A_69, %mul3A_2 : i32
    %mul3A_2801 = arith.constant 16 : i32
    %mul3A_2802 = arith.muli %sub3A_2800, %mul3A_2801 : i32
    %add3A_2803 = arith.constant 14 : i32
    %add3A_2804 = arith.addi %mul3A_2802, %add3A_2803 : i32
    %add3A_2805 = arith.constant 1 : i32
    %add3A_2806 = arith.addi %add3A_2804, %add3A_2805 : i32
    %dma_start3A_2807 = arith.constant 1 : i32
    %dma_start3A_2808 = arith.constant 128 : i32
    %dma_start3A_2809 = arith.constant 0 : i32
    %dma_start3A_2810 = tpu.memref_slice %arg7[%dma_start3A_2807, %dma_start3A_2808, %dma_start3A_2809] : memref<2x256x128xf32, #tpu.memory_space<vmem>> -> memref<1x128x128xf32, #tpu.memory_space<vmem>>
    %dma_start3A_2811 = tpu.memref_squeeze %dma_start3A_2810 : memref<1x128x128xf32, #tpu.memory_space<vmem>> -> memref<128x128xf32, #tpu.memory_space<vmem>>
    %dma_start3A_2812 = arith.constant 0 : i32
    %dma_start3A_2813 = tpu.memref_slice %arg5[%add3A_2806, %dma_start3A_2812] : memref<64x128xi32, #tpu.memory_space<vmem>> -> memref<1x128xi32, #tpu.memory_space<vmem>>
    %dma_start3A_2814 = tpu.memref_squeeze %dma_start3A_2813 : memref<1x128xi32, #tpu.memory_space<vmem>> -> memref<128xi32, #tpu.memory_space<vmem>>
    %dma_start3A_2815 = arith.constant 0 : i32
    %dma_start3A_2816 = arith.constant 0 : i32
    %dma_start3A_2817 = tpu.memref_slice %arg2[%dma_start3A_2815, %dma_start3A_2816] : memref<262144x128xf32, #tpu.memory_space<hbm>> -> memref<262144x128xf32, #tpu.memory_space<hbm>>
    tpu.enqueue_indirect_dma source(%dma_start3A_2817 : memref<262144x128xf32, #tpu.memory_space<hbm>>) target(%dma_start3A_2811 : memref<128x128xf32, #tpu.memory_space<vmem>>) offsets(%dma_start3A_2814 : memref<128xi32, #tpu.memory_space<vmem>>) semaphore(%arg9 : memref<!tpu.dma_semaphore, #tpu.memory_space<semaphore_mem>>)
    %dma_wait3A_2818 = arith.constant 0 : i32
    %dma_wait3A_2819 = arith.constant 0 : i32
    %dma_wait3A_2820 = arith.constant 0 : i32
    %dma_wait3A_2821 = tpu.memref_slice %arg7[%dma_wait3A_2818, %dma_wait3A_2819, %dma_wait3A_2820] : memref<2x256x128xf32, #tpu.memory_space<vmem>> -> memref<1x128x128xf32, #tpu.memory_space<vmem>>
    %dma_wait3A_2822 = tpu.memref_squeeze %dma_wait3A_2821 : memref<1x128x128xf32, #tpu.memory_space<vmem>> -> memref<128x128xf32, #tpu.memory_space<vmem>>
    %dma_wait3A_2823 = arith.constant 0 : i32
    %dma_wait3A_2824 = tpu.memref_slice %arg5[%add3A_2700, %dma_wait3A_2823] : memref<64x128xi32, #tpu.memory_space<vmem>> -> memref<1x128xi32, #tpu.memory_space<vmem>>
    %dma_wait3A_2825 = tpu.memref_squeeze %dma_wait3A_2824 : memref<1x128xi32, #tpu.memory_space<vmem>> -> memref<128xi32, #tpu.memory_space<vmem>>
    %dma_wait3A_2826 = arith.constant 0 : i32
    %dma_wait3A_2827 = arith.constant 0 : i32
    %dma_wait3A_2828 = tpu.memref_slice %arg2[%dma_wait3A_2826, %dma_wait3A_2827] : memref<262144x128xf32, #tpu.memory_space<hbm>> -> memref<262144x128xf32, #tpu.memory_space<hbm>>
    tpu.wait_indirect_dma semaphore(%arg9 : memref<!tpu.dma_semaphore, #tpu.memory_space<semaphore_mem>>) src(%dma_wait3A_2828 : memref<262144x128xf32, #tpu.memory_space<hbm>>) dst(%dma_wait3A_2822 : memref<128x128xf32, #tpu.memory_space<vmem>>)
    %dma_wait3A_2829 = arith.constant 0 : i32
    %dma_wait3A_2830 = arith.constant 128 : i32
    %dma_wait3A_2831 = arith.constant 0 : i32
    %dma_wait3A_2832 = tpu.memref_slice %arg7[%dma_wait3A_2829, %dma_wait3A_2830, %dma_wait3A_2831] : memref<2x256x128xf32, #tpu.memory_space<vmem>> -> memref<1x128x128xf32, #tpu.memory_space<vmem>>
    %dma_wait3A_2833 = tpu.memref_squeeze %dma_wait3A_2832 : memref<1x128x128xf32, #tpu.memory_space<vmem>> -> memref<128x128xf32, #tpu.memory_space<vmem>>
    %dma_wait3A_2834 = arith.constant 0 : i32
    %dma_wait3A_2835 = tpu.memref_slice %arg5[%add3A_2718, %dma_wait3A_2834] : memref<64x128xi32, #tpu.memory_space<vmem>> -> memref<1x128xi32, #tpu.memory_space<vmem>>
    %dma_wait3A_2836 = tpu.memref_squeeze %dma_wait3A_2835 : memref<1x128xi32, #tpu.memory_space<vmem>> -> memref<128xi32, #tpu.memory_space<vmem>>
    %dma_wait3A_2837 = arith.constant 0 : i32
    %dma_wait3A_2838 = arith.constant 0 : i32
    %dma_wait3A_2839 = tpu.memref_slice %arg2[%dma_wait3A_2837, %dma_wait3A_2838] : memref<262144x128xf32, #tpu.memory_space<hbm>> -> memref<262144x128xf32, #tpu.memory_space<hbm>>
    tpu.wait_indirect_dma semaphore(%arg9 : memref<!tpu.dma_semaphore, #tpu.memory_space<semaphore_mem>>) src(%dma_wait3A_2839 : memref<262144x128xf32, #tpu.memory_space<hbm>>) dst(%dma_wait3A_2833 : memref<128x128xf32, #tpu.memory_space<vmem>>)
    %mul3A_2840 = arith.constant 4096 : i32
    %mul3A_2841 = arith.muli %add3A_67, %mul3A_2840 : i32
    %add3A_2842 = arith.constant 1536 : i32
    %add3A_2843 = arith.addi %mul3A_2841, %add3A_2842 : i32
    %dma_start3A_2844 = arith.constant 0 : i32
    %dma_start3A_2845 = arith.constant 0 : i32
    %dma_start3A_2846 = arith.constant 0 : i32
    %dma_start3A_2847 = tpu.memref_slice %arg7[%dma_start3A_2844, %dma_start3A_2845, %dma_start3A_2846] : memref<2x256x128xf32, #tpu.memory_space<vmem>> -> memref<1x256x128xf32, #tpu.memory_space<vmem>>
    %dma_start3A_2848 = tpu.memref_squeeze %dma_start3A_2847 : memref<1x256x128xf32, #tpu.memory_space<vmem>> -> memref<256x128xf32, #tpu.memory_space<vmem>>
    %dma_start3A_2849 = arith.constant 0 : i32
    %dma_start3A_2850 = tpu.memref_slice %arg4[%add3A_2843, %dma_start3A_2849] : memref<524288x128xf32, #tpu.memory_space<hbm>> -> memref<256x128xf32, #tpu.memory_space<hbm>>
    %dma_start3A_2851 = arith.constant 0 : i32
    %dma_start3A_2852 = tpu.memref_slice %arg4[%add3A_2843, %dma_start3A_2851] : memref<524288x128xf32, #tpu.memory_space<hbm>> -> memref<256x128xf32, #tpu.memory_space<hbm>>
    %dma_start3A_2853 = arith.constant 0 : i32
    %dma_start3A_2854 = arith.constant 0 : i32
    %dma_start3A_2855 = tpu.memref_slice %arg7[%dma_start3A_2844, %dma_start3A_2853, %dma_start3A_2854] : memref<2x256x128xf32, #tpu.memory_space<vmem>> -> memref<1x256x128xf32, #tpu.memory_space<vmem>>
    %dma_start3A_2856 = tpu.memref_squeeze %dma_start3A_2855 : memref<1x256x128xf32, #tpu.memory_space<vmem>> -> memref<256x128xf32, #tpu.memory_space<vmem>>
    tpu.enqueue_dma source(%dma_start3A_2856 : memref<256x128xf32, #tpu.memory_space<vmem>>) target(%dma_start3A_2852 : memref<256x128xf32, #tpu.memory_space<hbm>>) target_semaphore(%arg10 : memref<!tpu.dma_semaphore, #tpu.memory_space<semaphore_mem>>)
    %dma_wait3A_2857 = arith.constant 1 : i32
    %dma_wait3A_2858 = arith.constant 0 : i32
    %dma_wait3A_2859 = arith.constant 0 : i32
    %dma_wait3A_2860 = tpu.memref_slice %arg7[%dma_wait3A_2857, %dma_wait3A_2858, %dma_wait3A_2859] : memref<2x256x128xf32, #tpu.memory_space<vmem>> -> memref<1x128x128xf32, #tpu.memory_space<vmem>>
    %dma_wait3A_2861 = tpu.memref_squeeze %dma_wait3A_2860 : memref<1x128x128xf32, #tpu.memory_space<vmem>> -> memref<128x128xf32, #tpu.memory_space<vmem>>
    %dma_wait3A_2862 = arith.constant 0 : i32
    %dma_wait3A_2863 = tpu.memref_slice %arg5[%add3A_2788, %dma_wait3A_2862] : memref<64x128xi32, #tpu.memory_space<vmem>> -> memref<1x128xi32, #tpu.memory_space<vmem>>
    %dma_wait3A_2864 = tpu.memref_squeeze %dma_wait3A_2863 : memref<1x128xi32, #tpu.memory_space<vmem>> -> memref<128xi32, #tpu.memory_space<vmem>>
    %dma_wait3A_2865 = arith.constant 0 : i32
    %dma_wait3A_2866 = arith.constant 0 : i32
    %dma_wait3A_2867 = tpu.memref_slice %arg2[%dma_wait3A_2865, %dma_wait3A_2866] : memref<262144x128xf32, #tpu.memory_space<hbm>> -> memref<262144x128xf32, #tpu.memory_space<hbm>>
    tpu.wait_indirect_dma semaphore(%arg9 : memref<!tpu.dma_semaphore, #tpu.memory_space<semaphore_mem>>) src(%dma_wait3A_2867 : memref<262144x128xf32, #tpu.memory_space<hbm>>) dst(%dma_wait3A_2861 : memref<128x128xf32, #tpu.memory_space<vmem>>)
    %dma_wait3A_2868 = arith.constant 1 : i32
    %dma_wait3A_2869 = arith.constant 128 : i32
    %dma_wait3A_2870 = arith.constant 0 : i32
    %dma_wait3A_2871 = tpu.memref_slice %arg7[%dma_wait3A_2868, %dma_wait3A_2869, %dma_wait3A_2870] : memref<2x256x128xf32, #tpu.memory_space<vmem>> -> memref<1x128x128xf32, #tpu.memory_space<vmem>>
    %dma_wait3A_2872 = tpu.memref_squeeze %dma_wait3A_2871 : memref<1x128x128xf32, #tpu.memory_space<vmem>> -> memref<128x128xf32, #tpu.memory_space<vmem>>
    %dma_wait3A_2873 = arith.constant 0 : i32
    %dma_wait3A_2874 = tpu.memref_slice %arg5[%add3A_2806, %dma_wait3A_2873] : memref<64x128xi32, #tpu.memory_space<vmem>> -> memref<1x128xi32, #tpu.memory_space<vmem>>
    %dma_wait3A_2875 = tpu.memref_squeeze %dma_wait3A_2874 : memref<1x128xi32, #tpu.memory_space<vmem>> -> memref<128xi32, #tpu.memory_space<vmem>>
    %dma_wait3A_2876 = arith.constant 0 : i32
    %dma_wait3A_2877 = arith.constant 0 : i32
    %dma_wait3A_2878 = tpu.memref_slice %arg2[%dma_wait3A_2876, %dma_wait3A_2877] : memref<262144x128xf32, #tpu.memory_space<hbm>> -> memref<262144x128xf32, #tpu.memory_space<hbm>>
    tpu.wait_indirect_dma semaphore(%arg9 : memref<!tpu.dma_semaphore, #tpu.memory_space<semaphore_mem>>) src(%dma_wait3A_2878 : memref<262144x128xf32, #tpu.memory_space<hbm>>) dst(%dma_wait3A_2872 : memref<128x128xf32, #tpu.memory_space<vmem>>)
    %mul3A_2879 = arith.constant 4096 : i32
    %mul3A_2880 = arith.muli %add3A_69, %mul3A_2879 : i32
    %add3A_2881 = arith.constant 1792 : i32
    %add3A_2882 = arith.addi %mul3A_2880, %add3A_2881 : i32
    %dma_start3A_2883 = arith.constant 1 : i32
    %dma_start3A_2884 = arith.constant 0 : i32
    %dma_start3A_2885 = arith.constant 0 : i32
    %dma_start3A_2886 = tpu.memref_slice %arg7[%dma_start3A_2883, %dma_start3A_2884, %dma_start3A_2885] : memref<2x256x128xf32, #tpu.memory_space<vmem>> -> memref<1x256x128xf32, #tpu.memory_space<vmem>>
    %dma_start3A_2887 = tpu.memref_squeeze %dma_start3A_2886 : memref<1x256x128xf32, #tpu.memory_space<vmem>> -> memref<256x128xf32, #tpu.memory_space<vmem>>
    %dma_start3A_2888 = arith.constant 0 : i32
    %dma_start3A_2889 = tpu.memref_slice %arg4[%add3A_2882, %dma_start3A_2888] : memref<524288x128xf32, #tpu.memory_space<hbm>> -> memref<256x128xf32, #tpu.memory_space<hbm>>
    %dma_start3A_2890 = arith.constant 0 : i32
    %dma_start3A_2891 = tpu.memref_slice %arg4[%add3A_2882, %dma_start3A_2890] : memref<524288x128xf32, #tpu.memory_space<hbm>> -> memref<256x128xf32, #tpu.memory_space<hbm>>
    %dma_start3A_2892 = arith.constant 0 : i32
    %dma_start3A_2893 = arith.constant 0 : i32
    %dma_start3A_2894 = tpu.memref_slice %arg7[%dma_start3A_2883, %dma_start3A_2892, %dma_start3A_2893] : memref<2x256x128xf32, #tpu.memory_space<vmem>> -> memref<1x256x128xf32, #tpu.memory_space<vmem>>
    %dma_start3A_2895 = tpu.memref_squeeze %dma_start3A_2894 : memref<1x256x128xf32, #tpu.memory_space<vmem>> -> memref<256x128xf32, #tpu.memory_space<vmem>>
    tpu.enqueue_dma source(%dma_start3A_2895 : memref<256x128xf32, #tpu.memory_space<vmem>>) target(%dma_start3A_2891 : memref<256x128xf32, #tpu.memory_space<hbm>>) target_semaphore(%arg10 : memref<!tpu.dma_semaphore, #tpu.memory_space<semaphore_mem>>)
    %dma_wait3A_2896 = arith.constant 0 : i32
    %dma_wait3A_2897 = arith.constant 0 : i32
    %dma_wait3A_2898 = arith.constant 0 : i32
    %dma_wait3A_2899 = tpu.memref_slice %arg7[%dma_wait3A_2896, %dma_wait3A_2897, %dma_wait3A_2898] : memref<2x256x128xf32, #tpu.memory_space<vmem>> -> memref<1x256x128xf32, #tpu.memory_space<vmem>>
    %dma_wait3A_2900 = tpu.memref_squeeze %dma_wait3A_2899 : memref<1x256x128xf32, #tpu.memory_space<vmem>> -> memref<256x128xf32, #tpu.memory_space<vmem>>
    %dma_wait3A_2901 = arith.constant 0 : i32
    %dma_wait3A_2902 = tpu.memref_slice %arg4[%add3A_2843, %dma_wait3A_2901] : memref<524288x128xf32, #tpu.memory_space<hbm>> -> memref<256x128xf32, #tpu.memory_space<hbm>>
    %dma_wait3A_2903 = arith.constant 0 : i32
    %dma_wait3A_2904 = tpu.memref_slice %arg4[%add3A_2843, %dma_wait3A_2903] : memref<524288x128xf32, #tpu.memory_space<hbm>> -> memref<256x128xf32, #tpu.memory_space<hbm>>
    %dma_wait3A_2905 = arith.constant 0 : i32
    %dma_wait3A_2906 = arith.constant 0 : i32
    %dma_wait3A_2907 = tpu.memref_slice %arg7[%dma_wait3A_2896, %dma_wait3A_2905, %dma_wait3A_2906] : memref<2x256x128xf32, #tpu.memory_space<vmem>> -> memref<1x256x128xf32, #tpu.memory_space<vmem>>
    %dma_wait3A_2908 = tpu.memref_squeeze %dma_wait3A_2907 : memref<1x256x128xf32, #tpu.memory_space<vmem>> -> memref<256x128xf32, #tpu.memory_space<vmem>>
    tpu.wait_dma2 semaphore(%arg10 : memref<!tpu.dma_semaphore, #tpu.memory_space<semaphore_mem>>) src(%dma_wait3A_2908 : memref<256x128xf32, #tpu.memory_space<vmem>>) dst(%dma_wait3A_2904 : memref<256x128xf32, #tpu.memory_space<hbm>>)
    %dma_wait3A_2909 = arith.constant 1 : i32
    %dma_wait3A_2910 = arith.constant 0 : i32
    %dma_wait3A_2911 = arith.constant 0 : i32
    %dma_wait3A_2912 = tpu.memref_slice %arg7[%dma_wait3A_2909, %dma_wait3A_2910, %dma_wait3A_2911] : memref<2x256x128xf32, #tpu.memory_space<vmem>> -> memref<1x256x128xf32, #tpu.memory_space<vmem>>
    %dma_wait3A_2913 = tpu.memref_squeeze %dma_wait3A_2912 : memref<1x256x128xf32, #tpu.memory_space<vmem>> -> memref<256x128xf32, #tpu.memory_space<vmem>>
    %dma_wait3A_2914 = arith.constant 0 : i32
    %dma_wait3A_2915 = tpu.memref_slice %arg4[%add3A_2882, %dma_wait3A_2914] : memref<524288x128xf32, #tpu.memory_space<hbm>> -> memref<256x128xf32, #tpu.memory_space<hbm>>
    %dma_wait3A_2916 = arith.constant 0 : i32
    %dma_wait3A_2917 = tpu.memref_slice %arg4[%add3A_2882, %dma_wait3A_2916] : memref<524288x128xf32, #tpu.memory_space<hbm>> -> memref<256x128xf32, #tpu.memory_space<hbm>>
    %dma_wait3A_2918 = arith.constant 0 : i32
    %dma_wait3A_2919 = arith.constant 0 : i32
    %dma_wait3A_2920 = tpu.memref_slice %arg7[%dma_wait3A_2909, %dma_wait3A_2918, %dma_wait3A_2919] : memref<2x256x128xf32, #tpu.memory_space<vmem>> -> memref<1x256x128xf32, #tpu.memory_space<vmem>>
    %dma_wait3A_2921 = tpu.memref_squeeze %dma_wait3A_2920 : memref<1x256x128xf32, #tpu.memory_space<vmem>> -> memref<256x128xf32, #tpu.memory_space<vmem>>
    tpu.wait_dma2 semaphore(%arg10 : memref<!tpu.dma_semaphore, #tpu.memory_space<semaphore_mem>>) src(%dma_wait3A_2921 : memref<256x128xf32, #tpu.memory_space<vmem>>) dst(%dma_wait3A_2917 : memref<256x128xf32, #tpu.memory_space<hbm>>)
    %dma_wait3A_2922 = arith.constant 0 : i32
    %dma_wait3A_2923 = tpu.memref_slice %arg4[%add3A_116, %dma_wait3A_2922] : memref<524288x128xf32, #tpu.memory_space<hbm>> -> memref<2048x128xf32, #tpu.memory_space<hbm>>
    tpu.wait_dma2 semaphore(%arg11 : memref<!tpu.dma_semaphore, #tpu.memory_space<semaphore_mem>>) src(%arg8 : memref<2048x128xf32, #tpu.memory_space<vmem_shared>>) dst(%dma_wait3A_2923 : memref<2048x128xf32, #tpu.memory_space<hbm>>)
    %dma_wait3A_2924 = arith.constant 0 : i32
    %dma_wait3A_2925 = tpu.memref_slice %arg4[%add3A_124, %dma_wait3A_2924] : memref<524288x128xf32, #tpu.memory_space<hbm>> -> memref<2048x128xf32, #tpu.memory_space<hbm>>
    tpu.wait_dma2 semaphore(%arg11 : memref<!tpu.dma_semaphore, #tpu.memory_space<semaphore_mem>>) src(%arg8 : memref<2048x128xf32, #tpu.memory_space<vmem_shared>>) dst(%dma_wait3A_2925 : memref<2048x128xf32, #tpu.memory_space<hbm>>)
    %dma_wait3A_2926 = arith.constant 0 : i32
    %dma_wait3A_2927 = tpu.memref_slice %arg4[%add3A_132, %dma_wait3A_2926] : memref<524288x128xf32, #tpu.memory_space<hbm>> -> memref<2048x128xf32, #tpu.memory_space<hbm>>
    tpu.wait_dma2 semaphore(%arg11 : memref<!tpu.dma_semaphore, #tpu.memory_space<semaphore_mem>>) src(%arg8 : memref<2048x128xf32, #tpu.memory_space<vmem_shared>>) dst(%dma_wait3A_2927 : memref<2048x128xf32, #tpu.memory_space<hbm>>)
    %dma_wait3A_2928 = arith.constant 0 : i32
    %dma_wait3A_2929 = tpu.memref_slice %arg4[%add3A_140, %dma_wait3A_2928] : memref<524288x128xf32, #tpu.memory_space<hbm>> -> memref<2048x128xf32, #tpu.memory_space<hbm>>
    tpu.wait_dma2 semaphore(%arg11 : memref<!tpu.dma_semaphore, #tpu.memory_space<semaphore_mem>>) src(%arg8 : memref<2048x128xf32, #tpu.memory_space<vmem_shared>>) dst(%dma_wait3A_2929 : memref<2048x128xf32, #tpu.memory_space<hbm>>)
    return
  }
}

</mosaic_0001>

<sc_bundles>
// kernel: kernel.3.cloned.1.call-start
scs
__scs_entry_jumppad:
0x0: {  	(pc) =	sbr.rel $0x88, $3  }
0x1: {  	(tag) =	ssettag $0x0;
	lr =	simm.s32 $0x1  }
0x2: {  	[smem:$0x3FA0] =	sst lr;
	_ =	strace $0xD0000000  }
0x3: {  	_ = 	snop  }
0x4: {  	_ = 	snop  }
0x5: {  	_ = 	snop  }
0x6: {  	_ = 	snop  }
0x7: {  	_ = 	snop  }
__scs_overlays_trampoline_lowered:
0x8: {  	[smem:$0x3FAF] =	sst s0  }
0x9: {  	[smem:$0x3FB0] =	sst s1  }
0xa: {  	[smem:$0x3FB1] =	sst s2  }
0xb: {  	[smem:$0x3FB2] =	sst s3  }
0xc: {  	[smem:$0x3FB3] =	sst s4  }
0xd: {  	[smem:$0x3FB4] =	sst s5  }
0xe: {  	[smem:$0x3FB5] =	sst s6  }
0xf: {  	[smem:$0x3FB6] =	sst s7  }
0x10: {  	[smem:$0x3FB7] =	sst s8  }
0x11: {  	[smem:$0x3FB8] =	sst s9;
	s0 =	simm.s32 @!p0 $0x0  }
0x12: {  	s1 =	sld [smem:$0x3F9E];
	s0 =	simm.s32 @p0 $0x1  }
0x13: {  	[smem:$0x3FB9] =	sst s0;
	s0 =	simm.s32 @!p1 $0x0  }
0x14: {  	s2 =	sld [smem:$0x3F9D];
	s0 =	simm.s32 @p1 $0x1  }
0x15: {  	[smem:$0x3FBA] =	sst s0;
	s0 =	simm.s32 @!p2 $0x0  }
0x16: {  	s3 =	sld [smem:$0x3FDB];
	s0 =	simm.s32 @p2 $0x1  }
0x17: {  	s4 =	simm.s32 $0x1BF5;
	[smem:$0x3FBC] =	sst s0  }
0x18: {  	s0 =	sld [smem:$0x3F9F];
	_ =	swait.ge [sflag:s4], $0x0  }
0x19: {  	s7 =	sld [smem:$0x3FA0]  }
0x1a: {  	s8 =	sadd.s32 $0xFFFFE003, lr  }
0x1b: {  	s9 =	sadd.s32 $0xFFFFFEF7, lr;
	s5 =	simm.s32 $0xFFFFFFFF;
	p2 =	slt.u32 s8, $0xFFFFF086  }
0x1c: {  	p1 =	slt.u32 s9, $0xF7A;
	s5 =	simm.s32 @!p2 $0x0  }
0x1d: {  	s5 =	simm.s32 @p1 $0x1;
	p0 =	seq.s32 s7, s2  }
0x1e: {  	s7 =	smul.u32 @!p0 $0xF7A, s2;
	p2 =	seq.s32 @!p0 s5, $0x0  }
0x1f: {  	s9 =	smul.u32 $0xF7A, s1;
	s8 =	simm.s32 @!p0 $0x1BF5;
	p2 =	por !p2, p0  }
0x20: {  	[sflag:s8] =	ssyncset.s32 @!p0 $0xFFFFF086;
	s6 =	sadd.s32 @!p0 s3, s7;
	s7 =	simm.s32 @!p0 $0x108  }
0x21: {  	s3 =	sadd.s32 s3, s9;
	s6 =	sadd.s32 @!p0 $0x88, s6;
	s7 =	simm.s32 @p2 $0x1082  }
0x22: {  	[simem:s7], [sflag:s8] =	dma.local @!p0 [hbm:s6], $0xF7A  }
0x23: {  	s9 =	sor.u32 $0xD0000000, s2;
	s6 =	simm.s32 $0x108;
	_ =	swait.ge @!p0 [sflag:s8], $0x0  }
0x24: {  	s3 =	sadd.s32 $0x88, s3;
	s6 =	simm.s32 @!p1 $0x1082;
	[sflag:s4] =	ssyncset.s32 $0xFFFFF086  }
0x25: {  	[simem:s6], [sflag:s4] =	dma.local [hbm:s3], $0xF7A  }
0x26: {  	[smem:$0x3FA0] =	sst s1;
	(tag) =	ssettag s2;
	_ =	strace s9  }
0x27: {  	s1 =	sld [smem:$0x3FB0]  }
0x28: {  	s2 =	sld [smem:$0x3FB1]  }
0x29: {  	s4 =	sld [smem:$0x3FB3]  }
0x2a: {  	p0 =	seq.s32 s5, $0x0;
	s5 =	sld [smem:$0x3FB4]  }
0x2b: {  	s6 =	sld [smem:$0x3FB5]  }
0x2c: {  	s7 =	sld [smem:$0x3FB6]  }
0x2d: {  	s3 =	simm.s32 $0x108;
	s8 =	sld [smem:$0x3FB7]  }
0x2e: {  	s3 =	simm.s32 @!p0 $0x1082;
	s9 =	sld [smem:$0x3FB8]  }
0x2f: {  	lr =	sadd.s32 s0, s3;
	s0 =	sld [smem:$0x3FAF]  }
0x30: {  	s3 =	sld [smem:$0x3FB2]  }
0x31: {  	[smem:$0x3FBB] =	sst s10  }
0x32: {  	s10 =	sld [smem:$0x3FB9];
	_ =	sdelay $0x3  }
0x33: {  	p0 =	seq.s32 s10, $0x1;
	s10 =	sld [smem:$0x3FBB];
	_ =	sdelay $0x3  }
0x34: {  	[smem:$0x3FBB] =	sst s10  }
0x35: {  	s10 =	sld [smem:$0x3FBA];
	_ =	sdelay $0x3  }
0x36: {  	p1 =	seq.s32 s10, $0x1;
	s10 =	sld [smem:$0x3FBB];
	_ =	sdelay $0x3  }
0x37: {  	[smem:$0x3FBB] =	sst s10  }
0x38: {  	s10 =	sld [smem:$0x3FBC]  }
0x39: {  	_ = 	snop;
	(pc) =	sbr.ind lr, $3  }
0x3a: {  	_ = 	snop  }
0x3b: {  	_ = 	snop  }
0x3c: {  	p2 =	seq.s32 s10, $0x1;
	s10 =	sld [smem:$0x3FBB]  }
0x3d: {  	_ =	shalt  }
0x3e: {  	_ =	shalt  }
0x3f: {  	_ =	shalt  }
0x40: {  	_ =	shalt  }
0x41: {  	_ =	shalt  }
0x42: {  	_ =	shalt  }
0x43: {  	_ =	shalt  }
0x44: {  	_ =	shalt  }
0x45: {  	_ =	shalt  }
0x46: {  	_ =	shalt  }
0x47: {  	_ =	shalt  }
0x48: {  	_ =	shalt  }
0x49: {  	_ =	shalt  }
0x4a: {  	_ =	shalt  }
0x4b: {  	_ =	shalt  }
0x4c: {  	_ =	shalt  }
0x4d: {  	_ =	shalt  }
0x4e: {  	_ =	shalt  }
0x4f: {  	_ =	shalt  }
0x50: {  	_ =	shalt  }
0x51: {  	_ =	shalt  }
0x52: {  	_ =	shalt  }
0x53: {  	_ =	shalt  }
0x54: {  	_ =	shalt  }
0x55: {  	_ =	shalt  }
0x56: {  	_ =	shalt  }
0x57: {  	_ =	shalt  }
0x58: {  	_ =	shalt  }
0x59: {  	_ =	shalt  }
0x5a: {  	_ =	shalt  }
0x5b: {  	_ =	shalt  }
0x5c: {  	_ =	shalt  }
0x5d: {  	_ =	shalt  }
0x5e: {  	_ =	shalt  }
0x5f: {  	_ =	shalt  }
0x60: {  	_ =	shalt  }
0x61: {  	_ =	shalt  }
0x62: {  	_ =	shalt  }
0x63: {  	_ =	shalt  }
0x64: {  	_ =	shalt  }
0x65: {  	_ =	shalt  }
0x66: {  	_ =	shalt  }
0x67: {  	_ =	shalt  }
0x68: {  	_ =	shalt  }
0x69: {  	_ =	shalt  }
0x6a: {  	_ =	shalt  }
0x6b: {  	_ =	shalt  }
0x6c: {  	_ =	shalt  }
0x6d: {  	_ =	shalt  }
0x6e: {  	_ =	shalt  }
0x6f: {  	_ =	shalt  }
0x70: {  	_ =	shalt  }
0x71: {  	_ =	shalt  }
0x72: {  	_ =	shalt  }
0x73: {  	_ =	shalt  }
0x74: {  	_ =	shalt  }
0x75: {  	_ =	shalt  }
0x76: {  	_ =	shalt  }
0x77: {  	_ =	shalt  }
0x78: {  	_ =	shalt  }
0x79: {  	_ =	shalt  }
0x7a: {  	_ =	shalt  }
0x7b: {  	_ =	shalt  }
0x7c: {  	_ =	shalt  }
0x7d: {  	_ =	shalt  }
0x7e: {  	_ =	shalt  }
0x7f: {  	_ =	shalt  }
0x80: {  	_ =	shalt  }
0x81: {  	_ =	shalt  }
0x82: {  	_ =	shalt  }
0x83: {  	_ =	shalt  }
0x84: {  	_ =	shalt  }
0x85: {  	_ =	shalt  }
0x86: {  	_ =	shalt  }
0x87: {  	_ =	shalt  }
.Lfunc_end0:
.L_simem_size_0:
called_computation_lowered:
.L_overlay_start_0:
0x88: {  	s2 =	sld [smem:$0x3FD9]  }
0x89: {  	s3 =	sld [smem:$0x3FFE];
	_ =	sdelay $0x1  }
0x8a: {  	s1 =	srdreg.scid  }
0x8b: {  	s0 =	sand.u32 $0x1, s1  }
0x8c: {  	s17 =	sshll.u32 s0, $0xA;
	s2 =	sadd.s32 s3, s2  }
0x8d: {  	s2 =	sadd.s32 s2, s17  }
0x8e: {  	[smem:$0x3FC7] =	sst s2  }
0x8f: {  	_ = 	snop  }
0x90: {  	s2 =	sld [smem:$0x3FC9]  }
0x91: {  	s18 =	sld [smem:$0x3FD0];
	(tm) =	ssettm $0x1  }
0x92: {  	s4 =	sld [smem:$0x3FFB];
	_ =	sdelay $0x3  }
0x93: {  	_ =	strace s4  }
0x94: {  	s4 =	sld [smem:$0x3FFC];
	_ =	sdelay $0x3  }
0x95: {  	_ =	strace s4  }
0x96: {  	s4 =	sld [smem:$0x3FFD];
	_ =	sdelay $0x3  }
0x97: {  	_ =	strace s4  }
0x98: {  	_ =	strace $0x8FFFFFFF  }
0x99: {  	s19 =	sld [smem:$0x3FDB];
	_ =	sdelay $0x1  }
0x9a: {  	s5 =	simm.s32 $_scs_section_size  }
0x9b: {  	s6 =	simm.s32 $_size__tile_overlayer_lowered;
	s7 =	simm.s32 $_tile_overlayer_lowered  }
0x9c: {  	s22 =	simm.s32 $0x1BFF;
	s21 =	sshll.u32 s7, $0x1;
	s4 =	sadd.s32 s5, s19  }
0x9d: {  	s8 =	simm.s32 $0x0;
	s20 =	sshll.u32 s6, $0x1;
	s6 =	sadd.s32 s21, s4  }
0x9e: {  	[timem:s8], [sflag:s22] =	dma.local [hbm:s6], s20  }
0x9f: {  	_ =	swait.ge [sflag:s22], s20  }
0xa0: {  	s5 =	ssub.s32 $0x0, s20;
	[sflag:s22] =	ssyncset.done $0x0  }
0xa1: {  	[sflag:s22] =	ssyncadd.s32 s5;
	_ =	sdelay $0x1  }
0xa2: {  	s23 =	simm.s32 $0x1B8B  }
0xa3: {  	_ =	swait.ge [sflag:s23], $0x1  }
0xa4: {  	[sflag:s23] =	ssyncset.done $0x0  }
0xa5: {  	s25 =	simm.s32 $0x1B8E;
	s24 =	sld [smem:$0x3FFE];
	[sflag:s23] =	ssyncadd.s32 $0xFFFFFFFF  }
0xa6: {  	s26 =	simm.s32 $execute0_lowered;
	[smem:$0x3FD2] =	sst s25  }
0xa7: {  	s6 =	sshll.u32 s26, $0x1;
	_ =	strace $0x80000046;
	[dreg:$0x1] =	wrdreg $0xFFFFFFFF  }
0xa8: {  	s28 =	simm.s32 $_size_execute0_lowered;
	s4 =	sadd.s32 s4, s6;
	[dreg:$0x0] =	wrdreg $0x0  }
0xa9: {  	s6 =	sshll.u32 s28, $0x1;
	[dreg:$0x2] =	wrdreg s4  }
0xaa: {  	[dreg:$0x3] =	wrdreg s6  }
0xab: {  	[dreg:$0x4] =	wrdreg $0xC0  }
0xac: {  	_ =	task [dreg:s8], $0x5FFFF  }
0xad: {  	[dreg:$0x1] =	wrdreg $0xFFFFFFFF  }
0xae: {  	[dreg:$0x0] =	wrdreg $0x60  }
0xaf: {  	[dreg:$0x2] =	wrdreg s2  }
0xb0: {  	[dreg:$0x3] =	wrdreg s24  }
0xb1: {  	[dreg:$0x4] =	wrdreg s18  }
0xb2: {  	[dreg:$0x5] =	wrdreg $0x160000  }
0xb3: {  	[dreg:$0x6] =	wrdreg $0x9  }
0xb4: {  	_ =	task.clear_ibuf [dreg:s8], $0x7FFFF;
	_ =	strace $0x90000046  }
0xb5: {  	s29 =	simm.s32 $0x9;
	_ =	strace $0x80000048  }
0xb6: {  	_ =	swait.ge [sflag:s29], $0x1  }
0xb7: {  	[sflag:s29] =	ssyncadd.s32 $0xFFFFFFFF  }
0xb8: {  	_ =	strace $0x90000048  }
0xb9: {  	_ =	sfence  }
0xba: {  	s30 =	sld [smem:$0x0];
	_ =	sdelay $0x2  }
0xbb: {  	s31 =	sshll.u32 s1, $0xD;
	s1 =	sshrl.u32 s1, $0x2  }
0xbc: {  	s3 =	sand.u32 $0x4000, s31;
	s1 =	sadd.s32 s1, s30  }
0xbd: {  	s0 =	sor.u32 s3, s0;
	s1 =	sshll.u32 s1, $0x11  }
0xbe: {  	s0 =	sor.u32 s1, s0  }
0xbf: {  	s0 =	sadd.s32 $0x8F2B, s0  }
0xc0: {  	[sflag:s0] =	ssyncadd.remote.s32 $0x1  }
0xc1: {  	_ =	sfence.sel $0xFFFF  }
0xc2: {  	[dreg:$0x0] =	wrdreg $0xFFFFFFFF;
	(pc) =	sbr.abs _section_cstart, $3  }
0xc3: {  	[dreg:$0x1] =	wrdreg $0xFFFFFFFF  }
0xc4: {  	_ =	task.clear_ibuf [dreg:s8], $0x2FFFF;
	_ =	strace $0x9FFFFFFF  }
0xc5: {  	(tm) =	ssettm $0x7FFFFFFF  }
tec
execute0_lowered:
.L_overlay_start_1:
0x0: {  	(tag) =	ssettag $0x1  }
0x1: {  	s1 =	rddreg [dreg:$0x0]  }
0x2: {  	s0 =	rddreg [dreg:$0x1]  }
0x3: {  	s2 =	rddreg [dreg:$0x2]  }
0x4: {  	s8 =	rddreg [dreg:$0x3]  }
0x5: {  	s3 =	srdreg.scid;
	s7 =	stileid.u32  }
0x6: {  	s4 =	simm.s32 $0x0;
	s3 =	sand.u32 $0x1, s3;
	s5 =	sshll.u32 s7, $0x1  }
0x7: {  	[smem:$0x7FF] =	sst s4;
	s5 =	sor.u32 s3, s5  }
0x8: {  	s29 =	sshll.u32 s7, $0xE;
	_ =	strace $0x80000047;
	s6 =	sshll.u32 s5, $0xA  }
0x9: {  	s7 =	sadd.s32 s29, s8;
	s5 =	sshll.u32 s5, $0x12;
	s0 =	sadd.s32 s6, s0  }
0xa: {  	[dreg:$0x6] =	wrdreg s7;
	s5 =	sadd.s32 s2, s5;
	s0 =	sadd.s32 $0x400, s0  }
0xb: {  	s8 =	sadd.s32 $0x8000, s5;
	[dreg:$0x5] =	wrdreg s0  }
0xc: {  	s9 =	sadd.s32 $0x18000, s5;
	[dreg:$0x7] =	wrdreg s8  }
0xd: {  	s10 =	sadd.s32 $0x28000, s5;
	[dreg:$0x8] =	wrdreg s9  }
0xe: {  	s11 =	sadd.s32 $0x38000, s5;
	[dreg:$0x9] =	wrdreg s10  }
0xf: {  	s12 =	sadd.s32 $0x1000, s5;
	[dreg:$0xa] =	wrdreg s11  }
0x10: {  	s13 =	sadd.s32 $0x2000, s5;
	[dreg:$0xb] =	wrdreg s12  }
0x11: {  	s14 =	sadd.s32 $0x3000, s5;
	[dreg:$0xc] =	wrdreg s13  }
0x12: {  	s15 =	sadd.s32 $0x4000, s5;
	[dreg:$0xd] =	wrdreg s14  }
0x13: {  	s16 =	sadd.s32 $0x5000, s5;
	[dreg:$0xe] =	wrdreg s15  }
0x14: {  	s17 =	sadd.s32 $0x6000, s5;
	[dreg:$0xf] =	wrdreg s16  }
0x15: {  	s18 =	sadd.s32 $0x7000, s5;
	[dreg:$0x10] =	wrdreg s17  }
0x16: {  	s19 =	sadd.s32 $0x10000, s5;
	[dreg:$0x11] =	wrdreg s18  }
0x17: {  	s20 =	sadd.s32 $0x11000, s5;
	[dreg:$0x12] =	wrdreg s19  }
0x18: {  	s3 =	ssub.s32 $0x2, s3;
	s21 =	sadd.s32 $0x12000, s5;
	[dreg:$0x13] =	wrdreg s20  }
0x19: {  	s28 =	sshrl.u32 s3, $0x1;
	s22 =	sadd.s32 $0x13000, s5;
	[dreg:$0x14] =	wrdreg s21  }
0x1a: {  	s3 =	ssub.s32 s3, s28;
	s23 =	sadd.s32 $0x14000, s5;
	[dreg:$0x15] =	wrdreg s22  }
0x1b: {  	s24 =	sadd.s32 $0x15000, s5;
	s25 =	smax.u32 s3, $0x1;
	[dreg:$0x16] =	wrdreg s23  }
0x1c: {  	s26 =	sadd.s32 $0x16000, s5;
	s28 =	sadd.s32 $0x17000, s5;
	[dreg:$0x17] =	wrdreg s24  }
0x1d: {  	s29 =	sadd.s32 $0x20000, s5;
	s30 =	sadd.s32 $0x21000, s5;
	[dreg:$0x18] =	wrdreg s25  }
0x1e: {  	s31 =	sadd.s32 $0x22000, s5;
	s3 =	sadd.s32 $0x24000, s5;
	[dreg:$0x19] =	wrdreg s26  }
0x1f: {  	s2 =	sadd.s32 $0x25000, s5;
	s6 =	sadd.s32 $0x26000, s5;
	[dreg:$0x1a] =	wrdreg s28  }
0x20: {  	s7 =	sadd.s32 $0x27000, s5;
	[dreg:$0x1b] =	wrdreg s29;
	s0 =	sadd.s32 $0x23000, s5  }
0x21: {  	s8 =	sadd.s32 $0x30000, s5;
	s9 =	sadd.s32 $0x31000, s5;
	s10 =	sadd.s32 $0x32000, s5  }
0x22: {  	s11 =	sadd.s32 $0x33000, s5;
	s12 =	sadd.s32 $0x34000, s5;
	s13 =	sadd.s32 $0x35000, s5  }
0x23: {  	s14 =	sadd.s32 $0x36000, s5;
	s15 =	sadd.s32 $0x37000, s5;
	s16 =	simm.s32 $0x4  }
0x24: {  	s17 =	simm.s32 $0x80;
	s18 =	simm.s32 $0x6000;
	s19 =	simm.s32 $0xA000  }
0x25: {  	s20 =	simm.s32 $0xE000;
	s21 =	simm.s32 $0x12000;
	s22 =	simm.s32 $0x1  }
0x26: {  	v0 =	vimm.f32 $0.0e+00;
	s23 =	simm.s32 $0x2;
	s24 =	simm.s32 $0x3;
	s25 =	simm.s32 $0x0  }
.LBB2_1:
0x27: {  	s26 =	rddreg [dreg:$0x5]  }
0x28: {  	[tilespmem:s4], [sflag:$0x4] =	stream.linear.gather [hbm4b:s26+s4], $0x2000, $0x38;
	[tilespmem:$0x1A000] =	vst v63  }
0x29: {  	_ =	swait.ge [sflag:s16], $0x2000  }
0x2a: {  	[sflag:s16] =	ssyncset.done $0x0  }
0x2b: {  	[sflag:s16] =	ssyncadd.s32 $0xFFFFE000  }
0x2c: {  	[tilespmem:s18], [sflag:$0x1] =	stream.indirect.gather [hbm4b:s1+s17], $0x80, s4, s17, $0xb8;
	[tilespmem:$0x1A000] =	vst v63  }
0x2d: {  	s28 =	simm.s32 $0x200;
	s26 =	simm.s32 $0x0  }
0x2e: {  	[tilespmem:s19], [sflag:$0x1] =	stream.indirect.gather [hbm4b:s1+s17], $0x80, s17, s17, $0xb8;
	[tilespmem:$0x1A000] =	vst v63  }
.LBB2_2:
0x2f: {  	p0 =	sne.s32 s28, $0xFE00;
	[tilespmem:s26+$0x2070] =	vst v0  }
0x30: {  	[tilespmem:s26+$0x2000] =	vst v0  }
0x31: {  	[tilespmem:s26+$0x2010] =	vst v0  }
.Ltmp0:
0x32: {  	[tilespmem:s26+$0x2020] =	vst v0;
	(pc) =	sbr.rel @p0 .LBB2_2-.Ltmp0, $4  }
0x33: {  	[tilespmem:s26+$0x2030] =	vst v0  }
0x34: {  	[tilespmem:s26+$0x2040] =	vst v0  }
0x35: {  	[tilespmem:s26+$0x2050] =	vst v0  }
0x36: {  	[tilespmem:s26+$0x2060] =	vst v0;
	s26 =	sshra.s32 s28, $0x2;
	s28 =	sadd.s32 $0x200, s28  }
0x37: {  	[tilespmem:s26+$0x2070] =	vst v0  }
0x38: {  	[tilespmem:s26+$0x2000] =	vst v0  }
0x39: {  	[tilespmem:s26+$0x2010] =	vst v0  }
0x3a: {  	[tilespmem:s26+$0x2020] =	vst v0  }
0x3b: {  	[tilespmem:s26+$0x2030] =	vst v0  }
0x3c: {  	[tilespmem:s26+$0x2040] =	vst v0  }
0x3d: {  	[tilespmem:s26+$0x2050] =	vst v0  }
0x3e: {  	[tilespmem:s26+$0x2060] =	vst v0;
	s29 =	rddreg [dreg:$0x6];
	s28 =	simm.s32 $0x2000  }
0x3f: {  	[spmem:s29] =	stream.linear.scatter [tilespmem:s28], [sflag:$0x4], $0x4000, $0x38;
	[tilespmem:$0x1A000] =	vst v63  }
0x40: {  	_ =	swait.ge [sflag:s16], $0x4000  }
0x41: {  	[sflag:s16] =	ssyncset.done $0x0  }
0x42: {  	[sflag:s16] =	ssyncadd.s32 $0xFFFFC000  }
0x43: {  	s28 =	stileid.u32;
	[bflag:$0x0] =	sbarrier.arrive $0xFFFF  }
0x44: {  	s26 =	sshll.u32 s28, $0x6;
	s29 =	rddreg [dreg:$0x3]  }
0x45: {  	s26 =	sor.u32 $0x1C03, s26;
	s28 =	sshrl.u32 s29, $0x3;
	s29 =	rddreg [dreg:$0x7]  }
0x46: {  	[hbm:s29], [sflag:s26] =	dma.local [spmem:s28], $0x8000  }
0x47: {  	s29 =	rddreg [dreg:$0x8]  }
0x48: {  	[hbm:s29], [sflag:s26] =	dma.local [spmem:s28], $0x8000  }
0x49: {  	s29 =	rddreg [dreg:$0x9]  }
0x4a: {  	[hbm:s29], [sflag:s26] =	dma.local [spmem:s28], $0x8000  }
0x4b: {  	s29 =	rddreg [dreg:$0xa]  }
0x4c: {  	[hbm:s29], [sflag:s26] =	dma.local [spmem:s28], $0x8000  }
0x4d: {  	s29 =	simm.s32 $0x100  }
0x4e: {  	[tilespmem:s20], [sflag:$0x1] =	stream.indirect.gather [hbm4b:s1+s17], $0x80, s29, s17, $0xb8;
	[tilespmem:$0x1A000] =	vst v63  }
0x4f: {  	s28 =	simm.s32 $0x180  }
0x50: {  	[tilespmem:s21], [sflag:$0x1] =	stream.indirect.gather [hbm4b:s1+s17], $0x80, s28, s17, $0xb8;
	[tilespmem:$0x1A000] =	vst v63  }
0x51: {  	_ =	swait.ge [sflag:s22], $0x4000  }
0x52: {  	[sflag:s22] =	ssyncset.done $0x0  }
0x53: {  	[sflag:s22] =	ssyncadd.s32 $0xFFFFC000  }
0x54: {  	_ =	swait.ge [sflag:s22], $0x4000  }
0x55: {  	[sflag:s22] =	ssyncset.done $0x0  }
0x56: {  	[sflag:s22] =	ssyncadd.s32 $0xFFFFC000  }
0x57: {  	[hbm4b:s5+s4] =	stream.linear.scatter [tilespmem:s18], [sflag:$0x2], $0x8000, $0x38;
	[tilespmem:$0x1A000] =	vst v63  }
0x58: {  	_ =	swait.ge [sflag:s23], $0x8000  }
0x59: {  	[sflag:s23] =	ssyncset.done $0x0  }
0x5a: {  	s29 =	simm.s32 $0x200;
	[sflag:s23] =	ssyncadd.s32 $0xFFFF8000  }
0x5b: {  	[tilespmem:s18], [sflag:$0x1] =	stream.indirect.gather [hbm4b:s1+s17], $0x80, s29, s17, $0xb8;
	[tilespmem:$0x1A000] =	vst v63  }
0x5c: {  	s28 =	simm.s32 $0x280  }
0x5d: {  	[tilespmem:s19], [sflag:$0x1] =	stream.indirect.gather [hbm4b:s1+s17], $0x80, s28, s17, $0xb8;
	[tilespmem:$0x1A000] =	vst v63  }
0x5e: {  	_ =	swait.ge [sflag:s22], $0x4000  }
0x5f: {  	[sflag:s22] =	ssyncset.done $0x0  }
0x60: {  	[sflag:s22] =	ssyncadd.s32 $0xFFFFC000  }
0x61: {  	_ =	swait.ge [sflag:s22], $0x4000  }
0x62: {  	[sflag:s22] =	ssyncset.done $0x0  }
0x63: {  	s29 =	rddreg [dreg:$0xb];
	[sflag:s22] =	ssyncadd.s32 $0xFFFFC000  }
0x64: {  	[hbm4b:s29+s4] =	stream.linear.scatter [tilespmem:s20], [sflag:$0x2], $0x8000, $0x38;
	[tilespmem:$0x1A000] =	vst v63  }
0x65: {  	_ =	swait.ge [sflag:s23], $0x8000  }
0x66: {  	[sflag:s23] =	ssyncset.done $0x0  }
0x67: {  	s28 =	simm.s32 $0x300;
	[sflag:s23] =	ssyncadd.s32 $0xFFFF8000  }
0x68: {  	[tilespmem:s20], [sflag:$0x1] =	stream.indirect.gather [hbm4b:s1+s17], $0x80, s28, s17, $0xb8;
	[tilespmem:$0x1A000] =	vst v63  }
0x69: {  	s29 =	simm.s32 $0x380  }
0x6a: {  	[tilespmem:s21], [sflag:$0x1] =	stream.indirect.gather [hbm4b:s1+s17], $0x80, s29, s17, $0xb8;
	[tilespmem:$0x1A000] =	vst v63  }
0x6b: {  	_ =	swait.ge [sflag:s22], $0x4000  }
0x6c: {  	[sflag:s22] =	ssyncset.done $0x0  }
0x6d: {  	[sflag:s22] =	ssyncadd.s32 $0xFFFFC000  }
0x6e: {  	_ =	swait.ge [sflag:s22], $0x4000  }
0x6f: {  	[sflag:s22] =	ssyncset.done $0x0  }
0x70: {  	s28 =	rddreg [dreg:$0xc];
	[sflag:s22] =	ssyncadd.s32 $0xFFFFC000  }
0x71: {  	[hbm4b:s28+s4] =	stream.linear.scatter [tilespmem:s18], [sflag:$0x2], $0x8000, $0x38;
	[tilespmem:$0x1A000] =	vst v63  }
0x72: {  	_ =	swait.ge [sflag:s23], $0x8000  }
0x73: {  	[sflag:s23] =	ssyncset.done $0x0  }
0x74: {  	s29 =	simm.s32 $0x400;
	[sflag:s23] =	ssyncadd.s32 $0xFFFF8000  }
0x75: {  	[tilespmem:s18], [sflag:$0x1] =	stream.indirect.gather [hbm4b:s1+s17], $0x80, s29, s17, $0xb8;
	[tilespmem:$0x1A000] =	vst v63  }
0x76: {  	s28 =	simm.s32 $0x480  }
0x77: {  	[tilespmem:s19], [sflag:$0x1] =	stream.indirect.gather [hbm4b:s1+s17], $0x80, s28, s17, $0xb8;
	[tilespmem:$0x1A000] =	vst v63  }
0x78: {  	_ =	swait.ge [sflag:s22], $0x4000  }
0x79: {  	[sflag:s22] =	ssyncset.done $0x0  }
0x7a: {  	[sflag:s22] =	ssyncadd.s32 $0xFFFFC000  }
0x7b: {  	_ =	swait.ge [sflag:s22], $0x4000  }
0x7c: {  	[sflag:s22] =	ssyncset.done $0x0  }
0x7d: {  	s29 =	rddreg [dreg:$0xd];
	[sflag:s22] =	ssyncadd.s32 $0xFFFFC000  }
0x7e: {  	[hbm4b:s29+s4] =	stream.linear.scatter [tilespmem:s20], [sflag:$0x2], $0x8000, $0x38;
	[tilespmem:$0x1A000] =	vst v63  }
0x7f: {  	_ =	swait.ge [sflag:s23], $0x8000  }
0x80: {  	[sflag:s23] =	ssyncset.done $0x0  }
0x81: {  	s28 =	simm.s32 $0x500;
	[sflag:s23] =	ssyncadd.s32 $0xFFFF8000  }
0x82: {  	[tilespmem:s20], [sflag:$0x1] =	stream.indirect.gather [hbm4b:s1+s17], $0x80, s28, s17, $0xb8;
	[tilespmem:$0x1A000] =	vst v63  }
0x83: {  	s29 =	simm.s32 $0x580  }
0x84: {  	[tilespmem:s21], [sflag:$0x1] =	stream.indirect.gather [hbm4b:s1+s17], $0x80, s29, s17, $0xb8;
	[tilespmem:$0x1A000] =	vst v63  }
0x85: {  	_ =	swait.ge [sflag:s22], $0x4000  }
0x86: {  	[sflag:s22] =	ssyncset.done $0x0  }
0x87: {  	[sflag:s22] =	ssyncadd.s32 $0xFFFFC000  }
0x88: {  	_ =	swait.ge [sflag:s22], $0x4000  }
0x89: {  	[sflag:s22] =	ssyncset.done $0x0  }
0x8a: {  	s28 =	rddreg [dreg:$0xe];
	[sflag:s22] =	ssyncadd.s32 $0xFFFFC000  }
0x8b: {  	[hbm4b:s28+s4] =	stream.linear.scatter [tilespmem:s18], [sflag:$0x2], $0x8000, $0x38;
	[tilespmem:$0x1A000] =	vst v63  }
0x8c: {  	_ =	swait.ge [sflag:s23], $0x8000  }
0x8d: {  	[sflag:s23] =	ssyncset.done $0x0  }
0x8e: {  	s29 =	simm.s32 $0x600;
	[sflag:s23] =	ssyncadd.s32 $0xFFFF8000  }
0x8f: {  	[tilespmem:s18], [sflag:$0x1] =	stream.indirect.gather [hbm4b:s1+s17], $0x80, s29, s17, $0xb8;
	[tilespmem:$0x1A000] =	vst v63  }
0x90: {  	s28 =	simm.s32 $0x680  }
0x91: {  	[tilespmem:s19], [sflag:$0x1] =	stream.indirect.gather [hbm4b:s1+s17], $0x80, s28, s17, $0xb8;
	[tilespmem:$0x1A000] =	vst v63  }
0x92: {  	_ =	swait.ge [sflag:s22], $0x4000  }
0x93: {  	[sflag:s22] =	ssyncset.done $0x0  }
0x94: {  	[sflag:s22] =	ssyncadd.s32 $0xFFFFC000  }
0x95: {  	_ =	swait.ge [sflag:s22], $0x4000  }
0x96: {  	[sflag:s22] =	ssyncset.done $0x0  }
0x97: {  	s29 =	rddreg [dreg:$0xf];
	[sflag:s22] =	ssyncadd.s32 $0xFFFFC000  }
0x98: {  	[hbm4b:s29+s4] =	stream.linear.scatter [tilespmem:s20], [sflag:$0x2], $0x8000, $0x38;
	[tilespmem:$0x1A000] =	vst v63  }
0x99: {  	_ =	swait.ge [sflag:s23], $0x8000  }
0x9a: {  	[sflag:s23] =	ssyncset.done $0x0  }
0x9b: {  	s28 =	simm.s32 $0x700;
	[sflag:s23] =	ssyncadd.s32 $0xFFFF8000  }
0x9c: {  	[tilespmem:s20], [sflag:$0x1] =	stream.indirect.gather [hbm4b:s1+s17], $0x80, s28, s17, $0xb8;
	[tilespmem:$0x1A000] =	vst v63  }
0x9d: {  	s29 =	simm.s32 $0x780  }
0x9e: {  	[tilespmem:s21], [sflag:$0x1] =	stream.indirect.gather [hbm4b:s1+s17], $0x80, s29, s17, $0xb8;
	[tilespmem:$0x1A000] =	vst v63  }
0x9f: {  	_ =	swait.ge [sflag:s22], $0x4000  }
0xa0: {  	[sflag:s22] =	ssyncset.done $0x0  }
0xa1: {  	[sflag:s22] =	ssyncadd.s32 $0xFFFFC000  }
0xa2: {  	_ =	swait.ge [sflag:s22], $0x4000  }
0xa3: {  	[sflag:s22] =	ssyncset.done $0x0  }
0xa4: {  	s28 =	rddreg [dreg:$0x10];
	[sflag:s22] =	ssyncadd.s32 $0xFFFFC000  }
0xa5: {  	[hbm4b:s28+s4] =	stream.linear.scatter [tilespmem:s18], [sflag:$0x2], $0x8000, $0x38;
	[tilespmem:$0x1A000] =	vst v63  }
0xa6: {  	_ =	swait.ge [sflag:s23], $0x8000  }
0xa7: {  	[sflag:s23] =	ssyncset.done $0x0  }
0xa8: {  	s29 =	simm.s32 $0x800;
	[sflag:s23] =	ssyncadd.s32 $0xFFFF8000  }
0xa9: {  	[tilespmem:s18], [sflag:$0x1] =	stream.indirect.gather [hbm4b:s1+s17], $0x80, s29, s17, $0xb8;
	[tilespmem:$0x1A000] =	vst v63  }
0xaa: {  	s28 =	simm.s32 $0x880  }
0xab: {  	[tilespmem:s19], [sflag:$0x1] =	stream.indirect.gather [hbm4b:s1+s17], $0x80, s28, s17, $0xb8;
	[tilespmem:$0x1A000] =	vst v63  }
0xac: {  	_ =	swait.ge [sflag:s22], $0x4000  }
0xad: {  	[sflag:s22] =	ssyncset.done $0x0  }
0xae: {  	[sflag:s22] =	ssyncadd.s32 $0xFFFFC000  }
0xaf: {  	_ =	swait.ge [sflag:s22], $0x4000  }
0xb0: {  	[sflag:s22] =	ssyncset.done $0x0  }
0xb1: {  	s29 =	rddreg [dreg:$0x11];
	[sflag:s22] =	ssyncadd.s32 $0xFFFFC000  }
0xb2: {  	[hbm4b:s29+s4] =	stream.linear.scatter [tilespmem:s20], [sflag:$0x2], $0x8000, $0x38;
	[tilespmem:$0x1A000] =	vst v63  }
0xb3: {  	_ =	swait.ge [sflag:s23], $0x8000  }
0xb4: {  	[sflag:s23] =	ssyncset.done $0x0  }
0xb5: {  	s28 =	simm.s32 $0x900;
	[sflag:s23] =	ssyncadd.s32 $0xFFFF8000  }
0xb6: {  	[tilespmem:s20], [sflag:$0x1] =	stream.indirect.gather [hbm4b:s1+s17], $0x80, s28, s17, $0xb8;
	[tilespmem:$0x1A000] =	vst v63  }
0xb7: {  	s29 =	simm.s32 $0x980  }
0xb8: {  	[tilespmem:s21], [sflag:$0x1] =	stream.indirect.gather [hbm4b:s1+s17], $0x80, s29, s17, $0xb8;
	[tilespmem:$0x1A000] =	vst v63  }
0xb9: {  	_ =	swait.ge [sflag:s22], $0x4000  }
0xba: {  	[sflag:s22] =	ssyncset.done $0x0  }
0xbb: {  	[sflag:s22] =	ssyncadd.s32 $0xFFFFC000  }
0xbc: {  	_ =	swait.ge [sflag:s22], $0x4000  }
0xbd: {  	[sflag:s22] =	ssyncset.done $0x0  }
0xbe: {  	s28 =	rddreg [dreg:$0x12];
	[sflag:s22] =	ssyncadd.s32 $0xFFFFC000  }
0xbf: {  	[hbm4b:s28+s4] =	stream.linear.scatter [tilespmem:s18], [sflag:$0x2], $0x8000, $0x38;
	[tilespmem:$0x1A000] =	vst v63  }
0xc0: {  	_ =	swait.ge [sflag:s23], $0x8000  }
0xc1: {  	[sflag:s23] =	ssyncset.done $0x0  }
0xc2: {  	s29 =	simm.s32 $0xA00;
	[sflag:s23] =	ssyncadd.s32 $0xFFFF8000  }
0xc3: {  	[tilespmem:s18], [sflag:$0x1] =	stream.indirect.gather [hbm4b:s1+s17], $0x80, s29, s17, $0xb8;
	[tilespmem:$0x1A000] =	vst v63  }
0xc4: {  	s28 =	simm.s32 $0xA80  }
0xc5: {  	[tilespmem:s19], [sflag:$0x1] =	stream.indirect.gather [hbm4b:s1+s17], $0x80, s28, s17, $0xb8;
	[tilespmem:$0x1A000] =	vst v63  }
0xc6: {  	_ =	swait.ge [sflag:s22], $0x4000  }
0xc7: {  	[sflag:s22] =	ssyncset.done $0x0  }
0xc8: {  	[sflag:s22] =	ssyncadd.s32 $0xFFFFC000  }
0xc9: {  	_ =	swait.ge [sflag:s22], $0x4000  }
0xca: {  	[sflag:s22] =	ssyncset.done $0x0  }
0xcb: {  	s29 =	rddreg [dreg:$0x13];
	[sflag:s22] =	ssyncadd.s32 $0xFFFFC000  }
0xcc: {  	[hbm4b:s29+s4] =	stream.linear.scatter [tilespmem:s20], [sflag:$0x2], $0x8000, $0x38;
	[tilespmem:$0x1A000] =	vst v63  }
0xcd: {  	_ =	swait.ge [sflag:s23], $0x8000  }
0xce: {  	[sflag:s23] =	ssyncset.done $0x0  }
0xcf: {  	s28 =	simm.s32 $0xB00;
	[sflag:s23] =	ssyncadd.s32 $0xFFFF8000  }
0xd0: {  	[tilespmem:s20], [sflag:$0x1] =	stream.indirect.gather [hbm4b:s1+s17], $0x80, s28, s17, $0xb8;
	[tilespmem:$0x1A000] =	vst v63  }
0xd1: {  	s29 =	simm.s32 $0xB80  }
0xd2: {  	[tilespmem:s21], [sflag:$0x1] =	stream.indirect.gather [hbm4b:s1+s17], $0x80, s29, s17, $0xb8;
	[tilespmem:$0x1A000] =	vst v63  }
0xd3: {  	_ =	swait.ge [sflag:s22], $0x4000  }
0xd4: {  	[sflag:s22] =	ssyncset.done $0x0  }
0xd5: {  	[sflag:s22] =	ssyncadd.s32 $0xFFFFC000  }
0xd6: {  	_ =	swait.ge [sflag:s22], $0x4000  }
0xd7: {  	[sflag:s22] =	ssyncset.done $0x0  }
0xd8: {  	s28 =	rddreg [dreg:$0x14];
	[sflag:s22] =	ssyncadd.s32 $0xFFFFC000  }
0xd9: {  	[hbm4b:s28+s4] =	stream.linear.scatter [tilespmem:s18], [sflag:$0x2], $0x8000, $0x38;
	[tilespmem:$0x1A000] =	vst v63  }
0xda: {  	_ =	swait.ge [sflag:s23], $0x8000  }
0xdb: {  	[sflag:s23] =	ssyncset.done $0x0  }
0xdc: {  	s29 =	simm.s32 $0xC00;
	[sflag:s23] =	ssyncadd.s32 $0xFFFF8000  }
0xdd: {  	[tilespmem:s18], [sflag:$0x1] =	stream.indirect.gather [hbm4b:s1+s17], $0x80, s29, s17, $0xb8;
	[tilespmem:$0x1A000] =	vst v63  }
0xde: {  	s28 =	simm.s32 $0xC80  }
0xdf: {  	[tilespmem:s19], [sflag:$0x1] =	stream.indirect.gather [hbm4b:s1+s17], $0x80, s28, s17, $0xb8;
	[tilespmem:$0x1A000] =	vst v63  }
0xe0: {  	_ =	swait.ge [sflag:s22], $0x4000  }
0xe1: {  	[sflag:s22] =	ssyncset.done $0x0  }
0xe2: {  	[sflag:s22] =	ssyncadd.s32 $0xFFFFC000  }
0xe3: {  	_ =	swait.ge [sflag:s22], $0x4000  }
0xe4: {  	[sflag:s22] =	ssyncset.done $0x0  }
0xe5: {  	s29 =	rddreg [dreg:$0x15];
	[sflag:s22] =	ssyncadd.s32 $0xFFFFC000  }
0xe6: {  	[hbm4b:s29+s4] =	stream.linear.scatter [tilespmem:s20], [sflag:$0x2], $0x8000, $0x38;
	[tilespmem:$0x1A000] =	vst v63  }
0xe7: {  	_ =	swait.ge [sflag:s23], $0x8000  }
0xe8: {  	[sflag:s23] =	ssyncset.done $0x0  }
0xe9: {  	s28 =	simm.s32 $0xD00;
	[sflag:s23] =	ssyncadd.s32 $0xFFFF8000  }
0xea: {  	[tilespmem:s20], [sflag:$0x1] =	stream.indirect.gather [hbm4b:s1+s17], $0x80, s28, s17, $0xb8;
	[tilespmem:$0x1A000] =	vst v63  }
0xeb: {  	s29 =	simm.s32 $0xD80  }
0xec: {  	[tilespmem:s21], [sflag:$0x1] =	stream.indirect.gather [hbm4b:s1+s17], $0x80, s29, s17, $0xb8;
	[tilespmem:$0x1A000] =	vst v63  }
0xed: {  	_ =	swait.ge [sflag:s22], $0x4000  }
0xee: {  	[sflag:s22] =	ssyncset.done $0x0  }
0xef: {  	[sflag:s22] =	ssyncadd.s32 $0xFFFFC000  }
0xf0: {  	_ =	swait.ge [sflag:s22], $0x4000  }
0xf1: {  	[sflag:s22] =	ssyncset.done $0x0  }
0xf2: {  	s28 =	rddreg [dreg:$0x16];
	[sflag:s22] =	ssyncadd.s32 $0xFFFFC000  }
0xf3: {  	[hbm4b:s28+s4] =	stream.linear.scatter [tilespmem:s18], [sflag:$0x2], $0x8000, $0x38;
	[tilespmem:$0x1A000] =	vst v63  }
0xf4: {  	_ =	swait.ge [sflag:s23], $0x8000  }
0xf5: {  	[sflag:s23] =	ssyncset.done $0x0  }
0xf6: {  	s29 =	simm.s32 $0xE00;
	[sflag:s23] =	ssyncadd.s32 $0xFFFF8000  }
0xf7: {  	[tilespmem:s18], [sflag:$0x1] =	stream.indirect.gather [hbm4b:s1+s17], $0x80, s29, s17, $0xb8;
	[tilespmem:$0x1A000] =	vst v63  }
0xf8: {  	s28 =	simm.s32 $0xE80  }
0xf9: {  	[tilespmem:s19], [sflag:$0x1] =	stream.indirect.gather [hbm4b:s1+s17], $0x80, s28, s17, $0xb8;
	[tilespmem:$0x1A000] =	vst v63  }
0xfa: {  	_ =	swait.ge [sflag:s22], $0x4000  }
0xfb: {  	[sflag:s22] =	ssyncset.done $0x0  }
0xfc: {  	[sflag:s22] =	ssyncadd.s32 $0xFFFFC000  }
0xfd: {  	_ =	swait.ge [sflag:s22], $0x4000  }
0xfe: {  	[sflag:s22] =	ssyncset.done $0x0  }
0xff: {  	s29 =	rddreg [dreg:$0x17];
	[sflag:s22] =	ssyncadd.s32 $0xFFFFC000  }
0x100: {  	[hbm4b:s29+s4] =	stream.linear.scatter [tilespmem:s20], [sflag:$0x2], $0x8000, $0x38;
	[tilespmem:$0x1A000] =	vst v63  }
0x101: {  	_ =	swait.ge [sflag:s23], $0x8000  }
0x102: {  	[sflag:s23] =	ssyncset.done $0x0  }
0x103: {  	s28 =	simm.s32 $0xF00;
	[sflag:s23] =	ssyncadd.s32 $0xFFFF8000  }
0x104: {  	[tilespmem:s20], [sflag:$0x1] =	stream.indirect.gather [hbm4b:s1+s17], $0x80, s28, s17, $0xb8;
	[tilespmem:$0x1A000] =	vst v63  }
0x105: {  	s29 =	simm.s32 $0xF80  }
0x106: {  	[tilespmem:s21], [sflag:$0x1] =	stream.indirect.gather [hbm4b:s1+s17], $0x80, s29, s17, $0xb8;
	[tilespmem:$0x1A000] =	vst v63  }
0x107: {  	_ =	swait.ge [sflag:s22], $0x4000  }
0x108: {  	[sflag:s22] =	ssyncset.done $0x0  }
0x109: {  	[sflag:s22] =	ssyncadd.s32 $0xFFFFC000  }
0x10a: {  	_ =	swait.ge [sflag:s22], $0x4000  }
0x10b: {  	[sflag:s22] =	ssyncset.done $0x0  }
0x10c: {  	s28 =	rddreg [dreg:$0x19];
	[sflag:s22] =	ssyncadd.s32 $0xFFFFC000  }
0x10d: {  	[hbm4b:s28+s4] =	stream.linear.scatter [tilespmem:s18], [sflag:$0x2], $0x8000, $0x38;
	[tilespmem:$0x1A000] =	vst v63  }
0x10e: {  	_ =	swait.ge [sflag:s23], $0x8000  }
0x10f: {  	[sflag:s23] =	ssyncset.done $0x0  }
0x110: {  	s29 =	simm.s32 $0x1000;
	[sflag:s23] =	ssyncadd.s32 $0xFFFF8000  }
0x111: {  	[tilespmem:s18], [sflag:$0x1] =	stream.indirect.gather [hbm4b:s1+s17], $0x80, s29, s17, $0xb8;
	[tilespmem:$0x1A000] =	vst v63  }
0x112: {  	s28 =	simm.s32 $0x1080  }
0x113: {  	[tilespmem:s19], [sflag:$0x1] =	stream.indirect.gather [hbm4b:s1+s17], $0x80, s28, s17, $0xb8;
	[tilespmem:$0x1A000] =	vst v63  }
0x114: {  	_ =	swait.ge [sflag:s22], $0x4000  }
0x115: {  	[sflag:s22] =	ssyncset.done $0x0  }
0x116: {  	[sflag:s22] =	ssyncadd.s32 $0xFFFFC000  }
0x117: {  	_ =	swait.ge [sflag:s22], $0x4000  }
0x118: {  	[sflag:s22] =	ssyncset.done $0x0  }
0x119: {  	s29 =	rddreg [dreg:$0x1a];
	[sflag:s22] =	ssyncadd.s32 $0xFFFFC000  }
0x11a: {  	[hbm4b:s29+s4] =	stream.linear.scatter [tilespmem:s20], [sflag:$0x2], $0x8000, $0x38;
	[tilespmem:$0x1A000] =	vst v63  }
0x11b: {  	_ =	swait.ge [sflag:s23], $0x8000  }
0x11c: {  	[sflag:s23] =	ssyncset.done $0x0  }
0x11d: {  	s28 =	simm.s32 $0x1100;
	[sflag:s23] =	ssyncadd.s32 $0xFFFF8000  }
0x11e: {  	[tilespmem:s20], [sflag:$0x1] =	stream.indirect.gather [hbm4b:s1+s17], $0x80, s28, s17, $0xb8;
	[tilespmem:$0x1A000] =	vst v63  }
0x11f: {  	s29 =	simm.s32 $0x1180  }
0x120: {  	[tilespmem:s21], [sflag:$0x1] =	stream.indirect.gather [hbm4b:s1+s17], $0x80, s29, s17, $0xb8;
	[tilespmem:$0x1A000] =	vst v63  }
0x121: {  	_ =	swait.ge [sflag:s22], $0x4000  }
0x122: {  	[sflag:s22] =	ssyncset.done $0x0  }
0x123: {  	[sflag:s22] =	ssyncadd.s32 $0xFFFFC000  }
0x124: {  	_ =	swait.ge [sflag:s22], $0x4000  }
0x125: {  	[sflag:s22] =	ssyncset.done $0x0  }
0x126: {  	s28 =	rddreg [dreg:$0x1b];
	[sflag:s22] =	ssyncadd.s32 $0xFFFFC000  }
0x127: {  	[hbm4b:s28+s4] =	stream.linear.scatter [tilespmem:s18], [sflag:$0x2], $0x8000, $0x38;
	[tilespmem:$0x1A000] =	vst v63  }
0x128: {  	_ =	swait.ge [sflag:s23], $0x8000  }
0x129: {  	[sflag:s23] =	ssyncset.done $0x0  }
0x12a: {  	s29 =	simm.s32 $0x1200;
	[sflag:s23] =	ssyncadd.s32 $0xFFFF8000  }
0x12b: {  	[tilespmem:s18], [sflag:$0x1] =	stream.indirect.gather [hbm4b:s1+s17], $0x80, s29, s17, $0xb8;
	[tilespmem:$0x1A000] =	vst v63  }
0x12c: {  	s28 =	simm.s32 $0x1280  }
0x12d: {  	[tilespmem:s19], [sflag:$0x1] =	stream.indirect.gather [hbm4b:s1+s17], $0x80, s28, s17, $0xb8;
	[tilespmem:$0x1A000] =	vst v63  }
0x12e: {  	_ =	swait.ge [sflag:s22], $0x4000  }
0x12f: {  	[sflag:s22] =	ssyncset.done $0x0  }
0x130: {  	[sflag:s22] =	ssyncadd.s32 $0xFFFFC000  }
0x131: {  	_ =	swait.ge [sflag:s22], $0x4000  }
0x132: {  	[sflag:s22] =	ssyncset.done $0x0  }
0x133: {  	[sflag:s22] =	ssyncadd.s32 $0xFFFFC000  }
0x134: {  	[hbm4b:s30+s4] =	stream.linear.scatter [tilespmem:s20], [sflag:$0x2], $0x8000, $0x38;
	[tilespmem:$0x1A000] =	vst v63  }
0x135: {  	_ =	swait.ge [sflag:s23], $0x8000  }
0x136: {  	[sflag:s23] =	ssyncset.done $0x0  }
0x137: {  	s29 =	simm.s32 $0x1300;
	[sflag:s23] =	ssyncadd.s32 $0xFFFF8000  }
0x138: {  	[tilespmem:s20], [sflag:$0x1] =	stream.indirect.gather [hbm4b:s1+s17], $0x80, s29, s17, $0xb8;
	[tilespmem:$0x1A000] =	vst v63  }
0x139: {  	s28 =	simm.s32 $0x1380  }
0x13a: {  	[tilespmem:s21], [sflag:$0x1] =	stream.indirect.gather [hbm4b:s1+s17], $0x80, s28, s17, $0xb8;
	[tilespmem:$0x1A000] =	vst v63  }
0x13b: {  	_ =	swait.ge [sflag:s22], $0x4000  }
0x13c: {  	[sflag:s22] =	ssyncset.done $0x0  }
0x13d: {  	[sflag:s22] =	ssyncadd.s32 $0xFFFFC000  }
0x13e: {  	_ =	swait.ge [sflag:s22], $0x4000  }
0x13f: {  	[sflag:s22] =	ssyncset.done $0x0  }
0x140: {  	[sflag:s22] =	ssyncadd.s32 $0xFFFFC000  }
0x141: {  	[hbm4b:s31+s4] =	stream.linear.scatter [tilespmem:s18], [sflag:$0x2], $0x8000, $0x38;
	[tilespmem:$0x1A000] =	vst v63  }
0x142: {  	_ =	swait.ge [sflag:s23], $0x8000  }
0x143: {  	[sflag:s23] =	ssyncset.done $0x0  }
0x144: {  	s29 =	simm.s32 $0x1400;
	[sflag:s23] =	ssyncadd.s32 $0xFFFF8000  }
0x145: {  	[tilespmem:s18], [sflag:$0x1] =	stream.indirect.gather [hbm4b:s1+s17], $0x80, s29, s17, $0xb8;
	[tilespmem:$0x1A000] =	vst v63  }
0x146: {  	s28 =	simm.s32 $0x1480  }
0x147: {  	[tilespmem:s19], [sflag:$0x1] =	stream.indirect.gather [hbm4b:s1+s17], $0x80, s28, s17, $0xb8;
	[tilespmem:$0x1A000] =	vst v63  }
0x148: {  	_ =	swait.ge [sflag:s22], $0x4000  }
0x149: {  	[sflag:s22] =	ssyncset.done $0x0  }
0x14a: {  	[sflag:s22] =	ssyncadd.s32 $0xFFFFC000  }
0x14b: {  	_ =	swait.ge [sflag:s22], $0x4000  }
0x14c: {  	[sflag:s22] =	ssyncset.done $0x0  }
0x14d: {  	[sflag:s22] =	ssyncadd.s32 $0xFFFFC000  }
0x14e: {  	[hbm4b:s0+s4] =	stream.linear.scatter [tilespmem:s20], [sflag:$0x2], $0x8000, $0x38;
	[tilespmem:$0x1A000] =	vst v63  }
0x14f: {  	_ =	swait.ge [sflag:s23], $0x8000  }
0x150: {  	[sflag:s23] =	ssyncset.done $0x0  }
0x151: {  	s29 =	simm.s32 $0x1500;
	[sflag:s23] =	ssyncadd.s32 $0xFFFF8000  }
0x152: {  	[tilespmem:s20], [sflag:$0x1] =	stream.indirect.gather [hbm4b:s1+s17], $0x80, s29, s17, $0xb8;
	[tilespmem:$0x1A000] =	vst v63  }
0x153: {  	s28 =	simm.s32 $0x1580  }
0x154: {  	[tilespmem:s21], [sflag:$0x1] =	stream.indirect.gather [hbm4b:s1+s17], $0x80, s28, s17, $0xb8;
	[tilespmem:$0x1A000] =	vst v63  }
0x155: {  	_ =	swait.ge [sflag:s22], $0x4000  }
0x156: {  	[sflag:s22] =	ssyncset.done $0x0  }
0x157: {  	[sflag:s22] =	ssyncadd.s32 $0xFFFFC000  }
0x158: {  	_ =	swait.ge [sflag:s22], $0x4000  }
0x159: {  	[sflag:s22] =	ssyncset.done $0x0  }
0x15a: {  	[sflag:s22] =	ssyncadd.s32 $0xFFFFC000  }
0x15b: {  	[hbm4b:s3+s4] =	stream.linear.scatter [tilespmem:s18], [sflag:$0x2], $0x8000, $0x38;
	[tilespmem:$0x1A000] =	vst v63  }
0x15c: {  	_ =	swait.ge [sflag:s23], $0x8000  }
0x15d: {  	[sflag:s23] =	ssyncset.done $0x0  }
0x15e: {  	s29 =	simm.s32 $0x1600;
	[sflag:s23] =	ssyncadd.s32 $0xFFFF8000  }
0x15f: {  	[tilespmem:s18], [sflag:$0x1] =	stream.indirect.gather [hbm4b:s1+s17], $0x80, s29, s17, $0xb8;
	[tilespmem:$0x1A000] =	vst v63  }
0x160: {  	s28 =	simm.s32 $0x1680  }
0x161: {  	[tilespmem:s19], [sflag:$0x1] =	stream.indirect.gather [hbm4b:s1+s17], $0x80, s28, s17, $0xb8;
	[tilespmem:$0x1A000] =	vst v63  }
0x162: {  	_ =	swait.ge [sflag:s22], $0x4000  }
0x163: {  	[sflag:s22] =	ssyncset.done $0x0  }
0x164: {  	[sflag:s22] =	ssyncadd.s32 $0xFFFFC000  }
0x165: {  	_ =	swait.ge [sflag:s22], $0x4000  }
0x166: {  	[sflag:s22] =	ssyncset.done $0x0  }
0x167: {  	[sflag:s22] =	ssyncadd.s32 $0xFFFFC000  }
0x168: {  	[hbm4b:s2+s4] =	stream.linear.scatter [tilespmem:s20], [sflag:$0x2], $0x8000, $0x38;
	[tilespmem:$0x1A000] =	vst v63  }
0x169: {  	_ =	swait.ge [sflag:s23], $0x8000  }
0x16a: {  	[sflag:s23] =	ssyncset.done $0x0  }
0x16b: {  	s29 =	simm.s32 $0x1700;
	[sflag:s23] =	ssyncadd.s32 $0xFFFF8000  }
0x16c: {  	[tilespmem:s20], [sflag:$0x1] =	stream.indirect.gather [hbm4b:s1+s17], $0x80, s29, s17, $0xb8;
	[tilespmem:$0x1A000] =	vst v63  }
0x16d: {  	s28 =	simm.s32 $0x1780  }
0x16e: {  	[tilespmem:s21], [sflag:$0x1] =	stream.indirect.gather [hbm4b:s1+s17], $0x80, s28, s17, $0xb8;
	[tilespmem:$0x1A000] =	vst v63  }
0x16f: {  	_ =	swait.ge [sflag:s22], $0x4000  }
0x170: {  	[sflag:s22] =	ssyncset.done $0x0  }
0x171: {  	[sflag:s22] =	ssyncadd.s32 $0xFFFFC000  }
0x172: {  	_ =	swait.ge [sflag:s22], $0x4000  }
0x173: {  	[sflag:s22] =	ssyncset.done $0x0  }
0x174: {  	[sflag:s22] =	ssyncadd.s32 $0xFFFFC000  }
0x175: {  	[hbm4b:s6+s4] =	stream.linear.scatter [tilespmem:s18], [sflag:$0x2], $0x8000, $0x38;
	[tilespmem:$0x1A000] =	vst v63  }
0x176: {  	_ =	swait.ge [sflag:s23], $0x8000  }
0x177: {  	[sflag:s23] =	ssyncset.done $0x0  }
0x178: {  	s29 =	simm.s32 $0x1800;
	[sflag:s23] =	ssyncadd.s32 $0xFFFF8000  }
0x179: {  	[tilespmem:s18], [sflag:$0x1] =	stream.indirect.gather [hbm4b:s1+s17], $0x80, s29, s17, $0xb8;
	[tilespmem:$0x1A000] =	vst v63  }
0x17a: {  	s28 =	simm.s32 $0x1880  }
0x17b: {  	[tilespmem:s19], [sflag:$0x1] =	stream.indirect.gather [hbm4b:s1+s17], $0x80, s28, s17, $0xb8;
	[tilespmem:$0x1A000] =	vst v63  }
0x17c: {  	_ =	swait.ge [sflag:s22], $0x4000  }
0x17d: {  	[sflag:s22] =	ssyncset.done $0x0  }
0x17e: {  	[sflag:s22] =	ssyncadd.s32 $0xFFFFC000  }
0x17f: {  	_ =	swait.ge [sflag:s22], $0x4000  }
0x180: {  	[sflag:s22] =	ssyncset.done $0x0  }
0x181: {  	[sflag:s22] =	ssyncadd.s32 $0xFFFFC000  }
0x182: {  	[hbm4b:s7+s4] =	stream.linear.scatter [tilespmem:s20], [sflag:$0x2], $0x8000, $0x38;
	[tilespmem:$0x1A000] =	vst v63  }
0x183: {  	_ =	swait.ge [sflag:s23], $0x8000  }
0x184: {  	[sflag:s23] =	ssyncset.done $0x0  }
0x185: {  	s29 =	simm.s32 $0x1900;
	[sflag:s23] =	ssyncadd.s32 $0xFFFF8000  }
0x186: {  	[tilespmem:s20], [sflag:$0x1] =	stream.indirect.gather [hbm4b:s1+s17], $0x80, s29, s17, $0xb8;
	[tilespmem:$0x1A000] =	vst v63  }
0x187: {  	s28 =	simm.s32 $0x1980  }
0x188: {  	[tilespmem:s21], [sflag:$0x1] =	stream.indirect.gather [hbm4b:s1+s17], $0x80, s28, s17, $0xb8;
	[tilespmem:$0x1A000] =	vst v63  }
0x189: {  	_ =	swait.ge [sflag:s22], $0x4000  }
0x18a: {  	[sflag:s22] =	ssyncset.done $0x0  }
0x18b: {  	[sflag:s22] =	ssyncadd.s32 $0xFFFFC000  }
0x18c: {  	_ =	swait.ge [sflag:s22], $0x4000  }
0x18d: {  	[sflag:s22] =	ssyncset.done $0x0  }
0x18e: {  	[sflag:s22] =	ssyncadd.s32 $0xFFFFC000  }
0x18f: {  	[hbm4b:s8+s4] =	stream.linear.scatter [tilespmem:s18], [sflag:$0x2], $0x8000, $0x38;
	[tilespmem:$0x1A000] =	vst v63  }
0x190: {  	_ =	swait.ge [sflag:s23], $0x8000  }
0x191: {  	[sflag:s23] =	ssyncset.done $0x0  }
0x192: {  	s29 =	simm.s32 $0x1A00;
	[sflag:s23] =	ssyncadd.s32 $0xFFFF8000  }
0x193: {  	[tilespmem:s18], [sflag:$0x1] =	stream.indirect.gather [hbm4b:s1+s17], $0x80, s29, s17, $0xb8;
	[tilespmem:$0x1A000] =	vst v63  }
0x194: {  	s28 =	simm.s32 $0x1A80  }
0x195: {  	[tilespmem:s19], [sflag:$0x1] =	stream.indirect.gather [hbm4b:s1+s17], $0x80, s28, s17, $0xb8;
	[tilespmem:$0x1A000] =	vst v63  }
0x196: {  	_ =	swait.ge [sflag:s22], $0x4000  }
0x197: {  	[sflag:s22] =	ssyncset.done $0x0  }
0x198: {  	[sflag:s22] =	ssyncadd.s32 $0xFFFFC000  }
0x199: {  	_ =	swait.ge [sflag:s22], $0x4000  }
0x19a: {  	[sflag:s22] =	ssyncset.done $0x0  }
0x19b: {  	[sflag:s22] =	ssyncadd.s32 $0xFFFFC000  }
0x19c: {  	[hbm4b:s9+s4] =	stream.linear.scatter [tilespmem:s20], [sflag:$0x2], $0x8000, $0x38;
	[tilespmem:$0x1A000] =	vst v63  }
0x19d: {  	_ =	swait.ge [sflag:s23], $0x8000  }
0x19e: {  	[sflag:s23] =	ssyncset.done $0x0  }
0x19f: {  	s29 =	simm.s32 $0x1B00;
	[sflag:s23] =	ssyncadd.s32 $0xFFFF8000  }
0x1a0: {  	[tilespmem:s20], [sflag:$0x1] =	stream.indirect.gather [hbm4b:s1+s17], $0x80, s29, s17, $0xb8;
	[tilespmem:$0x1A000] =	vst v63  }
0x1a1: {  	s28 =	simm.s32 $0x1B80  }
0x1a2: {  	[tilespmem:s21], [sflag:$0x1] =	stream.indirect.gather [hbm4b:s1+s17], $0x80, s28, s17, $0xb8;
	[tilespmem:$0x1A000] =	vst v63  }
0x1a3: {  	_ =	swait.ge [sflag:s22], $0x4000  }
0x1a4: {  	[sflag:s22] =	ssyncset.done $0x0  }
0x1a5: {  	[sflag:s22] =	ssyncadd.s32 $0xFFFFC000  }
0x1a6: {  	_ =	swait.ge [sflag:s22], $0x4000  }
0x1a7: {  	[sflag:s22] =	ssyncset.done $0x0  }
0x1a8: {  	[sflag:s22] =	ssyncadd.s32 $0xFFFFC000  }
0x1a9: {  	[hbm4b:s10+s4] =	stream.linear.scatter [tilespmem:s18], [sflag:$0x2], $0x8000, $0x38;
	[tilespmem:$0x1A000] =	vst v63  }
0x1aa: {  	_ =	swait.ge [sflag:s23], $0x8000  }
0x1ab: {  	[sflag:s23] =	ssyncset.done $0x0  }
0x1ac: {  	s29 =	simm.s32 $0x1C00;
	[sflag:s23] =	ssyncadd.s32 $0xFFFF8000  }
0x1ad: {  	[tilespmem:s18], [sflag:$0x1] =	stream.indirect.gather [hbm4b:s1+s17], $0x80, s29, s17, $0xb8;
	[tilespmem:$0x1A000] =	vst v63  }
0x1ae: {  	s28 =	simm.s32 $0x1C80  }
0x1af: {  	[tilespmem:s19], [sflag:$0x1] =	stream.indirect.gather [hbm4b:s1+s17], $0x80, s28, s17, $0xb8;
	[tilespmem:$0x1A000] =	vst v63  }
0x1b0: {  	_ =	swait.ge [sflag:s22], $0x4000  }
0x1b1: {  	[sflag:s22] =	ssyncset.done $0x0  }
0x1b2: {  	[sflag:s22] =	ssyncadd.s32 $0xFFFFC000  }
0x1b3: {  	_ =	swait.ge [sflag:s22], $0x4000  }
0x1b4: {  	[sflag:s22] =	ssyncset.done $0x0  }
0x1b5: {  	[sflag:s22] =	ssyncadd.s32 $0xFFFFC000  }
0x1b6: {  	[hbm4b:s11+s4] =	stream.linear.scatter [tilespmem:s20], [sflag:$0x2], $0x8000, $0x38;
	[tilespmem:$0x1A000] =	vst v63  }
0x1b7: {  	_ =	swait.ge [sflag:s23], $0x8000  }
0x1b8: {  	[sflag:s23] =	ssyncset.done $0x0  }
0x1b9: {  	s29 =	simm.s32 $0x1D00;
	[sflag:s23] =	ssyncadd.s32 $0xFFFF8000  }
0x1ba: {  	[tilespmem:s20], [sflag:$0x1] =	stream.indirect.gather [hbm4b:s1+s17], $0x80, s29, s17, $0xb8;
	[tilespmem:$0x1A000] =	vst v63  }
0x1bb: {  	s28 =	simm.s32 $0x1D80  }
0x1bc: {  	[tilespmem:s21], [sflag:$0x1] =	stream.indirect.gather [hbm4b:s1+s17], $0x80, s28, s17, $0xb8;
	[tilespmem:$0x1A000] =	vst v63  }
0x1bd: {  	_ =	swait.ge [sflag:s22], $0x4000  }
0x1be: {  	[sflag:s22] =	ssyncset.done $0x0  }
0x1bf: {  	[sflag:s22] =	ssyncadd.s32 $0xFFFFC000  }
0x1c0: {  	_ =	swait.ge [sflag:s22], $0x4000  }
0x1c1: {  	[sflag:s22] =	ssyncset.done $0x0  }
0x1c2: {  	[sflag:s22] =	ssyncadd.s32 $0xFFFFC000  }
0x1c3: {  	[hbm4b:s12+s4] =	stream.linear.scatter [tilespmem:s18], [sflag:$0x2], $0x8000, $0x38;
	[tilespmem:$0x1A000] =	vst v63  }
0x1c4: {  	_ =	swait.ge [sflag:s23], $0x8000  }
0x1c5: {  	[sflag:s23] =	ssyncset.done $0x0  }
0x1c6: {  	s29 =	simm.s32 $0x1E00;
	[sflag:s23] =	ssyncadd.s32 $0xFFFF8000  }
0x1c7: {  	[tilespmem:s18], [sflag:$0x1] =	stream.indirect.gather [hbm4b:s1+s17], $0x80, s29, s17, $0xb8;
	[tilespmem:$0x1A000] =	vst v63  }
0x1c8: {  	s28 =	simm.s32 $0x1E80  }
0x1c9: {  	[tilespmem:s19], [sflag:$0x1] =	stream.indirect.gather [hbm4b:s1+s17], $0x80, s28, s17, $0xb8;
	[tilespmem:$0x1A000] =	vst v63  }
0x1ca: {  	_ =	swait.ge [sflag:s22], $0x4000  }
0x1cb: {  	[sflag:s22] =	ssyncset.done $0x0  }
0x1cc: {  	[sflag:s22] =	ssyncadd.s32 $0xFFFFC000  }
0x1cd: {  	_ =	swait.ge [sflag:s22], $0x4000  }
0x1ce: {  	[sflag:s22] =	ssyncset.done $0x0  }
0x1cf: {  	[sflag:s22] =	ssyncadd.s32 $0xFFFFC000  }
0x1d0: {  	[hbm4b:s13+s4] =	stream.linear.scatter [tilespmem:s20], [sflag:$0x2], $0x8000, $0x38;
	[tilespmem:$0x1A000] =	vst v63  }
0x1d1: {  	_ =	swait.ge [sflag:s23], $0x8000  }
0x1d2: {  	[sflag:s23] =	ssyncset.done $0x0  }
0x1d3: {  	s29 =	simm.s32 $0x1F00;
	[sflag:s23] =	ssyncadd.s32 $0xFFFF8000  }
0x1d4: {  	[tilespmem:s20], [sflag:$0x1] =	stream.indirect.gather [hbm4b:s1+s17], $0x80, s29, s17, $0xb8;
	[tilespmem:$0x1A000] =	vst v63  }
0x1d5: {  	s28 =	simm.s32 $0x1F80  }
0x1d6: {  	[tilespmem:s21], [sflag:$0x1] =	stream.indirect.gather [hbm4b:s1+s17], $0x80, s28, s17, $0xb8;
	[tilespmem:$0x1A000] =	vst v63  }
0x1d7: {  	_ =	swait.ge [sflag:s22], $0x4000  }
0x1d8: {  	[sflag:s22] =	ssyncset.done $0x0  }
0x1d9: {  	[sflag:s22] =	ssyncadd.s32 $0xFFFFC000  }
0x1da: {  	_ =	swait.ge [sflag:s22], $0x4000  }
0x1db: {  	[sflag:s22] =	ssyncset.done $0x0  }
0x1dc: {  	[sflag:s22] =	ssyncadd.s32 $0xFFFFC000  }
0x1dd: {  	[hbm4b:s14+s4] =	stream.linear.scatter [tilespmem:s18], [sflag:$0x2], $0x8000, $0x38;
	[tilespmem:$0x1A000] =	vst v63  }
0x1de: {  	_ =	swait.ge [sflag:s22], $0x4000  }
0x1df: {  	[sflag:s22] =	ssyncset.done $0x0  }
0x1e0: {  	[sflag:s22] =	ssyncadd.s32 $0xFFFFC000  }
0x1e1: {  	_ =	swait.ge [sflag:s22], $0x4000  }
0x1e2: {  	[sflag:s22] =	ssyncset.done $0x0  }
0x1e3: {  	[sflag:s22] =	ssyncadd.s32 $0xFFFFC000  }
0x1e4: {  	[hbm4b:s15+s4] =	stream.linear.scatter [tilespmem:s20], [sflag:$0x2], $0x8000, $0x38;
	[tilespmem:$0x1A000] =	vst v63  }
0x1e5: {  	_ =	swait.ge [sflag:s23], $0x8000  }
0x1e6: {  	[sflag:s23] =	ssyncset.done $0x0  }
0x1e7: {  	[sflag:s23] =	ssyncadd.s32 $0xFFFF8000  }
0x1e8: {  	_ =	swait.ge [sflag:s23], $0x8000  }
0x1e9: {  	[sflag:s23] =	ssyncset.done $0x0  }
0x1ea: {  	[sflag:s23] =	ssyncadd.s32 $0xFFFF8000  }
0x1eb: {  	_ =	swait.ge [sflag:s24], $0x8000  }
0x1ec: {  	[sflag:s24] =	ssyncset.done $0x0  }
0x1ed: {  	[sflag:s24] =	ssyncadd.s32 $0xFFFF8000  }
0x1ee: {  	_ =	swait.ge [sflag:s24], $0x8000  }
0x1ef: {  	[sflag:s24] =	ssyncset.done $0x0  }
0x1f0: {  	[sflag:s24] =	ssyncadd.s32 $0xFFFF8000  }
0x1f1: {  	_ =	swait.ge [sflag:s24], $0x8000  }
0x1f2: {  	[sflag:s24] =	ssyncset.done $0x0  }
0x1f3: {  	[sflag:s24] =	ssyncadd.s32 $0xFFFF8000  }
0x1f4: {  	_ =	swait.ge [sflag:s24], $0x8000  }
0x1f5: {  	s25 =	sadd.s32 $0x1, s25;
	s29 =	rddreg [dreg:$0x18]  }
0x1f6: {  	p0 =	sne.s32 s25, s29  }
.Ltmp1:
0x1f7: {  	_ = 	snop;
	(pc) =	sbr.rel @p0 .LBB2_1-.Ltmp1, $3  }
0x1f8: {  	_ =	sdelay $0x1  }
0x1f9: {  	[sflag:s24] =	ssyncset.done $0x0  }
0x1fa: {  	[sflag:s24] =	ssyncadd.s32 $0xFFFF8000  }
0x1fb: {  	_ =	sfence.sel $0x180000  }
0x1fc: {  	[bflag:$0x0] =	sbarrier.arrive $0xFFFF  }
0x1fd: {  	_ =	strace $0x90000047  }
0x1fe: {  	s0 =	stileid.u32;
	[bflag:$0x2] =	sbarrier.arrive $0xFFFF  }
0x1ff: {  	p0 =	sne.s32 s0, $0x0;
	s0 =	rddreg [dreg:$0x4]  }
0x200: {  	s0 =	sadd.s32 @!p0 $0x100000, s0  }
0x201: {  	[sflag:s0] =	ssyncadd.tile.s32 @!p0 $0x1;
	_ =	shalt  }
.Lfunc_end2:
_tile_overlayer_lowered:
.L_overlay_start_2:
0x202: {  	(tag) =	ssettag $0x2  }
0x203: {  	s0 =	rddreg [dreg:$0x0];
	s2 =	stileid.u32  }
0x204: {  	s1 =	rddreg [dreg:$0x1];
	p0 =	sne.s32 s2, $0x0  }
0x205: {  	s3 =	rddreg [dreg:$0x2];
	[bflag:$0x3] =	sbarrier.arrive $0xFFFF;
	s2 =	simm.s32 @!p0 $0x1C04  }
0x206: {  	[timem:s3], [sflag:s2] =	dma.local @!p0 [hbm:s0], s1  }
0x207: {  	s0 =	simm.s32 @!p0 $0x4  }
0x208: {  	_ =	swait.ge @!p0 [sflag:s0], s1  }
0x209: {  	s1 =	ssub.s32 @!p0 $0x0, s1;
	[sflag:s0] =	ssyncset.done @!p0 $0x0  }
0x20a: {  	[sflag:s0] =	ssyncadd.s32 @!p0 s1  }
0x20b: {  	[bflag:$0x3] =	sbarrier.arrive $0xFFFF  }
0x20c: {  	_ =	shalt  }

</sc_bundles>
